<compile_context>
chip_gen: v7x
topology: tpu7x:2x2x1
jax: 0.10.2.dev20260603
libtpu: 0.0.44.dev20260713+nightly
codegen_flags: <defaults>
</compile_context>

<pallas_src>
import functools

import jax
import jax.numpy as jnp
from jax import lax
from jax.experimental import pallas as pl
from jax.experimental.pallas import tpu as pltpu
from jax.experimental.pallas import tpu_sc as plsc

N = 10000
E = 320000
E2 = E + N
NIN = 128
NHID = 128
NOUT = 128
HEADS = 8
HC = HEADS * NHID

NC = 2
NS = 16
NW = NC * NS
SUB = 32
NSUB = 328
CHUNK = NSUB * SUB
EP = NW * CHUNK
NPAD = 10240

BN = 2000
ROWS_PER_TILE = NPAD // NS



def _tc1_body(x_ref, w1_ref, ps_ref, pd_ref, h_ref, as_ref, ad_ref,
              ms_ref, md_ref):
    hb = jnp.dot(x_ref[...], w1_ref[...], preferred_element_type=jnp.float32)
    h_ref[...] = hb.astype(jnp.bfloat16)
    s = jnp.dot(hb, ps_ref[...], preferred_element_type=jnp.float32)
    d = jnp.dot(hb, pd_ref[...], preferred_element_type=jnp.float32)
    as_ref[...] = s
    ad_ref[...] = d

    @pl.when(pl.program_id(0) == 0)
    def _():
        ms_ref[...] = jnp.full((8, 16), -1e30, jnp.float32)
        md_ref[...] = jnp.full((8, 16), -1e30, jnp.float32)

    ms_ref[...] = jnp.maximum(
        ms_ref[...], jnp.broadcast_to(jnp.max(s, axis=0, keepdims=True), (8, 16)))
    md_ref[...] = jnp.maximum(
        md_ref[...], jnp.broadcast_to(jnp.max(d, axis=0, keepdims=True), (8, 16)))


def _tc1(x, W1, Ps, Pd):
    nb = N // BN
    return pl.pallas_call(
        _tc1_body,
        grid=(nb,),
        in_specs=[
            pl.BlockSpec((BN, NIN), lambda b: (b, 0)),
            pl.BlockSpec((NIN, HC), lambda b: (0, 0)),
            pl.BlockSpec((HC, 16), lambda b: (0, 0)),
            pl.BlockSpec((HC, 16), lambda b: (0, 0)),
        ],
        out_specs=[
            pl.BlockSpec((BN, HC), lambda b: (b, 0)),
            pl.BlockSpec((BN, 16), lambda b: (b, 0)),
            pl.BlockSpec((BN, 16), lambda b: (b, 0)),
            pl.BlockSpec((8, 16), lambda b: (0, 0)),
            pl.BlockSpec((8, 16), lambda b: (0, 0)),
        ],
        out_shape=[
            jax.ShapeDtypeStruct((N, HC), jnp.bfloat16),
            jax.ShapeDtypeStruct((N, 16), jnp.float32),
            jax.ShapeDtypeStruct((N, 16), jnp.float32),
            jax.ShapeDtypeStruct((8, 16), jnp.float32),
            jax.ShapeDtypeStruct((8, 16), jnp.float32),
        ],
    )(x, W1, Ps, Pd)



def _sc1_compute(svX, dvX, wvX, mv, gbase):
    def edge(i, c2):
        e = svX[i, :] + dvX[i, :]
        e = jnp.maximum(e, 0.2 * e)
        w = jnp.exp(e - mv[...])
        valid = (gbase + i) < E2
        wvX[i, :] = jnp.where(valid, w, 0.0)
        return c2
    lax.fori_loop(0, SUB, edge, 0)


def _sc1_body(asrc_hbm, adst_hbm, src_hbm, dst_hbm, m_hbm, z16_hbm,
              w_hbm, d0_hbm, d1_hbm,
              src_v, dst_v, svA, svB, dvA, dvB, wvA, wvB, mv, tmp, dsh,
              semGA, semGB, semWA, semWB, semSA, semSB):
    cid = lax.axis_index("c")
    sid = lax.axis_index("s")
    wid = sid * NC + cid
    rowbase = wid * NSUB

    @pl.when(sid == 0)
    def _():
        pltpu.sync_copy(z16_hbm, dsh)
    plsc.subcore_barrier()

    pltpu.sync_copy(src_hbm.at[pl.ds(rowbase, NSUB)], src_v)
    pltpu.sync_copy(dst_hbm.at[pl.ds(rowbase, NSUB)], dst_v)
    pltpu.sync_copy(m_hbm, mv)

    def gathers(r, svX, dvX, sem):
        return [
            pltpu.make_async_copy(asrc_hbm.at[src_v.at[r]], svX, sem),
            pltpu.make_async_copy(adst_hbm.at[dst_v.at[r]], dvX, sem),
        ]

    def half(bp, r, svX, dvX, wvX, semG, semW, semS):
        gbase = (rowbase + r) * SUB

        @pl.when(bp >= 1)
        def _():
            pltpu.make_async_copy(
                wvX, w_hbm.at[pl.ds(gbase, SUB)], semW).wait()
            pltpu.make_async_copy(wvX, dsh.at[dst_v.at[r]], semS).wait()
        _sc1_compute(svX, dvX, wvX, mv, gbase)
        pltpu.async_copy(wvX, w_hbm.at[pl.ds(gbase, SUB)], semW)
        pltpu.async_copy(wvX, dsh.at[dst_v.at[r]], semS, add=True)

    for c in gathers(0, svA, dvA, semGA):
        c.start()

    def pair(bp, carry):
        rA = 2 * bp
        rB = rA + 1
        for c in gathers(rB, svB, dvB, semGB):
            c.start()
        for c in gathers(rA, svA, dvA, semGA):
            c.wait()
        half(bp, rA, svA, dvA, wvA, semGA, semWA, semSA)

        @pl.when(bp < NSUB // 2 - 1)
        def _():
            for c in gathers(rA + 2, svA, dvA, semGA):
                c.start()
        for c in gathers(rB, svB, dvB, semGB):
            c.wait()
        half(bp, rB, svB, dvB, wvB, semGB, semWB, semSB)
        return carry
    lax.fori_loop(0, NSUB // 2, pair, 0)

    pltpu.make_async_copy(
        wvA, w_hbm.at[pl.ds(rowbase * SUB, SUB)], semWA).wait()
    pltpu.make_async_copy(wvA, dsh.at[dst_v.at[0]], semSA).wait()
    pltpu.make_async_copy(
        wvB, w_hbm.at[pl.ds(rowbase * SUB, SUB)], semWB).wait()
    pltpu.make_async_copy(wvB, dsh.at[dst_v.at[0]], semSB).wait()

    plsc.subcore_barrier()
    r0 = sid * ROWS_PER_TILE
    pltpu.sync_copy(dsh.at[pl.ds(r0, ROWS_PER_TILE)], tmp)

    @pl.when(cid == 0)
    def _():
        pltpu.sync_copy(tmp, d0_hbm.at[pl.ds(r0, ROWS_PER_TILE)])

    @pl.when(cid == 1)
    def _():
        pltpu.sync_copy(tmp, d1_hbm.at[pl.ds(r0, ROWS_PER_TILE)])


def _sc1(asrc16, adst16, src2d, dst2d, m16, z16):
    mesh = plsc.VectorSubcoreMesh(core_axis_name="c", subcore_axis_name="s")
    f = pl.kernel(
        _sc1_body,
        out_type=[
            jax.ShapeDtypeStruct((EP, 16), jnp.float32),
            jax.ShapeDtypeStruct((NPAD, 16), jnp.float32),
            jax.ShapeDtypeStruct((NPAD, 16), jnp.float32),
        ],
        mesh=mesh,
        scratch_types=[
            pltpu.VMEM((NSUB, SUB), jnp.int32),
            pltpu.VMEM((NSUB, SUB), jnp.int32),
            pltpu.VMEM((SUB, 16), jnp.float32),
            pltpu.VMEM((SUB, 16), jnp.float32),
            pltpu.VMEM((SUB, 16), jnp.float32),
            pltpu.VMEM((SUB, 16), jnp.float32),
            pltpu.VMEM((SUB, 16), jnp.float32),
            pltpu.VMEM((SUB, 16), jnp.float32),
            pltpu.VMEM((16,), jnp.float32),
            pltpu.VMEM((ROWS_PER_TILE, 16), jnp.float32),
            pltpu.VMEM_SHARED((NPAD, 16), jnp.float32),
            pltpu.SemaphoreType.DMA,
            pltpu.SemaphoreType.DMA,
            pltpu.SemaphoreType.DMA,
            pltpu.SemaphoreType.DMA,
            pltpu.SemaphoreType.DMA,
            pltpu.SemaphoreType.DMA,
        ],
        compiler_params=pltpu.CompilerParams(use_tc_tiling_on_sc=False),
    )
    return f(asrc16, adst16, src2d, dst2d, m16, z16)



def _compute_block(hvX, wvX, d0X, d1X, mgvX):
    def edge(i, c2):
        den = d0X[i, :] + d1X[i, :]
        alpha = wvX[i, :] / (den + 1e-16)
        acc = [None] * (NHID // 16)
        for h in range(HEADS):
            a = alpha[h]
            for g in range(NHID // 32):
                hb32 = hvX[i, pl.ds(h * NHID + g * 32, 32)]
                lo, hi = plsc.unpack(hb32, format=plsc.PackFormat.INTERLEAVED)
                tl = a * lo
                th = a * hi
                acc[2 * g] = tl if acc[2 * g] is None else acc[2 * g] + tl
                acc[2 * g + 1] = th if acc[2 * g + 1] is None else acc[2 * g + 1] + th
        for cb in range(NHID // 16):
            mgvX[i, pl.ds(cb * 16, 16)] = acc[cb]
        return c2
    lax.fori_loop(0, 16, edge, 0)


def _sc2_body(h_hbm, w_hbm, d0_hbm, d1_hbm, src_hbm, dst_hbm, z128_hbm,
              o0_hbm, o1_hbm,
              src_pg, dst_pg, hvA, hvB, wvA, wvB, d0A, d0B, d1A, d1B,
              mgvA, mgvB, ringA, ringB, tmp, osh,
              semGA, semGB, semSA, semSB):
    cid = lax.axis_index("c")
    sid = lax.axis_index("s")
    wid = sid * NC + cid
    rowbase16 = wid * (CHUNK // 16)
    wbase = wid * CHUNK
    npairs = CHUNK // 32
    npages = CHUNK // 128

    @pl.when(sid == 0)
    def _():
        pltpu.sync_copy(z128_hbm, osh)
    plsc.subcore_barrier()

    def gathers(b, r, hvX, wvX, d0X, d1X, sem):
        return [
            pltpu.make_async_copy(h_hbm.at[src_pg.at[r]], hvX, sem),
            pltpu.make_async_copy(d0_hbm.at[dst_pg.at[r]], d0X, sem),
            pltpu.make_async_copy(d1_hbm.at[dst_pg.at[r]], d1X, sem),
            pltpu.make_async_copy(
                w_hbm.at[pl.ds(wbase + b * 16, 16)], wvX, sem),
        ]

    def issue(b, r, hvX, wvX, d0X, d1X, sem):
        for c in gathers(b, r, hvX, wvX, d0X, d1X, sem):
            c.start()

    def drain(b, r, hvX, wvX, d0X, d1X, sem):
        for c in gathers(b, r, hvX, wvX, d0X, d1X, sem):
            c.wait()

    pltpu.sync_copy(src_hbm.at[pl.ds(rowbase16, 8)], src_pg.at[pl.ds(0, 8)])
    pltpu.sync_copy(dst_hbm.at[pl.ds(rowbase16, 8)], dst_pg.at[pl.ds(0, 8)])
    issue(0, 0, hvA, wvA, d0A, d1A, semGA)

    def pair(bp, carry):
        bA = 2 * bp
        bB = bA + 1
        rA = bA & 15
        rB = bB & 15

        @pl.when(((bp & 3) == 0) & (bp < npairs - 4))
        def _():
            pgn = (bp >> 2) + 1
            off = (pgn & 1) * 8
            pltpu.sync_copy(src_hbm.at[pl.ds(rowbase16 + pgn * 8, 8)],
                            src_pg.at[pl.ds(off, 8)])
            pltpu.sync_copy(dst_hbm.at[pl.ds(rowbase16 + pgn * 8, 8)],
                            dst_pg.at[pl.ds(off, 8)])

        issue(bB, rB, hvB, wvB, d0B, d1B, semGB)
        drain(bA, rA, hvA, wvA, d0A, d1A, semGA)

        @pl.when(bp >= 1)
        def _():
            pltpu.make_async_copy(mgvA, osh.at[ringA.at[0]], semSA).wait()
        _compute_block(hvA, wvA, d0A, d1A, mgvA)
        ringA[0, :] = dst_pg[rA, :]
        pltpu.async_copy(mgvA, osh.at[ringA.at[0]], semSA, add=True)

        @pl.when(bp < npairs - 1)
        def _():
            b2 = bA + 2
            issue(b2, b2 & 15, hvA, wvA, d0A, d1A, semGA)
        drain(bB, rB, hvB, wvB, d0B, d1B, semGB)

        @pl.when(bp >= 1)
        def _():
            pltpu.make_async_copy(mgvB, osh.at[ringB.at[0]], semSB).wait()
        _compute_block(hvB, wvB, d0B, d1B, mgvB)
        ringB[0, :] = dst_pg[rB, :]
        pltpu.async_copy(mgvB, osh.at[ringB.at[0]], semSB, add=True)
        return carry
    lax.fori_loop(0, npairs, pair, 0)

    pltpu.make_async_copy(mgvA, osh.at[ringA.at[0]], semSA).wait()
    pltpu.make_async_copy(mgvB, osh.at[ringB.at[0]], semSB).wait()

    plsc.subcore_barrier()
    for q in range(ROWS_PER_TILE // 32):
        r0 = sid * ROWS_PER_TILE + q * 32
        pltpu.sync_copy(osh.at[pl.ds(r0, 32)], tmp)

        @pl.when(cid == 0)
        def _():
            pltpu.sync_copy(tmp, o0_hbm.at[pl.ds(r0, 32)])

        @pl.when(cid == 1)
        def _():
            pltpu.sync_copy(tmp, o1_hbm.at[pl.ds(r0, 32)])


def _sc2(h, w, d0, d1, src16, dst16, z128):
    mesh = plsc.VectorSubcoreMesh(core_axis_name="c", subcore_axis_name="s")
    f = pl.kernel(
        _sc2_body,
        out_type=[
            jax.ShapeDtypeStruct((NPAD, NHID), jnp.float32),
            jax.ShapeDtypeStruct((NPAD, NHID), jnp.float32),
        ],
        mesh=mesh,
        scratch_types=[
            pltpu.VMEM((16, 16), jnp.int32),
            pltpu.VMEM((16, 16), jnp.int32),
            pltpu.VMEM((16, HC), jnp.bfloat16),
            pltpu.VMEM((16, HC), jnp.bfloat16),
            pltpu.VMEM((16, 16), jnp.float32),
            pltpu.VMEM((16, 16), jnp.float32),
            pltpu.VMEM((16, 16), jnp.float32),
            pltpu.VMEM((16, 16), jnp.float32),
            pltpu.VMEM((16, 16), jnp.float32),
            pltpu.VMEM((16, 16), jnp.float32),
            pltpu.VMEM((16, NHID), jnp.float32),
            pltpu.VMEM((16, NHID), jnp.float32),
            pltpu.VMEM((8, 16), jnp.int32),
            pltpu.VMEM((8, 16), jnp.int32),
            pltpu.VMEM((32, NHID), jnp.float32),
            pltpu.VMEM_SHARED((NPAD, NHID), jnp.float32),
            pltpu.SemaphoreType.DMA,
            pltpu.SemaphoreType.DMA,
            pltpu.SemaphoreType.DMA,
            pltpu.SemaphoreType.DMA,
        ],
        compiler_params=pltpu.CompilerParams(
            use_tc_tiling_on_sc=False, needs_layout_passes=False),
    )
    return f(h, w, d0, d1, src16, dst16, z128)



def _tc2_body(o0_ref, o1_ref, pm_ref, b1_ref, wd_ref, bd_ref, out_ref, h_ref):
    operm = (o0_ref[...] + o1_ref[...]) * (1.0 / HEADS)
    o = jnp.dot(operm, pm_ref[...], preferred_element_type=jnp.float32) \
        + b1_ref[...]
    hh = jnp.where(o > 0, o, jnp.exp(jnp.minimum(o, 0.0)) - 1.0)
    h_ref[...] = hh
    out_ref[...] = (
        jnp.dot(hh, wd_ref[...], preferred_element_type=jnp.float32)
        + bd_ref[...]
    )


def _tc2(o0, o1, Pm, b1, Wd, bd):
    nb = N // BN
    return pl.pallas_call(
        _tc2_body,
        grid=(nb,),
        in_specs=[
            pl.BlockSpec((BN, NHID), lambda b: (b, 0), ),
            pl.BlockSpec((BN, NHID), lambda b: (b, 0)),
            pl.BlockSpec((NHID, NHID), lambda b: (0, 0)),
            pl.BlockSpec((1, NHID), lambda b: (0, 0)),
            pl.BlockSpec((NHID, NOUT), lambda b: (0, 0)),
            pl.BlockSpec((1, NOUT), lambda b: (0, 0)),
        ],
        out_specs=[
            pl.BlockSpec((BN, NOUT), lambda b: (b, 0)),
            pl.BlockSpec((BN, NHID), lambda b: (b, 0)),
        ],
        out_shape=[
            jax.ShapeDtypeStruct((N, NOUT), jnp.float32),
            jax.ShapeDtypeStruct((N, NHID), jnp.float32),
        ],
    )(o0, o1, Pm, b1.reshape(1, NHID), Wd, bd.reshape(1, NOUT))



def kernel(x, edge_index, W1, att_src, att_dst, b1, Wd, bd):
    eye8 = jnp.eye(HEADS, dtype=jnp.float32)
    ps = (att_src[0][:, :, None] * eye8[:, None, :])
    pd = (att_dst[0][:, :, None] * eye8[:, None, :])
    Ps = jnp.concatenate([ps, ps], axis=-1).reshape(HC, 16)
    Pd = jnp.concatenate([pd, pd], axis=-1).reshape(HC, 16)

    loop = jnp.arange(N, dtype=edge_index.dtype)
    pad = jnp.zeros((EP - E2,), dtype=edge_index.dtype)
    src2d = jnp.concatenate([edge_index[0], loop, pad]).reshape(NW * NSUB, SUB)
    dst2d = jnp.concatenate([edge_index[1], loop, pad]).reshape(NW * NSUB, SUB)

    h, asrc16, adst16, ms, md = _tc1(x, W1, Ps, Pd)
    m16 = jnp.maximum(ms.max(axis=0) + md.max(axis=0), 0.0)

    z16 = jnp.zeros((NPAD, 16), jnp.float32)
    z128 = jnp.zeros((NPAD, NHID), jnp.float32)

    w, d0, d1 = _sc1(asrc16, adst16, src2d, dst2d, m16, z16)
    src16 = src2d.reshape(EP // 16, 16)
    dst16 = dst2d.reshape(EP // 16, 16)
    o0, o1 = _sc2(h, w, d0, d1, src16, dst16, z128)

    g = jnp.arange(NHID // 32)[:, None]
    j = jnp.arange(16)[None, :]
    tchan = jnp.concatenate(
        [g * 32 + 2 * j, g * 32 + 2 * j + 1], axis=1).reshape(NHID)
    Pm = jnp.zeros((NHID, NHID), jnp.float32).at[
        jnp.arange(NHID), tchan].set(1.0)

    out, hstate = _tc2(o0[:N], o1[:N], Pm, b1, Wd, bd)
    return (out, hstate)

# --- scband reference (transcript-rebuilt; emitter-appended) ---
"""Pipeline reference for scband-gatnet-77008763617441 (READ-ONLY COPY).

The authoritative reference and input builder live on the scoring server;
editing this copy changes nothing except your own understanding.
"""

import jax, jax.numpy as jnp
import numpy as np

N = 10000
E = 320000
NIN = 128
NHID = 128
NOUT = 128
HEADS = 8


def setup_inputs(seed: int = 0):
    key = jax.random.key(seed)
    ks = jax.random.split(key, 10)
    x = jax.random.normal(ks[0], (N, NIN), dtype=jnp.float32)
    edge_index = jax.random.randint(ks[1], (2, E), 0, N, dtype=jnp.int32)
    # GATConv params: lin weight [NIN, HEADS*NHID], att_src/att_dst [1, HEADS, NHID], bias [NHID]
    W1 = jax.random.normal(ks[2], (NIN, HEADS * NHID), dtype=jnp.float32) * (1.0 / np.sqrt(NIN))
    att_src = jax.random.normal(ks[3], (1, HEADS, NHID), dtype=jnp.float32) * (1.0 / np.sqrt(NHID))
    att_dst = jax.random.normal(ks[4], (1, HEADS, NHID), dtype=jnp.float32) * (1.0 / np.sqrt(NHID))
    b1 = jnp.zeros((NHID,), dtype=jnp.float32)
    # decoder Linear(NHID, NOUT)
    Wd = jax.random.normal(ks[5], (NHID, NOUT), dtype=jnp.float32) * (1.0 / np.sqrt(NHID))
    bd = jnp.zeros((NOUT,), dtype=jnp.float32)
    return {"x": x, "edge_index": edge_index, "W1": W1, "att_src": att_src,
            "att_dst": att_dst, "b1": b1, "Wd": Wd, "bd": bd}


def gat_conv(x, src, dst, W, att_src, att_dst, bias):
    # x: [N, in], W: [in, H*C]
    h = (x @ W).reshape(N, HEADS, NHID)          # [N, H, C]
    a_src = (h * att_src).sum(-1)                # [N, H]
    a_dst = (h * att_dst).sum(-1)                # [N, H]
    e = a_src[src] + a_dst[dst]                  # [E', H]
    e = jax.nn.leaky_relu(e, negative_slope=0.2)
    # segment softmax over destination nodes (per head)
    e_max = jax.ops.segment_max(e, dst, num_segments=N)
    e_max = jax.lax.stop_gradient(e_max)
    e_exp = jnp.exp(e - e_max[dst])
    denom = jax.ops.segment_sum(e_exp, dst, num_segments=N)
    alpha = e_exp / (denom[dst] + 1e-16)         # [E', H]
    msg = h[src] * alpha[:, :, None]             # [E', H, C]
    out = jax.ops.segment_sum(msg, dst, num_segments=N)  # [N, H, C]
    # concat=False -> mean over heads, then bias
    return out.mean(axis=1) + bias


def reference(x, edge_index, W1, att_src, att_dst, b1, Wd, bd):
    # PyG GATConv adds self-loops by default
    loop = jnp.arange(N, dtype=edge_index.dtype)
    src = jnp.concatenate([edge_index[0], loop])
    dst = jnp.concatenate([edge_index[1], loop])
    h = gat_conv(x, src, dst, W1, att_src, att_dst, b1)
    h = jax.nn.elu(h)
    # dropout is identity in eval mode (training=False)
    out = h @ Wd + bd
    return (out, h)


if False:  # reference __main__ guard neutralized (emitter)
    inp = setup_inputs()
    out, h = reference(**inp)
    print(out.shape, h.shape)

if __name__ == "__main__":
    import jax
    _d = setup_inputs()
    print(jax.jit(kernel)(*tuple(_d.values())))

</pallas_src>

<mosaic_0001>
#map = affine_map<(d0, d1) -> (0, 0)>
#map1 = affine_map<(d0, d1) -> (0)>
module attributes {stable_mosaic.version = 14 : i64} {
  func.func @_sc1_body(%arg0: i32, %arg1: i32, %arg2: memref<10000x16xf32, #tpu.memory_space<hbm>>, %arg3: memref<10000x16xf32, #tpu.memory_space<hbm>>, %arg4: memref<10496x32xi32, #tpu.memory_space<hbm>>, %arg5: memref<10496x32xi32, #tpu.memory_space<hbm>>, %arg6: memref<16xf32, #tpu.memory_space<hbm>>, %arg7: memref<10240x16xf32, #tpu.memory_space<hbm>>, %arg8: memref<335872x16xf32, #tpu.memory_space<hbm>>, %arg9: memref<10240x16xf32, #tpu.memory_space<hbm>>, %arg10: memref<10240x16xf32, #tpu.memory_space<hbm>>, %arg11: memref<328x32xi32, #tpu.memory_space<vmem>>, %arg12: memref<328x32xi32, #tpu.memory_space<vmem>>, %arg13: memref<32x16xf32, #tpu.memory_space<vmem>>, %arg14: memref<32x16xf32, #tpu.memory_space<vmem>>, %arg15: memref<32x16xf32, #tpu.memory_space<vmem>>, %arg16: memref<32x16xf32, #tpu.memory_space<vmem>>, %arg17: memref<32x16xf32, #tpu.memory_space<vmem>>, %arg18: memref<32x16xf32, #tpu.memory_space<vmem>>, %arg19: memref<16xf32, #tpu.memory_space<vmem>>, %arg20: memref<640x16xf32, #tpu.memory_space<vmem>>, %arg21: memref<10240x16xf32, #tpu.memory_space<vmem_shared>>, %arg22: memref<!tpu.dma_semaphore, #tpu.memory_space<semaphore_mem>>, %arg23: memref<!tpu.dma_semaphore, #tpu.memory_space<semaphore_mem>>, %arg24: memref<!tpu.dma_semaphore, #tpu.memory_space<semaphore_mem>>, %arg25: memref<!tpu.dma_semaphore, #tpu.memory_space<semaphore_mem>>, %arg26: memref<!tpu.dma_semaphore, #tpu.memory_space<semaphore_mem>>, %arg27: memref<!tpu.dma_semaphore, #tpu.memory_space<semaphore_mem>>) attributes {dimension_semantics = [#tpu.dimension_semantics<core_parallel>, #tpu.dimension_semantics<subcore_parallel>], iteration_bounds = array<i64: 2, 16>, scalar_prefetch = 0 : i64, scratch_operands = 17 : i64, tpu.core_type = #tpu.core_type<sc_vector_subcore>, window_params = [{transform_indices = #map}, {transform_indices = #map}, {transform_indices = #map}, {transform_indices = #map}, {transform_indices = #map1}, {transform_indices = #map}, {transform_indices = #map}, {transform_indices = #map}, {transform_indices = #map}]} {
    %mul3A = arith.constant 2 : i32
    %mul3A_0 = arith.muli %arg1, %mul3A : i32
    %add3A = arith.addi %mul3A_0, %arg0 : i32
    %mul3A_1 = arith.constant 328 : i32
    %mul3A_2 = arith.muli %add3A, %mul3A_1 : i32
    %eq3A = arith.constant 0 : i32
    %eq3A_3 = arith.cmpi eq, %arg1, %eq3A : i32
    %convert_element_type3A = arith.extui %eq3A_3 : i1 to i32
    %cond3A = arith.constant 0 : i32
    %cond3A_4 = arith.cmpi ne, %convert_element_type3A, %cond3A : i32
    scf.if %cond3A_4 {
      "tpu.region"() ({
        %run_scoped3A = tpu.sem_alloc : memref<!tpu.dma_semaphore, #tpu.memory_space<semaphore_mem>>
        tpu.enqueue_dma source(%arg7 : memref<10240x16xf32, #tpu.memory_space<hbm>>) target(%arg21 : memref<10240x16xf32, #tpu.memory_space<vmem_shared>>) target_semaphore(%run_scoped3A : memref<!tpu.dma_semaphore, #tpu.memory_space<semaphore_mem>>)
        tpu.wait_dma2 semaphore(%run_scoped3A : memref<!tpu.dma_semaphore, #tpu.memory_space<semaphore_mem>>) src(%arg7 : memref<10240x16xf32, #tpu.memory_space<hbm>>) dst(%arg21 : memref<10240x16xf32, #tpu.memory_space<vmem_shared>>)
        tpu.yield
      }) : () -> ()
    } else {
    }
    %barrier3A = arith.constant 0 : index
    tpu.barrier barrier_id(%barrier3A)
    "tpu.region"() ({
      %run_scoped3A = tpu.sem_alloc : memref<!tpu.dma_semaphore, #tpu.memory_space<semaphore_mem>>
      %dma_start3A_61 = arith.constant 0 : i32
      %dma_start3A_62 = tpu.memref_slice %arg4[%mul3A_2, %dma_start3A_61] : memref<10496x32xi32, #tpu.memory_space<hbm>> -> memref<328x32xi32, #tpu.memory_space<hbm>>
      %dma_start3A_63 = arith.constant 0 : i32
      %dma_start3A_64 = tpu.memref_slice %arg4[%mul3A_2, %dma_start3A_63] : memref<10496x32xi32, #tpu.memory_space<hbm>> -> memref<328x32xi32, #tpu.memory_space<hbm>>
      tpu.enqueue_dma source(%dma_start3A_64 : memref<328x32xi32, #tpu.memory_space<hbm>>) target(%arg11 : memref<328x32xi32, #tpu.memory_space<vmem>>) target_semaphore(%run_scoped3A : memref<!tpu.dma_semaphore, #tpu.memory_space<semaphore_mem>>)
      %dma_wait3A_65 = arith.constant 0 : i32
      %dma_wait3A_66 = tpu.memref_slice %arg4[%mul3A_2, %dma_wait3A_65] : memref<10496x32xi32, #tpu.memory_space<hbm>> -> memref<328x32xi32, #tpu.memory_space<hbm>>
      %dma_wait3A_67 = arith.constant 0 : i32
      %dma_wait3A_68 = tpu.memref_slice %arg4[%mul3A_2, %dma_wait3A_67] : memref<10496x32xi32, #tpu.memory_space<hbm>> -> memref<328x32xi32, #tpu.memory_space<hbm>>
      tpu.wait_dma2 semaphore(%run_scoped3A : memref<!tpu.dma_semaphore, #tpu.memory_space<semaphore_mem>>) src(%dma_wait3A_68 : memref<328x32xi32, #tpu.memory_space<hbm>>) dst(%arg11 : memref<328x32xi32, #tpu.memory_space<vmem>>)
      tpu.yield
    }) : () -> ()
    "tpu.region"() ({
      %run_scoped3A = tpu.sem_alloc : memref<!tpu.dma_semaphore, #tpu.memory_space<semaphore_mem>>
      %dma_start3A_61 = arith.constant 0 : i32
      %dma_start3A_62 = tpu.memref_slice %arg5[%mul3A_2, %dma_start3A_61] : memref<10496x32xi32, #tpu.memory_space<hbm>> -> memref<328x32xi32, #tpu.memory_space<hbm>>
      %dma_start3A_63 = arith.constant 0 : i32
      %dma_start3A_64 = tpu.memref_slice %arg5[%mul3A_2, %dma_start3A_63] : memref<10496x32xi32, #tpu.memory_space<hbm>> -> memref<328x32xi32, #tpu.memory_space<hbm>>
      tpu.enqueue_dma source(%dma_start3A_64 : memref<328x32xi32, #tpu.memory_space<hbm>>) target(%arg12 : memref<328x32xi32, #tpu.memory_space<vmem>>) target_semaphore(%run_scoped3A : memref<!tpu.dma_semaphore, #tpu.memory_space<semaphore_mem>>)
      %dma_wait3A_65 = arith.constant 0 : i32
      %dma_wait3A_66 = tpu.memref_slice %arg5[%mul3A_2, %dma_wait3A_65] : memref<10496x32xi32, #tpu.memory_space<hbm>> -> memref<328x32xi32, #tpu.memory_space<hbm>>
      %dma_wait3A_67 = arith.constant 0 : i32
      %dma_wait3A_68 = tpu.memref_slice %arg5[%mul3A_2, %dma_wait3A_67] : memref<10496x32xi32, #tpu.memory_space<hbm>> -> memref<328x32xi32, #tpu.memory_space<hbm>>
      tpu.wait_dma2 semaphore(%run_scoped3A : memref<!tpu.dma_semaphore, #tpu.memory_space<semaphore_mem>>) src(%dma_wait3A_68 : memref<328x32xi32, #tpu.memory_space<hbm>>) dst(%arg12 : memref<328x32xi32, #tpu.memory_space<vmem>>)
      tpu.yield
    }) : () -> ()
    "tpu.region"() ({
      %run_scoped3A = tpu.sem_alloc : memref<!tpu.dma_semaphore, #tpu.memory_space<semaphore_mem>>
      tpu.enqueue_dma source(%arg6 : memref<16xf32, #tpu.memory_space<hbm>>) target(%arg19 : memref<16xf32, #tpu.memory_space<vmem>>) target_semaphore(%run_scoped3A : memref<!tpu.dma_semaphore, #tpu.memory_space<semaphore_mem>>)
      tpu.wait_dma2 semaphore(%run_scoped3A : memref<!tpu.dma_semaphore, #tpu.memory_space<semaphore_mem>>) src(%arg6 : memref<16xf32, #tpu.memory_space<hbm>>) dst(%arg19 : memref<16xf32, #tpu.memory_space<vmem>>)
      tpu.yield
    }) : () -> ()
    %dma_start3A = arith.constant 0 : i32
    %dma_start3A_5 = arith.constant 0 : i32
    %dma_start3A_6 = tpu.memref_slice %arg11[%dma_start3A, %dma_start3A_5] : memref<328x32xi32, #tpu.memory_space<vmem>> -> memref<1x32xi32, #tpu.memory_space<vmem>>
    %dma_start3A_7 = tpu.memref_squeeze %dma_start3A_6 : memref<1x32xi32, #tpu.memory_space<vmem>> -> memref<32xi32, #tpu.memory_space<vmem>>
    %dma_start3A_8 = arith.constant 0 : i32
    %dma_start3A_9 = arith.constant 0 : i32
    %dma_start3A_10 = tpu.memref_slice %arg2[%dma_start3A_8, %dma_start3A_9] : memref<10000x16xf32, #tpu.memory_space<hbm>> -> memref<10000x16xf32, #tpu.memory_space<hbm>>
    tpu.enqueue_indirect_dma source(%dma_start3A_10 : memref<10000x16xf32, #tpu.memory_space<hbm>>) target(%arg13 : memref<32x16xf32, #tpu.memory_space<vmem>>) offsets(%dma_start3A_7 : memref<32xi32, #tpu.memory_space<vmem>>) semaphore(%arg22 : memref<!tpu.dma_semaphore, #tpu.memory_space<semaphore_mem>>)
    %dma_start3A_11 = arith.constant 0 : i32
    %dma_start3A_12 = arith.constant 0 : i32
    %dma_start3A_13 = tpu.memref_slice %arg12[%dma_start3A_11, %dma_start3A_12] : memref<328x32xi32, #tpu.memory_space<vmem>> -> memref<1x32xi32, #tpu.memory_space<vmem>>
    %dma_start3A_14 = tpu.memref_squeeze %dma_start3A_13 : memref<1x32xi32, #tpu.memory_space<vmem>> -> memref<32xi32, #tpu.memory_space<vmem>>
    %dma_start3A_15 = arith.constant 0 : i32
    %dma_start3A_16 = arith.constant 0 : i32
    %dma_start3A_17 = tpu.memref_slice %arg3[%dma_start3A_15, %dma_start3A_16] : memref<10000x16xf32, #tpu.memory_space<hbm>> -> memref<10000x16xf32, #tpu.memory_space<hbm>>
    tpu.enqueue_indirect_dma source(%dma_start3A_17 : memref<10000x16xf32, #tpu.memory_space<hbm>>) target(%arg15 : memref<32x16xf32, #tpu.memory_space<vmem>>) offsets(%dma_start3A_14 : memref<32xi32, #tpu.memory_space<vmem>>) semaphore(%arg22 : memref<!tpu.dma_semaphore, #tpu.memory_space<semaphore_mem>>)
    %scan3A = arith.constant 0 : i32
    %scan3A_18 = arith.constant 0 : i32
    %scan3A_19 = arith.constant 164 : i32
    %scan3A_20 = arith.addi %scan3A_18, %scan3A_19 : i32
    %scan3A_21 = arith.constant 1 : i32
    scf.for %scan3A_61 = %scan3A_18 to %scan3A_20 step %scan3A_21  : i32 {
      %mul3A_62 = arith.constant 2 : i32
      %mul3A_63 = arith.muli %mul3A_62, %scan3A_61 : i32
      %add3A_64 = arith.constant 1 : i32
      %add3A_65 = arith.addi %mul3A_63, %add3A_64 : i32
      %dma_start3A_66 = arith.constant 0 : i32
      %dma_start3A_67 = tpu.memref_slice %arg11[%add3A_65, %dma_start3A_66] : memref<328x32xi32, #tpu.memory_space<vmem>> -> memref<1x32xi32, #tpu.memory_space<vmem>>
      %dma_start3A_68 = tpu.memref_squeeze %dma_start3A_67 : memref<1x32xi32, #tpu.memory_space<vmem>> -> memref<32xi32, #tpu.memory_space<vmem>>
      %dma_start3A_69 = arith.constant 0 : i32
      %dma_start3A_70 = arith.constant 0 : i32
      %dma_start3A_71 = tpu.memref_slice %arg2[%dma_start3A_69, %dma_start3A_70] : memref<10000x16xf32, #tpu.memory_space<hbm>> -> memref<10000x16xf32, #tpu.memory_space<hbm>>
      tpu.enqueue_indirect_dma source(%dma_start3A_71 : memref<10000x16xf32, #tpu.memory_space<hbm>>) target(%arg14 : memref<32x16xf32, #tpu.memory_space<vmem>>) offsets(%dma_start3A_68 : memref<32xi32, #tpu.memory_space<vmem>>) semaphore(%arg23 : memref<!tpu.dma_semaphore, #tpu.memory_space<semaphore_mem>>)
      %dma_start3A_72 = arith.constant 0 : i32
      %dma_start3A_73 = tpu.memref_slice %arg12[%add3A_65, %dma_start3A_72] : memref<328x32xi32, #tpu.memory_space<vmem>> -> memref<1x32xi32, #tpu.memory_space<vmem>>
      %dma_start3A_74 = tpu.memref_squeeze %dma_start3A_73 : memref<1x32xi32, #tpu.memory_space<vmem>> -> memref<32xi32, #tpu.memory_space<vmem>>
      %dma_start3A_75 = arith.constant 0 : i32
      %dma_start3A_76 = arith.constant 0 : i32
      %dma_start3A_77 = tpu.memref_slice %arg3[%dma_start3A_75, %dma_start3A_76] : memref<10000x16xf32, #tpu.memory_space<hbm>> -> memref<10000x16xf32, #tpu.memory_space<hbm>>
      tpu.enqueue_indirect_dma source(%dma_start3A_77 : memref<10000x16xf32, #tpu.memory_space<hbm>>) target(%arg16 : memref<32x16xf32, #tpu.memory_space<vmem>>) offsets(%dma_start3A_74 : memref<32xi32, #tpu.memory_space<vmem>>) semaphore(%arg23 : memref<!tpu.dma_semaphore, #tpu.memory_space<semaphore_mem>>)
      %dma_wait3A_78 = arith.constant 0 : i32
      %dma_wait3A_79 = tpu.memref_slice %arg11[%mul3A_63, %dma_wait3A_78] : memref<328x32xi32, #tpu.memory_space<vmem>> -> memref<1x32xi32, #tpu.memory_space<vmem>>
      %dma_wait3A_80 = tpu.memref_squeeze %dma_wait3A_79 : memref<1x32xi32, #tpu.memory_space<vmem>> -> memref<32xi32, #tpu.memory_space<vmem>>
      %dma_wait3A_81 = arith.constant 0 : i32
      %dma_wait3A_82 = arith.constant 0 : i32
      %dma_wait3A_83 = tpu.memref_slice %arg2[%dma_wait3A_81, %dma_wait3A_82] : memref<10000x16xf32, #tpu.memory_space<hbm>> -> memref<10000x16xf32, #tpu.memory_space<hbm>>
      tpu.wait_indirect_dma semaphore(%arg22 : memref<!tpu.dma_semaphore, #tpu.memory_space<semaphore_mem>>) src(%dma_wait3A_83 : memref<10000x16xf32, #tpu.memory_space<hbm>>) dst(%arg13 : memref<32x16xf32, #tpu.memory_space<vmem>>)
      %dma_wait3A_84 = arith.constant 0 : i32
      %dma_wait3A_85 = tpu.memref_slice %arg12[%mul3A_63, %dma_wait3A_84] : memref<328x32xi32, #tpu.memory_space<vmem>> -> memref<1x32xi32, #tpu.memory_space<vmem>>
      %dma_wait3A_86 = tpu.memref_squeeze %dma_wait3A_85 : memref<1x32xi32, #tpu.memory_space<vmem>> -> memref<32xi32, #tpu.memory_space<vmem>>
      %dma_wait3A_87 = arith.constant 0 : i32
      %dma_wait3A_88 = arith.constant 0 : i32
      %dma_wait3A_89 = tpu.memref_slice %arg3[%dma_wait3A_87, %dma_wait3A_88] : memref<10000x16xf32, #tpu.memory_space<hbm>> -> memref<10000x16xf32, #tpu.memory_space<hbm>>
      tpu.wait_indirect_dma semaphore(%arg22 : memref<!tpu.dma_semaphore, #tpu.memory_space<semaphore_mem>>) src(%dma_wait3A_89 : memref<10000x16xf32, #tpu.memory_space<hbm>>) dst(%arg15 : memref<32x16xf32, #tpu.memory_space<vmem>>)
      %add3A_90 = arith.addi %mul3A_2, %mul3A_63 : i32
      %mul3A_91 = arith.constant 32 : i32
      %mul3A_92 = arith.muli %add3A_90, %mul3A_91 : i32
      %ge3A = arith.constant 1 : i32
      %ge3A_93 = arith.cmpi sge, %scan3A_61, %ge3A : i32
      %convert_element_type3A_94 = arith.extui %ge3A_93 : i1 to i32
      %cond3A_95 = arith.constant 0 : i32
      %cond3A_96 = arith.cmpi ne, %convert_element_type3A_94, %cond3A_95 : i32
      scf.if %cond3A_96 {
        %dma_wait3A_153 = arith.constant 0 : i32
        %dma_wait3A_154 = tpu.memref_slice %arg8[%mul3A_92, %dma_wait3A_153] : memref<335872x16xf32, #tpu.memory_space<hbm>> -> memref<32x16xf32, #tpu.memory_space<hbm>>
        %dma_wait3A_155 = arith.constant 0 : i32
        %dma_wait3A_156 = tpu.memref_slice %arg8[%mul3A_92, %dma_wait3A_155] : memref<335872x16xf32, #tpu.memory_space<hbm>> -> memref<32x16xf32, #tpu.memory_space<hbm>>
        tpu.wait_dma2 semaphore(%arg24 : memref<!tpu.dma_semaphore, #tpu.memory_space<semaphore_mem>>) src(%arg17 : memref<32x16xf32, #tpu.memory_space<vmem>>) dst(%dma_wait3A_156 : memref<32x16xf32, #tpu.memory_space<hbm>>)
        %dma_wait3A_157 = arith.constant 0 : i32
        %dma_wait3A_158 = tpu.memref_slice %arg12[%mul3A_63, %dma_wait3A_157] : memref<328x32xi32, #tpu.memory_space<vmem>> -> memref<1x32xi32, #tpu.memory_space<vmem>>
        %dma_wait3A_159 = tpu.memref_squeeze %dma_wait3A_158 : memref<1x32xi32, #tpu.memory_space<vmem>> -> memref<32xi32, #tpu.memory_space<vmem>>
        %dma_wait3A_160 = arith.constant 0 : i32
        %dma_wait3A_161 = arith.constant 0 : i32
        %dma_wait3A_162 = tpu.memref_slice %arg21[%dma_wait3A_160, %dma_wait3A_161] : memref<10240x16xf32, #tpu.memory_space<vmem_shared>> -> memref<10240x16xf32, #tpu.memory_space<vmem_shared>>
        tpu.wait_indirect_dma semaphore(%arg26 : memref<!tpu.dma_semaphore, #tpu.memory_space<semaphore_mem>>) src(%arg17 : memref<32x16xf32, #tpu.memory_space<vmem>>) dst(%dma_wait3A_162 : memref<10240x16xf32, #tpu.memory_space<vmem_shared>>)
      } else {
      }
      %scan3A_97 = arith.constant 0 : i32
      %scan3A_98 = arith.constant 0 : i32
      %scan3A_99 = arith.constant 32 : i32
      %scan3A_100 = arith.addi %scan3A_98, %scan3A_99 : i32
      %scan3A_101 = arith.constant 1 : i32
      scf.for %scan3A_153 = %scan3A_98 to %scan3A_100 step %scan3A_101  : i32 {
        %get3A = arith.index_cast %scan3A_153 : i32 to index
        %get3A_154 = arith.constant 0 : index
        %get3A_155 = tpu.vector_load %arg13[%get3A, %get3A_154] {strides = array<i32>} : memref<32x16xf32, #tpu.memory_space<vmem>>, vector<1x16xf32>,
        %get3A_156 = vector.shape_cast %get3A_155 : vector<1x16xf32> to vector<16xf32>
        %get3A_157 = arith.index_cast %scan3A_153 : i32 to index
        %get3A_158 = arith.constant 0 : index
        %get3A_159 = tpu.vector_load %arg15[%get3A_157, %get3A_158] {strides = array<i32>} : memref<32x16xf32, #tpu.memory_space<vmem>>, vector<1x16xf32>,
        %get3A_160 = vector.shape_cast %get3A_159 : vector<1x16xf32> to vector<16xf32>
        %add3A_161 = arith.addf %get3A_156, %get3A_160 : vector<16xf32>
        %mul3A_162 = arith.constant 2.000000e-01 : f32
        %mul3A_163 = vector.broadcast %mul3A_162 : f32 to vector<16xf32>
        %mul3A_164 = arith.mulf %mul3A_163, %add3A_161 : vector<16xf32>
        %max3A = arith.maximumf %add3A_161, %mul3A_164 : vector<16xf32>
        %get3A_165 = arith.constant 0 : index
        %get3A_166 = tpu.vector_load %arg19[%get3A_165] {strides = array<i32>} : memref<16xf32, #tpu.memory_space<vmem>>, vector<16xf32>,
        %get3A_167 = vector.shape_cast %get3A_166 : vector<16xf32> to vector<16xf32>
        %sub3A = arith.subf %max3A, %get3A_167 : vector<16xf32>
        %exp3A = math.exp %sub3A : vector<16xf32>
        %add3A_168 = arith.addi %mul3A_92, %scan3A_153 : i32
        %lt3A_169 = arith.constant 330000 : i32
        %lt3A_170 = arith.cmpi slt, %add3A_168, %lt3A_169 : i32
        %jit3A = arith.constant 0.000000e+00 : f32
        %broadcast_in_dim3A = vector.broadcast %jit3A : f32 to vector<16xf32>
        %select_n3A = arith.select %lt3A_170, %exp3A, %broadcast_in_dim3A : vector<16xf32>
        %swap3A = arith.index_cast %scan3A_153 : i32 to index
        %swap3A_171 = arith.constant 0 : index
        %swap3A_172 = tpu.vector_load %arg17[%swap3A, %swap3A_171] {strides = array<i32>} : memref<32x16xf32, #tpu.memory_space<vmem>>, vector<1x16xf32>,
        %swap3A_173 = vector.shape_cast %swap3A_172 : vector<1x16xf32> to vector<16xf32>
        %swap3A_174 = vector.shape_cast %select_n3A : vector<16xf32> to vector<1x16xf32>
        tpu.vector_store %arg17[%swap3A, %swap3A_171], %swap3A_174 {strides = array<i32>} : memref<32x16xf32, #tpu.memory_space<vmem>>, vector<1x16xf32>,
      }
      %scan3A_102 = arith.constant 32 : i32
      %dma_start3A_103 = arith.constant 0 : i32
      %dma_start3A_104 = tpu.memref_slice %arg8[%mul3A_92, %dma_start3A_103] : memref<335872x16xf32, #tpu.memory_space<hbm>> -> memref<32x16xf32, #tpu.memory_space<hbm>>
      %dma_start3A_105 = arith.constant 0 : i32
      %dma_start3A_106 = tpu.memref_slice %arg8[%mul3A_92, %dma_start3A_105] : memref<335872x16xf32, #tpu.memory_space<hbm>> -> memref<32x16xf32, #tpu.memory_space<hbm>>
      tpu.enqueue_dma source(%arg17 : memref<32x16xf32, #tpu.memory_space<vmem>>) target(%dma_start3A_106 : memref<32x16xf32, #tpu.memory_space<hbm>>) target_semaphore(%arg24 : memref<!tpu.dma_semaphore, #tpu.memory_space<semaphore_mem>>)
      %dma_start3A_107 = arith.constant 0 : i32
      %dma_start3A_108 = tpu.memref_slice %arg12[%mul3A_63, %dma_start3A_107] : memref<328x32xi32, #tpu.memory_space<vmem>> -> memref<1x32xi32, #tpu.memory_space<vmem>>
      %dma_start3A_109 = tpu.memref_squeeze %dma_start3A_108 : memref<1x32xi32, #tpu.memory_space<vmem>> -> memref<32xi32, #tpu.memory_space<vmem>>
      %dma_start3A_110 = arith.constant 0 : i32
      %dma_start3A_111 = arith.constant 0 : i32
      %dma_start3A_112 = tpu.memref_slice %arg21[%dma_start3A_110, %dma_start3A_111] : memref<10240x16xf32, #tpu.memory_space<vmem_shared>> -> memref<10240x16xf32, #tpu.memory_space<vmem_shared>>
      tpu.enqueue_indirect_dma source(%arg17 : memref<32x16xf32, #tpu.memory_space<vmem>>) target(%dma_start3A_112 : memref<10240x16xf32, #tpu.memory_space<vmem_shared>>) offsets(%dma_start3A_109 : memref<32xi32, #tpu.memory_space<vmem>>) semaphore(%arg26 : memref<!tpu.dma_semaphore, #tpu.memory_space<semaphore_mem>>) {add = true}
      %lt3A = arith.constant 163 : i32
      %lt3A_113 = arith.cmpi slt, %scan3A_61, %lt3A : i32
      %convert_element_type3A_114 = arith.extui %lt3A_113 : i1 to i32
      %cond3A_115 = arith.constant 0 : i32
      %cond3A_116 = arith.cmpi ne, %convert_element_type3A_114, %cond3A_115 : i32
      scf.if %cond3A_116 {
        %add3A_153 = arith.constant 2 : i32
        %add3A_154 = arith.addi %mul3A_63, %add3A_153 : i32
        %dma_start3A_155 = arith.constant 0 : i32
        %dma_start3A_156 = tpu.memref_slice %arg11[%add3A_154, %dma_start3A_155] : memref<328x32xi32, #tpu.memory_space<vmem>> -> memref<1x32xi32, #tpu.memory_space<vmem>>
        %dma_start3A_157 = tpu.memref_squeeze %dma_start3A_156 : memref<1x32xi32, #tpu.memory_space<vmem>> -> memref<32xi32, #tpu.memory_space<vmem>>
        %dma_start3A_158 = arith.constant 0 : i32
        %dma_start3A_159 = arith.constant 0 : i32
        %dma_start3A_160 = tpu.memref_slice %arg2[%dma_start3A_158, %dma_start3A_159] : memref<10000x16xf32, #tpu.memory_space<hbm>> -> memref<10000x16xf32, #tpu.memory_space<hbm>>
        tpu.enqueue_indirect_dma source(%dma_start3A_160 : memref<10000x16xf32, #tpu.memory_space<hbm>>) target(%arg13 : memref<32x16xf32, #tpu.memory_space<vmem>>) offsets(%dma_start3A_157 : memref<32xi32, #tpu.memory_space<vmem>>) semaphore(%arg22 : memref<!tpu.dma_semaphore, #tpu.memory_space<semaphore_mem>>)
        %dma_start3A_161 = arith.constant 0 : i32
        %dma_start3A_162 = tpu.memref_slice %arg12[%add3A_154, %dma_start3A_161] : memref<328x32xi32, #tpu.memory_space<vmem>> -> memref<1x32xi32, #tpu.memory_space<vmem>>
        %dma_start3A_163 = tpu.memref_squeeze %dma_start3A_162 : memref<1x32xi32, #tpu.memory_space<vmem>> -> memref<32xi32, #tpu.memory_space<vmem>>
        %dma_start3A_164 = arith.constant 0 : i32
        %dma_start3A_165 = arith.constant 0 : i32
        %dma_start3A_166 = tpu.memref_slice %arg3[%dma_start3A_164, %dma_start3A_165] : memref<10000x16xf32, #tpu.memory_space<hbm>> -> memref<10000x16xf32, #tpu.memory_space<hbm>>
        tpu.enqueue_indirect_dma source(%dma_start3A_166 : memref<10000x16xf32, #tpu.memory_space<hbm>>) target(%arg15 : memref<32x16xf32, #tpu.memory_space<vmem>>) offsets(%dma_start3A_163 : memref<32xi32, #tpu.memory_space<vmem>>) semaphore(%arg22 : memref<!tpu.dma_semaphore, #tpu.memory_space<semaphore_mem>>)
      } else {
      }
      %dma_wait3A_117 = arith.constant 0 : i32
      %dma_wait3A_118 = tpu.memref_slice %arg11[%add3A_65, %dma_wait3A_117] : memref<328x32xi32, #tpu.memory_space<vmem>> -> memref<1x32xi32, #tpu.memory_space<vmem>>
      %dma_wait3A_119 = tpu.memref_squeeze %dma_wait3A_118 : memref<1x32xi32, #tpu.memory_space<vmem>> -> memref<32xi32, #tpu.memory_space<vmem>>
      %dma_wait3A_120 = arith.constant 0 : i32
      %dma_wait3A_121 = arith.constant 0 : i32
      %dma_wait3A_122 = tpu.memref_slice %arg2[%dma_wait3A_120, %dma_wait3A_121] : memref<10000x16xf32, #tpu.memory_space<hbm>> -> memref<10000x16xf32, #tpu.memory_space<hbm>>
      tpu.wait_indirect_dma semaphore(%arg23 : memref<!tpu.dma_semaphore, #tpu.memory_space<semaphore_mem>>) src(%dma_wait3A_122 : memref<10000x16xf32, #tpu.memory_space<hbm>>) dst(%arg14 : memref<32x16xf32, #tpu.memory_space<vmem>>)
      %dma_wait3A_123 = arith.constant 0 : i32
      %dma_wait3A_124 = tpu.memref_slice %arg12[%add3A_65, %dma_wait3A_123] : memref<328x32xi32, #tpu.memory_space<vmem>> -> memref<1x32xi32, #tpu.memory_space<vmem>>
      %dma_wait3A_125 = tpu.memref_squeeze %dma_wait3A_124 : memref<1x32xi32, #tpu.memory_space<vmem>> -> memref<32xi32, #tpu.memory_space<vmem>>
      %dma_wait3A_126 = arith.constant 0 : i32
      %dma_wait3A_127 = arith.constant 0 : i32
      %dma_wait3A_128 = tpu.memref_slice %arg3[%dma_wait3A_126, %dma_wait3A_127] : memref<10000x16xf32, #tpu.memory_space<hbm>> -> memref<10000x16xf32, #tpu.memory_space<hbm>>
      tpu.wait_indirect_dma semaphore(%arg23 : memref<!tpu.dma_semaphore, #tpu.memory_space<semaphore_mem>>) src(%dma_wait3A_128 : memref<10000x16xf32, #tpu.memory_space<hbm>>) dst(%arg16 : memref<32x16xf32, #tpu.memory_space<vmem>>)
      %add3A_129 = arith.addi %mul3A_2, %add3A_65 : i32
      %mul3A_130 = arith.constant 32 : i32
      %mul3A_131 = arith.muli %add3A_129, %mul3A_130 : i32
      %ge3A_132 = arith.constant 1 : i32
      %ge3A_133 = arith.cmpi sge, %scan3A_61, %ge3A_132 : i32
      %convert_element_type3A_134 = arith.extui %ge3A_133 : i1 to i32
      %cond3A_135 = arith.constant 0 : i32
      %cond3A_136 = arith.cmpi ne, %convert_element_type3A_134, %cond3A_135 : i32
      scf.if %cond3A_136 {
        %dma_wait3A_153 = arith.constant 0 : i32
        %dma_wait3A_154 = tpu.memref_slice %arg8[%mul3A_131, %dma_wait3A_153] : memref<335872x16xf32, #tpu.memory_space<hbm>> -> memref<32x16xf32, #tpu.memory_space<hbm>>
        %dma_wait3A_155 = arith.constant 0 : i32
        %dma_wait3A_156 = tpu.memref_slice %arg8[%mul3A_131, %dma_wait3A_155] : memref<335872x16xf32, #tpu.memory_space<hbm>> -> memref<32x16xf32, #tpu.memory_space<hbm>>
        tpu.wait_dma2 semaphore(%arg25 : memref<!tpu.dma_semaphore, #tpu.memory_space<semaphore_mem>>) src(%arg18 : memref<32x16xf32, #tpu.memory_space<vmem>>) dst(%dma_wait3A_156 : memref<32x16xf32, #tpu.memory_space<hbm>>)
        %dma_wait3A_157 = arith.constant 0 : i32
        %dma_wait3A_158 = tpu.memref_slice %arg12[%add3A_65, %dma_wait3A_157] : memref<328x32xi32, #tpu.memory_space<vmem>> -> memref<1x32xi32, #tpu.memory_space<vmem>>
        %dma_wait3A_159 = tpu.memref_squeeze %dma_wait3A_158 : memref<1x32xi32, #tpu.memory_space<vmem>> -> memref<32xi32, #tpu.memory_space<vmem>>
        %dma_wait3A_160 = arith.constant 0 : i32
        %dma_wait3A_161 = arith.constant 0 : i32
        %dma_wait3A_162 = tpu.memref_slice %arg21[%dma_wait3A_160, %dma_wait3A_161] : memref<10240x16xf32, #tpu.memory_space<vmem_shared>> -> memref<10240x16xf32, #tpu.memory_space<vmem_shared>>
        tpu.wait_indirect_dma semaphore(%arg27 : memref<!tpu.dma_semaphore, #tpu.memory_space<semaphore_mem>>) src(%arg18 : memref<32x16xf32, #tpu.memory_space<vmem>>) dst(%dma_wait3A_162 : memref<10240x16xf32, #tpu.memory_space<vmem_shared>>)
      } else {
      }
      %scan3A_137 = arith.constant 0 : i32
      %scan3A_138 = arith.constant 0 : i32
      %scan3A_139 = arith.constant 32 : i32
      %scan3A_140 = arith.addi %scan3A_138, %scan3A_139 : i32
      %scan3A_141 = arith.constant 1 : i32
      scf.for %scan3A_153 = %scan3A_138 to %scan3A_140 step %scan3A_141  : i32 {
        %get3A = arith.index_cast %scan3A_153 : i32 to index
        %get3A_154 = arith.constant 0 : index
        %get3A_155 = tpu.vector_load %arg14[%get3A, %get3A_154] {strides = array<i32>} : memref<32x16xf32, #tpu.memory_space<vmem>>, vector<1x16xf32>,
        %get3A_156 = vector.shape_cast %get3A_155 : vector<1x16xf32> to vector<16xf32>
        %get3A_157 = arith.index_cast %scan3A_153 : i32 to index
        %get3A_158 = arith.constant 0 : index
        %get3A_159 = tpu.vector_load %arg16[%get3A_157, %get3A_158] {strides = array<i32>} : memref<32x16xf32, #tpu.memory_space<vmem>>, vector<1x16xf32>,
        %get3A_160 = vector.shape_cast %get3A_159 : vector<1x16xf32> to vector<16xf32>
        %add3A_161 = arith.addf %get3A_156, %get3A_160 : vector<16xf32>
        %mul3A_162 = arith.constant 2.000000e-01 : f32
        %mul3A_163 = vector.broadcast %mul3A_162 : f32 to vector<16xf32>
        %mul3A_164 = arith.mulf %mul3A_163, %add3A_161 : vector<16xf32>
        %max3A = arith.maximumf %add3A_161, %mul3A_164 : vector<16xf32>
        %get3A_165 = arith.constant 0 : index
        %get3A_166 = tpu.vector_load %arg19[%get3A_165] {strides = array<i32>} : memref<16xf32, #tpu.memory_space<vmem>>, vector<16xf32>,
        %get3A_167 = vector.shape_cast %get3A_166 : vector<16xf32> to vector<16xf32>
        %sub3A = arith.subf %max3A, %get3A_167 : vector<16xf32>
        %exp3A = math.exp %sub3A : vector<16xf32>
        %add3A_168 = arith.addi %mul3A_131, %scan3A_153 : i32
        %lt3A_169 = arith.constant 330000 : i32
        %lt3A_170 = arith.cmpi slt, %add3A_168, %lt3A_169 : i32
        %jit3A = arith.constant 0.000000e+00 : f32
        %broadcast_in_dim3A = vector.broadcast %jit3A : f32 to vector<16xf32>
        %select_n3A = arith.select %lt3A_170, %exp3A, %broadcast_in_dim3A : vector<16xf32>
        %swap3A = arith.index_cast %scan3A_153 : i32 to index
        %swap3A_171 = arith.constant 0 : index
        %swap3A_172 = tpu.vector_load %arg18[%swap3A, %swap3A_171] {strides = array<i32>} : memref<32x16xf32, #tpu.memory_space<vmem>>, vector<1x16xf32>,
        %swap3A_173 = vector.shape_cast %swap3A_172 : vector<1x16xf32> to vector<16xf32>
        %swap3A_174 = vector.shape_cast %select_n3A : vector<16xf32> to vector<1x16xf32>
        tpu.vector_store %arg18[%swap3A, %swap3A_171], %swap3A_174 {strides = array<i32>} : memref<32x16xf32, #tpu.memory_space<vmem>>, vector<1x16xf32>,
      }
      %scan3A_142 = arith.constant 32 : i32
      %dma_start3A_143 = arith.constant 0 : i32
      %dma_start3A_144 = tpu.memref_slice %arg8[%mul3A_131, %dma_start3A_143] : memref<335872x16xf32, #tpu.memory_space<hbm>> -> memref<32x16xf32, #tpu.memory_space<hbm>>
      %dma_start3A_145 = arith.constant 0 : i32
      %dma_start3A_146 = tpu.memref_slice %arg8[%mul3A_131, %dma_start3A_145] : memref<335872x16xf32, #tpu.memory_space<hbm>> -> memref<32x16xf32, #tpu.memory_space<hbm>>
      tpu.enqueue_dma source(%arg18 : memref<32x16xf32, #tpu.memory_space<vmem>>) target(%dma_start3A_146 : memref<32x16xf32, #tpu.memory_space<hbm>>) target_semaphore(%arg25 : memref<!tpu.dma_semaphore, #tpu.memory_space<semaphore_mem>>)
      %dma_start3A_147 = arith.constant 0 : i32
      %dma_start3A_148 = tpu.memref_slice %arg12[%add3A_65, %dma_start3A_147] : memref<328x32xi32, #tpu.memory_space<vmem>> -> memref<1x32xi32, #tpu.memory_space<vmem>>
      %dma_start3A_149 = tpu.memref_squeeze %dma_start3A_148 : memref<1x32xi32, #tpu.memory_space<vmem>> -> memref<32xi32, #tpu.memory_space<vmem>>
      %dma_start3A_150 = arith.constant 0 : i32
      %dma_start3A_151 = arith.constant 0 : i32
      %dma_start3A_152 = tpu.memref_slice %arg21[%dma_start3A_150, %dma_start3A_151] : memref<10240x16xf32, #tpu.memory_space<vmem_shared>> -> memref<10240x16xf32, #tpu.memory_space<vmem_shared>>
      tpu.enqueue_indirect_dma source(%arg18 : memref<32x16xf32, #tpu.memory_space<vmem>>) target(%dma_start3A_152 : memref<10240x16xf32, #tpu.memory_space<vmem_shared>>) offsets(%dma_start3A_149 : memref<32xi32, #tpu.memory_space<vmem>>) semaphore(%arg27 : memref<!tpu.dma_semaphore, #tpu.memory_space<semaphore_mem>>) {add = true}
    }
    %scan3A_22 = arith.constant 164 : i32
    %mul3A_23 = arith.constant 32 : i32
    %mul3A_24 = arith.muli %mul3A_2, %mul3A_23 : i32
    %dma_wait3A = arith.constant 0 : i32
    %dma_wait3A_25 = tpu.memref_slice %arg8[%mul3A_24, %dma_wait3A] : memref<335872x16xf32, #tpu.memory_space<hbm>> -> memref<32x16xf32, #tpu.memory_space<hbm>>
    %dma_wait3A_26 = arith.constant 0 : i32
    %dma_wait3A_27 = tpu.memref_slice %arg8[%mul3A_24, %dma_wait3A_26] : memref<335872x16xf32, #tpu.memory_space<hbm>> -> memref<32x16xf32, #tpu.memory_space<hbm>>
    tpu.wait_dma2 semaphore(%arg24 : memref<!tpu.dma_semaphore, #tpu.memory_space<semaphore_mem>>) src(%arg17 : memref<32x16xf32, #tpu.memory_space<vmem>>) dst(%dma_wait3A_27 : memref<32x16xf32, #tpu.memory_space<hbm>>)
    %dma_wait3A_28 = arith.constant 0 : i32
    %dma_wait3A_29 = arith.constant 0 : i32
    %dma_wait3A_30 = tpu.memref_slice %arg12[%dma_wait3A_28, %dma_wait3A_29] : memref<328x32xi32, #tpu.memory_space<vmem>> -> memref<1x32xi32, #tpu.memory_space<vmem>>
    %dma_wait3A_31 = tpu.memref_squeeze %dma_wait3A_30 : memref<1x32xi32, #tpu.memory_space<vmem>> -> memref<32xi32, #tpu.memory_space<vmem>>
    %dma_wait3A_32 = arith.constant 0 : i32
    %dma_wait3A_33 = arith.constant 0 : i32
    %dma_wait3A_34 = tpu.memref_slice %arg21[%dma_wait3A_32, %dma_wait3A_33] : memref<10240x16xf32, #tpu.memory_space<vmem_shared>> -> memref<10240x16xf32, #tpu.memory_space<vmem_shared>>
    tpu.wait_indirect_dma semaphore(%arg26 : memref<!tpu.dma_semaphore, #tpu.memory_space<semaphore_mem>>) src(%arg17 : memref<32x16xf32, #tpu.memory_space<vmem>>) dst(%dma_wait3A_34 : memref<10240x16xf32, #tpu.memory_space<vmem_shared>>)
    %mul3A_35 = arith.constant 32 : i32
    %mul3A_36 = arith.muli %mul3A_2, %mul3A_35 : i32
    %dma_wait3A_37 = arith.constant 0 : i32
    %dma_wait3A_38 = tpu.memref_slice %arg8[%mul3A_36, %dma_wait3A_37] : memref<335872x16xf32, #tpu.memory_space<hbm>> -> memref<32x16xf32, #tpu.memory_space<hbm>>
    %dma_wait3A_39 = arith.constant 0 : i32
    %dma_wait3A_40 = tpu.memref_slice %arg8[%mul3A_36, %dma_wait3A_39] : memref<335872x16xf32, #tpu.memory_space<hbm>> -> memref<32x16xf32, #tpu.memory_space<hbm>>
    tpu.wait_dma2 semaphore(%arg25 : memref<!tpu.dma_semaphore, #tpu.memory_space<semaphore_mem>>) src(%arg18 : memref<32x16xf32, #tpu.memory_space<vmem>>) dst(%dma_wait3A_40 : memref<32x16xf32, #tpu.memory_space<hbm>>)
    %dma_wait3A_41 = arith.constant 0 : i32
    %dma_wait3A_42 = arith.constant 0 : i32
    %dma_wait3A_43 = tpu.memref_slice %arg12[%dma_wait3A_41, %dma_wait3A_42] : memref<328x32xi32, #tpu.memory_space<vmem>> -> memref<1x32xi32, #tpu.memory_space<vmem>>
    %dma_wait3A_44 = tpu.memref_squeeze %dma_wait3A_43 : memref<1x32xi32, #tpu.memory_space<vmem>> -> memref<32xi32, #tpu.memory_space<vmem>>
    %dma_wait3A_45 = arith.constant 0 : i32
    %dma_wait3A_46 = arith.constant 0 : i32
    %dma_wait3A_47 = tpu.memref_slice %arg21[%dma_wait3A_45, %dma_wait3A_46] : memref<10240x16xf32, #tpu.memory_space<vmem_shared>> -> memref<10240x16xf32, #tpu.memory_space<vmem_shared>>
    tpu.wait_indirect_dma semaphore(%arg27 : memref<!tpu.dma_semaphore, #tpu.memory_space<semaphore_mem>>) src(%arg18 : memref<32x16xf32, #tpu.memory_space<vmem>>) dst(%dma_wait3A_47 : memref<10240x16xf32, #tpu.memory_space<vmem_shared>>)
    %barrier3A_48 = arith.constant 0 : index
    tpu.barrier barrier_id(%barrier3A_48)
    %mul3A_49 = arith.constant 640 : i32
    %mul3A_50 = arith.muli %arg1, %mul3A_49 : i32
    "tpu.region"() ({
      %run_scoped3A = tpu.sem_alloc : memref<!tpu.dma_semaphore, #tpu.memory_space<semaphore_mem>>
      %dma_start3A_61 = arith.constant 0 : i32
      %dma_start3A_62 = tpu.memref_slice %arg21[%mul3A_50, %dma_start3A_61] : memref<10240x16xf32, #tpu.memory_space<vmem_shared>> -> memref<640x16xf32, #tpu.memory_space<vmem_shared>>
      %dma_start3A_63 = arith.constant 0 : i32
      %dma_start3A_64 = tpu.memref_slice %arg21[%mul3A_50, %dma_start3A_63] : memref<10240x16xf32, #tpu.memory_space<vmem_shared>> -> memref<640x16xf32, #tpu.memory_space<vmem_shared>>
      tpu.enqueue_dma source(%dma_start3A_64 : memref<640x16xf32, #tpu.memory_space<vmem_shared>>) target(%arg20 : memref<640x16xf32, #tpu.memory_space<vmem>>) target_semaphore(%run_scoped3A : memref<!tpu.dma_semaphore, #tpu.memory_space<semaphore_mem>>)
      %dma_wait3A_65 = arith.constant 0 : i32
      %dma_wait3A_66 = tpu.memref_slice %arg21[%mul3A_50, %dma_wait3A_65] : memref<10240x16xf32, #tpu.memory_space<vmem_shared>> -> memref<640x16xf32, #tpu.memory_space<vmem_shared>>
      %dma_wait3A_67 = arith.constant 0 : i32
      %dma_wait3A_68 = tpu.memref_slice %arg21[%mul3A_50, %dma_wait3A_67] : memref<10240x16xf32, #tpu.memory_space<vmem_shared>> -> memref<640x16xf32, #tpu.memory_space<vmem_shared>>
      tpu.wait_dma2 semaphore(%run_scoped3A : memref<!tpu.dma_semaphore, #tpu.memory_space<semaphore_mem>>) src(%dma_wait3A_68 : memref<640x16xf32, #tpu.memory_space<vmem_shared>>) dst(%arg20 : memref<640x16xf32, #tpu.memory_space<vmem>>)
      tpu.yield
    }) : () -> ()
    %eq3A_51 = arith.constant 0 : i32
    %eq3A_52 = arith.cmpi eq, %arg0, %eq3A_51 : i32
    %convert_element_type3A_53 = arith.extui %eq3A_52 : i1 to i32
    %cond3A_54 = arith.constant 0 : i32
    %cond3A_55 = arith.cmpi ne, %convert_element_type3A_53, %cond3A_54 : i32
    scf.if %cond3A_55 {
      "tpu.region"() ({
        %run_scoped3A = tpu.sem_alloc : memref<!tpu.dma_semaphore, #tpu.memory_space<semaphore_mem>>
        %dma_start3A_61 = arith.constant 0 : i32
        %dma_start3A_62 = tpu.memref_slice %arg9[%mul3A_50, %dma_start3A_61] : memref<10240x16xf32, #tpu.memory_space<hbm>> -> memref<640x16xf32, #tpu.memory_space<hbm>>
        %dma_start3A_63 = arith.constant 0 : i32
        %dma_start3A_64 = tpu.memref_slice %arg9[%mul3A_50, %dma_start3A_63] : memref<10240x16xf32, #tpu.memory_space<hbm>> -> memref<640x16xf32, #tpu.memory_space<hbm>>
        tpu.enqueue_dma source(%arg20 : memref<640x16xf32, #tpu.memory_space<vmem>>) target(%dma_start3A_64 : memref<640x16xf32, #tpu.memory_space<hbm>>) target_semaphore(%run_scoped3A : memref<!tpu.dma_semaphore, #tpu.memory_space<semaphore_mem>>)
        %dma_wait3A_65 = arith.constant 0 : i32
        %dma_wait3A_66 = tpu.memref_slice %arg9[%mul3A_50, %dma_wait3A_65] : memref<10240x16xf32, #tpu.memory_space<hbm>> -> memref<640x16xf32, #tpu.memory_space<hbm>>
        %dma_wait3A_67 = arith.constant 0 : i32
        %dma_wait3A_68 = tpu.memref_slice %arg9[%mul3A_50, %dma_wait3A_67] : memref<10240x16xf32, #tpu.memory_space<hbm>> -> memref<640x16xf32, #tpu.memory_space<hbm>>
        tpu.wait_dma2 semaphore(%run_scoped3A : memref<!tpu.dma_semaphore, #tpu.memory_space<semaphore_mem>>) src(%arg20 : memref<640x16xf32, #tpu.memory_space<vmem>>) dst(%dma_wait3A_68 : memref<640x16xf32, #tpu.memory_space<hbm>>)
        tpu.yield
      }) : () -> ()
    } else {
    }
    %eq3A_56 = arith.constant 1 : i32
    %eq3A_57 = arith.cmpi eq, %arg0, %eq3A_56 : i32
    %convert_element_type3A_58 = arith.extui %eq3A_57 : i1 to i32
    %cond3A_59 = arith.constant 0 : i32
    %cond3A_60 = arith.cmpi ne, %convert_element_type3A_58, %cond3A_59 : i32
    scf.if %cond3A_60 {
      "tpu.region"() ({
        %run_scoped3A = tpu.sem_alloc : memref<!tpu.dma_semaphore, #tpu.memory_space<semaphore_mem>>
        %dma_start3A_61 = arith.constant 0 : i32
        %dma_start3A_62 = tpu.memref_slice %arg10[%mul3A_50, %dma_start3A_61] : memref<10240x16xf32, #tpu.memory_space<hbm>> -> memref<640x16xf32, #tpu.memory_space<hbm>>
        %dma_start3A_63 = arith.constant 0 : i32
        %dma_start3A_64 = tpu.memref_slice %arg10[%mul3A_50, %dma_start3A_63] : memref<10240x16xf32, #tpu.memory_space<hbm>> -> memref<640x16xf32, #tpu.memory_space<hbm>>
        tpu.enqueue_dma source(%arg20 : memref<640x16xf32, #tpu.memory_space<vmem>>) target(%dma_start3A_64 : memref<640x16xf32, #tpu.memory_space<hbm>>) target_semaphore(%run_scoped3A : memref<!tpu.dma_semaphore, #tpu.memory_space<semaphore_mem>>)
        %dma_wait3A_65 = arith.constant 0 : i32
        %dma_wait3A_66 = tpu.memref_slice %arg10[%mul3A_50, %dma_wait3A_65] : memref<10240x16xf32, #tpu.memory_space<hbm>> -> memref<640x16xf32, #tpu.memory_space<hbm>>
        %dma_wait3A_67 = arith.constant 0 : i32
        %dma_wait3A_68 = tpu.memref_slice %arg10[%mul3A_50, %dma_wait3A_67] : memref<10240x16xf32, #tpu.memory_space<hbm>> -> memref<640x16xf32, #tpu.memory_space<hbm>>
        tpu.wait_dma2 semaphore(%run_scoped3A : memref<!tpu.dma_semaphore, #tpu.memory_space<semaphore_mem>>) src(%arg20 : memref<640x16xf32, #tpu.memory_space<vmem>>) dst(%dma_wait3A_68 : memref<640x16xf32, #tpu.memory_space<hbm>>)
        tpu.yield
      }) : () -> ()
    } else {
    }
    return
  }
}

#map = affine_map<(d0, d1) -> (0, 0)>
module attributes {stable_mosaic.version = 14 : i64} {
  func.func @_sc2_body(%arg0: i32, %arg1: i32, %arg2: memref<10000x1024xbf16, #tpu.memory_space<hbm>>, %arg3: memref<335872x16xf32, #tpu.memory_space<hbm>>, %arg4: memref<10240x16xf32, #tpu.memory_space<hbm>>, %arg5: memref<10240x16xf32, #tpu.memory_space<hbm>>, %arg6: memref<20992x16xi32, #tpu.memory_space<hbm>>, %arg7: memref<20992x16xi32, #tpu.memory_space<hbm>>, %arg8: memref<10240x128xf32, #tpu.memory_space<hbm>>, %arg9: memref<10240x128xf32, #tpu.memory_space<hbm>>, %arg10: memref<10240x128xf32, #tpu.memory_space<hbm>>, %arg11: memref<16x16xi32, #tpu.memory_space<vmem>>, %arg12: memref<16x16xi32, #tpu.memory_space<vmem>>, %arg13: memref<16x1024xbf16, #tpu.memory_space<vmem>>, %arg14: memref<16x1024xbf16, #tpu.memory_space<vmem>>, %arg15: memref<16x16xf32, #tpu.memory_space<vmem>>, %arg16: memref<16x16xf32, #tpu.memory_space<vmem>>, %arg17: memref<16x16xf32, #tpu.memory_space<vmem>>, %arg18: memref<16x16xf32, #tpu.memory_space<vmem>>, %arg19: memref<16x16xf32, #tpu.memory_space<vmem>>, %arg20: memref<16x16xf32, #tpu.memory_space<vmem>>, %arg21: memref<16x128xf32, #tpu.memory_space<vmem>>, %arg22: memref<16x128xf32, #tpu.memory_space<vmem>>, %arg23: memref<8x16xi32, #tpu.memory_space<vmem>>, %arg24: memref<8x16xi32, #tpu.memory_space<vmem>>, %arg25: memref<32x128xf32, #tpu.memory_space<vmem>>, %arg26: memref<10240x128xf32, #tpu.memory_space<vmem_shared>>, %arg27: memref<!tpu.dma_semaphore, #tpu.memory_space<semaphore_mem>>, %arg28: memref<!tpu.dma_semaphore, #tpu.memory_space<semaphore_mem>>, %arg29: memref<!tpu.dma_semaphore, #tpu.memory_space<semaphore_mem>>, %arg30: memref<!tpu.dma_semaphore, #tpu.memory_space<semaphore_mem>>) attributes {dimension_semantics = [#tpu.dimension_semantics<core_parallel>, #tpu.dimension_semantics<subcore_parallel>], iteration_bounds = array<i64: 2, 16>, scalar_prefetch = 0 : i64, scratch_operands = 20 : i64, tpu.core_type = #tpu.core_type<sc_vector_subcore>, window_params = [{transform_indices = #map}, {transform_indices = #map}, {transform_indices = #map}, {transform_indices = #map}, {transform_indices = #map}, {transform_indices = #map}, {transform_indices = #map}, {transform_indices = #map}, {transform_indices = #map}]} {
    %mul3A = arith.constant 2 : i32
    %mul3A_0 = arith.muli %arg1, %mul3A : i32
    %add3A = arith.addi %mul3A_0, %arg0 : i32
    %mul3A_1 = arith.constant 656 : i32
    %mul3A_2 = arith.muli %add3A, %mul3A_1 : i32
    %mul3A_3 = arith.constant 10496 : i32
    %mul3A_4 = arith.muli %add3A, %mul3A_3 : i32
    %eq3A = arith.constant 0 : i32
    %eq3A_5 = arith.cmpi eq, %arg1, %eq3A : i32
    %convert_element_type3A = arith.extui %eq3A_5 : i1 to i32
    %cond3A = arith.constant 0 : i32
    %cond3A_6 = arith.cmpi ne, %convert_element_type3A, %cond3A : i32
    scf.if %cond3A_6 {
      "tpu.region"() ({
        %run_scoped3A = tpu.sem_alloc : memref<!tpu.dma_semaphore, #tpu.memory_space<semaphore_mem>>
        tpu.enqueue_dma source(%arg8 : memref<10240x128xf32, #tpu.memory_space<hbm>>) target(%arg26 : memref<10240x128xf32, #tpu.memory_space<vmem_shared>>) target_semaphore(%run_scoped3A : memref<!tpu.dma_semaphore, #tpu.memory_space<semaphore_mem>>)
        tpu.wait_dma2 semaphore(%run_scoped3A : memref<!tpu.dma_semaphore, #tpu.memory_space<semaphore_mem>>) src(%arg8 : memref<10240x128xf32, #tpu.memory_space<hbm>>) dst(%arg26 : memref<10240x128xf32, #tpu.memory_space<vmem_shared>>)
        tpu.yield
      }) : () -> ()
    } else {
    }
    %barrier3A = arith.constant 0 : index
    tpu.barrier barrier_id(%barrier3A)
    "tpu.region"() ({
      %run_scoped3A = tpu.sem_alloc : memref<!tpu.dma_semaphore, #tpu.memory_space<semaphore_mem>>
      %dma_start3A_332 = arith.constant 0 : i32
      %dma_start3A_333 = arith.constant 0 : i32
      %dma_start3A_334 = tpu.memref_slice %arg11[%dma_start3A_332, %dma_start3A_333] : memref<16x16xi32, #tpu.memory_space<vmem>> -> memref<8x16xi32, #tpu.memory_space<vmem>>
      %dma_start3A_335 = arith.constant 0 : i32
      %dma_start3A_336 = tpu.memref_slice %arg6[%mul3A_2, %dma_start3A_335] : memref<20992x16xi32, #tpu.memory_space<hbm>> -> memref<8x16xi32, #tpu.memory_space<hbm>>
      %dma_start3A_337 = arith.constant 0 : i32
      %dma_start3A_338 = arith.constant 0 : i32
      %dma_start3A_339 = tpu.memref_slice %arg11[%dma_start3A_337, %dma_start3A_338] : memref<16x16xi32, #tpu.memory_space<vmem>> -> memref<8x16xi32, #tpu.memory_space<vmem>>
      %dma_start3A_340 = arith.constant 0 : i32
      %dma_start3A_341 = tpu.memref_slice %arg6[%mul3A_2, %dma_start3A_340] : memref<20992x16xi32, #tpu.memory_space<hbm>> -> memref<8x16xi32, #tpu.memory_space<hbm>>
      tpu.enqueue_dma source(%dma_start3A_341 : memref<8x16xi32, #tpu.memory_space<hbm>>) target(%dma_start3A_339 : memref<8x16xi32, #tpu.memory_space<vmem>>) target_semaphore(%run_scoped3A : memref<!tpu.dma_semaphore, #tpu.memory_space<semaphore_mem>>)
      %dma_wait3A_342 = arith.constant 0 : i32
      %dma_wait3A_343 = arith.constant 0 : i32
      %dma_wait3A_344 = tpu.memref_slice %arg11[%dma_wait3A_342, %dma_wait3A_343] : memref<16x16xi32, #tpu.memory_space<vmem>> -> memref<8x16xi32, #tpu.memory_space<vmem>>
      %dma_wait3A_345 = arith.constant 0 : i32
      %dma_wait3A_346 = tpu.memref_slice %arg6[%mul3A_2, %dma_wait3A_345] : memref<20992x16xi32, #tpu.memory_space<hbm>> -> memref<8x16xi32, #tpu.memory_space<hbm>>
      %dma_wait3A_347 = arith.constant 0 : i32
      %dma_wait3A_348 = arith.constant 0 : i32
      %dma_wait3A_349 = tpu.memref_slice %arg11[%dma_wait3A_347, %dma_wait3A_348] : memref<16x16xi32, #tpu.memory_space<vmem>> -> memref<8x16xi32, #tpu.memory_space<vmem>>
      %dma_wait3A_350 = arith.constant 0 : i32
      %dma_wait3A_351 = tpu.memref_slice %arg6[%mul3A_2, %dma_wait3A_350] : memref<20992x16xi32, #tpu.memory_space<hbm>> -> memref<8x16xi32, #tpu.memory_space<hbm>>
      tpu.wait_dma2 semaphore(%run_scoped3A : memref<!tpu.dma_semaphore, #tpu.memory_space<semaphore_mem>>) src(%dma_wait3A_351 : memref<8x16xi32, #tpu.memory_space<hbm>>) dst(%dma_wait3A_349 : memref<8x16xi32, #tpu.memory_space<vmem>>)
      tpu.yield
    }) : () -> ()
    "tpu.region"() ({
      %run_scoped3A = tpu.sem_alloc : memref<!tpu.dma_semaphore, #tpu.memory_space<semaphore_mem>>
      %dma_start3A_332 = arith.constant 0 : i32
      %dma_start3A_333 = arith.constant 0 : i32
      %dma_start3A_334 = tpu.memref_slice %arg12[%dma_start3A_332, %dma_start3A_333] : memref<16x16xi32, #tpu.memory_space<vmem>> -> memref<8x16xi32, #tpu.memory_space<vmem>>
      %dma_start3A_335 = arith.constant 0 : i32
      %dma_start3A_336 = tpu.memref_slice %arg7[%mul3A_2, %dma_start3A_335] : memref<20992x16xi32, #tpu.memory_space<hbm>> -> memref<8x16xi32, #tpu.memory_space<hbm>>
      %dma_start3A_337 = arith.constant 0 : i32
      %dma_start3A_338 = arith.constant 0 : i32
      %dma_start3A_339 = tpu.memref_slice %arg12[%dma_start3A_337, %dma_start3A_338] : memref<16x16xi32, #tpu.memory_space<vmem>> -> memref<8x16xi32, #tpu.memory_space<vmem>>
      %dma_start3A_340 = arith.constant 0 : i32
      %dma_start3A_341 = tpu.memref_slice %arg7[%mul3A_2, %dma_start3A_340] : memref<20992x16xi32, #tpu.memory_space<hbm>> -> memref<8x16xi32, #tpu.memory_space<hbm>>
      tpu.enqueue_dma source(%dma_start3A_341 : memref<8x16xi32, #tpu.memory_space<hbm>>) target(%dma_start3A_339 : memref<8x16xi32, #tpu.memory_space<vmem>>) target_semaphore(%run_scoped3A : memref<!tpu.dma_semaphore, #tpu.memory_space<semaphore_mem>>)
      %dma_wait3A_342 = arith.constant 0 : i32
      %dma_wait3A_343 = arith.constant 0 : i32
      %dma_wait3A_344 = tpu.memref_slice %arg12[%dma_wait3A_342, %dma_wait3A_343] : memref<16x16xi32, #tpu.memory_space<vmem>> -> memref<8x16xi32, #tpu.memory_space<vmem>>
      %dma_wait3A_345 = arith.constant 0 : i32
      %dma_wait3A_346 = tpu.memref_slice %arg7[%mul3A_2, %dma_wait3A_345] : memref<20992x16xi32, #tpu.memory_space<hbm>> -> memref<8x16xi32, #tpu.memory_space<hbm>>
      %dma_wait3A_347 = arith.constant 0 : i32
      %dma_wait3A_348 = arith.constant 0 : i32
      %dma_wait3A_349 = tpu.memref_slice %arg12[%dma_wait3A_347, %dma_wait3A_348] : memref<16x16xi32, #tpu.memory_space<vmem>> -> memref<8x16xi32, #tpu.memory_space<vmem>>
      %dma_wait3A_350 = arith.constant 0 : i32
      %dma_wait3A_351 = tpu.memref_slice %arg7[%mul3A_2, %dma_wait3A_350] : memref<20992x16xi32, #tpu.memory_space<hbm>> -> memref<8x16xi32, #tpu.memory_space<hbm>>
      tpu.wait_dma2 semaphore(%run_scoped3A : memref<!tpu.dma_semaphore, #tpu.memory_space<semaphore_mem>>) src(%dma_wait3A_351 : memref<8x16xi32, #tpu.memory_space<hbm>>) dst(%dma_wait3A_349 : memref<8x16xi32, #tpu.memory_space<vmem>>)
      tpu.yield
    }) : () -> ()
    %add3A_7 = arith.constant 0 : i32
    %add3A_8 = arith.addi %mul3A_4, %add3A_7 : i32
    %dma_start3A = arith.constant 0 : i32
    %dma_start3A_9 = arith.constant 0 : i32
    %dma_start3A_10 = tpu.memref_slice %arg11[%dma_start3A, %dma_start3A_9] : memref<16x16xi32, #tpu.memory_space<vmem>> -> memref<1x16xi32, #tpu.memory_space<vmem>>
    %dma_start3A_11 = tpu.memref_squeeze %dma_start3A_10 : memref<1x16xi32, #tpu.memory_space<vmem>> -> memref<16xi32, #tpu.memory_space<vmem>>
    %dma_start3A_12 = arith.constant 0 : i32
    %dma_start3A_13 = arith.constant 0 : i32
    %dma_start3A_14 = tpu.memref_slice %arg2[%dma_start3A_12, %dma_start3A_13] : memref<10000x1024xbf16, #tpu.memory_space<hbm>> -> memref<10000x1024xbf16, #tpu.memory_space<hbm>>
    tpu.enqueue_indirect_dma source(%dma_start3A_14 : memref<10000x1024xbf16, #tpu.memory_space<hbm>>) target(%arg13 : memref<16x1024xbf16, #tpu.memory_space<vmem>>) offsets(%dma_start3A_11 : memref<16xi32, #tpu.memory_space<vmem>>) semaphore(%arg27 : memref<!tpu.dma_semaphore, #tpu.memory_space<semaphore_mem>>)
    %dma_start3A_15 = arith.constant 0 : i32
    %dma_start3A_16 = arith.constant 0 : i32
    %dma_start3A_17 = tpu.memref_slice %arg12[%dma_start3A_15, %dma_start3A_16] : memref<16x16xi32, #tpu.memory_space<vmem>> -> memref<1x16xi32, #tpu.memory_space<vmem>>
    %dma_start3A_18 = tpu.memref_squeeze %dma_start3A_17 : memref<1x16xi32, #tpu.memory_space<vmem>> -> memref<16xi32, #tpu.memory_space<vmem>>
    %dma_start3A_19 = arith.constant 0 : i32
    %dma_start3A_20 = arith.constant 0 : i32
    %dma_start3A_21 = tpu.memref_slice %arg4[%dma_start3A_19, %dma_start3A_20] : memref<10240x16xf32, #tpu.memory_space<hbm>> -> memref<10240x16xf32, #tpu.memory_space<hbm>>
    tpu.enqueue_indirect_dma source(%dma_start3A_21 : memref<10240x16xf32, #tpu.memory_space<hbm>>) target(%arg17 : memref<16x16xf32, #tpu.memory_space<vmem>>) offsets(%dma_start3A_18 : memref<16xi32, #tpu.memory_space<vmem>>) semaphore(%arg27 : memref<!tpu.dma_semaphore, #tpu.memory_space<semaphore_mem>>)
    %dma_start3A_22 = arith.constant 0 : i32
    %dma_start3A_23 = arith.constant 0 : i32
    %dma_start3A_24 = tpu.memref_slice %arg12[%dma_start3A_22, %dma_start3A_23] : memref<16x16xi32, #tpu.memory_space<vmem>> -> memref<1x16xi32, #tpu.memory_space<vmem>>
    %dma_start3A_25 = tpu.memref_squeeze %dma_start3A_24 : memref<1x16xi32, #tpu.memory_space<vmem>> -> memref<16xi32, #tpu.memory_space<vmem>>
    %dma_start3A_26 = arith.constant 0 : i32
    %dma_start3A_27 = arith.constant 0 : i32
    %dma_start3A_28 = tpu.memref_slice %arg5[%dma_start3A_26, %dma_start3A_27] : memref<10240x16xf32, #tpu.memory_space<hbm>> -> memref<10240x16xf32, #tpu.memory_space<hbm>>
    tpu.enqueue_indirect_dma source(%dma_start3A_28 : memref<10240x16xf32, #tpu.memory_space<hbm>>) target(%arg19 : memref<16x16xf32, #tpu.memory_space<vmem>>) offsets(%dma_start3A_25 : memref<16xi32, #tpu.memory_space<vmem>>) semaphore(%arg27 : memref<!tpu.dma_semaphore, #tpu.memory_space<semaphore_mem>>)
    %dma_start3A_29 = arith.constant 0 : i32
    %dma_start3A_30 = tpu.memref_slice %arg3[%add3A_8, %dma_start3A_29] : memref<335872x16xf32, #tpu.memory_space<hbm>> -> memref<16x16xf32, #tpu.memory_space<hbm>>
    %dma_start3A_31 = arith.constant 0 : i32
    %dma_start3A_32 = tpu.memref_slice %arg3[%add3A_8, %dma_start3A_31] : memref<335872x16xf32, #tpu.memory_space<hbm>> -> memref<16x16xf32, #tpu.memory_space<hbm>>
    tpu.enqueue_dma source(%dma_start3A_32 : memref<16x16xf32, #tpu.memory_space<hbm>>) target(%arg15 : memref<16x16xf32, #tpu.memory_space<vmem>>) target_semaphore(%arg27 : memref<!tpu.dma_semaphore, #tpu.memory_space<semaphore_mem>>)
    %scan3A = arith.constant 0 : i32
    %scan3A_33 = arith.constant 0 : i32
    %scan3A_34 = arith.constant 328 : i32
    %scan3A_35 = arith.addi %scan3A_33, %scan3A_34 : i32
    %scan3A_36 = arith.constant 1 : i32
    scf.for %scan3A_332 = %scan3A_33 to %scan3A_35 step %scan3A_36  : i32 {
      %mul3A_333 = arith.constant 2 : i32
      %mul3A_334 = arith.muli %mul3A_333, %scan3A_332 : i32
      %add3A_335 = arith.constant 1 : i32
      %add3A_336 = arith.addi %mul3A_334, %add3A_335 : i32
      %and3A = arith.constant 15 : i32
      %and3A_337 = arith.andi %mul3A_334, %and3A : i32
      %and3A_338 = arith.constant 15 : i32
      %and3A_339 = arith.andi %add3A_336, %and3A_338 : i32
      %and3A_340 = arith.constant 3 : i32
      %and3A_341 = arith.andi %scan3A_332, %and3A_340 : i32
      %eq3A_342 = arith.constant 0 : i32
      %eq3A_343 = arith.cmpi eq, %and3A_341, %eq3A_342 : i32
      %lt3A = arith.constant 324 : i32
      %lt3A_344 = arith.cmpi slt, %scan3A_332, %lt3A : i32
      %and3A_345 = arith.andi %eq3A_343, %lt3A_344 : i1
      %convert_element_type3A_346 = arith.extui %and3A_345 : i1 to i32
      %cond3A_347 = arith.constant 0 : i32
      %cond3A_348 = arith.cmpi ne, %convert_element_type3A_346, %cond3A_347 : i32
      scf.if %cond3A_348 {
        %shift_right_arithmetic3A = arith.constant 2 : i32
        %shift_right_arithmetic3A_476 = arith.shrsi %scan3A_332, %shift_right_arithmetic3A : i32
        %add3A_477 = arith.constant 1 : i32
        %add3A_478 = arith.addi %shift_right_arithmetic3A_476, %add3A_477 : i32
        %and3A_479 = arith.constant 1 : i32
        %and3A_480 = arith.andi %add3A_478, %and3A_479 : i32
        %mul3A_481 = arith.constant 8 : i32
        %mul3A_482 = arith.muli %and3A_480, %mul3A_481 : i32
        %mul3A_483 = arith.constant 8 : i32
        %mul3A_484 = arith.muli %add3A_478, %mul3A_483 : i32
        %add3A_485 = arith.addi %mul3A_2, %mul3A_484 : i32
        "tpu.region"() ({
          %run_scoped3A = tpu.sem_alloc : memref<!tpu.dma_semaphore, #tpu.memory_space<semaphore_mem>>
          %dma_start3A_489 = arith.constant 0 : i32
          %dma_start3A_490 = tpu.memref_slice %arg11[%mul3A_482, %dma_start3A_489] : memref<16x16xi32, #tpu.memory_space<vmem>> -> memref<8x16xi32, #tpu.memory_space<vmem>>
          %dma_start3A_491 = arith.constant 0 : i32
          %dma_start3A_492 = tpu.memref_slice %arg6[%add3A_485, %dma_start3A_491] : memref<20992x16xi32, #tpu.memory_space<hbm>> -> memref<8x16xi32, #tpu.memory_space<hbm>>
          %dma_start3A_493 = arith.constant 0 : i32
          %dma_start3A_494 = tpu.memref_slice %arg11[%mul3A_482, %dma_start3A_493] : memref<16x16xi32, #tpu.memory_space<vmem>> -> memref<8x16xi32, #tpu.memory_space<vmem>>
          %dma_start3A_495 = arith.constant 0 : i32
          %dma_start3A_496 = tpu.memref_slice %arg6[%add3A_485, %dma_start3A_495] : memref<20992x16xi32, #tpu.memory_space<hbm>> -> memref<8x16xi32, #tpu.memory_space<hbm>>
          tpu.enqueue_dma source(%dma_start3A_496 : memref<8x16xi32, #tpu.memory_space<hbm>>) target(%dma_start3A_494 : memref<8x16xi32, #tpu.memory_space<vmem>>) target_semaphore(%run_scoped3A : memref<!tpu.dma_semaphore, #tpu.memory_space<semaphore_mem>>)
          %dma_wait3A_497 = arith.constant 0 : i32
          %dma_wait3A_498 = tpu.memref_slice %arg11[%mul3A_482, %dma_wait3A_497] : memref<16x16xi32, #tpu.memory_space<vmem>> -> memref<8x16xi32, #tpu.memory_space<vmem>>
          %dma_wait3A_499 = arith.constant 0 : i32
          %dma_wait3A_500 = tpu.memref_slice %arg6[%add3A_485, %dma_wait3A_499] : memref<20992x16xi32, #tpu.memory_space<hbm>> -> memref<8x16xi32, #tpu.memory_space<hbm>>
          %dma_wait3A_501 = arith.constant 0 : i32
          %dma_wait3A_502 = tpu.memref_slice %arg11[%mul3A_482, %dma_wait3A_501] : memref<16x16xi32, #tpu.memory_space<vmem>> -> memref<8x16xi32, #tpu.memory_space<vmem>>
          %dma_wait3A_503 = arith.constant 0 : i32
          %dma_wait3A_504 = tpu.memref_slice %arg6[%add3A_485, %dma_wait3A_503] : memref<20992x16xi32, #tpu.memory_space<hbm>> -> memref<8x16xi32, #tpu.memory_space<hbm>>
          tpu.wait_dma2 semaphore(%run_scoped3A : memref<!tpu.dma_semaphore, #tpu.memory_space<semaphore_mem>>) src(%dma_wait3A_504 : memref<8x16xi32, #tpu.memory_space<hbm>>) dst(%dma_wait3A_502 : memref<8x16xi32, #tpu.memory_space<vmem>>)
          tpu.yield
        }) : () -> ()
        %mul3A_486 = arith.constant 8 : i32
        %mul3A_487 = arith.muli %add3A_478, %mul3A_486 : i32
        %add3A_488 = arith.addi %mul3A_2, %mul3A_487 : i32
        "tpu.region"() ({
          %run_scoped3A = tpu.sem_alloc : memref<!tpu.dma_semaphore, #tpu.memory_space<semaphore_mem>>
          %dma_start3A_489 = arith.constant 0 : i32
          %dma_start3A_490 = tpu.memref_slice %arg12[%mul3A_482, %dma_start3A_489] : memref<16x16xi32, #tpu.memory_space<vmem>> -> memref<8x16xi32, #tpu.memory_space<vmem>>
          %dma_start3A_491 = arith.constant 0 : i32
          %dma_start3A_492 = tpu.memref_slice %arg7[%add3A_488, %dma_start3A_491] : memref<20992x16xi32, #tpu.memory_space<hbm>> -> memref<8x16xi32, #tpu.memory_space<hbm>>
          %dma_start3A_493 = arith.constant 0 : i32
          %dma_start3A_494 = tpu.memref_slice %arg12[%mul3A_482, %dma_start3A_493] : memref<16x16xi32, #tpu.memory_space<vmem>> -> memref<8x16xi32, #tpu.memory_space<vmem>>
          %dma_start3A_495 = arith.constant 0 : i32
          %dma_start3A_496 = tpu.memref_slice %arg7[%add3A_488, %dma_start3A_495] : memref<20992x16xi32, #tpu.memory_space<hbm>> -> memref<8x16xi32, #tpu.memory_space<hbm>>
          tpu.enqueue_dma source(%dma_start3A_496 : memref<8x16xi32, #tpu.memory_space<hbm>>) target(%dma_start3A_494 : memref<8x16xi32, #tpu.memory_space<vmem>>) target_semaphore(%run_scoped3A : memref<!tpu.dma_semaphore, #tpu.memory_space<semaphore_mem>>)
          %dma_wait3A_497 = arith.constant 0 : i32
          %dma_wait3A_498 = tpu.memref_slice %arg12[%mul3A_482, %dma_wait3A_497] : memref<16x16xi32, #tpu.memory_space<vmem>> -> memref<8x16xi32, #tpu.memory_space<vmem>>
          %dma_wait3A_499 = arith.constant 0 : i32
          %dma_wait3A_500 = tpu.memref_slice %arg7[%add3A_488, %dma_wait3A_499] : memref<20992x16xi32, #tpu.memory_space<hbm>> -> memref<8x16xi32, #tpu.memory_space<hbm>>
          %dma_wait3A_501 = arith.constant 0 : i32
          %dma_wait3A_502 = tpu.memref_slice %arg12[%mul3A_482, %dma_wait3A_501] : memref<16x16xi32, #tpu.memory_space<vmem>> -> memref<8x16xi32, #tpu.memory_space<vmem>>
          %dma_wait3A_503 = arith.constant 0 : i32
          %dma_wait3A_504 = tpu.memref_slice %arg7[%add3A_488, %dma_wait3A_503] : memref<20992x16xi32, #tpu.memory_space<hbm>> -> memref<8x16xi32, #tpu.memory_space<hbm>>
          tpu.wait_dma2 semaphore(%run_scoped3A : memref<!tpu.dma_semaphore, #tpu.memory_space<semaphore_mem>>) src(%dma_wait3A_504 : memref<8x16xi32, #tpu.memory_space<hbm>>) dst(%dma_wait3A_502 : memref<8x16xi32, #tpu.memory_space<vmem>>)
          tpu.yield
        }) : () -> ()
      } else {
      }
      %mul3A_349 = arith.constant 16 : i32
      %mul3A_350 = arith.muli %add3A_336, %mul3A_349 : i32
      %add3A_351 = arith.addi %mul3A_4, %mul3A_350 : i32
      %dma_start3A_352 = arith.constant 0 : i32
      %dma_start3A_353 = tpu.memref_slice %arg11[%and3A_339, %dma_start3A_352] : memref<16x16xi32, #tpu.memory_space<vmem>> -> memref<1x16xi32, #tpu.memory_space<vmem>>
      %dma_start3A_354 = tpu.memref_squeeze %dma_start3A_353 : memref<1x16xi32, #tpu.memory_space<vmem>> -> memref<16xi32, #tpu.memory_space<vmem>>
      %dma_start3A_355 = arith.constant 0 : i32
      %dma_start3A_356 = arith.constant 0 : i32
      %dma_start3A_357 = tpu.memref_slice %arg2[%dma_start3A_355, %dma_start3A_356] : memref<10000x1024xbf16, #tpu.memory_space<hbm>> -> memref<10000x1024xbf16, #tpu.memory_space<hbm>>
      tpu.enqueue_indirect_dma source(%dma_start3A_357 : memref<10000x1024xbf16, #tpu.memory_space<hbm>>) target(%arg14 : memref<16x1024xbf16, #tpu.memory_space<vmem>>) offsets(%dma_start3A_354 : memref<16xi32, #tpu.memory_space<vmem>>) semaphore(%arg28 : memref<!tpu.dma_semaphore, #tpu.memory_space<semaphore_mem>>)
      %dma_start3A_358 = arith.constant 0 : i32
      %dma_start3A_359 = tpu.memref_slice %arg12[%and3A_339, %dma_start3A_358] : memref<16x16xi32, #tpu.memory_space<vmem>> -> memref<1x16xi32, #tpu.memory_space<vmem>>
      %dma_start3A_360 = tpu.memref_squeeze %dma_start3A_359 : memref<1x16xi32, #tpu.memory_space<vmem>> -> memref<16xi32, #tpu.memory_space<vmem>>
      %dma_start3A_361 = arith.constant 0 : i32
      %dma_start3A_362 = arith.constant 0 : i32
      %dma_start3A_363 = tpu.memref_slice %arg4[%dma_start3A_361, %dma_start3A_362] : memref<10240x16xf32, #tpu.memory_space<hbm>> -> memref<10240x16xf32, #tpu.memory_space<hbm>>
      tpu.enqueue_indirect_dma source(%dma_start3A_363 : memref<10240x16xf32, #tpu.memory_space<hbm>>) target(%arg18 : memref<16x16xf32, #tpu.memory_space<vmem>>) offsets(%dma_start3A_360 : memref<16xi32, #tpu.memory_space<vmem>>) semaphore(%arg28 : memref<!tpu.dma_semaphore, #tpu.memory_space<semaphore_mem>>)
      %dma_start3A_364 = arith.constant 0 : i32
      %dma_start3A_365 = tpu.memref_slice %arg12[%and3A_339, %dma_start3A_364] : memref<16x16xi32, #tpu.memory_space<vmem>> -> memref<1x16xi32, #tpu.memory_space<vmem>>
      %dma_start3A_366 = tpu.memref_squeeze %dma_start3A_365 : memref<1x16xi32, #tpu.memory_space<vmem>> -> memref<16xi32, #tpu.memory_space<vmem>>
      %dma_start3A_367 = arith.constant 0 : i32
      %dma_start3A_368 = arith.constant 0 : i32
      %dma_start3A_369 = tpu.memref_slice %arg5[%dma_start3A_367, %dma_start3A_368] : memref<10240x16xf32, #tpu.memory_space<hbm>> -> memref<10240x16xf32, #tpu.memory_space<hbm>>
      tpu.enqueue_indirect_dma source(%dma_start3A_369 : memref<10240x16xf32, #tpu.memory_space<hbm>>) target(%arg20 : memref<16x16xf32, #tpu.memory_space<vmem>>) offsets(%dma_start3A_366 : memref<16xi32, #tpu.memory_space<vmem>>) semaphore(%arg28 : memref<!tpu.dma_semaphore, #tpu.memory_space<semaphore_mem>>)
      %dma_start3A_370 = arith.constant 0 : i32
      %dma_start3A_371 = tpu.memref_slice %arg3[%add3A_351, %dma_start3A_370] : memref<335872x16xf32, #tpu.memory_space<hbm>> -> memref<16x16xf32, #tpu.memory_space<hbm>>
      %dma_start3A_372 = arith.constant 0 : i32
      %dma_start3A_373 = tpu.memref_slice %arg3[%add3A_351, %dma_start3A_372] : memref<335872x16xf32, #tpu.memory_space<hbm>> -> memref<16x16xf32, #tpu.memory_space<hbm>>
      tpu.enqueue_dma source(%dma_start3A_373 : memref<16x16xf32, #tpu.memory_space<hbm>>) target(%arg16 : memref<16x16xf32, #tpu.memory_space<vmem>>) target_semaphore(%arg28 : memref<!tpu.dma_semaphore, #tpu.memory_space<semaphore_mem>>)
      %mul3A_374 = arith.constant 16 : i32
      %mul3A_375 = arith.muli %mul3A_334, %mul3A_374 : i32
      %add3A_376 = arith.addi %mul3A_4, %mul3A_375 : i32
      %dma_wait3A_377 = arith.constant 0 : i32
      %dma_wait3A_378 = tpu.memref_slice %arg11[%and3A_337, %dma_wait3A_377] : memref<16x16xi32, #tpu.memory_space<vmem>> -> memref<1x16xi32, #tpu.memory_space<vmem>>
      %dma_wait3A_379 = tpu.memref_squeeze %dma_wait3A_378 : memref<1x16xi32, #tpu.memory_space<vmem>> -> memref<16xi32, #tpu.memory_space<vmem>>
      %dma_wait3A_380 = arith.constant 0 : i32
      %dma_wait3A_381 = arith.constant 0 : i32
      %dma_wait3A_382 = tpu.memref_slice %arg2[%dma_wait3A_380, %dma_wait3A_381] : memref<10000x1024xbf16, #tpu.memory_space<hbm>> -> memref<10000x1024xbf16, #tpu.memory_space<hbm>>
      tpu.wait_indirect_dma semaphore(%arg27 : memref<!tpu.dma_semaphore, #tpu.memory_space<semaphore_mem>>) src(%dma_wait3A_382 : memref<10000x1024xbf16, #tpu.memory_space<hbm>>) dst(%arg13 : memref<16x1024xbf16, #tpu.memory_space<vmem>>)
      %dma_wait3A_383 = arith.constant 0 : i32
      %dma_wait3A_384 = tpu.memref_slice %arg12[%and3A_337, %dma_wait3A_383] : memref<16x16xi32, #tpu.memory_space<vmem>> -> memref<1x16xi32, #tpu.memory_space<vmem>>
      %dma_wait3A_385 = tpu.memref_squeeze %dma_wait3A_384 : memref<1x16xi32, #tpu.memory_space<vmem>> -> memref<16xi32, #tpu.memory_space<vmem>>
      %dma_wait3A_386 = arith.constant 0 : i32
      %dma_wait3A_387 = arith.constant 0 : i32
      %dma_wait3A_388 = tpu.memref_slice %arg4[%dma_wait3A_386, %dma_wait3A_387] : memref<10240x16xf32, #tpu.memory_space<hbm>> -> memref<10240x16xf32, #tpu.memory_space<hbm>>
      tpu.wait_indirect_dma semaphore(%arg27 : memref<!tpu.dma_semaphore, #tpu.memory_space<semaphore_mem>>) src(%dma_wait3A_388 : memref<10240x16xf32, #tpu.memory_space<hbm>>) dst(%arg17 : memref<16x16xf32, #tpu.memory_space<vmem>>)
      %dma_wait3A_389 = arith.constant 0 : i32
      %dma_wait3A_390 = tpu.memref_slice %arg12[%and3A_337, %dma_wait3A_389] : memref<16x16xi32, #tpu.memory_space<vmem>> -> memref<1x16xi32, #tpu.memory_space<vmem>>
      %dma_wait3A_391 = tpu.memref_squeeze %dma_wait3A_390 : memref<1x16xi32, #tpu.memory_space<vmem>> -> memref<16xi32, #tpu.memory_space<vmem>>
      %dma_wait3A_392 = arith.constant 0 : i32
      %dma_wait3A_393 = arith.constant 0 : i32
      %dma_wait3A_394 = tpu.memref_slice %arg5[%dma_wait3A_392, %dma_wait3A_393] : memref<10240x16xf32, #tpu.memory_space<hbm>> -> memref<10240x16xf32, #tpu.memory_space<hbm>>
      tpu.wait_indirect_dma semaphore(%arg27 : memref<!tpu.dma_semaphore, #tpu.memory_space<semaphore_mem>>) src(%dma_wait3A_394 : memref<10240x16xf32, #tpu.memory_space<hbm>>) dst(%arg19 : memref<16x16xf32, #tpu.memory_space<vmem>>)
      %dma_wait3A_395 = arith.constant 0 : i32
      %dma_wait3A_396 = tpu.memref_slice %arg3[%add3A_376, %dma_wait3A_395] : memref<335872x16xf32, #tpu.memory_space<hbm>> -> memref<16x16xf32, #tpu.memory_space<hbm>>
      %dma_wait3A_397 = arith.constant 0 : i32
      %dma_wait3A_398 = tpu.memref_slice %arg3[%add3A_376, %dma_wait3A_397] : memref<335872x16xf32, #tpu.memory_space<hbm>> -> memref<16x16xf32, #tpu.memory_space<hbm>>
      tpu.wait_dma2 semaphore(%arg27 : memref<!tpu.dma_semaphore, #tpu.memory_space<semaphore_mem>>) src(%dma_wait3A_398 : memref<16x16xf32, #tpu.memory_space<hbm>>) dst(%arg15 : memref<16x16xf32, #tpu.memory_space<vmem>>)
      %ge3A = arith.constant 1 : i32
      %ge3A_399 = arith.cmpi sge, %scan3A_332, %ge3A : i32
      %convert_element_type3A_400 = arith.extui %ge3A_399 : i1 to i32
      %cond3A_401 = arith.constant 0 : i32
      %cond3A_402 = arith.cmpi ne, %convert_element_type3A_400, %cond3A_401 : i32
      scf.if %cond3A_402 {
        %dma_wait3A_476 = arith.constant 0 : i32
        %dma_wait3A_477 = arith.constant 0 : i32
        %dma_wait3A_478 = tpu.memref_slice %arg23[%dma_wait3A_476, %dma_wait3A_477] : memref<8x16xi32, #tpu.memory_space<vmem>> -> memref<1x16xi32, #tpu.memory_space<vmem>>
        %dma_wait3A_479 = tpu.memref_squeeze %dma_wait3A_478 : memref<1x16xi32, #tpu.memory_space<vmem>> -> memref<16xi32, #tpu.memory_space<vmem>>
        %dma_wait3A_480 = arith.constant 0 : i32
        %dma_wait3A_481 = arith.constant 0 : i32
        %dma_wait3A_482 = tpu.memref_slice %arg26[%dma_wait3A_480, %dma_wait3A_481] : memref<10240x128xf32, #tpu.memory_space<vmem_shared>> -> memref<10240x128xf32, #tpu.memory_space<vmem_shared>>
        tpu.wait_indirect_dma semaphore(%arg29 : memref<!tpu.dma_semaphore, #tpu.memory_space<semaphore_mem>>) src(%arg21 : memref<16x128xf32, #tpu.memory_space<vmem>>) dst(%dma_wait3A_482 : memref<10240x128xf32, #tpu.memory_space<vmem_shared>>)
      } else {
      }
      %scan3A_403 = arith.constant 0 : i32
      %scan3A_404 = arith.constant 0 : i32
      %scan3A_405 = arith.constant 16 : i32
      %scan3A_406 = arith.addi %scan3A_404, %scan3A_405 : i32
      %scan3A_407 = arith.constant 1 : i32
      scf.for %scan3A_476 = %scan3A_404 to %scan3A_406 step %scan3A_407  : i32 {
        %get3A_477 = arith.index_cast %scan3A_476 : i32 to index
        %get3A_478 = arith.constant 0 : index
        %get3A_479 = tpu.vector_load %arg17[%get3A_477, %get3A_478] {strides = array<i32>} : memref<16x16xf32, #tpu.memory_space<vmem>>, vector<16xf32>,
        %get3A_480 = arith.index_cast %scan3A_476 : i32 to index
        %get3A_481 = arith.constant 0 : index
        %get3A_482 = tpu.vector_load %arg19[%get3A_480, %get3A_481] {strides = array<i32>} : memref<16x16xf32, #tpu.memory_space<vmem>>, vector<16xf32>,
        %add3A_483 = arith.addf %get3A_479, %get3A_482 : vector<16xf32>
        %get3A_484 = arith.index_cast %scan3A_476 : i32 to index
        %get3A_485 = arith.constant 0 : index
        %get3A_486 = tpu.vector_load %arg15[%get3A_484, %get3A_485] {strides = array<i32>} : memref<16x16xf32, #tpu.memory_space<vmem>>, vector<16xf32>,
        %add3A_487 = arith.constant 1.000000e-16 : f32
        %add3A_488 = vector.broadcast %add3A_487 : f32 to vector<16xf32>
        %add3A_489 = arith.addf %add3A_483, %add3A_488 : vector<16xf32>
        %div3A = arith.divf %get3A_486, %add3A_489 : vector<16xf32>
        %slice3A = vector.extract_strided_slice %div3A {offsets = [0], sizes = [1], strides = [1]} : vector<16xf32> to vector<1xf32>
        %squeeze3A = vector.extract %slice3A[0] : f32 from vector<1xf32>
        %get3A_490 = arith.index_cast %scan3A_476 : i32 to index
        %get3A_491 = arith.constant 0 : index
        %get3A_492 = tpu.vector_load %arg13[%get3A_490, %get3A_491] {strides = array<i32>} : memref<16x1024xbf16, #tpu.memory_space<vmem>>, vector<32xbf16>,
        %unpack3A = tpu.unpack_subelements %get3A_492, 0 {pack_format = #tpu.pack_format<interleaved>} : vector<32xbf16> -> vector<16xf32>
        %unpack3A_493 = tpu.unpack_subelements %get3A_492, 1 {pack_format = #tpu.pack_format<interleaved>} : vector<32xbf16> -> vector<16xf32>
        %mul3A_494 = vector.broadcast %squeeze3A : f32 to vector<16xf32>
        %mul3A_495 = arith.mulf %mul3A_494, %unpack3A : vector<16xf32>
        %mul3A_496 = vector.broadcast %squeeze3A : f32 to vector<16xf32>
        %mul3A_497 = arith.mulf %mul3A_496, %unpack3A_493 : vector<16xf32>
        %get3A_498 = arith.index_cast %scan3A_476 : i32 to index
        %get3A_499 = arith.constant 32 : index
        %get3A_500 = tpu.vector_load %arg13[%get3A_498, %get3A_499] {strides = array<i32>} : memref<16x1024xbf16, #tpu.memory_space<vmem>>, vector<32xbf16>,
        %unpack3A_501 = tpu.unpack_subelements %get3A_500, 0 {pack_format = #tpu.pack_format<interleaved>} : vector<32xbf16> -> vector<16xf32>
        %unpack3A_502 = tpu.unpack_subelements %get3A_500, 1 {pack_format = #tpu.pack_format<interleaved>} : vector<32xbf16> -> vector<16xf32>
        %mul3A_503 = vector.broadcast %squeeze3A : f32 to vector<16xf32>
        %mul3A_504 = arith.mulf %mul3A_503, %unpack3A_501 : vector<16xf32>
        %mul3A_505 = vector.broadcast %squeeze3A : f32 to vector<16xf32>
        %mul3A_506 = arith.mulf %mul3A_505, %unpack3A_502 : vector<16xf32>
        %get3A_507 = arith.index_cast %scan3A_476 : i32 to index
        %get3A_508 = arith.constant 64 : index
        %get3A_509 = tpu.vector_load %arg13[%get3A_507, %get3A_508] {strides = array<i32>} : memref<16x1024xbf16, #tpu.memory_space<vmem>>, vector<32xbf16>,
        %unpack3A_510 = tpu.unpack_subelements %get3A_509, 0 {pack_format = #tpu.pack_format<interleaved>} : vector<32xbf16> -> vector<16xf32>
        %unpack3A_511 = tpu.unpack_subelements %get3A_509, 1 {pack_format = #tpu.pack_format<interleaved>} : vector<32xbf16> -> vector<16xf32>
        %mul3A_512 = vector.broadcast %squeeze3A : f32 to vector<16xf32>
        %mul3A_513 = arith.mulf %mul3A_512, %unpack3A_510 : vector<16xf32>
        %mul3A_514 = vector.broadcast %squeeze3A : f32 to vector<16xf32>
        %mul3A_515 = arith.mulf %mul3A_514, %unpack3A_511 : vector<16xf32>
        %get3A_516 = arith.index_cast %scan3A_476 : i32 to index
        %get3A_517 = arith.constant 96 : index
        %get3A_518 = tpu.vector_load %arg13[%get3A_516, %get3A_517] {strides = array<i32>} : memref<16x1024xbf16, #tpu.memory_space<vmem>>, vector<32xbf16>,
        %unpack3A_519 = tpu.unpack_subelements %get3A_518, 0 {pack_format = #tpu.pack_format<interleaved>} : vector<32xbf16> -> vector<16xf32>
        %unpack3A_520 = tpu.unpack_subelements %get3A_518, 1 {pack_format = #tpu.pack_format<interleaved>} : vector<32xbf16> -> vector<16xf32>
        %mul3A_521 = vector.broadcast %squeeze3A : f32 to vector<16xf32>
        %mul3A_522 = arith.mulf %mul3A_521, %unpack3A_519 : vector<16xf32>
        %mul3A_523 = vector.broadcast %squeeze3A : f32 to vector<16xf32>
        %mul3A_524 = arith.mulf %mul3A_523, %unpack3A_520 : vector<16xf32>
        %slice3A_525 = vector.extract_strided_slice %div3A {offsets = [1], sizes = [1], strides = [1]} : vector<16xf32> to vector<1xf32>
        %squeeze3A_526 = vector.extract %slice3A_525[0] : f32 from vector<1xf32>
        %get3A_527 = arith.index_cast %scan3A_476 : i32 to index
        %get3A_528 = arith.constant 128 : index
        %get3A_529 = tpu.vector_load %arg13[%get3A_527, %get3A_528] {strides = array<i32>} : memref<16x1024xbf16, #tpu.memory_space<vmem>>, vector<32xbf16>,
        %unpack3A_530 = tpu.unpack_subelements %get3A_529, 0 {pack_format = #tpu.pack_format<interleaved>} : vector<32xbf16> -> vector<16xf32>
        %unpack3A_531 = tpu.unpack_subelements %get3A_529, 1 {pack_format = #tpu.pack_format<interleaved>} : vector<32xbf16> -> vector<16xf32>
        %mul3A_532 = vector.broadcast %squeeze3A_526 : f32 to vector<16xf32>
        %mul3A_533 = arith.mulf %mul3A_532, %unpack3A_530 : vector<16xf32>
        %mul3A_534 = vector.broadcast %squeeze3A_526 : f32 to vector<16xf32>
        %mul3A_535 = arith.mulf %mul3A_534, %unpack3A_531 : vector<16xf32>
        %add3A_536 = arith.addf %mul3A_495, %mul3A_533 : vector<16xf32>
        %add3A_537 = arith.addf %mul3A_497, %mul3A_535 : vector<16xf32>
        %get3A_538 = arith.index_cast %scan3A_476 : i32 to index
        %get3A_539 = arith.constant 160 : index
        %get3A_540 = tpu.vector_load %arg13[%get3A_538, %get3A_539] {strides = array<i32>} : memref<16x1024xbf16, #tpu.memory_space<vmem>>, vector<32xbf16>,
        %unpack3A_541 = tpu.unpack_subelements %get3A_540, 0 {pack_format = #tpu.pack_format<interleaved>} : vector<32xbf16> -> vector<16xf32>
        %unpack3A_542 = tpu.unpack_subelements %get3A_540, 1 {pack_format = #tpu.pack_format<interleaved>} : vector<32xbf16> -> vector<16xf32>
        %mul3A_543 = vector.broadcast %squeeze3A_526 : f32 to vector<16xf32>
        %mul3A_544 = arith.mulf %mul3A_543, %unpack3A_541 : vector<16xf32>
        %mul3A_545 = vector.broadcast %squeeze3A_526 : f32 to vector<16xf32>
        %mul3A_546 = arith.mulf %mul3A_545, %unpack3A_542 : vector<16xf32>
        %add3A_547 = arith.addf %mul3A_504, %mul3A_544 : vector<16xf32>
        %add3A_548 = arith.addf %mul3A_506, %mul3A_546 : vector<16xf32>
        %get3A_549 = arith.index_cast %scan3A_476 : i32 to index
        %get3A_550 = arith.constant 192 : index
        %get3A_551 = tpu.vector_load %arg13[%get3A_549, %get3A_550] {strides = array<i32>} : memref<16x1024xbf16, #tpu.memory_space<vmem>>, vector<32xbf16>,
        %unpack3A_552 = tpu.unpack_subelements %get3A_551, 0 {pack_format = #tpu.pack_format<interleaved>} : vector<32xbf16> -> vector<16xf32>
        %unpack3A_553 = tpu.unpack_subelements %get3A_551, 1 {pack_format = #tpu.pack_format<interleaved>} : vector<32xbf16> -> vector<16xf32>
        %mul3A_554 = vector.broadcast %squeeze3A_526 : f32 to vector<16xf32>
        %mul3A_555 = arith.mulf %mul3A_554, %unpack3A_552 : vector<16xf32>
        %mul3A_556 = vector.broadcast %squeeze3A_526 : f32 to vector<16xf32>
        %mul3A_557 = arith.mulf %mul3A_556, %unpack3A_553 : vector<16xf32>
        %add3A_558 = arith.addf %mul3A_513, %mul3A_555 : vector<16xf32>
        %add3A_559 = arith.addf %mul3A_515, %mul3A_557 : vector<16xf32>
        %get3A_560 = arith.index_cast %scan3A_476 : i32 to index
        %get3A_561 = arith.constant 224 : index
        %get3A_562 = tpu.vector_load %arg13[%get3A_560, %get3A_561] {strides = array<i32>} : memref<16x1024xbf16, #tpu.memory_space<vmem>>, vector<32xbf16>,
        %unpack3A_563 = tpu.unpack_subelements %get3A_562, 0 {pack_format = #tpu.pack_format<interleaved>} : vector<32xbf16> -> vector<16xf32>
        %unpack3A_564 = tpu.unpack_subelements %get3A_562, 1 {pack_format = #tpu.pack_format<interleaved>} : vector<32xbf16> -> vector<16xf32>
        %mul3A_565 = vector.broadcast %squeeze3A_526 : f32 to vector<16xf32>
        %mul3A_566 = arith.mulf %mul3A_565, %unpack3A_563 : vector<16xf32>
        %mul3A_567 = vector.broadcast %squeeze3A_526 : f32 to vector<16xf32>
        %mul3A_568 = arith.mulf %mul3A_567, %unpack3A_564 : vector<16xf32>
        %add3A_569 = arith.addf %mul3A_522, %mul3A_566 : vector<16xf32>
        %add3A_570 = arith.addf %mul3A_524, %mul3A_568 : vector<16xf32>
        %slice3A_571 = vector.extract_strided_slice %div3A {offsets = [2], sizes = [1], strides = [1]} : vector<16xf32> to vector<1xf32>
        %squeeze3A_572 = vector.extract %slice3A_571[0] : f32 from vector<1xf32>
        %get3A_573 = arith.index_cast %scan3A_476 : i32 to index
        %get3A_574 = arith.constant 256 : index
        %get3A_575 = tpu.vector_load %arg13[%get3A_573, %get3A_574] {strides = array<i32>} : memref<16x1024xbf16, #tpu.memory_space<vmem>>, vector<32xbf16>,
        %unpack3A_576 = tpu.unpack_subelements %get3A_575, 0 {pack_format = #tpu.pack_format<interleaved>} : vector<32xbf16> -> vector<16xf32>
        %unpack3A_577 = tpu.unpack_subelements %get3A_575, 1 {pack_format = #tpu.pack_format<interleaved>} : vector<32xbf16> -> vector<16xf32>
        %mul3A_578 = vector.broadcast %squeeze3A_572 : f32 to vector<16xf32>
        %mul3A_579 = arith.mulf %mul3A_578, %unpack3A_576 : vector<16xf32>
        %mul3A_580 = vector.broadcast %squeeze3A_572 : f32 to vector<16xf32>
        %mul3A_581 = arith.mulf %mul3A_580, %unpack3A_577 : vector<16xf32>
        %add3A_582 = arith.addf %add3A_536, %mul3A_579 : vector<16xf32>
        %add3A_583 = arith.addf %add3A_537, %mul3A_581 : vector<16xf32>
        %get3A_584 = arith.index_cast %scan3A_476 : i32 to index
        %get3A_585 = arith.constant 288 : index
        %get3A_586 = tpu.vector_load %arg13[%get3A_584, %get3A_585] {strides = array<i32>} : memref<16x1024xbf16, #tpu.memory_space<vmem>>, vector<32xbf16>,
        %unpack3A_587 = tpu.unpack_subelements %get3A_586, 0 {pack_format = #tpu.pack_format<interleaved>} : vector<32xbf16> -> vector<16xf32>
        %unpack3A_588 = tpu.unpack_subelements %get3A_586, 1 {pack_format = #tpu.pack_format<interleaved>} : vector<32xbf16> -> vector<16xf32>
        %mul3A_589 = vector.broadcast %squeeze3A_572 : f32 to vector<16xf32>
        %mul3A_590 = arith.mulf %mul3A_589, %unpack3A_587 : vector<16xf32>
        %mul3A_591 = vector.broadcast %squeeze3A_572 : f32 to vector<16xf32>
        %mul3A_592 = arith.mulf %mul3A_591, %unpack3A_588 : vector<16xf32>
        %add3A_593 = arith.addf %add3A_547, %mul3A_590 : vector<16xf32>
        %add3A_594 = arith.addf %add3A_548, %mul3A_592 : vector<16xf32>
        %get3A_595 = arith.index_cast %scan3A_476 : i32 to index
        %get3A_596 = arith.constant 320 : index
        %get3A_597 = tpu.vector_load %arg13[%get3A_595, %get3A_596] {strides = array<i32>} : memref<16x1024xbf16, #tpu.memory_space<vmem>>, vector<32xbf16>,
        %unpack3A_598 = tpu.unpack_subelements %get3A_597, 0 {pack_format = #tpu.pack_format<interleaved>} : vector<32xbf16> -> vector<16xf32>
        %unpack3A_599 = tpu.unpack_subelements %get3A_597, 1 {pack_format = #tpu.pack_format<interleaved>} : vector<32xbf16> -> vector<16xf32>
        %mul3A_600 = vector.broadcast %squeeze3A_572 : f32 to vector<16xf32>
        %mul3A_601 = arith.mulf %mul3A_600, %unpack3A_598 : vector<16xf32>
        %mul3A_602 = vector.broadcast %squeeze3A_572 : f32 to vector<16xf32>
        %mul3A_603 = arith.mulf %mul3A_602, %unpack3A_599 : vector<16xf32>
        %add3A_604 = arith.addf %add3A_558, %mul3A_601 : vector<16xf32>
        %add3A_605 = arith.addf %add3A_559, %mul3A_603 : vector<16xf32>
        %get3A_606 = arith.index_cast %scan3A_476 : i32 to index
        %get3A_607 = arith.constant 352 : index
        %get3A_608 = tpu.vector_load %arg13[%get3A_606, %get3A_607] {strides = array<i32>} : memref<16x1024xbf16, #tpu.memory_space<vmem>>, vector<32xbf16>,
        %unpack3A_609 = tpu.unpack_subelements %get3A_608, 0 {pack_format = #tpu.pack_format<interleaved>} : vector<32xbf16> -> vector<16xf32>
        %unpack3A_610 = tpu.unpack_subelements %get3A_608, 1 {pack_format = #tpu.pack_format<interleaved>} : vector<32xbf16> -> vector<16xf32>
        %mul3A_611 = vector.broadcast %squeeze3A_572 : f32 to vector<16xf32>
        %mul3A_612 = arith.mulf %mul3A_611, %unpack3A_609 : vector<16xf32>
        %mul3A_613 = vector.broadcast %squeeze3A_572 : f32 to vector<16xf32>
        %mul3A_614 = arith.mulf %mul3A_613, %unpack3A_610 : vector<16xf32>
        %add3A_615 = arith.addf %add3A_569, %mul3A_612 : vector<16xf32>
        %add3A_616 = arith.addf %add3A_570, %mul3A_614 : vector<16xf32>
        %slice3A_617 = vector.extract_strided_slice %div3A {offsets = [3], sizes = [1], strides = [1]} : vector<16xf32> to vector<1xf32>
        %squeeze3A_618 = vector.extract %slice3A_617[0] : f32 from vector<1xf32>
        %get3A_619 = arith.index_cast %scan3A_476 : i32 to index
        %get3A_620 = arith.constant 384 : index
        %get3A_621 = tpu.vector_load %arg13[%get3A_619, %get3A_620] {strides = array<i32>} : memref<16x1024xbf16, #tpu.memory_space<vmem>>, vector<32xbf16>,
        %unpack3A_622 = tpu.unpack_subelements %get3A_621, 0 {pack_format = #tpu.pack_format<interleaved>} : vector<32xbf16> -> vector<16xf32>
        %unpack3A_623 = tpu.unpack_subelements %get3A_621, 1 {pack_format = #tpu.pack_format<interleaved>} : vector<32xbf16> -> vector<16xf32>
        %mul3A_624 = vector.broadcast %squeeze3A_618 : f32 to vector<16xf32>
        %mul3A_625 = arith.mulf %mul3A_624, %unpack3A_622 : vector<16xf32>
        %mul3A_626 = vector.broadcast %squeeze3A_618 : f32 to vector<16xf32>
        %mul3A_627 = arith.mulf %mul3A_626, %unpack3A_623 : vector<16xf32>
        %add3A_628 = arith.addf %add3A_582, %mul3A_625 : vector<16xf32>
        %add3A_629 = arith.addf %add3A_583, %mul3A_627 : vector<16xf32>
        %get3A_630 = arith.index_cast %scan3A_476 : i32 to index
        %get3A_631 = arith.constant 416 : index
        %get3A_632 = tpu.vector_load %arg13[%get3A_630, %get3A_631] {strides = array<i32>} : memref<16x1024xbf16, #tpu.memory_space<vmem>>, vector<32xbf16>,
        %unpack3A_633 = tpu.unpack_subelements %get3A_632, 0 {pack_format = #tpu.pack_format<interleaved>} : vector<32xbf16> -> vector<16xf32>
        %unpack3A_634 = tpu.unpack_subelements %get3A_632, 1 {pack_format = #tpu.pack_format<interleaved>} : vector<32xbf16> -> vector<16xf32>
        %mul3A_635 = vector.broadcast %squeeze3A_618 : f32 to vector<16xf32>
        %mul3A_636 = arith.mulf %mul3A_635, %unpack3A_633 : vector<16xf32>
        %mul3A_637 = vector.broadcast %squeeze3A_618 : f32 to vector<16xf32>
        %mul3A_638 = arith.mulf %mul3A_637, %unpack3A_634 : vector<16xf32>
        %add3A_639 = arith.addf %add3A_593, %mul3A_636 : vector<16xf32>
        %add3A_640 = arith.addf %add3A_594, %mul3A_638 : vector<16xf32>
        %get3A_641 = arith.index_cast %scan3A_476 : i32 to index
        %get3A_642 = arith.constant 448 : index
        %get3A_643 = tpu.vector_load %arg13[%get3A_641, %get3A_642] {strides = array<i32>} : memref<16x1024xbf16, #tpu.memory_space<vmem>>, vector<32xbf16>,
        %unpack3A_644 = tpu.unpack_subelements %get3A_643, 0 {pack_format = #tpu.pack_format<interleaved>} : vector<32xbf16> -> vector<16xf32>
        %unpack3A_645 = tpu.unpack_subelements %get3A_643, 1 {pack_format = #tpu.pack_format<interleaved>} : vector<32xbf16> -> vector<16xf32>
        %mul3A_646 = vector.broadcast %squeeze3A_618 : f32 to vector<16xf32>
        %mul3A_647 = arith.mulf %mul3A_646, %unpack3A_644 : vector<16xf32>
        %mul3A_648 = vector.broadcast %squeeze3A_618 : f32 to vector<16xf32>
        %mul3A_649 = arith.mulf %mul3A_648, %unpack3A_645 : vector<16xf32>
        %add3A_650 = arith.addf %add3A_604, %mul3A_647 : vector<16xf32>
        %add3A_651 = arith.addf %add3A_605, %mul3A_649 : vector<16xf32>
        %get3A_652 = arith.index_cast %scan3A_476 : i32 to index
        %get3A_653 = arith.constant 480 : index
        %get3A_654 = tpu.vector_load %arg13[%get3A_652, %get3A_653] {strides = array<i32>} : memref<16x1024xbf16, #tpu.memory_space<vmem>>, vector<32xbf16>,
        %unpack3A_655 = tpu.unpack_subelements %get3A_654, 0 {pack_format = #tpu.pack_format<interleaved>} : vector<32xbf16> -> vector<16xf32>
        %unpack3A_656 = tpu.unpack_subelements %get3A_654, 1 {pack_format = #tpu.pack_format<interleaved>} : vector<32xbf16> -> vector<16xf32>
        %mul3A_657 = vector.broadcast %squeeze3A_618 : f32 to vector<16xf32>
        %mul3A_658 = arith.mulf %mul3A_657, %unpack3A_655 : vector<16xf32>
        %mul3A_659 = vector.broadcast %squeeze3A_618 : f32 to vector<16xf32>
        %mul3A_660 = arith.mulf %mul3A_659, %unpack3A_656 : vector<16xf32>
        %add3A_661 = arith.addf %add3A_615, %mul3A_658 : vector<16xf32>
        %add3A_662 = arith.addf %add3A_616, %mul3A_660 : vector<16xf32>
        %slice3A_663 = vector.extract_strided_slice %div3A {offsets = [4], sizes = [1], strides = [1]} : vector<16xf32> to vector<1xf32>
        %squeeze3A_664 = vector.extract %slice3A_663[0] : f32 from vector<1xf32>
        %get3A_665 = arith.index_cast %scan3A_476 : i32 to index
        %get3A_666 = arith.constant 512 : index
        %get3A_667 = tpu.vector_load %arg13[%get3A_665, %get3A_666] {strides = array<i32>} : memref<16x1024xbf16, #tpu.memory_space<vmem>>, vector<32xbf16>,
        %unpack3A_668 = tpu.unpack_subelements %get3A_667, 0 {pack_format = #tpu.pack_format<interleaved>} : vector<32xbf16> -> vector<16xf32>
        %unpack3A_669 = tpu.unpack_subelements %get3A_667, 1 {pack_format = #tpu.pack_format<interleaved>} : vector<32xbf16> -> vector<16xf32>
        %mul3A_670 = vector.broadcast %squeeze3A_664 : f32 to vector<16xf32>
        %mul3A_671 = arith.mulf %mul3A_670, %unpack3A_668 : vector<16xf32>
        %mul3A_672 = vector.broadcast %squeeze3A_664 : f32 to vector<16xf32>
        %mul3A_673 = arith.mulf %mul3A_672, %unpack3A_669 : vector<16xf32>
        %add3A_674 = arith.addf %add3A_628, %mul3A_671 : vector<16xf32>
        %add3A_675 = arith.addf %add3A_629, %mul3A_673 : vector<16xf32>
        %get3A_676 = arith.index_cast %scan3A_476 : i32 to index
        %get3A_677 = arith.constant 544 : index
        %get3A_678 = tpu.vector_load %arg13[%get3A_676, %get3A_677] {strides = array<i32>} : memref<16x1024xbf16, #tpu.memory_space<vmem>>, vector<32xbf16>,
        %unpack3A_679 = tpu.unpack_subelements %get3A_678, 0 {pack_format = #tpu.pack_format<interleaved>} : vector<32xbf16> -> vector<16xf32>
        %unpack3A_680 = tpu.unpack_subelements %get3A_678, 1 {pack_format = #tpu.pack_format<interleaved>} : vector<32xbf16> -> vector<16xf32>
        %mul3A_681 = vector.broadcast %squeeze3A_664 : f32 to vector<16xf32>
        %mul3A_682 = arith.mulf %mul3A_681, %unpack3A_679 : vector<16xf32>
        %mul3A_683 = vector.broadcast %squeeze3A_664 : f32 to vector<16xf32>
        %mul3A_684 = arith.mulf %mul3A_683, %unpack3A_680 : vector<16xf32>
        %add3A_685 = arith.addf %add3A_639, %mul3A_682 : vector<16xf32>
        %add3A_686 = arith.addf %add3A_640, %mul3A_684 : vector<16xf32>
        %get3A_687 = arith.index_cast %scan3A_476 : i32 to index
        %get3A_688 = arith.constant 576 : index
        %get3A_689 = tpu.vector_load %arg13[%get3A_687, %get3A_688] {strides = array<i32>} : memref<16x1024xbf16, #tpu.memory_space<vmem>>, vector<32xbf16>,
        %unpack3A_690 = tpu.unpack_subelements %get3A_689, 0 {pack_format = #tpu.pack_format<interleaved>} : vector<32xbf16> -> vector<16xf32>
        %unpack3A_691 = tpu.unpack_subelements %get3A_689, 1 {pack_format = #tpu.pack_format<interleaved>} : vector<32xbf16> -> vector<16xf32>
        %mul3A_692 = vector.broadcast %squeeze3A_664 : f32 to vector<16xf32>
        %mul3A_693 = arith.mulf %mul3A_692, %unpack3A_690 : vector<16xf32>
        %mul3A_694 = vector.broadcast %squeeze3A_664 : f32 to vector<16xf32>
        %mul3A_695 = arith.mulf %mul3A_694, %unpack3A_691 : vector<16xf32>
        %add3A_696 = arith.addf %add3A_650, %mul3A_693 : vector<16xf32>
        %add3A_697 = arith.addf %add3A_651, %mul3A_695 : vector<16xf32>
        %get3A_698 = arith.index_cast %scan3A_476 : i32 to index
        %get3A_699 = arith.constant 608 : index
        %get3A_700 = tpu.vector_load %arg13[%get3A_698, %get3A_699] {strides = array<i32>} : memref<16x1024xbf16, #tpu.memory_space<vmem>>, vector<32xbf16>,
        %unpack3A_701 = tpu.unpack_subelements %get3A_700, 0 {pack_format = #tpu.pack_format<interleaved>} : vector<32xbf16> -> vector<16xf32>
        %unpack3A_702 = tpu.unpack_subelements %get3A_700, 1 {pack_format = #tpu.pack_format<interleaved>} : vector<32xbf16> -> vector<16xf32>
        %mul3A_703 = vector.broadcast %squeeze3A_664 : f32 to vector<16xf32>
        %mul3A_704 = arith.mulf %mul3A_703, %unpack3A_701 : vector<16xf32>
        %mul3A_705 = vector.broadcast %squeeze3A_664 : f32 to vector<16xf32>
        %mul3A_706 = arith.mulf %mul3A_705, %unpack3A_702 : vector<16xf32>
        %add3A_707 = arith.addf %add3A_661, %mul3A_704 : vector<16xf32>
        %add3A_708 = arith.addf %add3A_662, %mul3A_706 : vector<16xf32>
        %slice3A_709 = vector.extract_strided_slice %div3A {offsets = [5], sizes = [1], strides = [1]} : vector<16xf32> to vector<1xf32>
        %squeeze3A_710 = vector.extract %slice3A_709[0] : f32 from vector<1xf32>
        %get3A_711 = arith.index_cast %scan3A_476 : i32 to index
        %get3A_712 = arith.constant 640 : index
        %get3A_713 = tpu.vector_load %arg13[%get3A_711, %get3A_712] {strides = array<i32>} : memref<16x1024xbf16, #tpu.memory_space<vmem>>, vector<32xbf16>,
        %unpack3A_714 = tpu.unpack_subelements %get3A_713, 0 {pack_format = #tpu.pack_format<interleaved>} : vector<32xbf16> -> vector<16xf32>
        %unpack3A_715 = tpu.unpack_subelements %get3A_713, 1 {pack_format = #tpu.pack_format<interleaved>} : vector<32xbf16> -> vector<16xf32>
        %mul3A_716 = vector.broadcast %squeeze3A_710 : f32 to vector<16xf32>
        %mul3A_717 = arith.mulf %mul3A_716, %unpack3A_714 : vector<16xf32>
        %mul3A_718 = vector.broadcast %squeeze3A_710 : f32 to vector<16xf32>
        %mul3A_719 = arith.mulf %mul3A_718, %unpack3A_715 : vector<16xf32>
        %add3A_720 = arith.addf %add3A_674, %mul3A_717 : vector<16xf32>
        %add3A_721 = arith.addf %add3A_675, %mul3A_719 : vector<16xf32>
        %get3A_722 = arith.index_cast %scan3A_476 : i32 to index
        %get3A_723 = arith.constant 672 : index
        %get3A_724 = tpu.vector_load %arg13[%get3A_722, %get3A_723] {strides = array<i32>} : memref<16x1024xbf16, #tpu.memory_space<vmem>>, vector<32xbf16>,
        %unpack3A_725 = tpu.unpack_subelements %get3A_724, 0 {pack_format = #tpu.pack_format<interleaved>} : vector<32xbf16> -> vector<16xf32>
        %unpack3A_726 = tpu.unpack_subelements %get3A_724, 1 {pack_format = #tpu.pack_format<interleaved>} : vector<32xbf16> -> vector<16xf32>
        %mul3A_727 = vector.broadcast %squeeze3A_710 : f32 to vector<16xf32>
        %mul3A_728 = arith.mulf %mul3A_727, %unpack3A_725 : vector<16xf32>
        %mul3A_729 = vector.broadcast %squeeze3A_710 : f32 to vector<16xf32>
        %mul3A_730 = arith.mulf %mul3A_729, %unpack3A_726 : vector<16xf32>
        %add3A_731 = arith.addf %add3A_685, %mul3A_728 : vector<16xf32>
        %add3A_732 = arith.addf %add3A_686, %mul3A_730 : vector<16xf32>
        %get3A_733 = arith.index_cast %scan3A_476 : i32 to index
        %get3A_734 = arith.constant 704 : index
        %get3A_735 = tpu.vector_load %arg13[%get3A_733, %get3A_734] {strides = array<i32>} : memref<16x1024xbf16, #tpu.memory_space<vmem>>, vector<32xbf16>,
        %unpack3A_736 = tpu.unpack_subelements %get3A_735, 0 {pack_format = #tpu.pack_format<interleaved>} : vector<32xbf16> -> vector<16xf32>
        %unpack3A_737 = tpu.unpack_subelements %get3A_735, 1 {pack_format = #tpu.pack_format<interleaved>} : vector<32xbf16> -> vector<16xf32>
        %mul3A_738 = vector.broadcast %squeeze3A_710 : f32 to vector<16xf32>
        %mul3A_739 = arith.mulf %mul3A_738, %unpack3A_736 : vector<16xf32>
        %mul3A_740 = vector.broadcast %squeeze3A_710 : f32 to vector<16xf32>
        %mul3A_741 = arith.mulf %mul3A_740, %unpack3A_737 : vector<16xf32>
        %add3A_742 = arith.addf %add3A_696, %mul3A_739 : vector<16xf32>
        %add3A_743 = arith.addf %add3A_697, %mul3A_741 : vector<16xf32>
        %get3A_744 = arith.index_cast %scan3A_476 : i32 to index
        %get3A_745 = arith.constant 736 : index
        %get3A_746 = tpu.vector_load %arg13[%get3A_744, %get3A_745] {strides = array<i32>} : memref<16x1024xbf16, #tpu.memory_space<vmem>>, vector<32xbf16>,
        %unpack3A_747 = tpu.unpack_subelements %get3A_746, 0 {pack_format = #tpu.pack_format<interleaved>} : vector<32xbf16> -> vector<16xf32>
        %unpack3A_748 = tpu.unpack_subelements %get3A_746, 1 {pack_format = #tpu.pack_format<interleaved>} : vector<32xbf16> -> vector<16xf32>
        %mul3A_749 = vector.broadcast %squeeze3A_710 : f32 to vector<16xf32>
        %mul3A_750 = arith.mulf %mul3A_749, %unpack3A_747 : vector<16xf32>
        %mul3A_751 = vector.broadcast %squeeze3A_710 : f32 to vector<16xf32>
        %mul3A_752 = arith.mulf %mul3A_751, %unpack3A_748 : vector<16xf32>
        %add3A_753 = arith.addf %add3A_707, %mul3A_750 : vector<16xf32>
        %add3A_754 = arith.addf %add3A_708, %mul3A_752 : vector<16xf32>
        %slice3A_755 = vector.extract_strided_slice %div3A {offsets = [6], sizes = [1], strides = [1]} : vector<16xf32> to vector<1xf32>
        %squeeze3A_756 = vector.extract %slice3A_755[0] : f32 from vector<1xf32>
        %get3A_757 = arith.index_cast %scan3A_476 : i32 to index
        %get3A_758 = arith.constant 768 : index
        %get3A_759 = tpu.vector_load %arg13[%get3A_757, %get3A_758] {strides = array<i32>} : memref<16x1024xbf16, #tpu.memory_space<vmem>>, vector<32xbf16>,
        %unpack3A_760 = tpu.unpack_subelements %get3A_759, 0 {pack_format = #tpu.pack_format<interleaved>} : vector<32xbf16> -> vector<16xf32>
        %unpack3A_761 = tpu.unpack_subelements %get3A_759, 1 {pack_format = #tpu.pack_format<interleaved>} : vector<32xbf16> -> vector<16xf32>
        %mul3A_762 = vector.broadcast %squeeze3A_756 : f32 to vector<16xf32>
        %mul3A_763 = arith.mulf %mul3A_762, %unpack3A_760 : vector<16xf32>
        %mul3A_764 = vector.broadcast %squeeze3A_756 : f32 to vector<16xf32>
        %mul3A_765 = arith.mulf %mul3A_764, %unpack3A_761 : vector<16xf32>
        %add3A_766 = arith.addf %add3A_720, %mul3A_763 : vector<16xf32>
        %add3A_767 = arith.addf %add3A_721, %mul3A_765 : vector<16xf32>
        %get3A_768 = arith.index_cast %scan3A_476 : i32 to index
        %get3A_769 = arith.constant 800 : index
        %get3A_770 = tpu.vector_load %arg13[%get3A_768, %get3A_769] {strides = array<i32>} : memref<16x1024xbf16, #tpu.memory_space<vmem>>, vector<32xbf16>,
        %unpack3A_771 = tpu.unpack_subelements %get3A_770, 0 {pack_format = #tpu.pack_format<interleaved>} : vector<32xbf16> -> vector<16xf32>
        %unpack3A_772 = tpu.unpack_subelements %get3A_770, 1 {pack_format = #tpu.pack_format<interleaved>} : vector<32xbf16> -> vector<16xf32>
        %mul3A_773 = vector.broadcast %squeeze3A_756 : f32 to vector<16xf32>
        %mul3A_774 = arith.mulf %mul3A_773, %unpack3A_771 : vector<16xf32>
        %mul3A_775 = vector.broadcast %squeeze3A_756 : f32 to vector<16xf32>
        %mul3A_776 = arith.mulf %mul3A_775, %unpack3A_772 : vector<16xf32>
        %add3A_777 = arith.addf %add3A_731, %mul3A_774 : vector<16xf32>
        %add3A_778 = arith.addf %add3A_732, %mul3A_776 : vector<16xf32>
        %get3A_779 = arith.index_cast %scan3A_476 : i32 to index
        %get3A_780 = arith.constant 832 : index
        %get3A_781 = tpu.vector_load %arg13[%get3A_779, %get3A_780] {strides = array<i32>} : memref<16x1024xbf16, #tpu.memory_space<vmem>>, vector<32xbf16>,
        %unpack3A_782 = tpu.unpack_subelements %get3A_781, 0 {pack_format = #tpu.pack_format<interleaved>} : vector<32xbf16> -> vector<16xf32>
        %unpack3A_783 = tpu.unpack_subelements %get3A_781, 1 {pack_format = #tpu.pack_format<interleaved>} : vector<32xbf16> -> vector<16xf32>
        %mul3A_784 = vector.broadcast %squeeze3A_756 : f32 to vector<16xf32>
        %mul3A_785 = arith.mulf %mul3A_784, %unpack3A_782 : vector<16xf32>
        %mul3A_786 = vector.broadcast %squeeze3A_756 : f32 to vector<16xf32>
        %mul3A_787 = arith.mulf %mul3A_786, %unpack3A_783 : vector<16xf32>
        %add3A_788 = arith.addf %add3A_742, %mul3A_785 : vector<16xf32>
        %add3A_789 = arith.addf %add3A_743, %mul3A_787 : vector<16xf32>
        %get3A_790 = arith.index_cast %scan3A_476 : i32 to index
        %get3A_791 = arith.constant 864 : index
        %get3A_792 = tpu.vector_load %arg13[%get3A_790, %get3A_791] {strides = array<i32>} : memref<16x1024xbf16, #tpu.memory_space<vmem>>, vector<32xbf16>,
        %unpack3A_793 = tpu.unpack_subelements %get3A_792, 0 {pack_format = #tpu.pack_format<interleaved>} : vector<32xbf16> -> vector<16xf32>
        %unpack3A_794 = tpu.unpack_subelements %get3A_792, 1 {pack_format = #tpu.pack_format<interleaved>} : vector<32xbf16> -> vector<16xf32>
        %mul3A_795 = vector.broadcast %squeeze3A_756 : f32 to vector<16xf32>
        %mul3A_796 = arith.mulf %mul3A_795, %unpack3A_793 : vector<16xf32>
        %mul3A_797 = vector.broadcast %squeeze3A_756 : f32 to vector<16xf32>
        %mul3A_798 = arith.mulf %mul3A_797, %unpack3A_794 : vector<16xf32>
        %add3A_799 = arith.addf %add3A_753, %mul3A_796 : vector<16xf32>
        %add3A_800 = arith.addf %add3A_754, %mul3A_798 : vector<16xf32>
        %slice3A_801 = vector.extract_strided_slice %div3A {offsets = [7], sizes = [1], strides = [1]} : vector<16xf32> to vector<1xf32>
        %squeeze3A_802 = vector.extract %slice3A_801[0] : f32 from vector<1xf32>
        %get3A_803 = arith.index_cast %scan3A_476 : i32 to index
        %get3A_804 = arith.constant 896 : index
        %get3A_805 = tpu.vector_load %arg13[%get3A_803, %get3A_804] {strides = array<i32>} : memref<16x1024xbf16, #tpu.memory_space<vmem>>, vector<32xbf16>,
        %unpack3A_806 = tpu.unpack_subelements %get3A_805, 0 {pack_format = #tpu.pack_format<interleaved>} : vector<32xbf16> -> vector<16xf32>
        %unpack3A_807 = tpu.unpack_subelements %get3A_805, 1 {pack_format = #tpu.pack_format<interleaved>} : vector<32xbf16> -> vector<16xf32>
        %mul3A_808 = vector.broadcast %squeeze3A_802 : f32 to vector<16xf32>
        %mul3A_809 = arith.mulf %mul3A_808, %unpack3A_806 : vector<16xf32>
        %mul3A_810 = vector.broadcast %squeeze3A_802 : f32 to vector<16xf32>
        %mul3A_811 = arith.mulf %mul3A_810, %unpack3A_807 : vector<16xf32>
        %add3A_812 = arith.addf %add3A_766, %mul3A_809 : vector<16xf32>
        %add3A_813 = arith.addf %add3A_767, %mul3A_811 : vector<16xf32>
        %get3A_814 = arith.index_cast %scan3A_476 : i32 to index
        %get3A_815 = arith.constant 928 : index
        %get3A_816 = tpu.vector_load %arg13[%get3A_814, %get3A_815] {strides = array<i32>} : memref<16x1024xbf16, #tpu.memory_space<vmem>>, vector<32xbf16>,
        %unpack3A_817 = tpu.unpack_subelements %get3A_816, 0 {pack_format = #tpu.pack_format<interleaved>} : vector<32xbf16> -> vector<16xf32>
        %unpack3A_818 = tpu.unpack_subelements %get3A_816, 1 {pack_format = #tpu.pack_format<interleaved>} : vector<32xbf16> -> vector<16xf32>
        %mul3A_819 = vector.broadcast %squeeze3A_802 : f32 to vector<16xf32>
        %mul3A_820 = arith.mulf %mul3A_819, %unpack3A_817 : vector<16xf32>
        %mul3A_821 = vector.broadcast %squeeze3A_802 : f32 to vector<16xf32>
        %mul3A_822 = arith.mulf %mul3A_821, %unpack3A_818 : vector<16xf32>
        %add3A_823 = arith.addf %add3A_777, %mul3A_820 : vector<16xf32>
        %add3A_824 = arith.addf %add3A_778, %mul3A_822 : vector<16xf32>
        %get3A_825 = arith.index_cast %scan3A_476 : i32 to index
        %get3A_826 = arith.constant 960 : index
        %get3A_827 = tpu.vector_load %arg13[%get3A_825, %get3A_826] {strides = array<i32>} : memref<16x1024xbf16, #tpu.memory_space<vmem>>, vector<32xbf16>,
        %unpack3A_828 = tpu.unpack_subelements %get3A_827, 0 {pack_format = #tpu.pack_format<interleaved>} : vector<32xbf16> -> vector<16xf32>
        %unpack3A_829 = tpu.unpack_subelements %get3A_827, 1 {pack_format = #tpu.pack_format<interleaved>} : vector<32xbf16> -> vector<16xf32>
        %mul3A_830 = vector.broadcast %squeeze3A_802 : f32 to vector<16xf32>
        %mul3A_831 = arith.mulf %mul3A_830, %unpack3A_828 : vector<16xf32>
        %mul3A_832 = vector.broadcast %squeeze3A_802 : f32 to vector<16xf32>
        %mul3A_833 = arith.mulf %mul3A_832, %unpack3A_829 : vector<16xf32>
        %add3A_834 = arith.addf %add3A_788, %mul3A_831 : vector<16xf32>
        %add3A_835 = arith.addf %add3A_789, %mul3A_833 : vector<16xf32>
        %get3A_836 = arith.index_cast %scan3A_476 : i32 to index
        %get3A_837 = arith.constant 992 : index
        %get3A_838 = tpu.vector_load %arg13[%get3A_836, %get3A_837] {strides = array<i32>} : memref<16x1024xbf16, #tpu.memory_space<vmem>>, vector<32xbf16>,
        %unpack3A_839 = tpu.unpack_subelements %get3A_838, 0 {pack_format = #tpu.pack_format<interleaved>} : vector<32xbf16> -> vector<16xf32>
        %unpack3A_840 = tpu.unpack_subelements %get3A_838, 1 {pack_format = #tpu.pack_format<interleaved>} : vector<32xbf16> -> vector<16xf32>
        %mul3A_841 = vector.broadcast %squeeze3A_802 : f32 to vector<16xf32>
        %mul3A_842 = arith.mulf %mul3A_841, %unpack3A_839 : vector<16xf32>
        %mul3A_843 = vector.broadcast %squeeze3A_802 : f32 to vector<16xf32>
        %mul3A_844 = arith.mulf %mul3A_843, %unpack3A_840 : vector<16xf32>
        %add3A_845 = arith.addf %add3A_799, %mul3A_842 : vector<16xf32>
        %add3A_846 = arith.addf %add3A_800, %mul3A_844 : vector<16xf32>
        %swap3A_847 = arith.index_cast %scan3A_476 : i32 to index
        %swap3A_848 = arith.constant 0 : index
        %swap3A_849 = tpu.vector_load %arg21[%swap3A_847, %swap3A_848] {strides = array<i32>} : memref<16x128xf32, #tpu.memory_space<vmem>>, vector<16xf32>,
        tpu.vector_store %arg21[%swap3A_847, %swap3A_848], %add3A_812 {strides = array<i32>} : memref<16x128xf32, #tpu.memory_space<vmem>>, vector<16xf32>,
        %swap3A_850 = arith.index_cast %scan3A_476 : i32 to index
        %swap3A_851 = arith.constant 16 : index
        %swap3A_852 = tpu.vector_load %arg21[%swap3A_850, %swap3A_851] {strides = array<i32>} : memref<16x128xf32, #tpu.memory_space<vmem>>, vector<16xf32>,
        tpu.vector_store %arg21[%swap3A_850, %swap3A_851], %add3A_813 {strides = array<i32>} : memref<16x128xf32, #tpu.memory_space<vmem>>, vector<16xf32>,
        %swap3A_853 = arith.index_cast %scan3A_476 : i32 to index
        %swap3A_854 = arith.constant 32 : index
        %swap3A_855 = tpu.vector_load %arg21[%swap3A_853, %swap3A_854] {strides = array<i32>} : memref<16x128xf32, #tpu.memory_space<vmem>>, vector<16xf32>,
        tpu.vector_store %arg21[%swap3A_853, %swap3A_854], %add3A_823 {strides = array<i32>} : memref<16x128xf32, #tpu.memory_space<vmem>>, vector<16xf32>,
        %swap3A_856 = arith.index_cast %scan3A_476 : i32 to index
        %swap3A_857 = arith.constant 48 : index
        %swap3A_858 = tpu.vector_load %arg21[%swap3A_856, %swap3A_857] {strides = array<i32>} : memref<16x128xf32, #tpu.memory_space<vmem>>, vector<16xf32>,
        tpu.vector_store %arg21[%swap3A_856, %swap3A_857], %add3A_824 {strides = array<i32>} : memref<16x128xf32, #tpu.memory_space<vmem>>, vector<16xf32>,
        %swap3A_859 = arith.index_cast %scan3A_476 : i32 to index
        %swap3A_860 = arith.constant 64 : index
        %swap3A_861 = tpu.vector_load %arg21[%swap3A_859, %swap3A_860] {strides = array<i32>} : memref<16x128xf32, #tpu.memory_space<vmem>>, vector<16xf32>,
        tpu.vector_store %arg21[%swap3A_859, %swap3A_860], %add3A_834 {strides = array<i32>} : memref<16x128xf32, #tpu.memory_space<vmem>>, vector<16xf32>,
        %swap3A_862 = arith.index_cast %scan3A_476 : i32 to index
        %swap3A_863 = arith.constant 80 : index
        %swap3A_864 = tpu.vector_load %arg21[%swap3A_862, %swap3A_863] {strides = array<i32>} : memref<16x128xf32, #tpu.memory_space<vmem>>, vector<16xf32>,
        tpu.vector_store %arg21[%swap3A_862, %swap3A_863], %add3A_835 {strides = array<i32>} : memref<16x128xf32, #tpu.memory_space<vmem>>, vector<16xf32>,
        %swap3A_865 = arith.index_cast %scan3A_476 : i32 to index
        %swap3A_866 = arith.constant 96 : index
        %swap3A_867 = tpu.vector_load %arg21[%swap3A_865, %swap3A_866] {strides = array<i32>} : memref<16x128xf32, #tpu.memory_space<vmem>>, vector<16xf32>,
        tpu.vector_store %arg21[%swap3A_865, %swap3A_866], %add3A_845 {strides = array<i32>} : memref<16x128xf32, #tpu.memory_space<vmem>>, vector<16xf32>,
        %swap3A_868 = arith.index_cast %scan3A_476 : i32 to index
        %swap3A_869 = arith.constant 112 : index
        %swap3A_870 = tpu.vector_load %arg21[%swap3A_868, %swap3A_869] {strides = array<i32>} : memref<16x128xf32, #tpu.memory_space<vmem>>, vector<16xf32>,
        tpu.vector_store %arg21[%swap3A_868, %swap3A_869], %add3A_846 {strides = array<i32>} : memref<16x128xf32, #tpu.memory_space<vmem>>, vector<16xf32>,
      }
      %scan3A_408 = arith.constant 16 : i32
      %get3A = arith.index_cast %and3A_337 : i32 to index
      %get3A_409 = arith.constant 0 : index
      %get3A_410 = tpu.vector_load %arg12[%get3A, %get3A_409] {strides = array<i32>} : memref<16x16xi32, #tpu.memory_space<vmem>>, vector<16xi32>,
      %swap3A = arith.constant 0 : i32
      %swap3A_411 = arith.index_cast %swap3A : i32 to index
      %swap3A_412 = arith.constant 0 : index
      %swap3A_413 = tpu.vector_load %arg23[%swap3A_411, %swap3A_412] {strides = array<i32>} : memref<8x16xi32, #tpu.memory_space<vmem>>, vector<16xi32>,
      tpu.vector_store %arg23[%swap3A_411, %swap3A_412], %get3A_410 {strides = array<i32>} : memref<8x16xi32, #tpu.memory_space<vmem>>, vector<16xi32>,
      %dma_start3A_414 = arith.constant 0 : i32
      %dma_start3A_415 = arith.constant 0 : i32
      %dma_start3A_416 = tpu.memref_slice %arg23[%dma_start3A_414, %dma_start3A_415] : memref<8x16xi32, #tpu.memory_space<vmem>> -> memref<1x16xi32, #tpu.memory_space<vmem>>
      %dma_start3A_417 = tpu.memref_squeeze %dma_start3A_416 : memref<1x16xi32, #tpu.memory_space<vmem>> -> memref<16xi32, #tpu.memory_space<vmem>>
      %dma_start3A_418 = arith.constant 0 : i32
      %dma_start3A_419 = arith.constant 0 : i32
      %dma_start3A_420 = tpu.memref_slice %arg26[%dma_start3A_418, %dma_start3A_419] : memref<10240x128xf32, #tpu.memory_space<vmem_shared>> -> memref<10240x128xf32, #tpu.memory_space<vmem_shared>>
      tpu.enqueue_indirect_dma source(%arg21 : memref<16x128xf32, #tpu.memory_space<vmem>>) target(%dma_start3A_420 : memref<10240x128xf32, #tpu.memory_space<vmem_shared>>) offsets(%dma_start3A_417 : memref<16xi32, #tpu.memory_space<vmem>>) semaphore(%arg29 : memref<!tpu.dma_semaphore, #tpu.memory_space<semaphore_mem>>) {add = true}
      %lt3A_421 = arith.constant 327 : i32
      %lt3A_422 = arith.cmpi slt, %scan3A_332, %lt3A_421 : i32
      %convert_element_type3A_423 = arith.extui %lt3A_422 : i1 to i32
      %cond3A_424 = arith.constant 0 : i32
      %cond3A_425 = arith.cmpi ne, %convert_element_type3A_423, %cond3A_424 : i32
      scf.if %cond3A_425 {
        %add3A_476 = arith.constant 2 : i32
        %add3A_477 = arith.addi %mul3A_334, %add3A_476 : i32
        %and3A_478 = arith.constant 15 : i32
        %and3A_479 = arith.andi %add3A_477, %and3A_478 : i32
        %mul3A_480 = arith.constant 16 : i32
        %mul3A_481 = arith.muli %add3A_477, %mul3A_480 : i32
        %add3A_482 = arith.addi %mul3A_4, %mul3A_481 : i32
        %dma_start3A_483 = arith.constant 0 : i32
        %dma_start3A_484 = tpu.memref_slice %arg11[%and3A_479, %dma_start3A_483] : memref<16x16xi32, #tpu.memory_space<vmem>> -> memref<1x16xi32, #tpu.memory_space<vmem>>
        %dma_start3A_485 = tpu.memref_squeeze %dma_start3A_484 : memref<1x16xi32, #tpu.memory_space<vmem>> -> memref<16xi32, #tpu.memory_space<vmem>>
        %dma_start3A_486 = arith.constant 0 : i32
        %dma_start3A_487 = arith.constant 0 : i32
        %dma_start3A_488 = tpu.memref_slice %arg2[%dma_start3A_486, %dma_start3A_487] : memref<10000x1024xbf16, #tpu.memory_space<hbm>> -> memref<10000x1024xbf16, #tpu.memory_space<hbm>>
        tpu.enqueue_indirect_dma source(%dma_start3A_488 : memref<10000x1024xbf16, #tpu.memory_space<hbm>>) target(%arg13 : memref<16x1024xbf16, #tpu.memory_space<vmem>>) offsets(%dma_start3A_485 : memref<16xi32, #tpu.memory_space<vmem>>) semaphore(%arg27 : memref<!tpu.dma_semaphore, #tpu.memory_space<semaphore_mem>>)
        %dma_start3A_489 = arith.constant 0 : i32
        %dma_start3A_490 = tpu.memref_slice %arg12[%and3A_479, %dma_start3A_489] : memref<16x16xi32, #tpu.memory_space<vmem>> -> memref<1x16xi32, #tpu.memory_space<vmem>>
        %dma_start3A_491 = tpu.memref_squeeze %dma_start3A_490 : memref<1x16xi32, #tpu.memory_space<vmem>> -> memref<16xi32, #tpu.memory_space<vmem>>
        %dma_start3A_492 = arith.constant 0 : i32
        %dma_start3A_493 = arith.constant 0 : i32
        %dma_start3A_494 = tpu.memref_slice %arg4[%dma_start3A_492, %dma_start3A_493] : memref<10240x16xf32, #tpu.memory_space<hbm>> -> memref<10240x16xf32, #tpu.memory_space<hbm>>
        tpu.enqueue_indirect_dma source(%dma_start3A_494 : memref<10240x16xf32, #tpu.memory_space<hbm>>) target(%arg17 : memref<16x16xf32, #tpu.memory_space<vmem>>) offsets(%dma_start3A_491 : memref<16xi32, #tpu.memory_space<vmem>>) semaphore(%arg27 : memref<!tpu.dma_semaphore, #tpu.memory_space<semaphore_mem>>)
        %dma_start3A_495 = arith.constant 0 : i32
        %dma_start3A_496 = tpu.memref_slice %arg12[%and3A_479, %dma_start3A_495] : memref<16x16xi32, #tpu.memory_space<vmem>> -> memref<1x16xi32, #tpu.memory_space<vmem>>
        %dma_start3A_497 = tpu.memref_squeeze %dma_start3A_496 : memref<1x16xi32, #tpu.memory_space<vmem>> -> memref<16xi32, #tpu.memory_space<vmem>>
        %dma_start3A_498 = arith.constant 0 : i32
        %dma_start3A_499 = arith.constant 0 : i32
        %dma_start3A_500 = tpu.memref_slice %arg5[%dma_start3A_498, %dma_start3A_499] : memref<10240x16xf32, #tpu.memory_space<hbm>> -> memref<10240x16xf32, #tpu.memory_space<hbm>>
        tpu.enqueue_indirect_dma source(%dma_start3A_500 : memref<10240x16xf32, #tpu.memory_space<hbm>>) target(%arg19 : memref<16x16xf32, #tpu.memory_space<vmem>>) offsets(%dma_start3A_497 : memref<16xi32, #tpu.memory_space<vmem>>) semaphore(%arg27 : memref<!tpu.dma_semaphore, #tpu.memory_space<semaphore_mem>>)
        %dma_start3A_501 = arith.constant 0 : i32
        %dma_start3A_502 = tpu.memref_slice %arg3[%add3A_482, %dma_start3A_501] : memref<335872x16xf32, #tpu.memory_space<hbm>> -> memref<16x16xf32, #tpu.memory_space<hbm>>
        %dma_start3A_503 = arith.constant 0 : i32
        %dma_start3A_504 = tpu.memref_slice %arg3[%add3A_482, %dma_start3A_503] : memref<335872x16xf32, #tpu.memory_space<hbm>> -> memref<16x16xf32, #tpu.memory_space<hbm>>
        tpu.enqueue_dma source(%dma_start3A_504 : memref<16x16xf32, #tpu.memory_space<hbm>>) target(%arg15 : memref<16x16xf32, #tpu.memory_space<vmem>>) target_semaphore(%arg27 : memref<!tpu.dma_semaphore, #tpu.memory_space<semaphore_mem>>)
      } else {
      }
      %mul3A_426 = arith.constant 16 : i32
      %mul3A_427 = arith.muli %add3A_336, %mul3A_426 : i32
      %add3A_428 = arith.addi %mul3A_4, %mul3A_427 : i32
      %dma_wait3A_429 = arith.constant 0 : i32
      %dma_wait3A_430 = tpu.memref_slice %arg11[%and3A_339, %dma_wait3A_429] : memref<16x16xi32, #tpu.memory_space<vmem>> -> memref<1x16xi32, #tpu.memory_space<vmem>>
      %dma_wait3A_431 = tpu.memref_squeeze %dma_wait3A_430 : memref<1x16xi32, #tpu.memory_space<vmem>> -> memref<16xi32, #tpu.memory_space<vmem>>
      %dma_wait3A_432 = arith.constant 0 : i32
      %dma_wait3A_433 = arith.constant 0 : i32
      %dma_wait3A_434 = tpu.memref_slice %arg2[%dma_wait3A_432, %dma_wait3A_433] : memref<10000x1024xbf16, #tpu.memory_space<hbm>> -> memref<10000x1024xbf16, #tpu.memory_space<hbm>>
      tpu.wait_indirect_dma semaphore(%arg28 : memref<!tpu.dma_semaphore, #tpu.memory_space<semaphore_mem>>) src(%dma_wait3A_434 : memref<10000x1024xbf16, #tpu.memory_space<hbm>>) dst(%arg14 : memref<16x1024xbf16, #tpu.memory_space<vmem>>)
      %dma_wait3A_435 = arith.constant 0 : i32
      %dma_wait3A_436 = tpu.memref_slice %arg12[%and3A_339, %dma_wait3A_435] : memref<16x16xi32, #tpu.memory_space<vmem>> -> memref<1x16xi32, #tpu.memory_space<vmem>>
      %dma_wait3A_437 = tpu.memref_squeeze %dma_wait3A_436 : memref<1x16xi32, #tpu.memory_space<vmem>> -> memref<16xi32, #tpu.memory_space<vmem>>
      %dma_wait3A_438 = arith.constant 0 : i32
      %dma_wait3A_439 = arith.constant 0 : i32
      %dma_wait3A_440 = tpu.memref_slice %arg4[%dma_wait3A_438, %dma_wait3A_439] : memref<10240x16xf32, #tpu.memory_space<hbm>> -> memref<10240x16xf32, #tpu.memory_space<hbm>>
      tpu.wait_indirect_dma semaphore(%arg28 : memref<!tpu.dma_semaphore, #tpu.memory_space<semaphore_mem>>) src(%dma_wait3A_440 : memref<10240x16xf32, #tpu.memory_space<hbm>>) dst(%arg18 : memref<16x16xf32, #tpu.memory_space<vmem>>)
      %dma_wait3A_441 = arith.constant 0 : i32
      %dma_wait3A_442 = tpu.memref_slice %arg12[%and3A_339, %dma_wait3A_441] : memref<16x16xi32, #tpu.memory_space<vmem>> -> memref<1x16xi32, #tpu.memory_space<vmem>>
      %dma_wait3A_443 = tpu.memref_squeeze %dma_wait3A_442 : memref<1x16xi32, #tpu.memory_space<vmem>> -> memref<16xi32, #tpu.memory_space<vmem>>
      %dma_wait3A_444 = arith.constant 0 : i32
      %dma_wait3A_445 = arith.constant 0 : i32
      %dma_wait3A_446 = tpu.memref_slice %arg5[%dma_wait3A_444, %dma_wait3A_445] : memref<10240x16xf32, #tpu.memory_space<hbm>> -> memref<10240x16xf32, #tpu.memory_space<hbm>>
      tpu.wait_indirect_dma semaphore(%arg28 : memref<!tpu.dma_semaphore, #tpu.memory_space<semaphore_mem>>) src(%dma_wait3A_446 : memref<10240x16xf32, #tpu.memory_space<hbm>>) dst(%arg20 : memref<16x16xf32, #tpu.memory_space<vmem>>)
      %dma_wait3A_447 = arith.constant 0 : i32
      %dma_wait3A_448 = tpu.memref_slice %arg3[%add3A_428, %dma_wait3A_447] : memref<335872x16xf32, #tpu.memory_space<hbm>> -> memref<16x16xf32, #tpu.memory_space<hbm>>
      %dma_wait3A_449 = arith.constant 0 : i32
      %dma_wait3A_450 = tpu.memref_slice %arg3[%add3A_428, %dma_wait3A_449] : memref<335872x16xf32, #tpu.memory_space<hbm>> -> memref<16x16xf32, #tpu.memory_space<hbm>>
      tpu.wait_dma2 semaphore(%arg28 : memref<!tpu.dma_semaphore, #tpu.memory_space<semaphore_mem>>) src(%dma_wait3A_450 : memref<16x16xf32, #tpu.memory_space<hbm>>) dst(%arg16 : memref<16x16xf32, #tpu.memory_space<vmem>>)
      %ge3A_451 = arith.constant 1 : i32
      %ge3A_452 = arith.cmpi sge, %scan3A_332, %ge3A_451 : i32
      %convert_element_type3A_453 = arith.extui %ge3A_452 : i1 to i32
      %cond3A_454 = arith.constant 0 : i32
      %cond3A_455 = arith.cmpi ne, %convert_element_type3A_453, %cond3A_454 : i32
      scf.if %cond3A_455 {
        %dma_wait3A_476 = arith.constant 0 : i32
        %dma_wait3A_477 = arith.constant 0 : i32
        %dma_wait3A_478 = tpu.memref_slice %arg24[%dma_wait3A_476, %dma_wait3A_477] : memref<8x16xi32, #tpu.memory_space<vmem>> -> memref<1x16xi32, #tpu.memory_space<vmem>>
        %dma_wait3A_479 = tpu.memref_squeeze %dma_wait3A_478 : memref<1x16xi32, #tpu.memory_space<vmem>> -> memref<16xi32, #tpu.memory_space<vmem>>
        %dma_wait3A_480 = arith.constant 0 : i32
        %dma_wait3A_481 = arith.constant 0 : i32
        %dma_wait3A_482 = tpu.memref_slice %arg26[%dma_wait3A_480, %dma_wait3A_481] : memref<10240x128xf32, #tpu.memory_space<vmem_shared>> -> memref<10240x128xf32, #tpu.memory_space<vmem_shared>>
        tpu.wait_indirect_dma semaphore(%arg30 : memref<!tpu.dma_semaphore, #tpu.memory_space<semaphore_mem>>) src(%arg22 : memref<16x128xf32, #tpu.memory_space<vmem>>) dst(%dma_wait3A_482 : memref<10240x128xf32, #tpu.memory_space<vmem_shared>>)
      } else {
      }
      %scan3A_456 = arith.constant 0 : i32
      %scan3A_457 = arith.constant 0 : i32
      %scan3A_458 = arith.constant 16 : i32
      %scan3A_459 = arith.addi %scan3A_457, %scan3A_458 : i32
      %scan3A_460 = arith.constant 1 : i32
      scf.for %scan3A_476 = %scan3A_457 to %scan3A_459 step %scan3A_460  : i32 {
        %get3A_477 = arith.index_cast %scan3A_476 : i32 to index
        %get3A_478 = arith.constant 0 : index
        %get3A_479 = tpu.vector_load %arg18[%get3A_477, %get3A_478] {strides = array<i32>} : memref<16x16xf32, #tpu.memory_space<vmem>>, vector<16xf32>,
        %get3A_480 = arith.index_cast %scan3A_476 : i32 to index
        %get3A_481 = arith.constant 0 : index
        %get3A_482 = tpu.vector_load %arg20[%get3A_480, %get3A_481] {strides = array<i32>} : memref<16x16xf32, #tpu.memory_space<vmem>>, vector<16xf32>,
        %add3A_483 = arith.addf %get3A_479, %get3A_482 : vector<16xf32>
        %get3A_484 = arith.index_cast %scan3A_476 : i32 to index
        %get3A_485 = arith.constant 0 : index
        %get3A_486 = tpu.vector_load %arg16[%get3A_484, %get3A_485] {strides = array<i32>} : memref<16x16xf32, #tpu.memory_space<vmem>>, vector<16xf32>,
        %add3A_487 = arith.constant 1.000000e-16 : f32
        %add3A_488 = vector.broadcast %add3A_487 : f32 to vector<16xf32>
        %add3A_489 = arith.addf %add3A_483, %add3A_488 : vector<16xf32>
        %div3A = arith.divf %get3A_486, %add3A_489 : vector<16xf32>
        %slice3A = vector.extract_strided_slice %div3A {offsets = [0], sizes = [1], strides = [1]} : vector<16xf32> to vector<1xf32>
        %squeeze3A = vector.extract %slice3A[0] : f32 from vector<1xf32>
        %get3A_490 = arith.index_cast %scan3A_476 : i32 to index
        %get3A_491 = arith.constant 0 : index
        %get3A_492 = tpu.vector_load %arg14[%get3A_490, %get3A_491] {strides = array<i32>} : memref<16x1024xbf16, #tpu.memory_space<vmem>>, vector<32xbf16>,
        %unpack3A = tpu.unpack_subelements %get3A_492, 0 {pack_format = #tpu.pack_format<interleaved>} : vector<32xbf16> -> vector<16xf32>
        %unpack3A_493 = tpu.unpack_subelements %get3A_492, 1 {pack_format = #tpu.pack_format<interleaved>} : vector<32xbf16> -> vector<16xf32>
        %mul3A_494 = vector.broadcast %squeeze3A : f32 to vector<16xf32>
        %mul3A_495 = arith.mulf %mul3A_494, %unpack3A : vector<16xf32>
        %mul3A_496 = vector.broadcast %squeeze3A : f32 to vector<16xf32>
        %mul3A_497 = arith.mulf %mul3A_496, %unpack3A_493 : vector<16xf32>
        %get3A_498 = arith.index_cast %scan3A_476 : i32 to index
        %get3A_499 = arith.constant 32 : index
        %get3A_500 = tpu.vector_load %arg14[%get3A_498, %get3A_499] {strides = array<i32>} : memref<16x1024xbf16, #tpu.memory_space<vmem>>, vector<32xbf16>,
        %unpack3A_501 = tpu.unpack_subelements %get3A_500, 0 {pack_format = #tpu.pack_format<interleaved>} : vector<32xbf16> -> vector<16xf32>
        %unpack3A_502 = tpu.unpack_subelements %get3A_500, 1 {pack_format = #tpu.pack_format<interleaved>} : vector<32xbf16> -> vector<16xf32>
        %mul3A_503 = vector.broadcast %squeeze3A : f32 to vector<16xf32>
        %mul3A_504 = arith.mulf %mul3A_503, %unpack3A_501 : vector<16xf32>
        %mul3A_505 = vector.broadcast %squeeze3A : f32 to vector<16xf32>
        %mul3A_506 = arith.mulf %mul3A_505, %unpack3A_502 : vector<16xf32>
        %get3A_507 = arith.index_cast %scan3A_476 : i32 to index
        %get3A_508 = arith.constant 64 : index
        %get3A_509 = tpu.vector_load %arg14[%get3A_507, %get3A_508] {strides = array<i32>} : memref<16x1024xbf16, #tpu.memory_space<vmem>>, vector<32xbf16>,
        %unpack3A_510 = tpu.unpack_subelements %get3A_509, 0 {pack_format = #tpu.pack_format<interleaved>} : vector<32xbf16> -> vector<16xf32>
        %unpack3A_511 = tpu.unpack_subelements %get3A_509, 1 {pack_format = #tpu.pack_format<interleaved>} : vector<32xbf16> -> vector<16xf32>
        %mul3A_512 = vector.broadcast %squeeze3A : f32 to vector<16xf32>
        %mul3A_513 = arith.mulf %mul3A_512, %unpack3A_510 : vector<16xf32>
        %mul3A_514 = vector.broadcast %squeeze3A : f32 to vector<16xf32>
        %mul3A_515 = arith.mulf %mul3A_514, %unpack3A_511 : vector<16xf32>
        %get3A_516 = arith.index_cast %scan3A_476 : i32 to index
        %get3A_517 = arith.constant 96 : index
        %get3A_518 = tpu.vector_load %arg14[%get3A_516, %get3A_517] {strides = array<i32>} : memref<16x1024xbf16, #tpu.memory_space<vmem>>, vector<32xbf16>,
        %unpack3A_519 = tpu.unpack_subelements %get3A_518, 0 {pack_format = #tpu.pack_format<interleaved>} : vector<32xbf16> -> vector<16xf32>
        %unpack3A_520 = tpu.unpack_subelements %get3A_518, 1 {pack_format = #tpu.pack_format<interleaved>} : vector<32xbf16> -> vector<16xf32>
        %mul3A_521 = vector.broadcast %squeeze3A : f32 to vector<16xf32>
        %mul3A_522 = arith.mulf %mul3A_521, %unpack3A_519 : vector<16xf32>
        %mul3A_523 = vector.broadcast %squeeze3A : f32 to vector<16xf32>
        %mul3A_524 = arith.mulf %mul3A_523, %unpack3A_520 : vector<16xf32>
        %slice3A_525 = vector.extract_strided_slice %div3A {offsets = [1], sizes = [1], strides = [1]} : vector<16xf32> to vector<1xf32>
        %squeeze3A_526 = vector.extract %slice3A_525[0] : f32 from vector<1xf32>
        %get3A_527 = arith.index_cast %scan3A_476 : i32 to index
        %get3A_528 = arith.constant 128 : index
        %get3A_529 = tpu.vector_load %arg14[%get3A_527, %get3A_528] {strides = array<i32>} : memref<16x1024xbf16, #tpu.memory_space<vmem>>, vector<32xbf16>,
        %unpack3A_530 = tpu.unpack_subelements %get3A_529, 0 {pack_format = #tpu.pack_format<interleaved>} : vector<32xbf16> -> vector<16xf32>
        %unpack3A_531 = tpu.unpack_subelements %get3A_529, 1 {pack_format = #tpu.pack_format<interleaved>} : vector<32xbf16> -> vector<16xf32>
        %mul3A_532 = vector.broadcast %squeeze3A_526 : f32 to vector<16xf32>
        %mul3A_533 = arith.mulf %mul3A_532, %unpack3A_530 : vector<16xf32>
        %mul3A_534 = vector.broadcast %squeeze3A_526 : f32 to vector<16xf32>
        %mul3A_535 = arith.mulf %mul3A_534, %unpack3A_531 : vector<16xf32>
        %add3A_536 = arith.addf %mul3A_495, %mul3A_533 : vector<16xf32>
        %add3A_537 = arith.addf %mul3A_497, %mul3A_535 : vector<16xf32>
        %get3A_538 = arith.index_cast %scan3A_476 : i32 to index
        %get3A_539 = arith.constant 160 : index
        %get3A_540 = tpu.vector_load %arg14[%get3A_538, %get3A_539] {strides = array<i32>} : memref<16x1024xbf16, #tpu.memory_space<vmem>>, vector<32xbf16>,
        %unpack3A_541 = tpu.unpack_subelements %get3A_540, 0 {pack_format = #tpu.pack_format<interleaved>} : vector<32xbf16> -> vector<16xf32>
        %unpack3A_542 = tpu.unpack_subelements %get3A_540, 1 {pack_format = #tpu.pack_format<interleaved>} : vector<32xbf16> -> vector<16xf32>
        %mul3A_543 = vector.broadcast %squeeze3A_526 : f32 to vector<16xf32>
        %mul3A_544 = arith.mulf %mul3A_543, %unpack3A_541 : vector<16xf32>
        %mul3A_545 = vector.broadcast %squeeze3A_526 : f32 to vector<16xf32>
        %mul3A_546 = arith.mulf %mul3A_545, %unpack3A_542 : vector<16xf32>
        %add3A_547 = arith.addf %mul3A_504, %mul3A_544 : vector<16xf32>
        %add3A_548 = arith.addf %mul3A_506, %mul3A_546 : vector<16xf32>
        %get3A_549 = arith.index_cast %scan3A_476 : i32 to index
        %get3A_550 = arith.constant 192 : index
        %get3A_551 = tpu.vector_load %arg14[%get3A_549, %get3A_550] {strides = array<i32>} : memref<16x1024xbf16, #tpu.memory_space<vmem>>, vector<32xbf16>,
        %unpack3A_552 = tpu.unpack_subelements %get3A_551, 0 {pack_format = #tpu.pack_format<interleaved>} : vector<32xbf16> -> vector<16xf32>
        %unpack3A_553 = tpu.unpack_subelements %get3A_551, 1 {pack_format = #tpu.pack_format<interleaved>} : vector<32xbf16> -> vector<16xf32>
        %mul3A_554 = vector.broadcast %squeeze3A_526 : f32 to vector<16xf32>
        %mul3A_555 = arith.mulf %mul3A_554, %unpack3A_552 : vector<16xf32>
        %mul3A_556 = vector.broadcast %squeeze3A_526 : f32 to vector<16xf32>
        %mul3A_557 = arith.mulf %mul3A_556, %unpack3A_553 : vector<16xf32>
        %add3A_558 = arith.addf %mul3A_513, %mul3A_555 : vector<16xf32>
        %add3A_559 = arith.addf %mul3A_515, %mul3A_557 : vector<16xf32>
        %get3A_560 = arith.index_cast %scan3A_476 : i32 to index
        %get3A_561 = arith.constant 224 : index
        %get3A_562 = tpu.vector_load %arg14[%get3A_560, %get3A_561] {strides = array<i32>} : memref<16x1024xbf16, #tpu.memory_space<vmem>>, vector<32xbf16>,
        %unpack3A_563 = tpu.unpack_subelements %get3A_562, 0 {pack_format = #tpu.pack_format<interleaved>} : vector<32xbf16> -> vector<16xf32>
        %unpack3A_564 = tpu.unpack_subelements %get3A_562, 1 {pack_format = #tpu.pack_format<interleaved>} : vector<32xbf16> -> vector<16xf32>
        %mul3A_565 = vector.broadcast %squeeze3A_526 : f32 to vector<16xf32>
        %mul3A_566 = arith.mulf %mul3A_565, %unpack3A_563 : vector<16xf32>
        %mul3A_567 = vector.broadcast %squeeze3A_526 : f32 to vector<16xf32>
        %mul3A_568 = arith.mulf %mul3A_567, %unpack3A_564 : vector<16xf32>
        %add3A_569 = arith.addf %mul3A_522, %mul3A_566 : vector<16xf32>
        %add3A_570 = arith.addf %mul3A_524, %mul3A_568 : vector<16xf32>
        %slice3A_571 = vector.extract_strided_slice %div3A {offsets = [2], sizes = [1], strides = [1]} : vector<16xf32> to vector<1xf32>
        %squeeze3A_572 = vector.extract %slice3A_571[0] : f32 from vector<1xf32>
        %get3A_573 = arith.index_cast %scan3A_476 : i32 to index
        %get3A_574 = arith.constant 256 : index
        %get3A_575 = tpu.vector_load %arg14[%get3A_573, %get3A_574] {strides = array<i32>} : memref<16x1024xbf16, #tpu.memory_space<vmem>>, vector<32xbf16>,
        %unpack3A_576 = tpu.unpack_subelements %get3A_575, 0 {pack_format = #tpu.pack_format<interleaved>} : vector<32xbf16> -> vector<16xf32>
        %unpack3A_577 = tpu.unpack_subelements %get3A_575, 1 {pack_format = #tpu.pack_format<interleaved>} : vector<32xbf16> -> vector<16xf32>
        %mul3A_578 = vector.broadcast %squeeze3A_572 : f32 to vector<16xf32>
        %mul3A_579 = arith.mulf %mul3A_578, %unpack3A_576 : vector<16xf32>
        %mul3A_580 = vector.broadcast %squeeze3A_572 : f32 to vector<16xf32>
        %mul3A_581 = arith.mulf %mul3A_580, %unpack3A_577 : vector<16xf32>
        %add3A_582 = arith.addf %add3A_536, %mul3A_579 : vector<16xf32>
        %add3A_583 = arith.addf %add3A_537, %mul3A_581 : vector<16xf32>
        %get3A_584 = arith.index_cast %scan3A_476 : i32 to index
        %get3A_585 = arith.constant 288 : index
        %get3A_586 = tpu.vector_load %arg14[%get3A_584, %get3A_585] {strides = array<i32>} : memref<16x1024xbf16, #tpu.memory_space<vmem>>, vector<32xbf16>,
        %unpack3A_587 = tpu.unpack_subelements %get3A_586, 0 {pack_format = #tpu.pack_format<interleaved>} : vector<32xbf16> -> vector<16xf32>
        %unpack3A_588 = tpu.unpack_subelements %get3A_586, 1 {pack_format = #tpu.pack_format<interleaved>} : vector<32xbf16> -> vector<16xf32>
        %mul3A_589 = vector.broadcast %squeeze3A_572 : f32 to vector<16xf32>
        %mul3A_590 = arith.mulf %mul3A_589, %unpack3A_587 : vector<16xf32>
        %mul3A_591 = vector.broadcast %squeeze3A_572 : f32 to vector<16xf32>
        %mul3A_592 = arith.mulf %mul3A_591, %unpack3A_588 : vector<16xf32>
        %add3A_593 = arith.addf %add3A_547, %mul3A_590 : vector<16xf32>
        %add3A_594 = arith.addf %add3A_548, %mul3A_592 : vector<16xf32>
        %get3A_595 = arith.index_cast %scan3A_476 : i32 to index
        %get3A_596 = arith.constant 320 : index
        %get3A_597 = tpu.vector_load %arg14[%get3A_595, %get3A_596] {strides = array<i32>} : memref<16x1024xbf16, #tpu.memory_space<vmem>>, vector<32xbf16>,
        %unpack3A_598 = tpu.unpack_subelements %get3A_597, 0 {pack_format = #tpu.pack_format<interleaved>} : vector<32xbf16> -> vector<16xf32>
        %unpack3A_599 = tpu.unpack_subelements %get3A_597, 1 {pack_format = #tpu.pack_format<interleaved>} : vector<32xbf16> -> vector<16xf32>
        %mul3A_600 = vector.broadcast %squeeze3A_572 : f32 to vector<16xf32>
        %mul3A_601 = arith.mulf %mul3A_600, %unpack3A_598 : vector<16xf32>
        %mul3A_602 = vector.broadcast %squeeze3A_572 : f32 to vector<16xf32>
        %mul3A_603 = arith.mulf %mul3A_602, %unpack3A_599 : vector<16xf32>
        %add3A_604 = arith.addf %add3A_558, %mul3A_601 : vector<16xf32>
        %add3A_605 = arith.addf %add3A_559, %mul3A_603 : vector<16xf32>
        %get3A_606 = arith.index_cast %scan3A_476 : i32 to index
        %get3A_607 = arith.constant 352 : index
        %get3A_608 = tpu.vector_load %arg14[%get3A_606, %get3A_607] {strides = array<i32>} : memref<16x1024xbf16, #tpu.memory_space<vmem>>, vector<32xbf16>,
        %unpack3A_609 = tpu.unpack_subelements %get3A_608, 0 {pack_format = #tpu.pack_format<interleaved>} : vector<32xbf16> -> vector<16xf32>
        %unpack3A_610 = tpu.unpack_subelements %get3A_608, 1 {pack_format = #tpu.pack_format<interleaved>} : vector<32xbf16> -> vector<16xf32>
        %mul3A_611 = vector.broadcast %squeeze3A_572 : f32 to vector<16xf32>
        %mul3A_612 = arith.mulf %mul3A_611, %unpack3A_609 : vector<16xf32>
        %mul3A_613 = vector.broadcast %squeeze3A_572 : f32 to vector<16xf32>
        %mul3A_614 = arith.mulf %mul3A_613, %unpack3A_610 : vector<16xf32>
        %add3A_615 = arith.addf %add3A_569, %mul3A_612 : vector<16xf32>
        %add3A_616 = arith.addf %add3A_570, %mul3A_614 : vector<16xf32>
        %slice3A_617 = vector.extract_strided_slice %div3A {offsets = [3], sizes = [1], strides = [1]} : vector<16xf32> to vector<1xf32>
        %squeeze3A_618 = vector.extract %slice3A_617[0] : f32 from vector<1xf32>
        %get3A_619 = arith.index_cast %scan3A_476 : i32 to index
        %get3A_620 = arith.constant 384 : index
        %get3A_621 = tpu.vector_load %arg14[%get3A_619, %get3A_620] {strides = array<i32>} : memref<16x1024xbf16, #tpu.memory_space<vmem>>, vector<32xbf16>,
        %unpack3A_622 = tpu.unpack_subelements %get3A_621, 0 {pack_format = #tpu.pack_format<interleaved>} : vector<32xbf16> -> vector<16xf32>
        %unpack3A_623 = tpu.unpack_subelements %get3A_621, 1 {pack_format = #tpu.pack_format<interleaved>} : vector<32xbf16> -> vector<16xf32>
        %mul3A_624 = vector.broadcast %squeeze3A_618 : f32 to vector<16xf32>
        %mul3A_625 = arith.mulf %mul3A_624, %unpack3A_622 : vector<16xf32>
        %mul3A_626 = vector.broadcast %squeeze3A_618 : f32 to vector<16xf32>
        %mul3A_627 = arith.mulf %mul3A_626, %unpack3A_623 : vector<16xf32>
        %add3A_628 = arith.addf %add3A_582, %mul3A_625 : vector<16xf32>
        %add3A_629 = arith.addf %add3A_583, %mul3A_627 : vector<16xf32>
        %get3A_630 = arith.index_cast %scan3A_476 : i32 to index
        %get3A_631 = arith.constant 416 : index
        %get3A_632 = tpu.vector_load %arg14[%get3A_630, %get3A_631] {strides = array<i32>} : memref<16x1024xbf16, #tpu.memory_space<vmem>>, vector<32xbf16>,
        %unpack3A_633 = tpu.unpack_subelements %get3A_632, 0 {pack_format = #tpu.pack_format<interleaved>} : vector<32xbf16> -> vector<16xf32>
        %unpack3A_634 = tpu.unpack_subelements %get3A_632, 1 {pack_format = #tpu.pack_format<interleaved>} : vector<32xbf16> -> vector<16xf32>
        %mul3A_635 = vector.broadcast %squeeze3A_618 : f32 to vector<16xf32>
        %mul3A_636 = arith.mulf %mul3A_635, %unpack3A_633 : vector<16xf32>
        %mul3A_637 = vector.broadcast %squeeze3A_618 : f32 to vector<16xf32>
        %mul3A_638 = arith.mulf %mul3A_637, %unpack3A_634 : vector<16xf32>
        %add3A_639 = arith.addf %add3A_593, %mul3A_636 : vector<16xf32>
        %add3A_640 = arith.addf %add3A_594, %mul3A_638 : vector<16xf32>
        %get3A_641 = arith.index_cast %scan3A_476 : i32 to index
        %get3A_642 = arith.constant 448 : index
        %get3A_643 = tpu.vector_load %arg14[%get3A_641, %get3A_642] {strides = array<i32>} : memref<16x1024xbf16, #tpu.memory_space<vmem>>, vector<32xbf16>,
        %unpack3A_644 = tpu.unpack_subelements %get3A_643, 0 {pack_format = #tpu.pack_format<interleaved>} : vector<32xbf16> -> vector<16xf32>
        %unpack3A_645 = tpu.unpack_subelements %get3A_643, 1 {pack_format = #tpu.pack_format<interleaved>} : vector<32xbf16> -> vector<16xf32>
        %mul3A_646 = vector.broadcast %squeeze3A_618 : f32 to vector<16xf32>
        %mul3A_647 = arith.mulf %mul3A_646, %unpack3A_644 : vector<16xf32>
        %mul3A_648 = vector.broadcast %squeeze3A_618 : f32 to vector<16xf32>
        %mul3A_649 = arith.mulf %mul3A_648, %unpack3A_645 : vector<16xf32>
        %add3A_650 = arith.addf %add3A_604, %mul3A_647 : vector<16xf32>
        %add3A_651 = arith.addf %add3A_605, %mul3A_649 : vector<16xf32>
        %get3A_652 = arith.index_cast %scan3A_476 : i32 to index
        %get3A_653 = arith.constant 480 : index
        %get3A_654 = tpu.vector_load %arg14[%get3A_652, %get3A_653] {strides = array<i32>} : memref<16x1024xbf16, #tpu.memory_space<vmem>>, vector<32xbf16>,
        %unpack3A_655 = tpu.unpack_subelements %get3A_654, 0 {pack_format = #tpu.pack_format<interleaved>} : vector<32xbf16> -> vector<16xf32>
        %unpack3A_656 = tpu.unpack_subelements %get3A_654, 1 {pack_format = #tpu.pack_format<interleaved>} : vector<32xbf16> -> vector<16xf32>
        %mul3A_657 = vector.broadcast %squeeze3A_618 : f32 to vector<16xf32>
        %mul3A_658 = arith.mulf %mul3A_657, %unpack3A_655 : vector<16xf32>
        %mul3A_659 = vector.broadcast %squeeze3A_618 : f32 to vector<16xf32>
        %mul3A_660 = arith.mulf %mul3A_659, %unpack3A_656 : vector<16xf32>
        %add3A_661 = arith.addf %add3A_615, %mul3A_658 : vector<16xf32>
        %add3A_662 = arith.addf %add3A_616, %mul3A_660 : vector<16xf32>
        %slice3A_663 = vector.extract_strided_slice %div3A {offsets = [4], sizes = [1], strides = [1]} : vector<16xf32> to vector<1xf32>
        %squeeze3A_664 = vector.extract %slice3A_663[0] : f32 from vector<1xf32>
        %get3A_665 = arith.index_cast %scan3A_476 : i32 to index
        %get3A_666 = arith.constant 512 : index
        %get3A_667 = tpu.vector_load %arg14[%get3A_665, %get3A_666] {strides = array<i32>} : memref<16x1024xbf16, #tpu.memory_space<vmem>>, vector<32xbf16>,
        %unpack3A_668 = tpu.unpack_subelements %get3A_667, 0 {pack_format = #tpu.pack_format<interleaved>} : vector<32xbf16> -> vector<16xf32>
        %unpack3A_669 = tpu.unpack_subelements %get3A_667, 1 {pack_format = #tpu.pack_format<interleaved>} : vector<32xbf16> -> vector<16xf32>
        %mul3A_670 = vector.broadcast %squeeze3A_664 : f32 to vector<16xf32>
        %mul3A_671 = arith.mulf %mul3A_670, %unpack3A_668 : vector<16xf32>
        %mul3A_672 = vector.broadcast %squeeze3A_664 : f32 to vector<16xf32>
        %mul3A_673 = arith.mulf %mul3A_672, %unpack3A_669 : vector<16xf32>
        %add3A_674 = arith.addf %add3A_628, %mul3A_671 : vector<16xf32>
        %add3A_675 = arith.addf %add3A_629, %mul3A_673 : vector<16xf32>
        %get3A_676 = arith.index_cast %scan3A_476 : i32 to index
        %get3A_677 = arith.constant 544 : index
        %get3A_678 = tpu.vector_load %arg14[%get3A_676, %get3A_677] {strides = array<i32>} : memref<16x1024xbf16, #tpu.memory_space<vmem>>, vector<32xbf16>,
        %unpack3A_679 = tpu.unpack_subelements %get3A_678, 0 {pack_format = #tpu.pack_format<interleaved>} : vector<32xbf16> -> vector<16xf32>
        %unpack3A_680 = tpu.unpack_subelements %get3A_678, 1 {pack_format = #tpu.pack_format<interleaved>} : vector<32xbf16> -> vector<16xf32>
        %mul3A_681 = vector.broadcast %squeeze3A_664 : f32 to vector<16xf32>
        %mul3A_682 = arith.mulf %mul3A_681, %unpack3A_679 : vector<16xf32>
        %mul3A_683 = vector.broadcast %squeeze3A_664 : f32 to vector<16xf32>
        %mul3A_684 = arith.mulf %mul3A_683, %unpack3A_680 : vector<16xf32>
        %add3A_685 = arith.addf %add3A_639, %mul3A_682 : vector<16xf32>
        %add3A_686 = arith.addf %add3A_640, %mul3A_684 : vector<16xf32>
        %get3A_687 = arith.index_cast %scan3A_476 : i32 to index
        %get3A_688 = arith.constant 576 : index
        %get3A_689 = tpu.vector_load %arg14[%get3A_687, %get3A_688] {strides = array<i32>} : memref<16x1024xbf16, #tpu.memory_space<vmem>>, vector<32xbf16>,
        %unpack3A_690 = tpu.unpack_subelements %get3A_689, 0 {pack_format = #tpu.pack_format<interleaved>} : vector<32xbf16> -> vector<16xf32>
        %unpack3A_691 = tpu.unpack_subelements %get3A_689, 1 {pack_format = #tpu.pack_format<interleaved>} : vector<32xbf16> -> vector<16xf32>
        %mul3A_692 = vector.broadcast %squeeze3A_664 : f32 to vector<16xf32>
        %mul3A_693 = arith.mulf %mul3A_692, %unpack3A_690 : vector<16xf32>
        %mul3A_694 = vector.broadcast %squeeze3A_664 : f32 to vector<16xf32>
        %mul3A_695 = arith.mulf %mul3A_694, %unpack3A_691 : vector<16xf32>
        %add3A_696 = arith.addf %add3A_650, %mul3A_693 : vector<16xf32>
        %add3A_697 = arith.addf %add3A_651, %mul3A_695 : vector<16xf32>
        %get3A_698 = arith.index_cast %scan3A_476 : i32 to index
        %get3A_699 = arith.constant 608 : index
        %get3A_700 = tpu.vector_load %arg14[%get3A_698, %get3A_699] {strides = array<i32>} : memref<16x1024xbf16, #tpu.memory_space<vmem>>, vector<32xbf16>,
        %unpack3A_701 = tpu.unpack_subelements %get3A_700, 0 {pack_format = #tpu.pack_format<interleaved>} : vector<32xbf16> -> vector<16xf32>
        %unpack3A_702 = tpu.unpack_subelements %get3A_700, 1 {pack_format = #tpu.pack_format<interleaved>} : vector<32xbf16> -> vector<16xf32>
        %mul3A_703 = vector.broadcast %squeeze3A_664 : f32 to vector<16xf32>
        %mul3A_704 = arith.mulf %mul3A_703, %unpack3A_701 : vector<16xf32>
        %mul3A_705 = vector.broadcast %squeeze3A_664 : f32 to vector<16xf32>
        %mul3A_706 = arith.mulf %mul3A_705, %unpack3A_702 : vector<16xf32>
        %add3A_707 = arith.addf %add3A_661, %mul3A_704 : vector<16xf32>
        %add3A_708 = arith.addf %add3A_662, %mul3A_706 : vector<16xf32>
        %slice3A_709 = vector.extract_strided_slice %div3A {offsets = [5], sizes = [1], strides = [1]} : vector<16xf32> to vector<1xf32>
        %squeeze3A_710 = vector.extract %slice3A_709[0] : f32 from vector<1xf32>
        %get3A_711 = arith.index_cast %scan3A_476 : i32 to index
        %get3A_712 = arith.constant 640 : index
        %get3A_713 = tpu.vector_load %arg14[%get3A_711, %get3A_712] {strides = array<i32>} : memref<16x1024xbf16, #tpu.memory_space<vmem>>, vector<32xbf16>,
        %unpack3A_714 = tpu.unpack_subelements %get3A_713, 0 {pack_format = #tpu.pack_format<interleaved>} : vector<32xbf16> -> vector<16xf32>
        %unpack3A_715 = tpu.unpack_subelements %get3A_713, 1 {pack_format = #tpu.pack_format<interleaved>} : vector<32xbf16> -> vector<16xf32>
        %mul3A_716 = vector.broadcast %squeeze3A_710 : f32 to vector<16xf32>
        %mul3A_717 = arith.mulf %mul3A_716, %unpack3A_714 : vector<16xf32>
        %mul3A_718 = vector.broadcast %squeeze3A_710 : f32 to vector<16xf32>
        %mul3A_719 = arith.mulf %mul3A_718, %unpack3A_715 : vector<16xf32>
        %add3A_720 = arith.addf %add3A_674, %mul3A_717 : vector<16xf32>
        %add3A_721 = arith.addf %add3A_675, %mul3A_719 : vector<16xf32>
        %get3A_722 = arith.index_cast %scan3A_476 : i32 to index
        %get3A_723 = arith.constant 672 : index
        %get3A_724 = tpu.vector_load %arg14[%get3A_722, %get3A_723] {strides = array<i32>} : memref<16x1024xbf16, #tpu.memory_space<vmem>>, vector<32xbf16>,
        %unpack3A_725 = tpu.unpack_subelements %get3A_724, 0 {pack_format = #tpu.pack_format<interleaved>} : vector<32xbf16> -> vector<16xf32>
        %unpack3A_726 = tpu.unpack_subelements %get3A_724, 1 {pack_format = #tpu.pack_format<interleaved>} : vector<32xbf16> -> vector<16xf32>
        %mul3A_727 = vector.broadcast %squeeze3A_710 : f32 to vector<16xf32>
        %mul3A_728 = arith.mulf %mul3A_727, %unpack3A_725 : vector<16xf32>
        %mul3A_729 = vector.broadcast %squeeze3A_710 : f32 to vector<16xf32>
        %mul3A_730 = arith.mulf %mul3A_729, %unpack3A_726 : vector<16xf32>
        %add3A_731 = arith.addf %add3A_685, %mul3A_728 : vector<16xf32>
        %add3A_732 = arith.addf %add3A_686, %mul3A_730 : vector<16xf32>
        %get3A_733 = arith.index_cast %scan3A_476 : i32 to index
        %get3A_734 = arith.constant 704 : index
        %get3A_735 = tpu.vector_load %arg14[%get3A_733, %get3A_734] {strides = array<i32>} : memref<16x1024xbf16, #tpu.memory_space<vmem>>, vector<32xbf16>,
        %unpack3A_736 = tpu.unpack_subelements %get3A_735, 0 {pack_format = #tpu.pack_format<interleaved>} : vector<32xbf16> -> vector<16xf32>
        %unpack3A_737 = tpu.unpack_subelements %get3A_735, 1 {pack_format = #tpu.pack_format<interleaved>} : vector<32xbf16> -> vector<16xf32>
        %mul3A_738 = vector.broadcast %squeeze3A_710 : f32 to vector<16xf32>
        %mul3A_739 = arith.mulf %mul3A_738, %unpack3A_736 : vector<16xf32>
        %mul3A_740 = vector.broadcast %squeeze3A_710 : f32 to vector<16xf32>
        %mul3A_741 = arith.mulf %mul3A_740, %unpack3A_737 : vector<16xf32>
        %add3A_742 = arith.addf %add3A_696, %mul3A_739 : vector<16xf32>
        %add3A_743 = arith.addf %add3A_697, %mul3A_741 : vector<16xf32>
        %get3A_744 = arith.index_cast %scan3A_476 : i32 to index
        %get3A_745 = arith.constant 736 : index
        %get3A_746 = tpu.vector_load %arg14[%get3A_744, %get3A_745] {strides = array<i32>} : memref<16x1024xbf16, #tpu.memory_space<vmem>>, vector<32xbf16>,
        %unpack3A_747 = tpu.unpack_subelements %get3A_746, 0 {pack_format = #tpu.pack_format<interleaved>} : vector<32xbf16> -> vector<16xf32>
        %unpack3A_748 = tpu.unpack_subelements %get3A_746, 1 {pack_format = #tpu.pack_format<interleaved>} : vector<32xbf16> -> vector<16xf32>
        %mul3A_749 = vector.broadcast %squeeze3A_710 : f32 to vector<16xf32>
        %mul3A_750 = arith.mulf %mul3A_749, %unpack3A_747 : vector<16xf32>
        %mul3A_751 = vector.broadcast %squeeze3A_710 : f32 to vector<16xf32>
        %mul3A_752 = arith.mulf %mul3A_751, %unpack3A_748 : vector<16xf32>
        %add3A_753 = arith.addf %add3A_707, %mul3A_750 : vector<16xf32>
        %add3A_754 = arith.addf %add3A_708, %mul3A_752 : vector<16xf32>
        %slice3A_755 = vector.extract_strided_slice %div3A {offsets = [6], sizes = [1], strides = [1]} : vector<16xf32> to vector<1xf32>
        %squeeze3A_756 = vector.extract %slice3A_755[0] : f32 from vector<1xf32>
        %get3A_757 = arith.index_cast %scan3A_476 : i32 to index
        %get3A_758 = arith.constant 768 : index
        %get3A_759 = tpu.vector_load %arg14[%get3A_757, %get3A_758] {strides = array<i32>} : memref<16x1024xbf16, #tpu.memory_space<vmem>>, vector<32xbf16>,
        %unpack3A_760 = tpu.unpack_subelements %get3A_759, 0 {pack_format = #tpu.pack_format<interleaved>} : vector<32xbf16> -> vector<16xf32>
        %unpack3A_761 = tpu.unpack_subelements %get3A_759, 1 {pack_format = #tpu.pack_format<interleaved>} : vector<32xbf16> -> vector<16xf32>
        %mul3A_762 = vector.broadcast %squeeze3A_756 : f32 to vector<16xf32>
        %mul3A_763 = arith.mulf %mul3A_762, %unpack3A_760 : vector<16xf32>
        %mul3A_764 = vector.broadcast %squeeze3A_756 : f32 to vector<16xf32>
        %mul3A_765 = arith.mulf %mul3A_764, %unpack3A_761 : vector<16xf32>
        %add3A_766 = arith.addf %add3A_720, %mul3A_763 : vector<16xf32>
        %add3A_767 = arith.addf %add3A_721, %mul3A_765 : vector<16xf32>
        %get3A_768 = arith.index_cast %scan3A_476 : i32 to index
        %get3A_769 = arith.constant 800 : index
        %get3A_770 = tpu.vector_load %arg14[%get3A_768, %get3A_769] {strides = array<i32>} : memref<16x1024xbf16, #tpu.memory_space<vmem>>, vector<32xbf16>,
        %unpack3A_771 = tpu.unpack_subelements %get3A_770, 0 {pack_format = #tpu.pack_format<interleaved>} : vector<32xbf16> -> vector<16xf32>
        %unpack3A_772 = tpu.unpack_subelements %get3A_770, 1 {pack_format = #tpu.pack_format<interleaved>} : vector<32xbf16> -> vector<16xf32>
        %mul3A_773 = vector.broadcast %squeeze3A_756 : f32 to vector<16xf32>
        %mul3A_774 = arith.mulf %mul3A_773, %unpack3A_771 : vector<16xf32>
        %mul3A_775 = vector.broadcast %squeeze3A_756 : f32 to vector<16xf32>
        %mul3A_776 = arith.mulf %mul3A_775, %unpack3A_772 : vector<16xf32>
        %add3A_777 = arith.addf %add3A_731, %mul3A_774 : vector<16xf32>
        %add3A_778 = arith.addf %add3A_732, %mul3A_776 : vector<16xf32>
        %get3A_779 = arith.index_cast %scan3A_476 : i32 to index
        %get3A_780 = arith.constant 832 : index
        %get3A_781 = tpu.vector_load %arg14[%get3A_779, %get3A_780] {strides = array<i32>} : memref<16x1024xbf16, #tpu.memory_space<vmem>>, vector<32xbf16>,
        %unpack3A_782 = tpu.unpack_subelements %get3A_781, 0 {pack_format = #tpu.pack_format<interleaved>} : vector<32xbf16> -> vector<16xf32>
        %unpack3A_783 = tpu.unpack_subelements %get3A_781, 1 {pack_format = #tpu.pack_format<interleaved>} : vector<32xbf16> -> vector<16xf32>
        %mul3A_784 = vector.broadcast %squeeze3A_756 : f32 to vector<16xf32>
        %mul3A_785 = arith.mulf %mul3A_784, %unpack3A_782 : vector<16xf32>
        %mul3A_786 = vector.broadcast %squeeze3A_756 : f32 to vector<16xf32>
        %mul3A_787 = arith.mulf %mul3A_786, %unpack3A_783 : vector<16xf32>
        %add3A_788 = arith.addf %add3A_742, %mul3A_785 : vector<16xf32>
        %add3A_789 = arith.addf %add3A_743, %mul3A_787 : vector<16xf32>
        %get3A_790 = arith.index_cast %scan3A_476 : i32 to index
        %get3A_791 = arith.constant 864 : index
        %get3A_792 = tpu.vector_load %arg14[%get3A_790, %get3A_791] {strides = array<i32>} : memref<16x1024xbf16, #tpu.memory_space<vmem>>, vector<32xbf16>,
        %unpack3A_793 = tpu.unpack_subelements %get3A_792, 0 {pack_format = #tpu.pack_format<interleaved>} : vector<32xbf16> -> vector<16xf32>
        %unpack3A_794 = tpu.unpack_subelements %get3A_792, 1 {pack_format = #tpu.pack_format<interleaved>} : vector<32xbf16> -> vector<16xf32>
        %mul3A_795 = vector.broadcast %squeeze3A_756 : f32 to vector<16xf32>
        %mul3A_796 = arith.mulf %mul3A_795, %unpack3A_793 : vector<16xf32>
        %mul3A_797 = vector.broadcast %squeeze3A_756 : f32 to vector<16xf32>
        %mul3A_798 = arith.mulf %mul3A_797, %unpack3A_794 : vector<16xf32>
        %add3A_799 = arith.addf %add3A_753, %mul3A_796 : vector<16xf32>
        %add3A_800 = arith.addf %add3A_754, %mul3A_798 : vector<16xf32>
        %slice3A_801 = vector.extract_strided_slice %div3A {offsets = [7], sizes = [1], strides = [1]} : vector<16xf32> to vector<1xf32>
        %squeeze3A_802 = vector.extract %slice3A_801[0] : f32 from vector<1xf32>
        %get3A_803 = arith.index_cast %scan3A_476 : i32 to index
        %get3A_804 = arith.constant 896 : index
        %get3A_805 = tpu.vector_load %arg14[%get3A_803, %get3A_804] {strides = array<i32>} : memref<16x1024xbf16, #tpu.memory_space<vmem>>, vector<32xbf16>,
        %unpack3A_806 = tpu.unpack_subelements %get3A_805, 0 {pack_format = #tpu.pack_format<interleaved>} : vector<32xbf16> -> vector<16xf32>
        %unpack3A_807 = tpu.unpack_subelements %get3A_805, 1 {pack_format = #tpu.pack_format<interleaved>} : vector<32xbf16> -> vector<16xf32>
        %mul3A_808 = vector.broadcast %squeeze3A_802 : f32 to vector<16xf32>
        %mul3A_809 = arith.mulf %mul3A_808, %unpack3A_806 : vector<16xf32>
        %mul3A_810 = vector.broadcast %squeeze3A_802 : f32 to vector<16xf32>
        %mul3A_811 = arith.mulf %mul3A_810, %unpack3A_807 : vector<16xf32>
        %add3A_812 = arith.addf %add3A_766, %mul3A_809 : vector<16xf32>
        %add3A_813 = arith.addf %add3A_767, %mul3A_811 : vector<16xf32>
        %get3A_814 = arith.index_cast %scan3A_476 : i32 to index
        %get3A_815 = arith.constant 928 : index
        %get3A_816 = tpu.vector_load %arg14[%get3A_814, %get3A_815] {strides = array<i32>} : memref<16x1024xbf16, #tpu.memory_space<vmem>>, vector<32xbf16>,
        %unpack3A_817 = tpu.unpack_subelements %get3A_816, 0 {pack_format = #tpu.pack_format<interleaved>} : vector<32xbf16> -> vector<16xf32>
        %unpack3A_818 = tpu.unpack_subelements %get3A_816, 1 {pack_format = #tpu.pack_format<interleaved>} : vector<32xbf16> -> vector<16xf32>
        %mul3A_819 = vector.broadcast %squeeze3A_802 : f32 to vector<16xf32>
        %mul3A_820 = arith.mulf %mul3A_819, %unpack3A_817 : vector<16xf32>
        %mul3A_821 = vector.broadcast %squeeze3A_802 : f32 to vector<16xf32>
        %mul3A_822 = arith.mulf %mul3A_821, %unpack3A_818 : vector<16xf32>
        %add3A_823 = arith.addf %add3A_777, %mul3A_820 : vector<16xf32>
        %add3A_824 = arith.addf %add3A_778, %mul3A_822 : vector<16xf32>
        %get3A_825 = arith.index_cast %scan3A_476 : i32 to index
        %get3A_826 = arith.constant 960 : index
        %get3A_827 = tpu.vector_load %arg14[%get3A_825, %get3A_826] {strides = array<i32>} : memref<16x1024xbf16, #tpu.memory_space<vmem>>, vector<32xbf16>,
        %unpack3A_828 = tpu.unpack_subelements %get3A_827, 0 {pack_format = #tpu.pack_format<interleaved>} : vector<32xbf16> -> vector<16xf32>
        %unpack3A_829 = tpu.unpack_subelements %get3A_827, 1 {pack_format = #tpu.pack_format<interleaved>} : vector<32xbf16> -> vector<16xf32>
        %mul3A_830 = vector.broadcast %squeeze3A_802 : f32 to vector<16xf32>
        %mul3A_831 = arith.mulf %mul3A_830, %unpack3A_828 : vector<16xf32>
        %mul3A_832 = vector.broadcast %squeeze3A_802 : f32 to vector<16xf32>
        %mul3A_833 = arith.mulf %mul3A_832, %unpack3A_829 : vector<16xf32>
        %add3A_834 = arith.addf %add3A_788, %mul3A_831 : vector<16xf32>
        %add3A_835 = arith.addf %add3A_789, %mul3A_833 : vector<16xf32>
        %get3A_836 = arith.index_cast %scan3A_476 : i32 to index
        %get3A_837 = arith.constant 992 : index
        %get3A_838 = tpu.vector_load %arg14[%get3A_836, %get3A_837] {strides = array<i32>} : memref<16x1024xbf16, #tpu.memory_space<vmem>>, vector<32xbf16>,
        %unpack3A_839 = tpu.unpack_subelements %get3A_838, 0 {pack_format = #tpu.pack_format<interleaved>} : vector<32xbf16> -> vector<16xf32>
        %unpack3A_840 = tpu.unpack_subelements %get3A_838, 1 {pack_format = #tpu.pack_format<interleaved>} : vector<32xbf16> -> vector<16xf32>
        %mul3A_841 = vector.broadcast %squeeze3A_802 : f32 to vector<16xf32>
        %mul3A_842 = arith.mulf %mul3A_841, %unpack3A_839 : vector<16xf32>
        %mul3A_843 = vector.broadcast %squeeze3A_802 : f32 to vector<16xf32>
        %mul3A_844 = arith.mulf %mul3A_843, %unpack3A_840 : vector<16xf32>
        %add3A_845 = arith.addf %add3A_799, %mul3A_842 : vector<16xf32>
        %add3A_846 = arith.addf %add3A_800, %mul3A_844 : vector<16xf32>
        %swap3A_847 = arith.index_cast %scan3A_476 : i32 to index
        %swap3A_848 = arith.constant 0 : index
        %swap3A_849 = tpu.vector_load %arg22[%swap3A_847, %swap3A_848] {strides = array<i32>} : memref<16x128xf32, #tpu.memory_space<vmem>>, vector<16xf32>,
        tpu.vector_store %arg22[%swap3A_847, %swap3A_848], %add3A_812 {strides = array<i32>} : memref<16x128xf32, #tpu.memory_space<vmem>>, vector<16xf32>,
        %swap3A_850 = arith.index_cast %scan3A_476 : i32 to index
        %swap3A_851 = arith.constant 16 : index
        %swap3A_852 = tpu.vector_load %arg22[%swap3A_850, %swap3A_851] {strides = array<i32>} : memref<16x128xf32, #tpu.memory_space<vmem>>, vector<16xf32>,
        tpu.vector_store %arg22[%swap3A_850, %swap3A_851], %add3A_813 {strides = array<i32>} : memref<16x128xf32, #tpu.memory_space<vmem>>, vector<16xf32>,
        %swap3A_853 = arith.index_cast %scan3A_476 : i32 to index
        %swap3A_854 = arith.constant 32 : index
        %swap3A_855 = tpu.vector_load %arg22[%swap3A_853, %swap3A_854] {strides = array<i32>} : memref<16x128xf32, #tpu.memory_space<vmem>>, vector<16xf32>,
        tpu.vector_store %arg22[%swap3A_853, %swap3A_854], %add3A_823 {strides = array<i32>} : memref<16x128xf32, #tpu.memory_space<vmem>>, vector<16xf32>,
        %swap3A_856 = arith.index_cast %scan3A_476 : i32 to index
        %swap3A_857 = arith.constant 48 : index
        %swap3A_858 = tpu.vector_load %arg22[%swap3A_856, %swap3A_857] {strides = array<i32>} : memref<16x128xf32, #tpu.memory_space<vmem>>, vector<16xf32>,
        tpu.vector_store %arg22[%swap3A_856, %swap3A_857], %add3A_824 {strides = array<i32>} : memref<16x128xf32, #tpu.memory_space<vmem>>, vector<16xf32>,
        %swap3A_859 = arith.index_cast %scan3A_476 : i32 to index
        %swap3A_860 = arith.constant 64 : index
        %swap3A_861 = tpu.vector_load %arg22[%swap3A_859, %swap3A_860] {strides = array<i32>} : memref<16x128xf32, #tpu.memory_space<vmem>>, vector<16xf32>,
        tpu.vector_store %arg22[%swap3A_859, %swap3A_860], %add3A_834 {strides = array<i32>} : memref<16x128xf32, #tpu.memory_space<vmem>>, vector<16xf32>,
        %swap3A_862 = arith.index_cast %scan3A_476 : i32 to index
        %swap3A_863 = arith.constant 80 : index
        %swap3A_864 = tpu.vector_load %arg22[%swap3A_862, %swap3A_863] {strides = array<i32>} : memref<16x128xf32, #tpu.memory_space<vmem>>, vector<16xf32>,
        tpu.vector_store %arg22[%swap3A_862, %swap3A_863], %add3A_835 {strides = array<i32>} : memref<16x128xf32, #tpu.memory_space<vmem>>, vector<16xf32>,
        %swap3A_865 = arith.index_cast %scan3A_476 : i32 to index
        %swap3A_866 = arith.constant 96 : index
        %swap3A_867 = tpu.vector_load %arg22[%swap3A_865, %swap3A_866] {strides = array<i32>} : memref<16x128xf32, #tpu.memory_space<vmem>>, vector<16xf32>,
        tpu.vector_store %arg22[%swap3A_865, %swap3A_866], %add3A_845 {strides = array<i32>} : memref<16x128xf32, #tpu.memory_space<vmem>>, vector<16xf32>,
        %swap3A_868 = arith.index_cast %scan3A_476 : i32 to index
        %swap3A_869 = arith.constant 112 : index
        %swap3A_870 = tpu.vector_load %arg22[%swap3A_868, %swap3A_869] {strides = array<i32>} : memref<16x128xf32, #tpu.memory_space<vmem>>, vector<16xf32>,
        tpu.vector_store %arg22[%swap3A_868, %swap3A_869], %add3A_846 {strides = array<i32>} : memref<16x128xf32, #tpu.memory_space<vmem>>, vector<16xf32>,
      }
      %scan3A_461 = arith.constant 16 : i32
      %get3A_462 = arith.index_cast %and3A_339 : i32 to index
      %get3A_463 = arith.constant 0 : index
      %get3A_464 = tpu.vector_load %arg12[%get3A_462, %get3A_463] {strides = array<i32>} : memref<16x16xi32, #tpu.memory_space<vmem>>, vector<16xi32>,
      %swap3A_465 = arith.constant 0 : i32
      %swap3A_466 = arith.index_cast %swap3A_465 : i32 to index
      %swap3A_467 = arith.constant 0 : index
      %swap3A_468 = tpu.vector_load %arg24[%swap3A_466, %swap3A_467] {strides = array<i32>} : memref<8x16xi32, #tpu.memory_space<vmem>>, vector<16xi32>,
      tpu.vector_store %arg24[%swap3A_466, %swap3A_467], %get3A_464 {strides = array<i32>} : memref<8x16xi32, #tpu.memory_space<vmem>>, vector<16xi32>,
      %dma_start3A_469 = arith.constant 0 : i32
      %dma_start3A_470 = arith.constant 0 : i32
      %dma_start3A_471 = tpu.memref_slice %arg24[%dma_start3A_469, %dma_start3A_470] : memref<8x16xi32, #tpu.memory_space<vmem>> -> memref<1x16xi32, #tpu.memory_space<vmem>>
      %dma_start3A_472 = tpu.memref_squeeze %dma_start3A_471 : memref<1x16xi32, #tpu.memory_space<vmem>> -> memref<16xi32, #tpu.memory_space<vmem>>
      %dma_start3A_473 = arith.constant 0 : i32
      %dma_start3A_474 = arith.constant 0 : i32
      %dma_start3A_475 = tpu.memref_slice %arg26[%dma_start3A_473, %dma_start3A_474] : memref<10240x128xf32, #tpu.memory_space<vmem_shared>> -> memref<10240x128xf32, #tpu.memory_space<vmem_shared>>
      tpu.enqueue_indirect_dma source(%arg22 : memref<16x128xf32, #tpu.memory_space<vmem>>) target(%dma_start3A_475 : memref<10240x128xf32, #tpu.memory_space<vmem_shared>>) offsets(%dma_start3A_472 : memref<16xi32, #tpu.memory_space<vmem>>) semaphore(%arg30 : memref<!tpu.dma_semaphore, #tpu.memory_space<semaphore_mem>>) {add = true}
    }
    %scan3A_37 = arith.constant 328 : i32
    %dma_wait3A = arith.constant 0 : i32
    %dma_wait3A_38 = arith.constant 0 : i32
    %dma_wait3A_39 = tpu.memref_slice %arg23[%dma_wait3A, %dma_wait3A_38] : memref<8x16xi32, #tpu.memory_space<vmem>> -> memref<1x16xi32, #tpu.memory_space<vmem>>
    %dma_wait3A_40 = tpu.memref_squeeze %dma_wait3A_39 : memref<1x16xi32, #tpu.memory_space<vmem>> -> memref<16xi32, #tpu.memory_space<vmem>>
    %dma_wait3A_41 = arith.constant 0 : i32
    %dma_wait3A_42 = arith.constant 0 : i32
    %dma_wait3A_43 = tpu.memref_slice %arg26[%dma_wait3A_41, %dma_wait3A_42] : memref<10240x128xf32, #tpu.memory_space<vmem_shared>> -> memref<10240x128xf32, #tpu.memory_space<vmem_shared>>
    tpu.wait_indirect_dma semaphore(%arg29 : memref<!tpu.dma_semaphore, #tpu.memory_space<semaphore_mem>>) src(%arg21 : memref<16x128xf32, #tpu.memory_space<vmem>>) dst(%dma_wait3A_43 : memref<10240x128xf32, #tpu.memory_space<vmem_shared>>)
    %dma_wait3A_44 = arith.constant 0 : i32
    %dma_wait3A_45 = arith.constant 0 : i32
    %dma_wait3A_46 = tpu.memref_slice %arg24[%dma_wait3A_44, %dma_wait3A_45] : memref<8x16xi32, #tpu.memory_space<vmem>> -> memref<1x16xi32, #tpu.memory_space<vmem>>
    %dma_wait3A_47 = tpu.memref_squeeze %dma_wait3A_46 : memref<1x16xi32, #tpu.memory_space<vmem>> -> memref<16xi32, #tpu.memory_space<vmem>>
    %dma_wait3A_48 = arith.constant 0 : i32
    %dma_wait3A_49 = arith.constant 0 : i32
    %dma_wait3A_50 = tpu.memref_slice %arg26[%dma_wait3A_48, %dma_wait3A_49] : memref<10240x128xf32, #tpu.memory_space<vmem_shared>> -> memref<10240x128xf32, #tpu.memory_space<vmem_shared>>
    tpu.wait_indirect_dma semaphore(%arg30 : memref<!tpu.dma_semaphore, #tpu.memory_space<semaphore_mem>>) src(%arg22 : memref<16x128xf32, #tpu.memory_space<vmem>>) dst(%dma_wait3A_50 : memref<10240x128xf32, #tpu.memory_space<vmem_shared>>)
    %barrier3A_51 = arith.constant 0 : index
    tpu.barrier barrier_id(%barrier3A_51)
    %mul3A_52 = arith.constant 640 : i32
    %mul3A_53 = arith.muli %arg1, %mul3A_52 : i32
    %add3A_54 = arith.constant 0 : i32
    %add3A_55 = arith.addi %mul3A_53, %add3A_54 : i32
    "tpu.region"() ({
      %run_scoped3A = tpu.sem_alloc : memref<!tpu.dma_semaphore, #tpu.memory_space<semaphore_mem>>
      %dma_start3A_332 = arith.constant 0 : i32
      %dma_start3A_333 = tpu.memref_slice %arg26[%add3A_55, %dma_start3A_332] : memref<10240x128xf32, #tpu.memory_space<vmem_shared>> -> memref<32x128xf32, #tpu.memory_space<vmem_shared>>
      %dma_start3A_334 = arith.constant 0 : i32
      %dma_start3A_335 = tpu.memref_slice %arg26[%add3A_55, %dma_start3A_334] : memref<10240x128xf32, #tpu.memory_space<vmem_shared>> -> memref<32x128xf32, #tpu.memory_space<vmem_shared>>
      tpu.enqueue_dma source(%dma_start3A_335 : memref<32x128xf32, #tpu.memory_space<vmem_shared>>) target(%arg25 : memref<32x128xf32, #tpu.memory_space<vmem>>) target_semaphore(%run_scoped3A : memref<!tpu.dma_semaphore, #tpu.memory_space<semaphore_mem>>)
      %dma_wait3A_336 = arith.constant 0 : i32
      %dma_wait3A_337 = tpu.memref_slice %arg26[%add3A_55, %dma_wait3A_336] : memref<10240x128xf32, #tpu.memory_space<vmem_shared>> -> memref<32x128xf32, #tpu.memory_space<vmem_shared>>
      %dma_wait3A_338 = arith.constant 0 : i32
      %dma_wait3A_339 = tpu.memref_slice %arg26[%add3A_55, %dma_wait3A_338] : memref<10240x128xf32, #tpu.memory_space<vmem_shared>> -> memref<32x128xf32, #tpu.memory_space<vmem_shared>>
      tpu.wait_dma2 semaphore(%run_scoped3A : memref<!tpu.dma_semaphore, #tpu.memory_space<semaphore_mem>>) src(%dma_wait3A_339 : memref<32x128xf32, #tpu.memory_space<vmem_shared>>) dst(%arg25 : memref<32x128xf32, #tpu.memory_space<vmem>>)
      tpu.yield
    }) : () -> ()
    %eq3A_56 = arith.constant 0 : i32
    %eq3A_57 = arith.cmpi eq, %arg0, %eq3A_56 : i32
    %convert_element_type3A_58 = arith.extui %eq3A_57 : i1 to i32
    %cond3A_59 = arith.constant 0 : i32
    %cond3A_60 = arith.cmpi ne, %convert_element_type3A_58, %cond3A_59 : i32
    scf.if %cond3A_60 {
      "tpu.region"() ({
        %run_scoped3A = tpu.sem_alloc : memref<!tpu.dma_semaphore, #tpu.memory_space<semaphore_mem>>
        %dma_start3A_332 = arith.constant 0 : i32
        %dma_start3A_333 = tpu.memref_slice %arg9[%add3A_55, %dma_start3A_332] : memref<10240x128xf32, #tpu.memory_space<hbm>> -> memref<32x128xf32, #tpu.memory_space<hbm>>
        %dma_start3A_334 = arith.constant 0 : i32
        %dma_start3A_335 = tpu.memref_slice %arg9[%add3A_55, %dma_start3A_334] : memref<10240x128xf32, #tpu.memory_space<hbm>> -> memref<32x128xf32, #tpu.memory_space<hbm>>
        tpu.enqueue_dma source(%arg25 : memref<32x128xf32, #tpu.memory_space<vmem>>) target(%dma_start3A_335 : memref<32x128xf32, #tpu.memory_space<hbm>>) target_semaphore(%run_scoped3A : memref<!tpu.dma_semaphore, #tpu.memory_space<semaphore_mem>>)
        %dma_wait3A_336 = arith.constant 0 : i32
        %dma_wait3A_337 = tpu.memref_slice %arg9[%add3A_55, %dma_wait3A_336] : memref<10240x128xf32, #tpu.memory_space<hbm>> -> memref<32x128xf32, #tpu.memory_space<hbm>>
        %dma_wait3A_338 = arith.constant 0 : i32
        %dma_wait3A_339 = tpu.memref_slice %arg9[%add3A_55, %dma_wait3A_338] : memref<10240x128xf32, #tpu.memory_space<hbm>> -> memref<32x128xf32, #tpu.memory_space<hbm>>
        tpu.wait_dma2 semaphore(%run_scoped3A : memref<!tpu.dma_semaphore, #tpu.memory_space<semaphore_mem>>) src(%arg25 : memref<32x128xf32, #tpu.memory_space<vmem>>) dst(%dma_wait3A_339 : memref<32x128xf32, #tpu.memory_space<hbm>>)
        tpu.yield
      }) : () -> ()
    } else {
    }
    %eq3A_61 = arith.constant 1 : i32
    %eq3A_62 = arith.cmpi eq, %arg0, %eq3A_61 : i32
    %convert_element_type3A_63 = arith.extui %eq3A_62 : i1 to i32
    %cond3A_64 = arith.constant 0 : i32
    %cond3A_65 = arith.cmpi ne, %convert_element_type3A_63, %cond3A_64 : i32
    scf.if %cond3A_65 {
      "tpu.region"() ({
        %run_scoped3A = tpu.sem_alloc : memref<!tpu.dma_semaphore, #tpu.memory_space<semaphore_mem>>
        %dma_start3A_332 = arith.constant 0 : i32
        %dma_start3A_333 = tpu.memref_slice %arg10[%add3A_55, %dma_start3A_332] : memref<10240x128xf32, #tpu.memory_space<hbm>> -> memref<32x128xf32, #tpu.memory_space<hbm>>
        %dma_start3A_334 = arith.constant 0 : i32
        %dma_start3A_335 = tpu.memref_slice %arg10[%add3A_55, %dma_start3A_334] : memref<10240x128xf32, #tpu.memory_space<hbm>> -> memref<32x128xf32, #tpu.memory_space<hbm>>
        tpu.enqueue_dma source(%arg25 : memref<32x128xf32, #tpu.memory_space<vmem>>) target(%dma_start3A_335 : memref<32x128xf32, #tpu.memory_space<hbm>>) target_semaphore(%run_scoped3A : memref<!tpu.dma_semaphore, #tpu.memory_space<semaphore_mem>>)
        %dma_wait3A_336 = arith.constant 0 : i32
        %dma_wait3A_337 = tpu.memref_slice %arg10[%add3A_55, %dma_wait3A_336] : memref<10240x128xf32, #tpu.memory_space<hbm>> -> memref<32x128xf32, #tpu.memory_space<hbm>>
        %dma_wait3A_338 = arith.constant 0 : i32
        %dma_wait3A_339 = tpu.memref_slice %arg10[%add3A_55, %dma_wait3A_338] : memref<10240x128xf32, #tpu.memory_space<hbm>> -> memref<32x128xf32, #tpu.memory_space<hbm>>
        tpu.wait_dma2 semaphore(%run_scoped3A : memref<!tpu.dma_semaphore, #tpu.memory_space<semaphore_mem>>) src(%arg25 : memref<32x128xf32, #tpu.memory_space<vmem>>) dst(%dma_wait3A_339 : memref<32x128xf32, #tpu.memory_space<hbm>>)
        tpu.yield
      }) : () -> ()
    } else {
    }
    %mul3A_66 = arith.constant 640 : i32
    %mul3A_67 = arith.muli %arg1, %mul3A_66 : i32
    %add3A_68 = arith.constant 32 : i32
    %add3A_69 = arith.addi %mul3A_67, %add3A_68 : i32
    "tpu.region"() ({
      %run_scoped3A = tpu.sem_alloc : memref<!tpu.dma_semaphore, #tpu.memory_space<semaphore_mem>>
      %dma_start3A_332 = arith.constant 0 : i32
      %dma_start3A_333 = tpu.memref_slice %arg26[%add3A_69, %dma_start3A_332] : memref<10240x128xf32, #tpu.memory_space<vmem_shared>> -> memref<32x128xf32, #tpu.memory_space<vmem_shared>>
      %dma_start3A_334 = arith.constant 0 : i32
      %dma_start3A_335 = tpu.memref_slice %arg26[%add3A_69, %dma_start3A_334] : memref<10240x128xf32, #tpu.memory_space<vmem_shared>> -> memref<32x128xf32, #tpu.memory_space<vmem_shared>>
      tpu.enqueue_dma source(%dma_start3A_335 : memref<32x128xf32, #tpu.memory_space<vmem_shared>>) target(%arg25 : memref<32x128xf32, #tpu.memory_space<vmem>>) target_semaphore(%run_scoped3A : memref<!tpu.dma_semaphore, #tpu.memory_space<semaphore_mem>>)
      %dma_wait3A_336 = arith.constant 0 : i32
      %dma_wait3A_337 = tpu.memref_slice %arg26[%add3A_69, %dma_wait3A_336] : memref<10240x128xf32, #tpu.memory_space<vmem_shared>> -> memref<32x128xf32, #tpu.memory_space<vmem_shared>>
      %dma_wait3A_338 = arith.constant 0 : i32
      %dma_wait3A_339 = tpu.memref_slice %arg26[%add3A_69, %dma_wait3A_338] : memref<10240x128xf32, #tpu.memory_space<vmem_shared>> -> memref<32x128xf32, #tpu.memory_space<vmem_shared>>
      tpu.wait_dma2 semaphore(%run_scoped3A : memref<!tpu.dma_semaphore, #tpu.memory_space<semaphore_mem>>) src(%dma_wait3A_339 : memref<32x128xf32, #tpu.memory_space<vmem_shared>>) dst(%arg25 : memref<32x128xf32, #tpu.memory_space<vmem>>)
      tpu.yield
    }) : () -> ()
    %eq3A_70 = arith.constant 0 : i32
    %eq3A_71 = arith.cmpi eq, %arg0, %eq3A_70 : i32
    %convert_element_type3A_72 = arith.extui %eq3A_71 : i1 to i32
    %cond3A_73 = arith.constant 0 : i32
    %cond3A_74 = arith.cmpi ne, %convert_element_type3A_72, %cond3A_73 : i32
    scf.if %cond3A_74 {
      "tpu.region"() ({
        %run_scoped3A = tpu.sem_alloc : memref<!tpu.dma_semaphore, #tpu.memory_space<semaphore_mem>>
        %dma_start3A_332 = arith.constant 0 : i32
        %dma_start3A_333 = tpu.memref_slice %arg9[%add3A_69, %dma_start3A_332] : memref<10240x128xf32, #tpu.memory_space<hbm>> -> memref<32x128xf32, #tpu.memory_space<hbm>>
        %dma_start3A_334 = arith.constant 0 : i32
        %dma_start3A_335 = tpu.memref_slice %arg9[%add3A_69, %dma_start3A_334] : memref<10240x128xf32, #tpu.memory_space<hbm>> -> memref<32x128xf32, #tpu.memory_space<hbm>>
        tpu.enqueue_dma source(%arg25 : memref<32x128xf32, #tpu.memory_space<vmem>>) target(%dma_start3A_335 : memref<32x128xf32, #tpu.memory_space<hbm>>) target_semaphore(%run_scoped3A : memref<!tpu.dma_semaphore, #tpu.memory_space<semaphore_mem>>)
        %dma_wait3A_336 = arith.constant 0 : i32
        %dma_wait3A_337 = tpu.memref_slice %arg9[%add3A_69, %dma_wait3A_336] : memref<10240x128xf32, #tpu.memory_space<hbm>> -> memref<32x128xf32, #tpu.memory_space<hbm>>
        %dma_wait3A_338 = arith.constant 0 : i32
        %dma_wait3A_339 = tpu.memref_slice %arg9[%add3A_69, %dma_wait3A_338] : memref<10240x128xf32, #tpu.memory_space<hbm>> -> memref<32x128xf32, #tpu.memory_space<hbm>>
        tpu.wait_dma2 semaphore(%run_scoped3A : memref<!tpu.dma_semaphore, #tpu.memory_space<semaphore_mem>>) src(%arg25 : memref<32x128xf32, #tpu.memory_space<vmem>>) dst(%dma_wait3A_339 : memref<32x128xf32, #tpu.memory_space<hbm>>)
        tpu.yield
      }) : () -> ()
    } else {
    }
    %eq3A_75 = arith.constant 1 : i32
    %eq3A_76 = arith.cmpi eq, %arg0, %eq3A_75 : i32
    %convert_element_type3A_77 = arith.extui %eq3A_76 : i1 to i32
    %cond3A_78 = arith.constant 0 : i32
    %cond3A_79 = arith.cmpi ne, %convert_element_type3A_77, %cond3A_78 : i32
    scf.if %cond3A_79 {
      "tpu.region"() ({
        %run_scoped3A = tpu.sem_alloc : memref<!tpu.dma_semaphore, #tpu.memory_space<semaphore_mem>>
        %dma_start3A_332 = arith.constant 0 : i32
        %dma_start3A_333 = tpu.memref_slice %arg10[%add3A_69, %dma_start3A_332] : memref<10240x128xf32, #tpu.memory_space<hbm>> -> memref<32x128xf32, #tpu.memory_space<hbm>>
        %dma_start3A_334 = arith.constant 0 : i32
        %dma_start3A_335 = tpu.memref_slice %arg10[%add3A_69, %dma_start3A_334] : memref<10240x128xf32, #tpu.memory_space<hbm>> -> memref<32x128xf32, #tpu.memory_space<hbm>>
        tpu.enqueue_dma source(%arg25 : memref<32x128xf32, #tpu.memory_space<vmem>>) target(%dma_start3A_335 : memref<32x128xf32, #tpu.memory_space<hbm>>) target_semaphore(%run_scoped3A : memref<!tpu.dma_semaphore, #tpu.memory_space<semaphore_mem>>)
        %dma_wait3A_336 = arith.constant 0 : i32
        %dma_wait3A_337 = tpu.memref_slice %arg10[%add3A_69, %dma_wait3A_336] : memref<10240x128xf32, #tpu.memory_space<hbm>> -> memref<32x128xf32, #tpu.memory_space<hbm>>
        %dma_wait3A_338 = arith.constant 0 : i32
        %dma_wait3A_339 = tpu.memref_slice %arg10[%add3A_69, %dma_wait3A_338] : memref<10240x128xf32, #tpu.memory_space<hbm>> -> memref<32x128xf32, #tpu.memory_space<hbm>>
        tpu.wait_dma2 semaphore(%run_scoped3A : memref<!tpu.dma_semaphore, #tpu.memory_space<semaphore_mem>>) src(%arg25 : memref<32x128xf32, #tpu.memory_space<vmem>>) dst(%dma_wait3A_339 : memref<32x128xf32, #tpu.memory_space<hbm>>)
        tpu.yield
      }) : () -> ()
    } else {
    }
    %mul3A_80 = arith.constant 640 : i32
    %mul3A_81 = arith.muli %arg1, %mul3A_80 : i32
    %add3A_82 = arith.constant 64 : i32
    %add3A_83 = arith.addi %mul3A_81, %add3A_82 : i32
    "tpu.region"() ({
      %run_scoped3A = tpu.sem_alloc : memref<!tpu.dma_semaphore, #tpu.memory_space<semaphore_mem>>
      %dma_start3A_332 = arith.constant 0 : i32
      %dma_start3A_333 = tpu.memref_slice %arg26[%add3A_83, %dma_start3A_332] : memref<10240x128xf32, #tpu.memory_space<vmem_shared>> -> memref<32x128xf32, #tpu.memory_space<vmem_shared>>
      %dma_start3A_334 = arith.constant 0 : i32
      %dma_start3A_335 = tpu.memref_slice %arg26[%add3A_83, %dma_start3A_334] : memref<10240x128xf32, #tpu.memory_space<vmem_shared>> -> memref<32x128xf32, #tpu.memory_space<vmem_shared>>
      tpu.enqueue_dma source(%dma_start3A_335 : memref<32x128xf32, #tpu.memory_space<vmem_shared>>) target(%arg25 : memref<32x128xf32, #tpu.memory_space<vmem>>) target_semaphore(%run_scoped3A : memref<!tpu.dma_semaphore, #tpu.memory_space<semaphore_mem>>)
      %dma_wait3A_336 = arith.constant 0 : i32
      %dma_wait3A_337 = tpu.memref_slice %arg26[%add3A_83, %dma_wait3A_336] : memref<10240x128xf32, #tpu.memory_space<vmem_shared>> -> memref<32x128xf32, #tpu.memory_space<vmem_shared>>
      %dma_wait3A_338 = arith.constant 0 : i32
      %dma_wait3A_339 = tpu.memref_slice %arg26[%add3A_83, %dma_wait3A_338] : memref<10240x128xf32, #tpu.memory_space<vmem_shared>> -> memref<32x128xf32, #tpu.memory_space<vmem_shared>>
      tpu.wait_dma2 semaphore(%run_scoped3A : memref<!tpu.dma_semaphore, #tpu.memory_space<semaphore_mem>>) src(%dma_wait3A_339 : memref<32x128xf32, #tpu.memory_space<vmem_shared>>) dst(%arg25 : memref<32x128xf32, #tpu.memory_space<vmem>>)
      tpu.yield
    }) : () -> ()
    %eq3A_84 = arith.constant 0 : i32
    %eq3A_85 = arith.cmpi eq, %arg0, %eq3A_84 : i32
    %convert_element_type3A_86 = arith.extui %eq3A_85 : i1 to i32
    %cond3A_87 = arith.constant 0 : i32
    %cond3A_88 = arith.cmpi ne, %convert_element_type3A_86, %cond3A_87 : i32
    scf.if %cond3A_88 {
      "tpu.region"() ({
        %run_scoped3A = tpu.sem_alloc : memref<!tpu.dma_semaphore, #tpu.memory_space<semaphore_mem>>
        %dma_start3A_332 = arith.constant 0 : i32
        %dma_start3A_333 = tpu.memref_slice %arg9[%add3A_83, %dma_start3A_332] : memref<10240x128xf32, #tpu.memory_space<hbm>> -> memref<32x128xf32, #tpu.memory_space<hbm>>
        %dma_start3A_334 = arith.constant 0 : i32
        %dma_start3A_335 = tpu.memref_slice %arg9[%add3A_83, %dma_start3A_334] : memref<10240x128xf32, #tpu.memory_space<hbm>> -> memref<32x128xf32, #tpu.memory_space<hbm>>
        tpu.enqueue_dma source(%arg25 : memref<32x128xf32, #tpu.memory_space<vmem>>) target(%dma_start3A_335 : memref<32x128xf32, #tpu.memory_space<hbm>>) target_semaphore(%run_scoped3A : memref<!tpu.dma_semaphore, #tpu.memory_space<semaphore_mem>>)
        %dma_wait3A_336 = arith.constant 0 : i32
        %dma_wait3A_337 = tpu.memref_slice %arg9[%add3A_83, %dma_wait3A_336] : memref<10240x128xf32, #tpu.memory_space<hbm>> -> memref<32x128xf32, #tpu.memory_space<hbm>>
        %dma_wait3A_338 = arith.constant 0 : i32
        %dma_wait3A_339 = tpu.memref_slice %arg9[%add3A_83, %dma_wait3A_338] : memref<10240x128xf32, #tpu.memory_space<hbm>> -> memref<32x128xf32, #tpu.memory_space<hbm>>
        tpu.wait_dma2 semaphore(%run_scoped3A : memref<!tpu.dma_semaphore, #tpu.memory_space<semaphore_mem>>) src(%arg25 : memref<32x128xf32, #tpu.memory_space<vmem>>) dst(%dma_wait3A_339 : memref<32x128xf32, #tpu.memory_space<hbm>>)
        tpu.yield
      }) : () -> ()
    } else {
    }
    %eq3A_89 = arith.constant 1 : i32
    %eq3A_90 = arith.cmpi eq, %arg0, %eq3A_89 : i32
    %convert_element_type3A_91 = arith.extui %eq3A_90 : i1 to i32
    %cond3A_92 = arith.constant 0 : i32
    %cond3A_93 = arith.cmpi ne, %convert_element_type3A_91, %cond3A_92 : i32
    scf.if %cond3A_93 {
      "tpu.region"() ({
        %run_scoped3A = tpu.sem_alloc : memref<!tpu.dma_semaphore, #tpu.memory_space<semaphore_mem>>
        %dma_start3A_332 = arith.constant 0 : i32
        %dma_start3A_333 = tpu.memref_slice %arg10[%add3A_83, %dma_start3A_332] : memref<10240x128xf32, #tpu.memory_space<hbm>> -> memref<32x128xf32, #tpu.memory_space<hbm>>
        %dma_start3A_334 = arith.constant 0 : i32
        %dma_start3A_335 = tpu.memref_slice %arg10[%add3A_83, %dma_start3A_334] : memref<10240x128xf32, #tpu.memory_space<hbm>> -> memref<32x128xf32, #tpu.memory_space<hbm>>
        tpu.enqueue_dma source(%arg25 : memref<32x128xf32, #tpu.memory_space<vmem>>) target(%dma_start3A_335 : memref<32x128xf32, #tpu.memory_space<hbm>>) target_semaphore(%run_scoped3A : memref<!tpu.dma_semaphore, #tpu.memory_space<semaphore_mem>>)
        %dma_wait3A_336 = arith.constant 0 : i32
        %dma_wait3A_337 = tpu.memref_slice %arg10[%add3A_83, %dma_wait3A_336] : memref<10240x128xf32, #tpu.memory_space<hbm>> -> memref<32x128xf32, #tpu.memory_space<hbm>>
        %dma_wait3A_338 = arith.constant 0 : i32
        %dma_wait3A_339 = tpu.memref_slice %arg10[%add3A_83, %dma_wait3A_338] : memref<10240x128xf32, #tpu.memory_space<hbm>> -> memref<32x128xf32, #tpu.memory_space<hbm>>
        tpu.wait_dma2 semaphore(%run_scoped3A : memref<!tpu.dma_semaphore, #tpu.memory_space<semaphore_mem>>) src(%arg25 : memref<32x128xf32, #tpu.memory_space<vmem>>) dst(%dma_wait3A_339 : memref<32x128xf32, #tpu.memory_space<hbm>>)
        tpu.yield
      }) : () -> ()
    } else {
    }
    %mul3A_94 = arith.constant 640 : i32
    %mul3A_95 = arith.muli %arg1, %mul3A_94 : i32
    %add3A_96 = arith.constant 96 : i32
    %add3A_97 = arith.addi %mul3A_95, %add3A_96 : i32
    "tpu.region"() ({
      %run_scoped3A = tpu.sem_alloc : memref<!tpu.dma_semaphore, #tpu.memory_space<semaphore_mem>>
      %dma_start3A_332 = arith.constant 0 : i32
      %dma_start3A_333 = tpu.memref_slice %arg26[%add3A_97, %dma_start3A_332] : memref<10240x128xf32, #tpu.memory_space<vmem_shared>> -> memref<32x128xf32, #tpu.memory_space<vmem_shared>>
      %dma_start3A_334 = arith.constant 0 : i32
      %dma_start3A_335 = tpu.memref_slice %arg26[%add3A_97, %dma_start3A_334] : memref<10240x128xf32, #tpu.memory_space<vmem_shared>> -> memref<32x128xf32, #tpu.memory_space<vmem_shared>>
      tpu.enqueue_dma source(%dma_start3A_335 : memref<32x128xf32, #tpu.memory_space<vmem_shared>>) target(%arg25 : memref<32x128xf32, #tpu.memory_space<vmem>>) target_semaphore(%run_scoped3A : memref<!tpu.dma_semaphore, #tpu.memory_space<semaphore_mem>>)
      %dma_wait3A_336 = arith.constant 0 : i32
      %dma_wait3A_337 = tpu.memref_slice %arg26[%add3A_97, %dma_wait3A_336] : memref<10240x128xf32, #tpu.memory_space<vmem_shared>> -> memref<32x128xf32, #tpu.memory_space<vmem_shared>>
      %dma_wait3A_338 = arith.constant 0 : i32
      %dma_wait3A_339 = tpu.memref_slice %arg26[%add3A_97, %dma_wait3A_338] : memref<10240x128xf32, #tpu.memory_space<vmem_shared>> -> memref<32x128xf32, #tpu.memory_space<vmem_shared>>
      tpu.wait_dma2 semaphore(%run_scoped3A : memref<!tpu.dma_semaphore, #tpu.memory_space<semaphore_mem>>) src(%dma_wait3A_339 : memref<32x128xf32, #tpu.memory_space<vmem_shared>>) dst(%arg25 : memref<32x128xf32, #tpu.memory_space<vmem>>)
      tpu.yield
    }) : () -> ()
    %eq3A_98 = arith.constant 0 : i32
    %eq3A_99 = arith.cmpi eq, %arg0, %eq3A_98 : i32
    %convert_element_type3A_100 = arith.extui %eq3A_99 : i1 to i32
    %cond3A_101 = arith.constant 0 : i32
    %cond3A_102 = arith.cmpi ne, %convert_element_type3A_100, %cond3A_101 : i32
    scf.if %cond3A_102 {
      "tpu.region"() ({
        %run_scoped3A = tpu.sem_alloc : memref<!tpu.dma_semaphore, #tpu.memory_space<semaphore_mem>>
        %dma_start3A_332 = arith.constant 0 : i32
        %dma_start3A_333 = tpu.memref_slice %arg9[%add3A_97, %dma_start3A_332] : memref<10240x128xf32, #tpu.memory_space<hbm>> -> memref<32x128xf32, #tpu.memory_space<hbm>>
        %dma_start3A_334 = arith.constant 0 : i32
        %dma_start3A_335 = tpu.memref_slice %arg9[%add3A_97, %dma_start3A_334] : memref<10240x128xf32, #tpu.memory_space<hbm>> -> memref<32x128xf32, #tpu.memory_space<hbm>>
        tpu.enqueue_dma source(%arg25 : memref<32x128xf32, #tpu.memory_space<vmem>>) target(%dma_start3A_335 : memref<32x128xf32, #tpu.memory_space<hbm>>) target_semaphore(%run_scoped3A : memref<!tpu.dma_semaphore, #tpu.memory_space<semaphore_mem>>)
        %dma_wait3A_336 = arith.constant 0 : i32
        %dma_wait3A_337 = tpu.memref_slice %arg9[%add3A_97, %dma_wait3A_336] : memref<10240x128xf32, #tpu.memory_space<hbm>> -> memref<32x128xf32, #tpu.memory_space<hbm>>
        %dma_wait3A_338 = arith.constant 0 : i32
        %dma_wait3A_339 = tpu.memref_slice %arg9[%add3A_97, %dma_wait3A_338] : memref<10240x128xf32, #tpu.memory_space<hbm>> -> memref<32x128xf32, #tpu.memory_space<hbm>>
        tpu.wait_dma2 semaphore(%run_scoped3A : memref<!tpu.dma_semaphore, #tpu.memory_space<semaphore_mem>>) src(%arg25 : memref<32x128xf32, #tpu.memory_space<vmem>>) dst(%dma_wait3A_339 : memref<32x128xf32, #tpu.memory_space<hbm>>)
        tpu.yield
      }) : () -> ()
    } else {
    }
    %eq3A_103 = arith.constant 1 : i32
    %eq3A_104 = arith.cmpi eq, %arg0, %eq3A_103 : i32
    %convert_element_type3A_105 = arith.extui %eq3A_104 : i1 to i32
    %cond3A_106 = arith.constant 0 : i32
    %cond3A_107 = arith.cmpi ne, %convert_element_type3A_105, %cond3A_106 : i32
    scf.if %cond3A_107 {
      "tpu.region"() ({
        %run_scoped3A = tpu.sem_alloc : memref<!tpu.dma_semaphore, #tpu.memory_space<semaphore_mem>>
        %dma_start3A_332 = arith.constant 0 : i32
        %dma_start3A_333 = tpu.memref_slice %arg10[%add3A_97, %dma_start3A_332] : memref<10240x128xf32, #tpu.memory_space<hbm>> -> memref<32x128xf32, #tpu.memory_space<hbm>>
        %dma_start3A_334 = arith.constant 0 : i32
        %dma_start3A_335 = tpu.memref_slice %arg10[%add3A_97, %dma_start3A_334] : memref<10240x128xf32, #tpu.memory_space<hbm>> -> memref<32x128xf32, #tpu.memory_space<hbm>>
        tpu.enqueue_dma source(%arg25 : memref<32x128xf32, #tpu.memory_space<vmem>>) target(%dma_start3A_335 : memref<32x128xf32, #tpu.memory_space<hbm>>) target_semaphore(%run_scoped3A : memref<!tpu.dma_semaphore, #tpu.memory_space<semaphore_mem>>)
        %dma_wait3A_336 = arith.constant 0 : i32
        %dma_wait3A_337 = tpu.memref_slice %arg10[%add3A_97, %dma_wait3A_336] : memref<10240x128xf32, #tpu.memory_space<hbm>> -> memref<32x128xf32, #tpu.memory_space<hbm>>
        %dma_wait3A_338 = arith.constant 0 : i32
        %dma_wait3A_339 = tpu.memref_slice %arg10[%add3A_97, %dma_wait3A_338] : memref<10240x128xf32, #tpu.memory_space<hbm>> -> memref<32x128xf32, #tpu.memory_space<hbm>>
        tpu.wait_dma2 semaphore(%run_scoped3A : memref<!tpu.dma_semaphore, #tpu.memory_space<semaphore_mem>>) src(%arg25 : memref<32x128xf32, #tpu.memory_space<vmem>>) dst(%dma_wait3A_339 : memref<32x128xf32, #tpu.memory_space<hbm>>)
        tpu.yield
      }) : () -> ()
    } else {
    }
    %mul3A_108 = arith.constant 640 : i32
    %mul3A_109 = arith.muli %arg1, %mul3A_108 : i32
    %add3A_110 = arith.constant 128 : i32
    %add3A_111 = arith.addi %mul3A_109, %add3A_110 : i32
    "tpu.region"() ({
      %run_scoped3A = tpu.sem_alloc : memref<!tpu.dma_semaphore, #tpu.memory_space<semaphore_mem>>
      %dma_start3A_332 = arith.constant 0 : i32
      %dma_start3A_333 = tpu.memref_slice %arg26[%add3A_111, %dma_start3A_332] : memref<10240x128xf32, #tpu.memory_space<vmem_shared>> -> memref<32x128xf32, #tpu.memory_space<vmem_shared>>
      %dma_start3A_334 = arith.constant 0 : i32
      %dma_start3A_335 = tpu.memref_slice %arg26[%add3A_111, %dma_start3A_334] : memref<10240x128xf32, #tpu.memory_space<vmem_shared>> -> memref<32x128xf32, #tpu.memory_space<vmem_shared>>
      tpu.enqueue_dma source(%dma_start3A_335 : memref<32x128xf32, #tpu.memory_space<vmem_shared>>) target(%arg25 : memref<32x128xf32, #tpu.memory_space<vmem>>) target_semaphore(%run_scoped3A : memref<!tpu.dma_semaphore, #tpu.memory_space<semaphore_mem>>)
      %dma_wait3A_336 = arith.constant 0 : i32
      %dma_wait3A_337 = tpu.memref_slice %arg26[%add3A_111, %dma_wait3A_336] : memref<10240x128xf32, #tpu.memory_space<vmem_shared>> -> memref<32x128xf32, #tpu.memory_space<vmem_shared>>
      %dma_wait3A_338 = arith.constant 0 : i32
      %dma_wait3A_339 = tpu.memref_slice %arg26[%add3A_111, %dma_wait3A_338] : memref<10240x128xf32, #tpu.memory_space<vmem_shared>> -> memref<32x128xf32, #tpu.memory_space<vmem_shared>>
      tpu.wait_dma2 semaphore(%run_scoped3A : memref<!tpu.dma_semaphore, #tpu.memory_space<semaphore_mem>>) src(%dma_wait3A_339 : memref<32x128xf32, #tpu.memory_space<vmem_shared>>) dst(%arg25 : memref<32x128xf32, #tpu.memory_space<vmem>>)
      tpu.yield
    }) : () -> ()
    %eq3A_112 = arith.constant 0 : i32
    %eq3A_113 = arith.cmpi eq, %arg0, %eq3A_112 : i32
    %convert_element_type3A_114 = arith.extui %eq3A_113 : i1 to i32
    %cond3A_115 = arith.constant 0 : i32
    %cond3A_116 = arith.cmpi ne, %convert_element_type3A_114, %cond3A_115 : i32
    scf.if %cond3A_116 {
      "tpu.region"() ({
        %run_scoped3A = tpu.sem_alloc : memref<!tpu.dma_semaphore, #tpu.memory_space<semaphore_mem>>
        %dma_start3A_332 = arith.constant 0 : i32
        %dma_start3A_333 = tpu.memref_slice %arg9[%add3A_111, %dma_start3A_332] : memref<10240x128xf32, #tpu.memory_space<hbm>> -> memref<32x128xf32, #tpu.memory_space<hbm>>
        %dma_start3A_334 = arith.constant 0 : i32
        %dma_start3A_335 = tpu.memref_slice %arg9[%add3A_111, %dma_start3A_334] : memref<10240x128xf32, #tpu.memory_space<hbm>> -> memref<32x128xf32, #tpu.memory_space<hbm>>
        tpu.enqueue_dma source(%arg25 : memref<32x128xf32, #tpu.memory_space<vmem>>) target(%dma_start3A_335 : memref<32x128xf32, #tpu.memory_space<hbm>>) target_semaphore(%run_scoped3A : memref<!tpu.dma_semaphore, #tpu.memory_space<semaphore_mem>>)
        %dma_wait3A_336 = arith.constant 0 : i32
        %dma_wait3A_337 = tpu.memref_slice %arg9[%add3A_111, %dma_wait3A_336] : memref<10240x128xf32, #tpu.memory_space<hbm>> -> memref<32x128xf32, #tpu.memory_space<hbm>>
        %dma_wait3A_338 = arith.constant 0 : i32
        %dma_wait3A_339 = tpu.memref_slice %arg9[%add3A_111, %dma_wait3A_338] : memref<10240x128xf32, #tpu.memory_space<hbm>> -> memref<32x128xf32, #tpu.memory_space<hbm>>
        tpu.wait_dma2 semaphore(%run_scoped3A : memref<!tpu.dma_semaphore, #tpu.memory_space<semaphore_mem>>) src(%arg25 : memref<32x128xf32, #tpu.memory_space<vmem>>) dst(%dma_wait3A_339 : memref<32x128xf32, #tpu.memory_space<hbm>>)
        tpu.yield
      }) : () -> ()
    } else {
    }
    %eq3A_117 = arith.constant 1 : i32
    %eq3A_118 = arith.cmpi eq, %arg0, %eq3A_117 : i32
    %convert_element_type3A_119 = arith.extui %eq3A_118 : i1 to i32
    %cond3A_120 = arith.constant 0 : i32
    %cond3A_121 = arith.cmpi ne, %convert_element_type3A_119, %cond3A_120 : i32
    scf.if %cond3A_121 {
      "tpu.region"() ({
        %run_scoped3A = tpu.sem_alloc : memref<!tpu.dma_semaphore, #tpu.memory_space<semaphore_mem>>
        %dma_start3A_332 = arith.constant 0 : i32
        %dma_start3A_333 = tpu.memref_slice %arg10[%add3A_111, %dma_start3A_332] : memref<10240x128xf32, #tpu.memory_space<hbm>> -> memref<32x128xf32, #tpu.memory_space<hbm>>
        %dma_start3A_334 = arith.constant 0 : i32
        %dma_start3A_335 = tpu.memref_slice %arg10[%add3A_111, %dma_start3A_334] : memref<10240x128xf32, #tpu.memory_space<hbm>> -> memref<32x128xf32, #tpu.memory_space<hbm>>
        tpu.enqueue_dma source(%arg25 : memref<32x128xf32, #tpu.memory_space<vmem>>) target(%dma_start3A_335 : memref<32x128xf32, #tpu.memory_space<hbm>>) target_semaphore(%run_scoped3A : memref<!tpu.dma_semaphore, #tpu.memory_space<semaphore_mem>>)
        %dma_wait3A_336 = arith.constant 0 : i32
        %dma_wait3A_337 = tpu.memref_slice %arg10[%add3A_111, %dma_wait3A_336] : memref<10240x128xf32, #tpu.memory_space<hbm>> -> memref<32x128xf32, #tpu.memory_space<hbm>>
        %dma_wait3A_338 = arith.constant 0 : i32
        %dma_wait3A_339 = tpu.memref_slice %arg10[%add3A_111, %dma_wait3A_338] : memref<10240x128xf32, #tpu.memory_space<hbm>> -> memref<32x128xf32, #tpu.memory_space<hbm>>
        tpu.wait_dma2 semaphore(%run_scoped3A : memref<!tpu.dma_semaphore, #tpu.memory_space<semaphore_mem>>) src(%arg25 : memref<32x128xf32, #tpu.memory_space<vmem>>) dst(%dma_wait3A_339 : memref<32x128xf32, #tpu.memory_space<hbm>>)
        tpu.yield
      }) : () -> ()
    } else {
    }
    %mul3A_122 = arith.constant 640 : i32
    %mul3A_123 = arith.muli %arg1, %mul3A_122 : i32
    %add3A_124 = arith.constant 160 : i32
    %add3A_125 = arith.addi %mul3A_123, %add3A_124 : i32
    "tpu.region"() ({
      %run_scoped3A = tpu.sem_alloc : memref<!tpu.dma_semaphore, #tpu.memory_space<semaphore_mem>>
      %dma_start3A_332 = arith.constant 0 : i32
      %dma_start3A_333 = tpu.memref_slice %arg26[%add3A_125, %dma_start3A_332] : memref<10240x128xf32, #tpu.memory_space<vmem_shared>> -> memref<32x128xf32, #tpu.memory_space<vmem_shared>>
      %dma_start3A_334 = arith.constant 0 : i32
      %dma_start3A_335 = tpu.memref_slice %arg26[%add3A_125, %dma_start3A_334] : memref<10240x128xf32, #tpu.memory_space<vmem_shared>> -> memref<32x128xf32, #tpu.memory_space<vmem_shared>>
      tpu.enqueue_dma source(%dma_start3A_335 : memref<32x128xf32, #tpu.memory_space<vmem_shared>>) target(%arg25 : memref<32x128xf32, #tpu.memory_space<vmem>>) target_semaphore(%run_scoped3A : memref<!tpu.dma_semaphore, #tpu.memory_space<semaphore_mem>>)
      %dma_wait3A_336 = arith.constant 0 : i32
      %dma_wait3A_337 = tpu.memref_slice %arg26[%add3A_125, %dma_wait3A_336] : memref<10240x128xf32, #tpu.memory_space<vmem_shared>> -> memref<32x128xf32, #tpu.memory_space<vmem_shared>>
      %dma_wait3A_338 = arith.constant 0 : i32
      %dma_wait3A_339 = tpu.memref_slice %arg26[%add3A_125, %dma_wait3A_338] : memref<10240x128xf32, #tpu.memory_space<vmem_shared>> -> memref<32x128xf32, #tpu.memory_space<vmem_shared>>
      tpu.wait_dma2 semaphore(%run_scoped3A : memref<!tpu.dma_semaphore, #tpu.memory_space<semaphore_mem>>) src(%dma_wait3A_339 : memref<32x128xf32, #tpu.memory_space<vmem_shared>>) dst(%arg25 : memref<32x128xf32, #tpu.memory_space<vmem>>)
      tpu.yield
    }) : () -> ()
    %eq3A_126 = arith.constant 0 : i32
    %eq3A_127 = arith.cmpi eq, %arg0, %eq3A_126 : i32
    %convert_element_type3A_128 = arith.extui %eq3A_127 : i1 to i32
    %cond3A_129 = arith.constant 0 : i32
    %cond3A_130 = arith.cmpi ne, %convert_element_type3A_128, %cond3A_129 : i32
    scf.if %cond3A_130 {
      "tpu.region"() ({
        %run_scoped3A = tpu.sem_alloc : memref<!tpu.dma_semaphore, #tpu.memory_space<semaphore_mem>>
        %dma_start3A_332 = arith.constant 0 : i32
        %dma_start3A_333 = tpu.memref_slice %arg9[%add3A_125, %dma_start3A_332] : memref<10240x128xf32, #tpu.memory_space<hbm>> -> memref<32x128xf32, #tpu.memory_space<hbm>>
        %dma_start3A_334 = arith.constant 0 : i32
        %dma_start3A_335 = tpu.memref_slice %arg9[%add3A_125, %dma_start3A_334] : memref<10240x128xf32, #tpu.memory_space<hbm>> -> memref<32x128xf32, #tpu.memory_space<hbm>>
        tpu.enqueue_dma source(%arg25 : memref<32x128xf32, #tpu.memory_space<vmem>>) target(%dma_start3A_335 : memref<32x128xf32, #tpu.memory_space<hbm>>) target_semaphore(%run_scoped3A : memref<!tpu.dma_semaphore, #tpu.memory_space<semaphore_mem>>)
        %dma_wait3A_336 = arith.constant 0 : i32
        %dma_wait3A_337 = tpu.memref_slice %arg9[%add3A_125, %dma_wait3A_336] : memref<10240x128xf32, #tpu.memory_space<hbm>> -> memref<32x128xf32, #tpu.memory_space<hbm>>
        %dma_wait3A_338 = arith.constant 0 : i32
        %dma_wait3A_339 = tpu.memref_slice %arg9[%add3A_125, %dma_wait3A_338] : memref<10240x128xf32, #tpu.memory_space<hbm>> -> memref<32x128xf32, #tpu.memory_space<hbm>>
        tpu.wait_dma2 semaphore(%run_scoped3A : memref<!tpu.dma_semaphore, #tpu.memory_space<semaphore_mem>>) src(%arg25 : memref<32x128xf32, #tpu.memory_space<vmem>>) dst(%dma_wait3A_339 : memref<32x128xf32, #tpu.memory_space<hbm>>)
        tpu.yield
      }) : () -> ()
    } else {
    }
    %eq3A_131 = arith.constant 1 : i32
    %eq3A_132 = arith.cmpi eq, %arg0, %eq3A_131 : i32
    %convert_element_type3A_133 = arith.extui %eq3A_132 : i1 to i32
    %cond3A_134 = arith.constant 0 : i32
    %cond3A_135 = arith.cmpi ne, %convert_element_type3A_133, %cond3A_134 : i32
    scf.if %cond3A_135 {
      "tpu.region"() ({
        %run_scoped3A = tpu.sem_alloc : memref<!tpu.dma_semaphore, #tpu.memory_space<semaphore_mem>>
        %dma_start3A_332 = arith.constant 0 : i32
        %dma_start3A_333 = tpu.memref_slice %arg10[%add3A_125, %dma_start3A_332] : memref<10240x128xf32, #tpu.memory_space<hbm>> -> memref<32x128xf32, #tpu.memory_space<hbm>>
        %dma_start3A_334 = arith.constant 0 : i32
        %dma_start3A_335 = tpu.memref_slice %arg10[%add3A_125, %dma_start3A_334] : memref<10240x128xf32, #tpu.memory_space<hbm>> -> memref<32x128xf32, #tpu.memory_space<hbm>>
        tpu.enqueue_dma source(%arg25 : memref<32x128xf32, #tpu.memory_space<vmem>>) target(%dma_start3A_335 : memref<32x128xf32, #tpu.memory_space<hbm>>) target_semaphore(%run_scoped3A : memref<!tpu.dma_semaphore, #tpu.memory_space<semaphore_mem>>)
        %dma_wait3A_336 = arith.constant 0 : i32
        %dma_wait3A_337 = tpu.memref_slice %arg10[%add3A_125, %dma_wait3A_336] : memref<10240x128xf32, #tpu.memory_space<hbm>> -> memref<32x128xf32, #tpu.memory_space<hbm>>
        %dma_wait3A_338 = arith.constant 0 : i32
        %dma_wait3A_339 = tpu.memref_slice %arg10[%add3A_125, %dma_wait3A_338] : memref<10240x128xf32, #tpu.memory_space<hbm>> -> memref<32x128xf32, #tpu.memory_space<hbm>>
        tpu.wait_dma2 semaphore(%run_scoped3A : memref<!tpu.dma_semaphore, #tpu.memory_space<semaphore_mem>>) src(%arg25 : memref<32x128xf32, #tpu.memory_space<vmem>>) dst(%dma_wait3A_339 : memref<32x128xf32, #tpu.memory_space<hbm>>)
        tpu.yield
      }) : () -> ()
    } else {
    }
    %mul3A_136 = arith.constant 640 : i32
    %mul3A_137 = arith.muli %arg1, %mul3A_136 : i32
    %add3A_138 = arith.constant 192 : i32
    %add3A_139 = arith.addi %mul3A_137, %add3A_138 : i32
    "tpu.region"() ({
      %run_scoped3A = tpu.sem_alloc : memref<!tpu.dma_semaphore, #tpu.memory_space<semaphore_mem>>
      %dma_start3A_332 = arith.constant 0 : i32
      %dma_start3A_333 = tpu.memref_slice %arg26[%add3A_139, %dma_start3A_332] : memref<10240x128xf32, #tpu.memory_space<vmem_shared>> -> memref<32x128xf32, #tpu.memory_space<vmem_shared>>
      %dma_start3A_334 = arith.constant 0 : i32
      %dma_start3A_335 = tpu.memref_slice %arg26[%add3A_139, %dma_start3A_334] : memref<10240x128xf32, #tpu.memory_space<vmem_shared>> -> memref<32x128xf32, #tpu.memory_space<vmem_shared>>
      tpu.enqueue_dma source(%dma_start3A_335 : memref<32x128xf32, #tpu.memory_space<vmem_shared>>) target(%arg25 : memref<32x128xf32, #tpu.memory_space<vmem>>) target_semaphore(%run_scoped3A : memref<!tpu.dma_semaphore, #tpu.memory_space<semaphore_mem>>)
      %dma_wait3A_336 = arith.constant 0 : i32
      %dma_wait3A_337 = tpu.memref_slice %arg26[%add3A_139, %dma_wait3A_336] : memref<10240x128xf32, #tpu.memory_space<vmem_shared>> -> memref<32x128xf32, #tpu.memory_space<vmem_shared>>
      %dma_wait3A_338 = arith.constant 0 : i32
      %dma_wait3A_339 = tpu.memref_slice %arg26[%add3A_139, %dma_wait3A_338] : memref<10240x128xf32, #tpu.memory_space<vmem_shared>> -> memref<32x128xf32, #tpu.memory_space<vmem_shared>>
      tpu.wait_dma2 semaphore(%run_scoped3A : memref<!tpu.dma_semaphore, #tpu.memory_space<semaphore_mem>>) src(%dma_wait3A_339 : memref<32x128xf32, #tpu.memory_space<vmem_shared>>) dst(%arg25 : memref<32x128xf32, #tpu.memory_space<vmem>>)
      tpu.yield
    }) : () -> ()
    %eq3A_140 = arith.constant 0 : i32
    %eq3A_141 = arith.cmpi eq, %arg0, %eq3A_140 : i32
    %convert_element_type3A_142 = arith.extui %eq3A_141 : i1 to i32
    %cond3A_143 = arith.constant 0 : i32
    %cond3A_144 = arith.cmpi ne, %convert_element_type3A_142, %cond3A_143 : i32
    scf.if %cond3A_144 {
      "tpu.region"() ({
        %run_scoped3A = tpu.sem_alloc : memref<!tpu.dma_semaphore, #tpu.memory_space<semaphore_mem>>
        %dma_start3A_332 = arith.constant 0 : i32
        %dma_start3A_333 = tpu.memref_slice %arg9[%add3A_139, %dma_start3A_332] : memref<10240x128xf32, #tpu.memory_space<hbm>> -> memref<32x128xf32, #tpu.memory_space<hbm>>
        %dma_start3A_334 = arith.constant 0 : i32
        %dma_start3A_335 = tpu.memref_slice %arg9[%add3A_139, %dma_start3A_334] : memref<10240x128xf32, #tpu.memory_space<hbm>> -> memref<32x128xf32, #tpu.memory_space<hbm>>
        tpu.enqueue_dma source(%arg25 : memref<32x128xf32, #tpu.memory_space<vmem>>) target(%dma_start3A_335 : memref<32x128xf32, #tpu.memory_space<hbm>>) target_semaphore(%run_scoped3A : memref<!tpu.dma_semaphore, #tpu.memory_space<semaphore_mem>>)
        %dma_wait3A_336 = arith.constant 0 : i32
        %dma_wait3A_337 = tpu.memref_slice %arg9[%add3A_139, %dma_wait3A_336] : memref<10240x128xf32, #tpu.memory_space<hbm>> -> memref<32x128xf32, #tpu.memory_space<hbm>>
        %dma_wait3A_338 = arith.constant 0 : i32
        %dma_wait3A_339 = tpu.memref_slice %arg9[%add3A_139, %dma_wait3A_338] : memref<10240x128xf32, #tpu.memory_space<hbm>> -> memref<32x128xf32, #tpu.memory_space<hbm>>
        tpu.wait_dma2 semaphore(%run_scoped3A : memref<!tpu.dma_semaphore, #tpu.memory_space<semaphore_mem>>) src(%arg25 : memref<32x128xf32, #tpu.memory_space<vmem>>) dst(%dma_wait3A_339 : memref<32x128xf32, #tpu.memory_space<hbm>>)
        tpu.yield
      }) : () -> ()
    } else {
    }
    %eq3A_145 = arith.constant 1 : i32
    %eq3A_146 = arith.cmpi eq, %arg0, %eq3A_145 : i32
    %convert_element_type3A_147 = arith.extui %eq3A_146 : i1 to i32
    %cond3A_148 = arith.constant 0 : i32
    %cond3A_149 = arith.cmpi ne, %convert_element_type3A_147, %cond3A_148 : i32
    scf.if %cond3A_149 {
      "tpu.region"() ({
        %run_scoped3A = tpu.sem_alloc : memref<!tpu.dma_semaphore, #tpu.memory_space<semaphore_mem>>
        %dma_start3A_332 = arith.constant 0 : i32
        %dma_start3A_333 = tpu.memref_slice %arg10[%add3A_139, %dma_start3A_332] : memref<10240x128xf32, #tpu.memory_space<hbm>> -> memref<32x128xf32, #tpu.memory_space<hbm>>
        %dma_start3A_334 = arith.constant 0 : i32
        %dma_start3A_335 = tpu.memref_slice %arg10[%add3A_139, %dma_start3A_334] : memref<10240x128xf32, #tpu.memory_space<hbm>> -> memref<32x128xf32, #tpu.memory_space<hbm>>
        tpu.enqueue_dma source(%arg25 : memref<32x128xf32, #tpu.memory_space<vmem>>) target(%dma_start3A_335 : memref<32x128xf32, #tpu.memory_space<hbm>>) target_semaphore(%run_scoped3A : memref<!tpu.dma_semaphore, #tpu.memory_space<semaphore_mem>>)
        %dma_wait3A_336 = arith.constant 0 : i32
        %dma_wait3A_337 = tpu.memref_slice %arg10[%add3A_139, %dma_wait3A_336] : memref<10240x128xf32, #tpu.memory_space<hbm>> -> memref<32x128xf32, #tpu.memory_space<hbm>>
        %dma_wait3A_338 = arith.constant 0 : i32
        %dma_wait3A_339 = tpu.memref_slice %arg10[%add3A_139, %dma_wait3A_338] : memref<10240x128xf32, #tpu.memory_space<hbm>> -> memref<32x128xf32, #tpu.memory_space<hbm>>
        tpu.wait_dma2 semaphore(%run_scoped3A : memref<!tpu.dma_semaphore, #tpu.memory_space<semaphore_mem>>) src(%arg25 : memref<32x128xf32, #tpu.memory_space<vmem>>) dst(%dma_wait3A_339 : memref<32x128xf32, #tpu.memory_space<hbm>>)
        tpu.yield
      }) : () -> ()
    } else {
    }
    %mul3A_150 = arith.constant 640 : i32
    %mul3A_151 = arith.muli %arg1, %mul3A_150 : i32
    %add3A_152 = arith.constant 224 : i32
    %add3A_153 = arith.addi %mul3A_151, %add3A_152 : i32
    "tpu.region"() ({
      %run_scoped3A = tpu.sem_alloc : memref<!tpu.dma_semaphore, #tpu.memory_space<semaphore_mem>>
      %dma_start3A_332 = arith.constant 0 : i32
      %dma_start3A_333 = tpu.memref_slice %arg26[%add3A_153, %dma_start3A_332] : memref<10240x128xf32, #tpu.memory_space<vmem_shared>> -> memref<32x128xf32, #tpu.memory_space<vmem_shared>>
      %dma_start3A_334 = arith.constant 0 : i32
      %dma_start3A_335 = tpu.memref_slice %arg26[%add3A_153, %dma_start3A_334] : memref<10240x128xf32, #tpu.memory_space<vmem_shared>> -> memref<32x128xf32, #tpu.memory_space<vmem_shared>>
      tpu.enqueue_dma source(%dma_start3A_335 : memref<32x128xf32, #tpu.memory_space<vmem_shared>>) target(%arg25 : memref<32x128xf32, #tpu.memory_space<vmem>>) target_semaphore(%run_scoped3A : memref<!tpu.dma_semaphore, #tpu.memory_space<semaphore_mem>>)
      %dma_wait3A_336 = arith.constant 0 : i32
      %dma_wait3A_337 = tpu.memref_slice %arg26[%add3A_153, %dma_wait3A_336] : memref<10240x128xf32, #tpu.memory_space<vmem_shared>> -> memref<32x128xf32, #tpu.memory_space<vmem_shared>>
      %dma_wait3A_338 = arith.constant 0 : i32
      %dma_wait3A_339 = tpu.memref_slice %arg26[%add3A_153, %dma_wait3A_338] : memref<10240x128xf32, #tpu.memory_space<vmem_shared>> -> memref<32x128xf32, #tpu.memory_space<vmem_shared>>
      tpu.wait_dma2 semaphore(%run_scoped3A : memref<!tpu.dma_semaphore, #tpu.memory_space<semaphore_mem>>) src(%dma_wait3A_339 : memref<32x128xf32, #tpu.memory_space<vmem_shared>>) dst(%arg25 : memref<32x128xf32, #tpu.memory_space<vmem>>)
      tpu.yield
    }) : () -> ()
    %eq3A_154 = arith.constant 0 : i32
    %eq3A_155 = arith.cmpi eq, %arg0, %eq3A_154 : i32
    %convert_element_type3A_156 = arith.extui %eq3A_155 : i1 to i32
    %cond3A_157 = arith.constant 0 : i32
    %cond3A_158 = arith.cmpi ne, %convert_element_type3A_156, %cond3A_157 : i32
    scf.if %cond3A_158 {
      "tpu.region"() ({
        %run_scoped3A = tpu.sem_alloc : memref<!tpu.dma_semaphore, #tpu.memory_space<semaphore_mem>>
        %dma_start3A_332 = arith.constant 0 : i32
        %dma_start3A_333 = tpu.memref_slice %arg9[%add3A_153, %dma_start3A_332] : memref<10240x128xf32, #tpu.memory_space<hbm>> -> memref<32x128xf32, #tpu.memory_space<hbm>>
        %dma_start3A_334 = arith.constant 0 : i32
        %dma_start3A_335 = tpu.memref_slice %arg9[%add3A_153, %dma_start3A_334] : memref<10240x128xf32, #tpu.memory_space<hbm>> -> memref<32x128xf32, #tpu.memory_space<hbm>>
        tpu.enqueue_dma source(%arg25 : memref<32x128xf32, #tpu.memory_space<vmem>>) target(%dma_start3A_335 : memref<32x128xf32, #tpu.memory_space<hbm>>) target_semaphore(%run_scoped3A : memref<!tpu.dma_semaphore, #tpu.memory_space<semaphore_mem>>)
        %dma_wait3A_336 = arith.constant 0 : i32
        %dma_wait3A_337 = tpu.memref_slice %arg9[%add3A_153, %dma_wait3A_336] : memref<10240x128xf32, #tpu.memory_space<hbm>> -> memref<32x128xf32, #tpu.memory_space<hbm>>
        %dma_wait3A_338 = arith.constant 0 : i32
        %dma_wait3A_339 = tpu.memref_slice %arg9[%add3A_153, %dma_wait3A_338] : memref<10240x128xf32, #tpu.memory_space<hbm>> -> memref<32x128xf32, #tpu.memory_space<hbm>>
        tpu.wait_dma2 semaphore(%run_scoped3A : memref<!tpu.dma_semaphore, #tpu.memory_space<semaphore_mem>>) src(%arg25 : memref<32x128xf32, #tpu.memory_space<vmem>>) dst(%dma_wait3A_339 : memref<32x128xf32, #tpu.memory_space<hbm>>)
        tpu.yield
      }) : () -> ()
    } else {
    }
    %eq3A_159 = arith.constant 1 : i32
    %eq3A_160 = arith.cmpi eq, %arg0, %eq3A_159 : i32
    %convert_element_type3A_161 = arith.extui %eq3A_160 : i1 to i32
    %cond3A_162 = arith.constant 0 : i32
    %cond3A_163 = arith.cmpi ne, %convert_element_type3A_161, %cond3A_162 : i32
    scf.if %cond3A_163 {
      "tpu.region"() ({
        %run_scoped3A = tpu.sem_alloc : memref<!tpu.dma_semaphore, #tpu.memory_space<semaphore_mem>>
        %dma_start3A_332 = arith.constant 0 : i32
        %dma_start3A_333 = tpu.memref_slice %arg10[%add3A_153, %dma_start3A_332] : memref<10240x128xf32, #tpu.memory_space<hbm>> -> memref<32x128xf32, #tpu.memory_space<hbm>>
        %dma_start3A_334 = arith.constant 0 : i32
        %dma_start3A_335 = tpu.memref_slice %arg10[%add3A_153, %dma_start3A_334] : memref<10240x128xf32, #tpu.memory_space<hbm>> -> memref<32x128xf32, #tpu.memory_space<hbm>>
        tpu.enqueue_dma source(%arg25 : memref<32x128xf32, #tpu.memory_space<vmem>>) target(%dma_start3A_335 : memref<32x128xf32, #tpu.memory_space<hbm>>) target_semaphore(%run_scoped3A : memref<!tpu.dma_semaphore, #tpu.memory_space<semaphore_mem>>)
        %dma_wait3A_336 = arith.constant 0 : i32
        %dma_wait3A_337 = tpu.memref_slice %arg10[%add3A_153, %dma_wait3A_336] : memref<10240x128xf32, #tpu.memory_space<hbm>> -> memref<32x128xf32, #tpu.memory_space<hbm>>
        %dma_wait3A_338 = arith.constant 0 : i32
        %dma_wait3A_339 = tpu.memref_slice %arg10[%add3A_153, %dma_wait3A_338] : memref<10240x128xf32, #tpu.memory_space<hbm>> -> memref<32x128xf32, #tpu.memory_space<hbm>>
        tpu.wait_dma2 semaphore(%run_scoped3A : memref<!tpu.dma_semaphore, #tpu.memory_space<semaphore_mem>>) src(%arg25 : memref<32x128xf32, #tpu.memory_space<vmem>>) dst(%dma_wait3A_339 : memref<32x128xf32, #tpu.memory_space<hbm>>)
        tpu.yield
      }) : () -> ()
    } else {
    }
    %mul3A_164 = arith.constant 640 : i32
    %mul3A_165 = arith.muli %arg1, %mul3A_164 : i32
    %add3A_166 = arith.constant 256 : i32
    %add3A_167 = arith.addi %mul3A_165, %add3A_166 : i32
    "tpu.region"() ({
      %run_scoped3A = tpu.sem_alloc : memref<!tpu.dma_semaphore, #tpu.memory_space<semaphore_mem>>
      %dma_start3A_332 = arith.constant 0 : i32
      %dma_start3A_333 = tpu.memref_slice %arg26[%add3A_167, %dma_start3A_332] : memref<10240x128xf32, #tpu.memory_space<vmem_shared>> -> memref<32x128xf32, #tpu.memory_space<vmem_shared>>
      %dma_start3A_334 = arith.constant 0 : i32
      %dma_start3A_335 = tpu.memref_slice %arg26[%add3A_167, %dma_start3A_334] : memref<10240x128xf32, #tpu.memory_space<vmem_shared>> -> memref<32x128xf32, #tpu.memory_space<vmem_shared>>
      tpu.enqueue_dma source(%dma_start3A_335 : memref<32x128xf32, #tpu.memory_space<vmem_shared>>) target(%arg25 : memref<32x128xf32, #tpu.memory_space<vmem>>) target_semaphore(%run_scoped3A : memref<!tpu.dma_semaphore, #tpu.memory_space<semaphore_mem>>)
      %dma_wait3A_336 = arith.constant 0 : i32
      %dma_wait3A_337 = tpu.memref_slice %arg26[%add3A_167, %dma_wait3A_336] : memref<10240x128xf32, #tpu.memory_space<vmem_shared>> -> memref<32x128xf32, #tpu.memory_space<vmem_shared>>
      %dma_wait3A_338 = arith.constant 0 : i32
      %dma_wait3A_339 = tpu.memref_slice %arg26[%add3A_167, %dma_wait3A_338] : memref<10240x128xf32, #tpu.memory_space<vmem_shared>> -> memref<32x128xf32, #tpu.memory_space<vmem_shared>>
      tpu.wait_dma2 semaphore(%run_scoped3A : memref<!tpu.dma_semaphore, #tpu.memory_space<semaphore_mem>>) src(%dma_wait3A_339 : memref<32x128xf32, #tpu.memory_space<vmem_shared>>) dst(%arg25 : memref<32x128xf32, #tpu.memory_space<vmem>>)
      tpu.yield
    }) : () -> ()
    %eq3A_168 = arith.constant 0 : i32
    %eq3A_169 = arith.cmpi eq, %arg0, %eq3A_168 : i32
    %convert_element_type3A_170 = arith.extui %eq3A_169 : i1 to i32
    %cond3A_171 = arith.constant 0 : i32
    %cond3A_172 = arith.cmpi ne, %convert_element_type3A_170, %cond3A_171 : i32
    scf.if %cond3A_172 {
      "tpu.region"() ({
        %run_scoped3A = tpu.sem_alloc : memref<!tpu.dma_semaphore, #tpu.memory_space<semaphore_mem>>
        %dma_start3A_332 = arith.constant 0 : i32
        %dma_start3A_333 = tpu.memref_slice %arg9[%add3A_167, %dma_start3A_332] : memref<10240x128xf32, #tpu.memory_space<hbm>> -> memref<32x128xf32, #tpu.memory_space<hbm>>
        %dma_start3A_334 = arith.constant 0 : i32
        %dma_start3A_335 = tpu.memref_slice %arg9[%add3A_167, %dma_start3A_334] : memref<10240x128xf32, #tpu.memory_space<hbm>> -> memref<32x128xf32, #tpu.memory_space<hbm>>
        tpu.enqueue_dma source(%arg25 : memref<32x128xf32, #tpu.memory_space<vmem>>) target(%dma_start3A_335 : memref<32x128xf32, #tpu.memory_space<hbm>>) target_semaphore(%run_scoped3A : memref<!tpu.dma_semaphore, #tpu.memory_space<semaphore_mem>>)
        %dma_wait3A_336 = arith.constant 0 : i32
        %dma_wait3A_337 = tpu.memref_slice %arg9[%add3A_167, %dma_wait3A_336] : memref<10240x128xf32, #tpu.memory_space<hbm>> -> memref<32x128xf32, #tpu.memory_space<hbm>>
        %dma_wait3A_338 = arith.constant 0 : i32
        %dma_wait3A_339 = tpu.memref_slice %arg9[%add3A_167, %dma_wait3A_338] : memref<10240x128xf32, #tpu.memory_space<hbm>> -> memref<32x128xf32, #tpu.memory_space<hbm>>
        tpu.wait_dma2 semaphore(%run_scoped3A : memref<!tpu.dma_semaphore, #tpu.memory_space<semaphore_mem>>) src(%arg25 : memref<32x128xf32, #tpu.memory_space<vmem>>) dst(%dma_wait3A_339 : memref<32x128xf32, #tpu.memory_space<hbm>>)
        tpu.yield
      }) : () -> ()
    } else {
    }
    %eq3A_173 = arith.constant 1 : i32
    %eq3A_174 = arith.cmpi eq, %arg0, %eq3A_173 : i32
    %convert_element_type3A_175 = arith.extui %eq3A_174 : i1 to i32
    %cond3A_176 = arith.constant 0 : i32
    %cond3A_177 = arith.cmpi ne, %convert_element_type3A_175, %cond3A_176 : i32
    scf.if %cond3A_177 {
      "tpu.region"() ({
        %run_scoped3A = tpu.sem_alloc : memref<!tpu.dma_semaphore, #tpu.memory_space<semaphore_mem>>
        %dma_start3A_332 = arith.constant 0 : i32
        %dma_start3A_333 = tpu.memref_slice %arg10[%add3A_167, %dma_start3A_332] : memref<10240x128xf32, #tpu.memory_space<hbm>> -> memref<32x128xf32, #tpu.memory_space<hbm>>
        %dma_start3A_334 = arith.constant 0 : i32
        %dma_start3A_335 = tpu.memref_slice %arg10[%add3A_167, %dma_start3A_334] : memref<10240x128xf32, #tpu.memory_space<hbm>> -> memref<32x128xf32, #tpu.memory_space<hbm>>
        tpu.enqueue_dma source(%arg25 : memref<32x128xf32, #tpu.memory_space<vmem>>) target(%dma_start3A_335 : memref<32x128xf32, #tpu.memory_space<hbm>>) target_semaphore(%run_scoped3A : memref<!tpu.dma_semaphore, #tpu.memory_space<semaphore_mem>>)
        %dma_wait3A_336 = arith.constant 0 : i32
        %dma_wait3A_337 = tpu.memref_slice %arg10[%add3A_167, %dma_wait3A_336] : memref<10240x128xf32, #tpu.memory_space<hbm>> -> memref<32x128xf32, #tpu.memory_space<hbm>>
        %dma_wait3A_338 = arith.constant 0 : i32
        %dma_wait3A_339 = tpu.memref_slice %arg10[%add3A_167, %dma_wait3A_338] : memref<10240x128xf32, #tpu.memory_space<hbm>> -> memref<32x128xf32, #tpu.memory_space<hbm>>
        tpu.wait_dma2 semaphore(%run_scoped3A : memref<!tpu.dma_semaphore, #tpu.memory_space<semaphore_mem>>) src(%arg25 : memref<32x128xf32, #tpu.memory_space<vmem>>) dst(%dma_wait3A_339 : memref<32x128xf32, #tpu.memory_space<hbm>>)
        tpu.yield
      }) : () -> ()
    } else {
    }
    %mul3A_178 = arith.constant 640 : i32
    %mul3A_179 = arith.muli %arg1, %mul3A_178 : i32
    %add3A_180 = arith.constant 288 : i32
    %add3A_181 = arith.addi %mul3A_179, %add3A_180 : i32
    "tpu.region"() ({
      %run_scoped3A = tpu.sem_alloc : memref<!tpu.dma_semaphore, #tpu.memory_space<semaphore_mem>>
      %dma_start3A_332 = arith.constant 0 : i32
      %dma_start3A_333 = tpu.memref_slice %arg26[%add3A_181, %dma_start3A_332] : memref<10240x128xf32, #tpu.memory_space<vmem_shared>> -> memref<32x128xf32, #tpu.memory_space<vmem_shared>>
      %dma_start3A_334 = arith.constant 0 : i32
      %dma_start3A_335 = tpu.memref_slice %arg26[%add3A_181, %dma_start3A_334] : memref<10240x128xf32, #tpu.memory_space<vmem_shared>> -> memref<32x128xf32, #tpu.memory_space<vmem_shared>>
      tpu.enqueue_dma source(%dma_start3A_335 : memref<32x128xf32, #tpu.memory_space<vmem_shared>>) target(%arg25 : memref<32x128xf32, #tpu.memory_space<vmem>>) target_semaphore(%run_scoped3A : memref<!tpu.dma_semaphore, #tpu.memory_space<semaphore_mem>>)
      %dma_wait3A_336 = arith.constant 0 : i32
      %dma_wait3A_337 = tpu.memref_slice %arg26[%add3A_181, %dma_wait3A_336] : memref<10240x128xf32, #tpu.memory_space<vmem_shared>> -> memref<32x128xf32, #tpu.memory_space<vmem_shared>>
      %dma_wait3A_338 = arith.constant 0 : i32
      %dma_wait3A_339 = tpu.memref_slice %arg26[%add3A_181, %dma_wait3A_338] : memref<10240x128xf32, #tpu.memory_space<vmem_shared>> -> memref<32x128xf32, #tpu.memory_space<vmem_shared>>
      tpu.wait_dma2 semaphore(%run_scoped3A : memref<!tpu.dma_semaphore, #tpu.memory_space<semaphore_mem>>) src(%dma_wait3A_339 : memref<32x128xf32, #tpu.memory_space<vmem_shared>>) dst(%arg25 : memref<32x128xf32, #tpu.memory_space<vmem>>)
      tpu.yield
    }) : () -> ()
    %eq3A_182 = arith.constant 0 : i32
    %eq3A_183 = arith.cmpi eq, %arg0, %eq3A_182 : i32
    %convert_element_type3A_184 = arith.extui %eq3A_183 : i1 to i32
    %cond3A_185 = arith.constant 0 : i32
    %cond3A_186 = arith.cmpi ne, %convert_element_type3A_184, %cond3A_185 : i32
    scf.if %cond3A_186 {
      "tpu.region"() ({
        %run_scoped3A = tpu.sem_alloc : memref<!tpu.dma_semaphore, #tpu.memory_space<semaphore_mem>>
        %dma_start3A_332 = arith.constant 0 : i32
        %dma_start3A_333 = tpu.memref_slice %arg9[%add3A_181, %dma_start3A_332] : memref<10240x128xf32, #tpu.memory_space<hbm>> -> memref<32x128xf32, #tpu.memory_space<hbm>>
        %dma_start3A_334 = arith.constant 0 : i32
        %dma_start3A_335 = tpu.memref_slice %arg9[%add3A_181, %dma_start3A_334] : memref<10240x128xf32, #tpu.memory_space<hbm>> -> memref<32x128xf32, #tpu.memory_space<hbm>>
        tpu.enqueue_dma source(%arg25 : memref<32x128xf32, #tpu.memory_space<vmem>>) target(%dma_start3A_335 : memref<32x128xf32, #tpu.memory_space<hbm>>) target_semaphore(%run_scoped3A : memref<!tpu.dma_semaphore, #tpu.memory_space<semaphore_mem>>)
        %dma_wait3A_336 = arith.constant 0 : i32
        %dma_wait3A_337 = tpu.memref_slice %arg9[%add3A_181, %dma_wait3A_336] : memref<10240x128xf32, #tpu.memory_space<hbm>> -> memref<32x128xf32, #tpu.memory_space<hbm>>
        %dma_wait3A_338 = arith.constant 0 : i32
        %dma_wait3A_339 = tpu.memref_slice %arg9[%add3A_181, %dma_wait3A_338] : memref<10240x128xf32, #tpu.memory_space<hbm>> -> memref<32x128xf32, #tpu.memory_space<hbm>>
        tpu.wait_dma2 semaphore(%run_scoped3A : memref<!tpu.dma_semaphore, #tpu.memory_space<semaphore_mem>>) src(%arg25 : memref<32x128xf32, #tpu.memory_space<vmem>>) dst(%dma_wait3A_339 : memref<32x128xf32, #tpu.memory_space<hbm>>)
        tpu.yield
      }) : () -> ()
    } else {
    }
    %eq3A_187 = arith.constant 1 : i32
    %eq3A_188 = arith.cmpi eq, %arg0, %eq3A_187 : i32
    %convert_element_type3A_189 = arith.extui %eq3A_188 : i1 to i32
    %cond3A_190 = arith.constant 0 : i32
    %cond3A_191 = arith.cmpi ne, %convert_element_type3A_189, %cond3A_190 : i32
    scf.if %cond3A_191 {
      "tpu.region"() ({
        %run_scoped3A = tpu.sem_alloc : memref<!tpu.dma_semaphore, #tpu.memory_space<semaphore_mem>>
        %dma_start3A_332 = arith.constant 0 : i32
        %dma_start3A_333 = tpu.memref_slice %arg10[%add3A_181, %dma_start3A_332] : memref<10240x128xf32, #tpu.memory_space<hbm>> -> memref<32x128xf32, #tpu.memory_space<hbm>>
        %dma_start3A_334 = arith.constant 0 : i32
        %dma_start3A_335 = tpu.memref_slice %arg10[%add3A_181, %dma_start3A_334] : memref<10240x128xf32, #tpu.memory_space<hbm>> -> memref<32x128xf32, #tpu.memory_space<hbm>>
        tpu.enqueue_dma source(%arg25 : memref<32x128xf32, #tpu.memory_space<vmem>>) target(%dma_start3A_335 : memref<32x128xf32, #tpu.memory_space<hbm>>) target_semaphore(%run_scoped3A : memref<!tpu.dma_semaphore, #tpu.memory_space<semaphore_mem>>)
        %dma_wait3A_336 = arith.constant 0 : i32
        %dma_wait3A_337 = tpu.memref_slice %arg10[%add3A_181, %dma_wait3A_336] : memref<10240x128xf32, #tpu.memory_space<hbm>> -> memref<32x128xf32, #tpu.memory_space<hbm>>
        %dma_wait3A_338 = arith.constant 0 : i32
        %dma_wait3A_339 = tpu.memref_slice %arg10[%add3A_181, %dma_wait3A_338] : memref<10240x128xf32, #tpu.memory_space<hbm>> -> memref<32x128xf32, #tpu.memory_space<hbm>>
        tpu.wait_dma2 semaphore(%run_scoped3A : memref<!tpu.dma_semaphore, #tpu.memory_space<semaphore_mem>>) src(%arg25 : memref<32x128xf32, #tpu.memory_space<vmem>>) dst(%dma_wait3A_339 : memref<32x128xf32, #tpu.memory_space<hbm>>)
        tpu.yield
      }) : () -> ()
    } else {
    }
    %mul3A_192 = arith.constant 640 : i32
    %mul3A_193 = arith.muli %arg1, %mul3A_192 : i32
    %add3A_194 = arith.constant 320 : i32
    %add3A_195 = arith.addi %mul3A_193, %add3A_194 : i32
    "tpu.region"() ({
      %run_scoped3A = tpu.sem_alloc : memref<!tpu.dma_semaphore, #tpu.memory_space<semaphore_mem>>
      %dma_start3A_332 = arith.constant 0 : i32
      %dma_start3A_333 = tpu.memref_slice %arg26[%add3A_195, %dma_start3A_332] : memref<10240x128xf32, #tpu.memory_space<vmem_shared>> -> memref<32x128xf32, #tpu.memory_space<vmem_shared>>
      %dma_start3A_334 = arith.constant 0 : i32
      %dma_start3A_335 = tpu.memref_slice %arg26[%add3A_195, %dma_start3A_334] : memref<10240x128xf32, #tpu.memory_space<vmem_shared>> -> memref<32x128xf32, #tpu.memory_space<vmem_shared>>
      tpu.enqueue_dma source(%dma_start3A_335 : memref<32x128xf32, #tpu.memory_space<vmem_shared>>) target(%arg25 : memref<32x128xf32, #tpu.memory_space<vmem>>) target_semaphore(%run_scoped3A : memref<!tpu.dma_semaphore, #tpu.memory_space<semaphore_mem>>)
      %dma_wait3A_336 = arith.constant 0 : i32
      %dma_wait3A_337 = tpu.memref_slice %arg26[%add3A_195, %dma_wait3A_336] : memref<10240x128xf32, #tpu.memory_space<vmem_shared>> -> memref<32x128xf32, #tpu.memory_space<vmem_shared>>
      %dma_wait3A_338 = arith.constant 0 : i32
      %dma_wait3A_339 = tpu.memref_slice %arg26[%add3A_195, %dma_wait3A_338] : memref<10240x128xf32, #tpu.memory_space<vmem_shared>> -> memref<32x128xf32, #tpu.memory_space<vmem_shared>>
      tpu.wait_dma2 semaphore(%run_scoped3A : memref<!tpu.dma_semaphore, #tpu.memory_space<semaphore_mem>>) src(%dma_wait3A_339 : memref<32x128xf32, #tpu.memory_space<vmem_shared>>) dst(%arg25 : memref<32x128xf32, #tpu.memory_space<vmem>>)
      tpu.yield
    }) : () -> ()
    %eq3A_196 = arith.constant 0 : i32
    %eq3A_197 = arith.cmpi eq, %arg0, %eq3A_196 : i32
    %convert_element_type3A_198 = arith.extui %eq3A_197 : i1 to i32
    %cond3A_199 = arith.constant 0 : i32
    %cond3A_200 = arith.cmpi ne, %convert_element_type3A_198, %cond3A_199 : i32
    scf.if %cond3A_200 {
      "tpu.region"() ({
        %run_scoped3A = tpu.sem_alloc : memref<!tpu.dma_semaphore, #tpu.memory_space<semaphore_mem>>
        %dma_start3A_332 = arith.constant 0 : i32
        %dma_start3A_333 = tpu.memref_slice %arg9[%add3A_195, %dma_start3A_332] : memref<10240x128xf32, #tpu.memory_space<hbm>> -> memref<32x128xf32, #tpu.memory_space<hbm>>
        %dma_start3A_334 = arith.constant 0 : i32
        %dma_start3A_335 = tpu.memref_slice %arg9[%add3A_195, %dma_start3A_334] : memref<10240x128xf32, #tpu.memory_space<hbm>> -> memref<32x128xf32, #tpu.memory_space<hbm>>
        tpu.enqueue_dma source(%arg25 : memref<32x128xf32, #tpu.memory_space<vmem>>) target(%dma_start3A_335 : memref<32x128xf32, #tpu.memory_space<hbm>>) target_semaphore(%run_scoped3A : memref<!tpu.dma_semaphore, #tpu.memory_space<semaphore_mem>>)
        %dma_wait3A_336 = arith.constant 0 : i32
        %dma_wait3A_337 = tpu.memref_slice %arg9[%add3A_195, %dma_wait3A_336] : memref<10240x128xf32, #tpu.memory_space<hbm>> -> memref<32x128xf32, #tpu.memory_space<hbm>>
        %dma_wait3A_338 = arith.constant 0 : i32
        %dma_wait3A_339 = tpu.memref_slice %arg9[%add3A_195, %dma_wait3A_338] : memref<10240x128xf32, #tpu.memory_space<hbm>> -> memref<32x128xf32, #tpu.memory_space<hbm>>
        tpu.wait_dma2 semaphore(%run_scoped3A : memref<!tpu.dma_semaphore, #tpu.memory_space<semaphore_mem>>) src(%arg25 : memref<32x128xf32, #tpu.memory_space<vmem>>) dst(%dma_wait3A_339 : memref<32x128xf32, #tpu.memory_space<hbm>>)
        tpu.yield
      }) : () -> ()
    } else {
    }
    %eq3A_201 = arith.constant 1 : i32
    %eq3A_202 = arith.cmpi eq, %arg0, %eq3A_201 : i32
    %convert_element_type3A_203 = arith.extui %eq3A_202 : i1 to i32
    %cond3A_204 = arith.constant 0 : i32
    %cond3A_205 = arith.cmpi ne, %convert_element_type3A_203, %cond3A_204 : i32
    scf.if %cond3A_205 {
      "tpu.region"() ({
        %run_scoped3A = tpu.sem_alloc : memref<!tpu.dma_semaphore, #tpu.memory_space<semaphore_mem>>
        %dma_start3A_332 = arith.constant 0 : i32
        %dma_start3A_333 = tpu.memref_slice %arg10[%add3A_195, %dma_start3A_332] : memref<10240x128xf32, #tpu.memory_space<hbm>> -> memref<32x128xf32, #tpu.memory_space<hbm>>
        %dma_start3A_334 = arith.constant 0 : i32
        %dma_start3A_335 = tpu.memref_slice %arg10[%add3A_195, %dma_start3A_334] : memref<10240x128xf32, #tpu.memory_space<hbm>> -> memref<32x128xf32, #tpu.memory_space<hbm>>
        tpu.enqueue_dma source(%arg25 : memref<32x128xf32, #tpu.memory_space<vmem>>) target(%dma_start3A_335 : memref<32x128xf32, #tpu.memory_space<hbm>>) target_semaphore(%run_scoped3A : memref<!tpu.dma_semaphore, #tpu.memory_space<semaphore_mem>>)
        %dma_wait3A_336 = arith.constant 0 : i32
        %dma_wait3A_337 = tpu.memref_slice %arg10[%add3A_195, %dma_wait3A_336] : memref<10240x128xf32, #tpu.memory_space<hbm>> -> memref<32x128xf32, #tpu.memory_space<hbm>>
        %dma_wait3A_338 = arith.constant 0 : i32
        %dma_wait3A_339 = tpu.memref_slice %arg10[%add3A_195, %dma_wait3A_338] : memref<10240x128xf32, #tpu.memory_space<hbm>> -> memref<32x128xf32, #tpu.memory_space<hbm>>
        tpu.wait_dma2 semaphore(%run_scoped3A : memref<!tpu.dma_semaphore, #tpu.memory_space<semaphore_mem>>) src(%arg25 : memref<32x128xf32, #tpu.memory_space<vmem>>) dst(%dma_wait3A_339 : memref<32x128xf32, #tpu.memory_space<hbm>>)
        tpu.yield
      }) : () -> ()
    } else {
    }
    %mul3A_206 = arith.constant 640 : i32
    %mul3A_207 = arith.muli %arg1, %mul3A_206 : i32
    %add3A_208 = arith.constant 352 : i32
    %add3A_209 = arith.addi %mul3A_207, %add3A_208 : i32
    "tpu.region"() ({
      %run_scoped3A = tpu.sem_alloc : memref<!tpu.dma_semaphore, #tpu.memory_space<semaphore_mem>>
      %dma_start3A_332 = arith.constant 0 : i32
      %dma_start3A_333 = tpu.memref_slice %arg26[%add3A_209, %dma_start3A_332] : memref<10240x128xf32, #tpu.memory_space<vmem_shared>> -> memref<32x128xf32, #tpu.memory_space<vmem_shared>>
      %dma_start3A_334 = arith.constant 0 : i32
      %dma_start3A_335 = tpu.memref_slice %arg26[%add3A_209, %dma_start3A_334] : memref<10240x128xf32, #tpu.memory_space<vmem_shared>> -> memref<32x128xf32, #tpu.memory_space<vmem_shared>>
      tpu.enqueue_dma source(%dma_start3A_335 : memref<32x128xf32, #tpu.memory_space<vmem_shared>>) target(%arg25 : memref<32x128xf32, #tpu.memory_space<vmem>>) target_semaphore(%run_scoped3A : memref<!tpu.dma_semaphore, #tpu.memory_space<semaphore_mem>>)
      %dma_wait3A_336 = arith.constant 0 : i32
      %dma_wait3A_337 = tpu.memref_slice %arg26[%add3A_209, %dma_wait3A_336] : memref<10240x128xf32, #tpu.memory_space<vmem_shared>> -> memref<32x128xf32, #tpu.memory_space<vmem_shared>>
      %dma_wait3A_338 = arith.constant 0 : i32
      %dma_wait3A_339 = tpu.memref_slice %arg26[%add3A_209, %dma_wait3A_338] : memref<10240x128xf32, #tpu.memory_space<vmem_shared>> -> memref<32x128xf32, #tpu.memory_space<vmem_shared>>
      tpu.wait_dma2 semaphore(%run_scoped3A : memref<!tpu.dma_semaphore, #tpu.memory_space<semaphore_mem>>) src(%dma_wait3A_339 : memref<32x128xf32, #tpu.memory_space<vmem_shared>>) dst(%arg25 : memref<32x128xf32, #tpu.memory_space<vmem>>)
      tpu.yield
    }) : () -> ()
    %eq3A_210 = arith.constant 0 : i32
    %eq3A_211 = arith.cmpi eq, %arg0, %eq3A_210 : i32
    %convert_element_type3A_212 = arith.extui %eq3A_211 : i1 to i32
    %cond3A_213 = arith.constant 0 : i32
    %cond3A_214 = arith.cmpi ne, %convert_element_type3A_212, %cond3A_213 : i32
    scf.if %cond3A_214 {
      "tpu.region"() ({
        %run_scoped3A = tpu.sem_alloc : memref<!tpu.dma_semaphore, #tpu.memory_space<semaphore_mem>>
        %dma_start3A_332 = arith.constant 0 : i32
        %dma_start3A_333 = tpu.memref_slice %arg9[%add3A_209, %dma_start3A_332] : memref<10240x128xf32, #tpu.memory_space<hbm>> -> memref<32x128xf32, #tpu.memory_space<hbm>>
        %dma_start3A_334 = arith.constant 0 : i32
        %dma_start3A_335 = tpu.memref_slice %arg9[%add3A_209, %dma_start3A_334] : memref<10240x128xf32, #tpu.memory_space<hbm>> -> memref<32x128xf32, #tpu.memory_space<hbm>>
        tpu.enqueue_dma source(%arg25 : memref<32x128xf32, #tpu.memory_space<vmem>>) target(%dma_start3A_335 : memref<32x128xf32, #tpu.memory_space<hbm>>) target_semaphore(%run_scoped3A : memref<!tpu.dma_semaphore, #tpu.memory_space<semaphore_mem>>)
        %dma_wait3A_336 = arith.constant 0 : i32
        %dma_wait3A_337 = tpu.memref_slice %arg9[%add3A_209, %dma_wait3A_336] : memref<10240x128xf32, #tpu.memory_space<hbm>> -> memref<32x128xf32, #tpu.memory_space<hbm>>
        %dma_wait3A_338 = arith.constant 0 : i32
        %dma_wait3A_339 = tpu.memref_slice %arg9[%add3A_209, %dma_wait3A_338] : memref<10240x128xf32, #tpu.memory_space<hbm>> -> memref<32x128xf32, #tpu.memory_space<hbm>>
        tpu.wait_dma2 semaphore(%run_scoped3A : memref<!tpu.dma_semaphore, #tpu.memory_space<semaphore_mem>>) src(%arg25 : memref<32x128xf32, #tpu.memory_space<vmem>>) dst(%dma_wait3A_339 : memref<32x128xf32, #tpu.memory_space<hbm>>)
        tpu.yield
      }) : () -> ()
    } else {
    }
    %eq3A_215 = arith.constant 1 : i32
    %eq3A_216 = arith.cmpi eq, %arg0, %eq3A_215 : i32
    %convert_element_type3A_217 = arith.extui %eq3A_216 : i1 to i32
    %cond3A_218 = arith.constant 0 : i32
    %cond3A_219 = arith.cmpi ne, %convert_element_type3A_217, %cond3A_218 : i32
    scf.if %cond3A_219 {
      "tpu.region"() ({
        %run_scoped3A = tpu.sem_alloc : memref<!tpu.dma_semaphore, #tpu.memory_space<semaphore_mem>>
        %dma_start3A_332 = arith.constant 0 : i32
        %dma_start3A_333 = tpu.memref_slice %arg10[%add3A_209, %dma_start3A_332] : memref<10240x128xf32, #tpu.memory_space<hbm>> -> memref<32x128xf32, #tpu.memory_space<hbm>>
        %dma_start3A_334 = arith.constant 0 : i32
        %dma_start3A_335 = tpu.memref_slice %arg10[%add3A_209, %dma_start3A_334] : memref<10240x128xf32, #tpu.memory_space<hbm>> -> memref<32x128xf32, #tpu.memory_space<hbm>>
        tpu.enqueue_dma source(%arg25 : memref<32x128xf32, #tpu.memory_space<vmem>>) target(%dma_start3A_335 : memref<32x128xf32, #tpu.memory_space<hbm>>) target_semaphore(%run_scoped3A : memref<!tpu.dma_semaphore, #tpu.memory_space<semaphore_mem>>)
        %dma_wait3A_336 = arith.constant 0 : i32
        %dma_wait3A_337 = tpu.memref_slice %arg10[%add3A_209, %dma_wait3A_336] : memref<10240x128xf32, #tpu.memory_space<hbm>> -> memref<32x128xf32, #tpu.memory_space<hbm>>
        %dma_wait3A_338 = arith.constant 0 : i32
        %dma_wait3A_339 = tpu.memref_slice %arg10[%add3A_209, %dma_wait3A_338] : memref<10240x128xf32, #tpu.memory_space<hbm>> -> memref<32x128xf32, #tpu.memory_space<hbm>>
        tpu.wait_dma2 semaphore(%run_scoped3A : memref<!tpu.dma_semaphore, #tpu.memory_space<semaphore_mem>>) src(%arg25 : memref<32x128xf32, #tpu.memory_space<vmem>>) dst(%dma_wait3A_339 : memref<32x128xf32, #tpu.memory_space<hbm>>)
        tpu.yield
      }) : () -> ()
    } else {
    }
    %mul3A_220 = arith.constant 640 : i32
    %mul3A_221 = arith.muli %arg1, %mul3A_220 : i32
    %add3A_222 = arith.constant 384 : i32
    %add3A_223 = arith.addi %mul3A_221, %add3A_222 : i32
    "tpu.region"() ({
      %run_scoped3A = tpu.sem_alloc : memref<!tpu.dma_semaphore, #tpu.memory_space<semaphore_mem>>
      %dma_start3A_332 = arith.constant 0 : i32
      %dma_start3A_333 = tpu.memref_slice %arg26[%add3A_223, %dma_start3A_332] : memref<10240x128xf32, #tpu.memory_space<vmem_shared>> -> memref<32x128xf32, #tpu.memory_space<vmem_shared>>
      %dma_start3A_334 = arith.constant 0 : i32
      %dma_start3A_335 = tpu.memref_slice %arg26[%add3A_223, %dma_start3A_334] : memref<10240x128xf32, #tpu.memory_space<vmem_shared>> -> memref<32x128xf32, #tpu.memory_space<vmem_shared>>
      tpu.enqueue_dma source(%dma_start3A_335 : memref<32x128xf32, #tpu.memory_space<vmem_shared>>) target(%arg25 : memref<32x128xf32, #tpu.memory_space<vmem>>) target_semaphore(%run_scoped3A : memref<!tpu.dma_semaphore, #tpu.memory_space<semaphore_mem>>)
      %dma_wait3A_336 = arith.constant 0 : i32
      %dma_wait3A_337 = tpu.memref_slice %arg26[%add3A_223, %dma_wait3A_336] : memref<10240x128xf32, #tpu.memory_space<vmem_shared>> -> memref<32x128xf32, #tpu.memory_space<vmem_shared>>
      %dma_wait3A_338 = arith.constant 0 : i32
      %dma_wait3A_339 = tpu.memref_slice %arg26[%add3A_223, %dma_wait3A_338] : memref<10240x128xf32, #tpu.memory_space<vmem_shared>> -> memref<32x128xf32, #tpu.memory_space<vmem_shared>>
      tpu.wait_dma2 semaphore(%run_scoped3A : memref<!tpu.dma_semaphore, #tpu.memory_space<semaphore_mem>>) src(%dma_wait3A_339 : memref<32x128xf32, #tpu.memory_space<vmem_shared>>) dst(%arg25 : memref<32x128xf32, #tpu.memory_space<vmem>>)
      tpu.yield
    }) : () -> ()
    %eq3A_224 = arith.constant 0 : i32
    %eq3A_225 = arith.cmpi eq, %arg0, %eq3A_224 : i32
    %convert_element_type3A_226 = arith.extui %eq3A_225 : i1 to i32
    %cond3A_227 = arith.constant 0 : i32
    %cond3A_228 = arith.cmpi ne, %convert_element_type3A_226, %cond3A_227 : i32
    scf.if %cond3A_228 {
      "tpu.region"() ({
        %run_scoped3A = tpu.sem_alloc : memref<!tpu.dma_semaphore, #tpu.memory_space<semaphore_mem>>
        %dma_start3A_332 = arith.constant 0 : i32
        %dma_start3A_333 = tpu.memref_slice %arg9[%add3A_223, %dma_start3A_332] : memref<10240x128xf32, #tpu.memory_space<hbm>> -> memref<32x128xf32, #tpu.memory_space<hbm>>
        %dma_start3A_334 = arith.constant 0 : i32
        %dma_start3A_335 = tpu.memref_slice %arg9[%add3A_223, %dma_start3A_334] : memref<10240x128xf32, #tpu.memory_space<hbm>> -> memref<32x128xf32, #tpu.memory_space<hbm>>
        tpu.enqueue_dma source(%arg25 : memref<32x128xf32, #tpu.memory_space<vmem>>) target(%dma_start3A_335 : memref<32x128xf32, #tpu.memory_space<hbm>>) target_semaphore(%run_scoped3A : memref<!tpu.dma_semaphore, #tpu.memory_space<semaphore_mem>>)
        %dma_wait3A_336 = arith.constant 0 : i32
        %dma_wait3A_337 = tpu.memref_slice %arg9[%add3A_223, %dma_wait3A_336] : memref<10240x128xf32, #tpu.memory_space<hbm>> -> memref<32x128xf32, #tpu.memory_space<hbm>>
        %dma_wait3A_338 = arith.constant 0 : i32
        %dma_wait3A_339 = tpu.memref_slice %arg9[%add3A_223, %dma_wait3A_338] : memref<10240x128xf32, #tpu.memory_space<hbm>> -> memref<32x128xf32, #tpu.memory_space<hbm>>
        tpu.wait_dma2 semaphore(%run_scoped3A : memref<!tpu.dma_semaphore, #tpu.memory_space<semaphore_mem>>) src(%arg25 : memref<32x128xf32, #tpu.memory_space<vmem>>) dst(%dma_wait3A_339 : memref<32x128xf32, #tpu.memory_space<hbm>>)
        tpu.yield
      }) : () -> ()
    } else {
    }
    %eq3A_229 = arith.constant 1 : i32
    %eq3A_230 = arith.cmpi eq, %arg0, %eq3A_229 : i32
    %convert_element_type3A_231 = arith.extui %eq3A_230 : i1 to i32
    %cond3A_232 = arith.constant 0 : i32
    %cond3A_233 = arith.cmpi ne, %convert_element_type3A_231, %cond3A_232 : i32
    scf.if %cond3A_233 {
      "tpu.region"() ({
        %run_scoped3A = tpu.sem_alloc : memref<!tpu.dma_semaphore, #tpu.memory_space<semaphore_mem>>
        %dma_start3A_332 = arith.constant 0 : i32
        %dma_start3A_333 = tpu.memref_slice %arg10[%add3A_223, %dma_start3A_332] : memref<10240x128xf32, #tpu.memory_space<hbm>> -> memref<32x128xf32, #tpu.memory_space<hbm>>
        %dma_start3A_334 = arith.constant 0 : i32
        %dma_start3A_335 = tpu.memref_slice %arg10[%add3A_223, %dma_start3A_334] : memref<10240x128xf32, #tpu.memory_space<hbm>> -> memref<32x128xf32, #tpu.memory_space<hbm>>
        tpu.enqueue_dma source(%arg25 : memref<32x128xf32, #tpu.memory_space<vmem>>) target(%dma_start3A_335 : memref<32x128xf32, #tpu.memory_space<hbm>>) target_semaphore(%run_scoped3A : memref<!tpu.dma_semaphore, #tpu.memory_space<semaphore_mem>>)
        %dma_wait3A_336 = arith.constant 0 : i32
        %dma_wait3A_337 = tpu.memref_slice %arg10[%add3A_223, %dma_wait3A_336] : memref<10240x128xf32, #tpu.memory_space<hbm>> -> memref<32x128xf32, #tpu.memory_space<hbm>>
        %dma_wait3A_338 = arith.constant 0 : i32
        %dma_wait3A_339 = tpu.memref_slice %arg10[%add3A_223, %dma_wait3A_338] : memref<10240x128xf32, #tpu.memory_space<hbm>> -> memref<32x128xf32, #tpu.memory_space<hbm>>
        tpu.wait_dma2 semaphore(%run_scoped3A : memref<!tpu.dma_semaphore, #tpu.memory_space<semaphore_mem>>) src(%arg25 : memref<32x128xf32, #tpu.memory_space<vmem>>) dst(%dma_wait3A_339 : memref<32x128xf32, #tpu.memory_space<hbm>>)
        tpu.yield
      }) : () -> ()
    } else {
    }
    %mul3A_234 = arith.constant 640 : i32
    %mul3A_235 = arith.muli %arg1, %mul3A_234 : i32
    %add3A_236 = arith.constant 416 : i32
    %add3A_237 = arith.addi %mul3A_235, %add3A_236 : i32
    "tpu.region"() ({
      %run_scoped3A = tpu.sem_alloc : memref<!tpu.dma_semaphore, #tpu.memory_space<semaphore_mem>>
      %dma_start3A_332 = arith.constant 0 : i32
      %dma_start3A_333 = tpu.memref_slice %arg26[%add3A_237, %dma_start3A_332] : memref<10240x128xf32, #tpu.memory_space<vmem_shared>> -> memref<32x128xf32, #tpu.memory_space<vmem_shared>>
      %dma_start3A_334 = arith.constant 0 : i32
      %dma_start3A_335 = tpu.memref_slice %arg26[%add3A_237, %dma_start3A_334] : memref<10240x128xf32, #tpu.memory_space<vmem_shared>> -> memref<32x128xf32, #tpu.memory_space<vmem_shared>>
      tpu.enqueue_dma source(%dma_start3A_335 : memref<32x128xf32, #tpu.memory_space<vmem_shared>>) target(%arg25 : memref<32x128xf32, #tpu.memory_space<vmem>>) target_semaphore(%run_scoped3A : memref<!tpu.dma_semaphore, #tpu.memory_space<semaphore_mem>>)
      %dma_wait3A_336 = arith.constant 0 : i32
      %dma_wait3A_337 = tpu.memref_slice %arg26[%add3A_237, %dma_wait3A_336] : memref<10240x128xf32, #tpu.memory_space<vmem_shared>> -> memref<32x128xf32, #tpu.memory_space<vmem_shared>>
      %dma_wait3A_338 = arith.constant 0 : i32
      %dma_wait3A_339 = tpu.memref_slice %arg26[%add3A_237, %dma_wait3A_338] : memref<10240x128xf32, #tpu.memory_space<vmem_shared>> -> memref<32x128xf32, #tpu.memory_space<vmem_shared>>
      tpu.wait_dma2 semaphore(%run_scoped3A : memref<!tpu.dma_semaphore, #tpu.memory_space<semaphore_mem>>) src(%dma_wait3A_339 : memref<32x128xf32, #tpu.memory_space<vmem_shared>>) dst(%arg25 : memref<32x128xf32, #tpu.memory_space<vmem>>)
      tpu.yield
    }) : () -> ()
    %eq3A_238 = arith.constant 0 : i32
    %eq3A_239 = arith.cmpi eq, %arg0, %eq3A_238 : i32
    %convert_element_type3A_240 = arith.extui %eq3A_239 : i1 to i32
    %cond3A_241 = arith.constant 0 : i32
    %cond3A_242 = arith.cmpi ne, %convert_element_type3A_240, %cond3A_241 : i32
    scf.if %cond3A_242 {
      "tpu.region"() ({
        %run_scoped3A = tpu.sem_alloc : memref<!tpu.dma_semaphore, #tpu.memory_space<semaphore_mem>>
        %dma_start3A_332 = arith.constant 0 : i32
        %dma_start3A_333 = tpu.memref_slice %arg9[%add3A_237, %dma_start3A_332] : memref<10240x128xf32, #tpu.memory_space<hbm>> -> memref<32x128xf32, #tpu.memory_space<hbm>>
        %dma_start3A_334 = arith.constant 0 : i32
        %dma_start3A_335 = tpu.memref_slice %arg9[%add3A_237, %dma_start3A_334] : memref<10240x128xf32, #tpu.memory_space<hbm>> -> memref<32x128xf32, #tpu.memory_space<hbm>>
        tpu.enqueue_dma source(%arg25 : memref<32x128xf32, #tpu.memory_space<vmem>>) target(%dma_start3A_335 : memref<32x128xf32, #tpu.memory_space<hbm>>) target_semaphore(%run_scoped3A : memref<!tpu.dma_semaphore, #tpu.memory_space<semaphore_mem>>)
        %dma_wait3A_336 = arith.constant 0 : i32
        %dma_wait3A_337 = tpu.memref_slice %arg9[%add3A_237, %dma_wait3A_336] : memref<10240x128xf32, #tpu.memory_space<hbm>> -> memref<32x128xf32, #tpu.memory_space<hbm>>
        %dma_wait3A_338 = arith.constant 0 : i32
        %dma_wait3A_339 = tpu.memref_slice %arg9[%add3A_237, %dma_wait3A_338] : memref<10240x128xf32, #tpu.memory_space<hbm>> -> memref<32x128xf32, #tpu.memory_space<hbm>>
        tpu.wait_dma2 semaphore(%run_scoped3A : memref<!tpu.dma_semaphore, #tpu.memory_space<semaphore_mem>>) src(%arg25 : memref<32x128xf32, #tpu.memory_space<vmem>>) dst(%dma_wait3A_339 : memref<32x128xf32, #tpu.memory_space<hbm>>)
        tpu.yield
      }) : () -> ()
    } else {
    }
    %eq3A_243 = arith.constant 1 : i32
    %eq3A_244 = arith.cmpi eq, %arg0, %eq3A_243 : i32
    %convert_element_type3A_245 = arith.extui %eq3A_244 : i1 to i32
    %cond3A_246 = arith.constant 0 : i32
    %cond3A_247 = arith.cmpi ne, %convert_element_type3A_245, %cond3A_246 : i32
    scf.if %cond3A_247 {
      "tpu.region"() ({
        %run_scoped3A = tpu.sem_alloc : memref<!tpu.dma_semaphore, #tpu.memory_space<semaphore_mem>>
        %dma_start3A_332 = arith.constant 0 : i32
        %dma_start3A_333 = tpu.memref_slice %arg10[%add3A_237, %dma_start3A_332] : memref<10240x128xf32, #tpu.memory_space<hbm>> -> memref<32x128xf32, #tpu.memory_space<hbm>>
        %dma_start3A_334 = arith.constant 0 : i32
        %dma_start3A_335 = tpu.memref_slice %arg10[%add3A_237, %dma_start3A_334] : memref<10240x128xf32, #tpu.memory_space<hbm>> -> memref<32x128xf32, #tpu.memory_space<hbm>>
        tpu.enqueue_dma source(%arg25 : memref<32x128xf32, #tpu.memory_space<vmem>>) target(%dma_start3A_335 : memref<32x128xf32, #tpu.memory_space<hbm>>) target_semaphore(%run_scoped3A : memref<!tpu.dma_semaphore, #tpu.memory_space<semaphore_mem>>)
        %dma_wait3A_336 = arith.constant 0 : i32
        %dma_wait3A_337 = tpu.memref_slice %arg10[%add3A_237, %dma_wait3A_336] : memref<10240x128xf32, #tpu.memory_space<hbm>> -> memref<32x128xf32, #tpu.memory_space<hbm>>
        %dma_wait3A_338 = arith.constant 0 : i32
        %dma_wait3A_339 = tpu.memref_slice %arg10[%add3A_237, %dma_wait3A_338] : memref<10240x128xf32, #tpu.memory_space<hbm>> -> memref<32x128xf32, #tpu.memory_space<hbm>>
        tpu.wait_dma2 semaphore(%run_scoped3A : memref<!tpu.dma_semaphore, #tpu.memory_space<semaphore_mem>>) src(%arg25 : memref<32x128xf32, #tpu.memory_space<vmem>>) dst(%dma_wait3A_339 : memref<32x128xf32, #tpu.memory_space<hbm>>)
        tpu.yield
      }) : () -> ()
    } else {
    }
    %mul3A_248 = arith.constant 640 : i32
    %mul3A_249 = arith.muli %arg1, %mul3A_248 : i32
    %add3A_250 = arith.constant 448 : i32
    %add3A_251 = arith.addi %mul3A_249, %add3A_250 : i32
    "tpu.region"() ({
      %run_scoped3A = tpu.sem_alloc : memref<!tpu.dma_semaphore, #tpu.memory_space<semaphore_mem>>
      %dma_start3A_332 = arith.constant 0 : i32
      %dma_start3A_333 = tpu.memref_slice %arg26[%add3A_251, %dma_start3A_332] : memref<10240x128xf32, #tpu.memory_space<vmem_shared>> -> memref<32x128xf32, #tpu.memory_space<vmem_shared>>
      %dma_start3A_334 = arith.constant 0 : i32
      %dma_start3A_335 = tpu.memref_slice %arg26[%add3A_251, %dma_start3A_334] : memref<10240x128xf32, #tpu.memory_space<vmem_shared>> -> memref<32x128xf32, #tpu.memory_space<vmem_shared>>
      tpu.enqueue_dma source(%dma_start3A_335 : memref<32x128xf32, #tpu.memory_space<vmem_shared>>) target(%arg25 : memref<32x128xf32, #tpu.memory_space<vmem>>) target_semaphore(%run_scoped3A : memref<!tpu.dma_semaphore, #tpu.memory_space<semaphore_mem>>)
      %dma_wait3A_336 = arith.constant 0 : i32
      %dma_wait3A_337 = tpu.memref_slice %arg26[%add3A_251, %dma_wait3A_336] : memref<10240x128xf32, #tpu.memory_space<vmem_shared>> -> memref<32x128xf32, #tpu.memory_space<vmem_shared>>
      %dma_wait3A_338 = arith.constant 0 : i32
      %dma_wait3A_339 = tpu.memref_slice %arg26[%add3A_251, %dma_wait3A_338] : memref<10240x128xf32, #tpu.memory_space<vmem_shared>> -> memref<32x128xf32, #tpu.memory_space<vmem_shared>>
      tpu.wait_dma2 semaphore(%run_scoped3A : memref<!tpu.dma_semaphore, #tpu.memory_space<semaphore_mem>>) src(%dma_wait3A_339 : memref<32x128xf32, #tpu.memory_space<vmem_shared>>) dst(%arg25 : memref<32x128xf32, #tpu.memory_space<vmem>>)
      tpu.yield
    }) : () -> ()
    %eq3A_252 = arith.constant 0 : i32
    %eq3A_253 = arith.cmpi eq, %arg0, %eq3A_252 : i32
    %convert_element_type3A_254 = arith.extui %eq3A_253 : i1 to i32
    %cond3A_255 = arith.constant 0 : i32
    %cond3A_256 = arith.cmpi ne, %convert_element_type3A_254, %cond3A_255 : i32
    scf.if %cond3A_256 {
      "tpu.region"() ({
        %run_scoped3A = tpu.sem_alloc : memref<!tpu.dma_semaphore, #tpu.memory_space<semaphore_mem>>
        %dma_start3A_332 = arith.constant 0 : i32
        %dma_start3A_333 = tpu.memref_slice %arg9[%add3A_251, %dma_start3A_332] : memref<10240x128xf32, #tpu.memory_space<hbm>> -> memref<32x128xf32, #tpu.memory_space<hbm>>
        %dma_start3A_334 = arith.constant 0 : i32
        %dma_start3A_335 = tpu.memref_slice %arg9[%add3A_251, %dma_start3A_334] : memref<10240x128xf32, #tpu.memory_space<hbm>> -> memref<32x128xf32, #tpu.memory_space<hbm>>
        tpu.enqueue_dma source(%arg25 : memref<32x128xf32, #tpu.memory_space<vmem>>) target(%dma_start3A_335 : memref<32x128xf32, #tpu.memory_space<hbm>>) target_semaphore(%run_scoped3A : memref<!tpu.dma_semaphore, #tpu.memory_space<semaphore_mem>>)
        %dma_wait3A_336 = arith.constant 0 : i32
        %dma_wait3A_337 = tpu.memref_slice %arg9[%add3A_251, %dma_wait3A_336] : memref<10240x128xf32, #tpu.memory_space<hbm>> -> memref<32x128xf32, #tpu.memory_space<hbm>>
        %dma_wait3A_338 = arith.constant 0 : i32
        %dma_wait3A_339 = tpu.memref_slice %arg9[%add3A_251, %dma_wait3A_338] : memref<10240x128xf32, #tpu.memory_space<hbm>> -> memref<32x128xf32, #tpu.memory_space<hbm>>
        tpu.wait_dma2 semaphore(%run_scoped3A : memref<!tpu.dma_semaphore, #tpu.memory_space<semaphore_mem>>) src(%arg25 : memref<32x128xf32, #tpu.memory_space<vmem>>) dst(%dma_wait3A_339 : memref<32x128xf32, #tpu.memory_space<hbm>>)
        tpu.yield
      }) : () -> ()
    } else {
    }
    %eq3A_257 = arith.constant 1 : i32
    %eq3A_258 = arith.cmpi eq, %arg0, %eq3A_257 : i32
    %convert_element_type3A_259 = arith.extui %eq3A_258 : i1 to i32
    %cond3A_260 = arith.constant 0 : i32
    %cond3A_261 = arith.cmpi ne, %convert_element_type3A_259, %cond3A_260 : i32
    scf.if %cond3A_261 {
      "tpu.region"() ({
        %run_scoped3A = tpu.sem_alloc : memref<!tpu.dma_semaphore, #tpu.memory_space<semaphore_mem>>
        %dma_start3A_332 = arith.constant 0 : i32
        %dma_start3A_333 = tpu.memref_slice %arg10[%add3A_251, %dma_start3A_332] : memref<10240x128xf32, #tpu.memory_space<hbm>> -> memref<32x128xf32, #tpu.memory_space<hbm>>
        %dma_start3A_334 = arith.constant 0 : i32
        %dma_start3A_335 = tpu.memref_slice %arg10[%add3A_251, %dma_start3A_334] : memref<10240x128xf32, #tpu.memory_space<hbm>> -> memref<32x128xf32, #tpu.memory_space<hbm>>
        tpu.enqueue_dma source(%arg25 : memref<32x128xf32, #tpu.memory_space<vmem>>) target(%dma_start3A_335 : memref<32x128xf32, #tpu.memory_space<hbm>>) target_semaphore(%run_scoped3A : memref<!tpu.dma_semaphore, #tpu.memory_space<semaphore_mem>>)
        %dma_wait3A_336 = arith.constant 0 : i32
        %dma_wait3A_337 = tpu.memref_slice %arg10[%add3A_251, %dma_wait3A_336] : memref<10240x128xf32, #tpu.memory_space<hbm>> -> memref<32x128xf32, #tpu.memory_space<hbm>>
        %dma_wait3A_338 = arith.constant 0 : i32
        %dma_wait3A_339 = tpu.memref_slice %arg10[%add3A_251, %dma_wait3A_338] : memref<10240x128xf32, #tpu.memory_space<hbm>> -> memref<32x128xf32, #tpu.memory_space<hbm>>
        tpu.wait_dma2 semaphore(%run_scoped3A : memref<!tpu.dma_semaphore, #tpu.memory_space<semaphore_mem>>) src(%arg25 : memref<32x128xf32, #tpu.memory_space<vmem>>) dst(%dma_wait3A_339 : memref<32x128xf32, #tpu.memory_space<hbm>>)
        tpu.yield
      }) : () -> ()
    } else {
    }
    %mul3A_262 = arith.constant 640 : i32
    %mul3A_263 = arith.muli %arg1, %mul3A_262 : i32
    %add3A_264 = arith.constant 480 : i32
    %add3A_265 = arith.addi %mul3A_263, %add3A_264 : i32
    "tpu.region"() ({
      %run_scoped3A = tpu.sem_alloc : memref<!tpu.dma_semaphore, #tpu.memory_space<semaphore_mem>>
      %dma_start3A_332 = arith.constant 0 : i32
      %dma_start3A_333 = tpu.memref_slice %arg26[%add3A_265, %dma_start3A_332] : memref<10240x128xf32, #tpu.memory_space<vmem_shared>> -> memref<32x128xf32, #tpu.memory_space<vmem_shared>>
      %dma_start3A_334 = arith.constant 0 : i32
      %dma_start3A_335 = tpu.memref_slice %arg26[%add3A_265, %dma_start3A_334] : memref<10240x128xf32, #tpu.memory_space<vmem_shared>> -> memref<32x128xf32, #tpu.memory_space<vmem_shared>>
      tpu.enqueue_dma source(%dma_start3A_335 : memref<32x128xf32, #tpu.memory_space<vmem_shared>>) target(%arg25 : memref<32x128xf32, #tpu.memory_space<vmem>>) target_semaphore(%run_scoped3A : memref<!tpu.dma_semaphore, #tpu.memory_space<semaphore_mem>>)
      %dma_wait3A_336 = arith.constant 0 : i32
      %dma_wait3A_337 = tpu.memref_slice %arg26[%add3A_265, %dma_wait3A_336] : memref<10240x128xf32, #tpu.memory_space<vmem_shared>> -> memref<32x128xf32, #tpu.memory_space<vmem_shared>>
      %dma_wait3A_338 = arith.constant 0 : i32
      %dma_wait3A_339 = tpu.memref_slice %arg26[%add3A_265, %dma_wait3A_338] : memref<10240x128xf32, #tpu.memory_space<vmem_shared>> -> memref<32x128xf32, #tpu.memory_space<vmem_shared>>
      tpu.wait_dma2 semaphore(%run_scoped3A : memref<!tpu.dma_semaphore, #tpu.memory_space<semaphore_mem>>) src(%dma_wait3A_339 : memref<32x128xf32, #tpu.memory_space<vmem_shared>>) dst(%arg25 : memref<32x128xf32, #tpu.memory_space<vmem>>)
      tpu.yield
    }) : () -> ()
    %eq3A_266 = arith.constant 0 : i32
    %eq3A_267 = arith.cmpi eq, %arg0, %eq3A_266 : i32
    %convert_element_type3A_268 = arith.extui %eq3A_267 : i1 to i32
    %cond3A_269 = arith.constant 0 : i32
    %cond3A_270 = arith.cmpi ne, %convert_element_type3A_268, %cond3A_269 : i32
    scf.if %cond3A_270 {
      "tpu.region"() ({
        %run_scoped3A = tpu.sem_alloc : memref<!tpu.dma_semaphore, #tpu.memory_space<semaphore_mem>>
        %dma_start3A_332 = arith.constant 0 : i32
        %dma_start3A_333 = tpu.memref_slice %arg9[%add3A_265, %dma_start3A_332] : memref<10240x128xf32, #tpu.memory_space<hbm>> -> memref<32x128xf32, #tpu.memory_space<hbm>>
        %dma_start3A_334 = arith.constant 0 : i32
        %dma_start3A_335 = tpu.memref_slice %arg9[%add3A_265, %dma_start3A_334] : memref<10240x128xf32, #tpu.memory_space<hbm>> -> memref<32x128xf32, #tpu.memory_space<hbm>>
        tpu.enqueue_dma source(%arg25 : memref<32x128xf32, #tpu.memory_space<vmem>>) target(%dma_start3A_335 : memref<32x128xf32, #tpu.memory_space<hbm>>) target_semaphore(%run_scoped3A : memref<!tpu.dma_semaphore, #tpu.memory_space<semaphore_mem>>)
        %dma_wait3A_336 = arith.constant 0 : i32
        %dma_wait3A_337 = tpu.memref_slice %arg9[%add3A_265, %dma_wait3A_336] : memref<10240x128xf32, #tpu.memory_space<hbm>> -> memref<32x128xf32, #tpu.memory_space<hbm>>
        %dma_wait3A_338 = arith.constant 0 : i32
        %dma_wait3A_339 = tpu.memref_slice %arg9[%add3A_265, %dma_wait3A_338] : memref<10240x128xf32, #tpu.memory_space<hbm>> -> memref<32x128xf32, #tpu.memory_space<hbm>>
        tpu.wait_dma2 semaphore(%run_scoped3A : memref<!tpu.dma_semaphore, #tpu.memory_space<semaphore_mem>>) src(%arg25 : memref<32x128xf32, #tpu.memory_space<vmem>>) dst(%dma_wait3A_339 : memref<32x128xf32, #tpu.memory_space<hbm>>)
        tpu.yield
      }) : () -> ()
    } else {
    }
    %eq3A_271 = arith.constant 1 : i32
    %eq3A_272 = arith.cmpi eq, %arg0, %eq3A_271 : i32
    %convert_element_type3A_273 = arith.extui %eq3A_272 : i1 to i32
    %cond3A_274 = arith.constant 0 : i32
    %cond3A_275 = arith.cmpi ne, %convert_element_type3A_273, %cond3A_274 : i32
    scf.if %cond3A_275 {
      "tpu.region"() ({
        %run_scoped3A = tpu.sem_alloc : memref<!tpu.dma_semaphore, #tpu.memory_space<semaphore_mem>>
        %dma_start3A_332 = arith.constant 0 : i32
        %dma_start3A_333 = tpu.memref_slice %arg10[%add3A_265, %dma_start3A_332] : memref<10240x128xf32, #tpu.memory_space<hbm>> -> memref<32x128xf32, #tpu.memory_space<hbm>>
        %dma_start3A_334 = arith.constant 0 : i32
        %dma_start3A_335 = tpu.memref_slice %arg10[%add3A_265, %dma_start3A_334] : memref<10240x128xf32, #tpu.memory_space<hbm>> -> memref<32x128xf32, #tpu.memory_space<hbm>>
        tpu.enqueue_dma source(%arg25 : memref<32x128xf32, #tpu.memory_space<vmem>>) target(%dma_start3A_335 : memref<32x128xf32, #tpu.memory_space<hbm>>) target_semaphore(%run_scoped3A : memref<!tpu.dma_semaphore, #tpu.memory_space<semaphore_mem>>)
        %dma_wait3A_336 = arith.constant 0 : i32
        %dma_wait3A_337 = tpu.memref_slice %arg10[%add3A_265, %dma_wait3A_336] : memref<10240x128xf32, #tpu.memory_space<hbm>> -> memref<32x128xf32, #tpu.memory_space<hbm>>
        %dma_wait3A_338 = arith.constant 0 : i32
        %dma_wait3A_339 = tpu.memref_slice %arg10[%add3A_265, %dma_wait3A_338] : memref<10240x128xf32, #tpu.memory_space<hbm>> -> memref<32x128xf32, #tpu.memory_space<hbm>>
        tpu.wait_dma2 semaphore(%run_scoped3A : memref<!tpu.dma_semaphore, #tpu.memory_space<semaphore_mem>>) src(%arg25 : memref<32x128xf32, #tpu.memory_space<vmem>>) dst(%dma_wait3A_339 : memref<32x128xf32, #tpu.memory_space<hbm>>)
        tpu.yield
      }) : () -> ()
    } else {
    }
    %mul3A_276 = arith.constant 640 : i32
    %mul3A_277 = arith.muli %arg1, %mul3A_276 : i32
    %add3A_278 = arith.constant 512 : i32
    %add3A_279 = arith.addi %mul3A_277, %add3A_278 : i32
    "tpu.region"() ({
      %run_scoped3A = tpu.sem_alloc : memref<!tpu.dma_semaphore, #tpu.memory_space<semaphore_mem>>
      %dma_start3A_332 = arith.constant 0 : i32
      %dma_start3A_333 = tpu.memref_slice %arg26[%add3A_279, %dma_start3A_332] : memref<10240x128xf32, #tpu.memory_space<vmem_shared>> -> memref<32x128xf32, #tpu.memory_space<vmem_shared>>
      %dma_start3A_334 = arith.constant 0 : i32
      %dma_start3A_335 = tpu.memref_slice %arg26[%add3A_279, %dma_start3A_334] : memref<10240x128xf32, #tpu.memory_space<vmem_shared>> -> memref<32x128xf32, #tpu.memory_space<vmem_shared>>
      tpu.enqueue_dma source(%dma_start3A_335 : memref<32x128xf32, #tpu.memory_space<vmem_shared>>) target(%arg25 : memref<32x128xf32, #tpu.memory_space<vmem>>) target_semaphore(%run_scoped3A : memref<!tpu.dma_semaphore, #tpu.memory_space<semaphore_mem>>)
      %dma_wait3A_336 = arith.constant 0 : i32
      %dma_wait3A_337 = tpu.memref_slice %arg26[%add3A_279, %dma_wait3A_336] : memref<10240x128xf32, #tpu.memory_space<vmem_shared>> -> memref<32x128xf32, #tpu.memory_space<vmem_shared>>
      %dma_wait3A_338 = arith.constant 0 : i32
      %dma_wait3A_339 = tpu.memref_slice %arg26[%add3A_279, %dma_wait3A_338] : memref<10240x128xf32, #tpu.memory_space<vmem_shared>> -> memref<32x128xf32, #tpu.memory_space<vmem_shared>>
      tpu.wait_dma2 semaphore(%run_scoped3A : memref<!tpu.dma_semaphore, #tpu.memory_space<semaphore_mem>>) src(%dma_wait3A_339 : memref<32x128xf32, #tpu.memory_space<vmem_shared>>) dst(%arg25 : memref<32x128xf32, #tpu.memory_space<vmem>>)
      tpu.yield
    }) : () -> ()
    %eq3A_280 = arith.constant 0 : i32
    %eq3A_281 = arith.cmpi eq, %arg0, %eq3A_280 : i32
    %convert_element_type3A_282 = arith.extui %eq3A_281 : i1 to i32
    %cond3A_283 = arith.constant 0 : i32
    %cond3A_284 = arith.cmpi ne, %convert_element_type3A_282, %cond3A_283 : i32
    scf.if %cond3A_284 {
      "tpu.region"() ({
        %run_scoped3A = tpu.sem_alloc : memref<!tpu.dma_semaphore, #tpu.memory_space<semaphore_mem>>
        %dma_start3A_332 = arith.constant 0 : i32
        %dma_start3A_333 = tpu.memref_slice %arg9[%add3A_279, %dma_start3A_332] : memref<10240x128xf32, #tpu.memory_space<hbm>> -> memref<32x128xf32, #tpu.memory_space<hbm>>
        %dma_start3A_334 = arith.constant 0 : i32
        %dma_start3A_335 = tpu.memref_slice %arg9[%add3A_279, %dma_start3A_334] : memref<10240x128xf32, #tpu.memory_space<hbm>> -> memref<32x128xf32, #tpu.memory_space<hbm>>
        tpu.enqueue_dma source(%arg25 : memref<32x128xf32, #tpu.memory_space<vmem>>) target(%dma_start3A_335 : memref<32x128xf32, #tpu.memory_space<hbm>>) target_semaphore(%run_scoped3A : memref<!tpu.dma_semaphore, #tpu.memory_space<semaphore_mem>>)
        %dma_wait3A_336 = arith.constant 0 : i32
        %dma_wait3A_337 = tpu.memref_slice %arg9[%add3A_279, %dma_wait3A_336] : memref<10240x128xf32, #tpu.memory_space<hbm>> -> memref<32x128xf32, #tpu.memory_space<hbm>>
        %dma_wait3A_338 = arith.constant 0 : i32
        %dma_wait3A_339 = tpu.memref_slice %arg9[%add3A_279, %dma_wait3A_338] : memref<10240x128xf32, #tpu.memory_space<hbm>> -> memref<32x128xf32, #tpu.memory_space<hbm>>
        tpu.wait_dma2 semaphore(%run_scoped3A : memref<!tpu.dma_semaphore, #tpu.memory_space<semaphore_mem>>) src(%arg25 : memref<32x128xf32, #tpu.memory_space<vmem>>) dst(%dma_wait3A_339 : memref<32x128xf32, #tpu.memory_space<hbm>>)
        tpu.yield
      }) : () -> ()
    } else {
    }
    %eq3A_285 = arith.constant 1 : i32
    %eq3A_286 = arith.cmpi eq, %arg0, %eq3A_285 : i32
    %convert_element_type3A_287 = arith.extui %eq3A_286 : i1 to i32
    %cond3A_288 = arith.constant 0 : i32
    %cond3A_289 = arith.cmpi ne, %convert_element_type3A_287, %cond3A_288 : i32
    scf.if %cond3A_289 {
      "tpu.region"() ({
        %run_scoped3A = tpu.sem_alloc : memref<!tpu.dma_semaphore, #tpu.memory_space<semaphore_mem>>
        %dma_start3A_332 = arith.constant 0 : i32
        %dma_start3A_333 = tpu.memref_slice %arg10[%add3A_279, %dma_start3A_332] : memref<10240x128xf32, #tpu.memory_space<hbm>> -> memref<32x128xf32, #tpu.memory_space<hbm>>
        %dma_start3A_334 = arith.constant 0 : i32
        %dma_start3A_335 = tpu.memref_slice %arg10[%add3A_279, %dma_start3A_334] : memref<10240x128xf32, #tpu.memory_space<hbm>> -> memref<32x128xf32, #tpu.memory_space<hbm>>
        tpu.enqueue_dma source(%arg25 : memref<32x128xf32, #tpu.memory_space<vmem>>) target(%dma_start3A_335 : memref<32x128xf32, #tpu.memory_space<hbm>>) target_semaphore(%run_scoped3A : memref<!tpu.dma_semaphore, #tpu.memory_space<semaphore_mem>>)
        %dma_wait3A_336 = arith.constant 0 : i32
        %dma_wait3A_337 = tpu.memref_slice %arg10[%add3A_279, %dma_wait3A_336] : memref<10240x128xf32, #tpu.memory_space<hbm>> -> memref<32x128xf32, #tpu.memory_space<hbm>>
        %dma_wait3A_338 = arith.constant 0 : i32
        %dma_wait3A_339 = tpu.memref_slice %arg10[%add3A_279, %dma_wait3A_338] : memref<10240x128xf32, #tpu.memory_space<hbm>> -> memref<32x128xf32, #tpu.memory_space<hbm>>
        tpu.wait_dma2 semaphore(%run_scoped3A : memref<!tpu.dma_semaphore, #tpu.memory_space<semaphore_mem>>) src(%arg25 : memref<32x128xf32, #tpu.memory_space<vmem>>) dst(%dma_wait3A_339 : memref<32x128xf32, #tpu.memory_space<hbm>>)
        tpu.yield
      }) : () -> ()
    } else {
    }
    %mul3A_290 = arith.constant 640 : i32
    %mul3A_291 = arith.muli %arg1, %mul3A_290 : i32
    %add3A_292 = arith.constant 544 : i32
    %add3A_293 = arith.addi %mul3A_291, %add3A_292 : i32
    "tpu.region"() ({
      %run_scoped3A = tpu.sem_alloc : memref<!tpu.dma_semaphore, #tpu.memory_space<semaphore_mem>>
      %dma_start3A_332 = arith.constant 0 : i32
      %dma_start3A_333 = tpu.memref_slice %arg26[%add3A_293, %dma_start3A_332] : memref<10240x128xf32, #tpu.memory_space<vmem_shared>> -> memref<32x128xf32, #tpu.memory_space<vmem_shared>>
      %dma_start3A_334 = arith.constant 0 : i32
      %dma_start3A_335 = tpu.memref_slice %arg26[%add3A_293, %dma_start3A_334] : memref<10240x128xf32, #tpu.memory_space<vmem_shared>> -> memref<32x128xf32, #tpu.memory_space<vmem_shared>>
      tpu.enqueue_dma source(%dma_start3A_335 : memref<32x128xf32, #tpu.memory_space<vmem_shared>>) target(%arg25 : memref<32x128xf32, #tpu.memory_space<vmem>>) target_semaphore(%run_scoped3A : memref<!tpu.dma_semaphore, #tpu.memory_space<semaphore_mem>>)
      %dma_wait3A_336 = arith.constant 0 : i32
      %dma_wait3A_337 = tpu.memref_slice %arg26[%add3A_293, %dma_wait3A_336] : memref<10240x128xf32, #tpu.memory_space<vmem_shared>> -> memref<32x128xf32, #tpu.memory_space<vmem_shared>>
      %dma_wait3A_338 = arith.constant 0 : i32
      %dma_wait3A_339 = tpu.memref_slice %arg26[%add3A_293, %dma_wait3A_338] : memref<10240x128xf32, #tpu.memory_space<vmem_shared>> -> memref<32x128xf32, #tpu.memory_space<vmem_shared>>
      tpu.wait_dma2 semaphore(%run_scoped3A : memref<!tpu.dma_semaphore, #tpu.memory_space<semaphore_mem>>) src(%dma_wait3A_339 : memref<32x128xf32, #tpu.memory_space<vmem_shared>>) dst(%arg25 : memref<32x128xf32, #tpu.memory_space<vmem>>)
      tpu.yield
    }) : () -> ()
    %eq3A_294 = arith.constant 0 : i32
    %eq3A_295 = arith.cmpi eq, %arg0, %eq3A_294 : i32
    %convert_element_type3A_296 = arith.extui %eq3A_295 : i1 to i32
    %cond3A_297 = arith.constant 0 : i32
    %cond3A_298 = arith.cmpi ne, %convert_element_type3A_296, %cond3A_297 : i32
    scf.if %cond3A_298 {
      "tpu.region"() ({
        %run_scoped3A = tpu.sem_alloc : memref<!tpu.dma_semaphore, #tpu.memory_space<semaphore_mem>>
        %dma_start3A_332 = arith.constant 0 : i32
        %dma_start3A_333 = tpu.memref_slice %arg9[%add3A_293, %dma_start3A_332] : memref<10240x128xf32, #tpu.memory_space<hbm>> -> memref<32x128xf32, #tpu.memory_space<hbm>>
        %dma_start3A_334 = arith.constant 0 : i32
        %dma_start3A_335 = tpu.memref_slice %arg9[%add3A_293, %dma_start3A_334] : memref<10240x128xf32, #tpu.memory_space<hbm>> -> memref<32x128xf32, #tpu.memory_space<hbm>>
        tpu.enqueue_dma source(%arg25 : memref<32x128xf32, #tpu.memory_space<vmem>>) target(%dma_start3A_335 : memref<32x128xf32, #tpu.memory_space<hbm>>) target_semaphore(%run_scoped3A : memref<!tpu.dma_semaphore, #tpu.memory_space<semaphore_mem>>)
        %dma_wait3A_336 = arith.constant 0 : i32
        %dma_wait3A_337 = tpu.memref_slice %arg9[%add3A_293, %dma_wait3A_336] : memref<10240x128xf32, #tpu.memory_space<hbm>> -> memref<32x128xf32, #tpu.memory_space<hbm>>
        %dma_wait3A_338 = arith.constant 0 : i32
        %dma_wait3A_339 = tpu.memref_slice %arg9[%add3A_293, %dma_wait3A_338] : memref<10240x128xf32, #tpu.memory_space<hbm>> -> memref<32x128xf32, #tpu.memory_space<hbm>>
        tpu.wait_dma2 semaphore(%run_scoped3A : memref<!tpu.dma_semaphore, #tpu.memory_space<semaphore_mem>>) src(%arg25 : memref<32x128xf32, #tpu.memory_space<vmem>>) dst(%dma_wait3A_339 : memref<32x128xf32, #tpu.memory_space<hbm>>)
        tpu.yield
      }) : () -> ()
    } else {
    }
    %eq3A_299 = arith.constant 1 : i32
    %eq3A_300 = arith.cmpi eq, %arg0, %eq3A_299 : i32
    %convert_element_type3A_301 = arith.extui %eq3A_300 : i1 to i32
    %cond3A_302 = arith.constant 0 : i32
    %cond3A_303 = arith.cmpi ne, %convert_element_type3A_301, %cond3A_302 : i32
    scf.if %cond3A_303 {
      "tpu.region"() ({
        %run_scoped3A = tpu.sem_alloc : memref<!tpu.dma_semaphore, #tpu.memory_space<semaphore_mem>>
        %dma_start3A_332 = arith.constant 0 : i32
        %dma_start3A_333 = tpu.memref_slice %arg10[%add3A_293, %dma_start3A_332] : memref<10240x128xf32, #tpu.memory_space<hbm>> -> memref<32x128xf32, #tpu.memory_space<hbm>>
        %dma_start3A_334 = arith.constant 0 : i32
        %dma_start3A_335 = tpu.memref_slice %arg10[%add3A_293, %dma_start3A_334] : memref<10240x128xf32, #tpu.memory_space<hbm>> -> memref<32x128xf32, #tpu.memory_space<hbm>>
        tpu.enqueue_dma source(%arg25 : memref<32x128xf32, #tpu.memory_space<vmem>>) target(%dma_start3A_335 : memref<32x128xf32, #tpu.memory_space<hbm>>) target_semaphore(%run_scoped3A : memref<!tpu.dma_semaphore, #tpu.memory_space<semaphore_mem>>)
        %dma_wait3A_336 = arith.constant 0 : i32
        %dma_wait3A_337 = tpu.memref_slice %arg10[%add3A_293, %dma_wait3A_336] : memref<10240x128xf32, #tpu.memory_space<hbm>> -> memref<32x128xf32, #tpu.memory_space<hbm>>
        %dma_wait3A_338 = arith.constant 0 : i32
        %dma_wait3A_339 = tpu.memref_slice %arg10[%add3A_293, %dma_wait3A_338] : memref<10240x128xf32, #tpu.memory_space<hbm>> -> memref<32x128xf32, #tpu.memory_space<hbm>>
        tpu.wait_dma2 semaphore(%run_scoped3A : memref<!tpu.dma_semaphore, #tpu.memory_space<semaphore_mem>>) src(%arg25 : memref<32x128xf32, #tpu.memory_space<vmem>>) dst(%dma_wait3A_339 : memref<32x128xf32, #tpu.memory_space<hbm>>)
        tpu.yield
      }) : () -> ()
    } else {
    }
    %mul3A_304 = arith.constant 640 : i32
    %mul3A_305 = arith.muli %arg1, %mul3A_304 : i32
    %add3A_306 = arith.constant 576 : i32
    %add3A_307 = arith.addi %mul3A_305, %add3A_306 : i32
    "tpu.region"() ({
      %run_scoped3A = tpu.sem_alloc : memref<!tpu.dma_semaphore, #tpu.memory_space<semaphore_mem>>
      %dma_start3A_332 = arith.constant 0 : i32
      %dma_start3A_333 = tpu.memref_slice %arg26[%add3A_307, %dma_start3A_332] : memref<10240x128xf32, #tpu.memory_space<vmem_shared>> -> memref<32x128xf32, #tpu.memory_space<vmem_shared>>
      %dma_start3A_334 = arith.constant 0 : i32
      %dma_start3A_335 = tpu.memref_slice %arg26[%add3A_307, %dma_start3A_334] : memref<10240x128xf32, #tpu.memory_space<vmem_shared>> -> memref<32x128xf32, #tpu.memory_space<vmem_shared>>
      tpu.enqueue_dma source(%dma_start3A_335 : memref<32x128xf32, #tpu.memory_space<vmem_shared>>) target(%arg25 : memref<32x128xf32, #tpu.memory_space<vmem>>) target_semaphore(%run_scoped3A : memref<!tpu.dma_semaphore, #tpu.memory_space<semaphore_mem>>)
      %dma_wait3A_336 = arith.constant 0 : i32
      %dma_wait3A_337 = tpu.memref_slice %arg26[%add3A_307, %dma_wait3A_336] : memref<10240x128xf32, #tpu.memory_space<vmem_shared>> -> memref<32x128xf32, #tpu.memory_space<vmem_shared>>
      %dma_wait3A_338 = arith.constant 0 : i32
      %dma_wait3A_339 = tpu.memref_slice %arg26[%add3A_307, %dma_wait3A_338] : memref<10240x128xf32, #tpu.memory_space<vmem_shared>> -> memref<32x128xf32, #tpu.memory_space<vmem_shared>>
      tpu.wait_dma2 semaphore(%run_scoped3A : memref<!tpu.dma_semaphore, #tpu.memory_space<semaphore_mem>>) src(%dma_wait3A_339 : memref<32x128xf32, #tpu.memory_space<vmem_shared>>) dst(%arg25 : memref<32x128xf32, #tpu.memory_space<vmem>>)
      tpu.yield
    }) : () -> ()
    %eq3A_308 = arith.constant 0 : i32
    %eq3A_309 = arith.cmpi eq, %arg0, %eq3A_308 : i32
    %convert_element_type3A_310 = arith.extui %eq3A_309 : i1 to i32
    %cond3A_311 = arith.constant 0 : i32
    %cond3A_312 = arith.cmpi ne, %convert_element_type3A_310, %cond3A_311 : i32
    scf.if %cond3A_312 {
      "tpu.region"() ({
        %run_scoped3A = tpu.sem_alloc : memref<!tpu.dma_semaphore, #tpu.memory_space<semaphore_mem>>
        %dma_start3A_332 = arith.constant 0 : i32
        %dma_start3A_333 = tpu.memref_slice %arg9[%add3A_307, %dma_start3A_332] : memref<10240x128xf32, #tpu.memory_space<hbm>> -> memref<32x128xf32, #tpu.memory_space<hbm>>
        %dma_start3A_334 = arith.constant 0 : i32
        %dma_start3A_335 = tpu.memref_slice %arg9[%add3A_307, %dma_start3A_334] : memref<10240x128xf32, #tpu.memory_space<hbm>> -> memref<32x128xf32, #tpu.memory_space<hbm>>
        tpu.enqueue_dma source(%arg25 : memref<32x128xf32, #tpu.memory_space<vmem>>) target(%dma_start3A_335 : memref<32x128xf32, #tpu.memory_space<hbm>>) target_semaphore(%run_scoped3A : memref<!tpu.dma_semaphore, #tpu.memory_space<semaphore_mem>>)
        %dma_wait3A_336 = arith.constant 0 : i32
        %dma_wait3A_337 = tpu.memref_slice %arg9[%add3A_307, %dma_wait3A_336] : memref<10240x128xf32, #tpu.memory_space<hbm>> -> memref<32x128xf32, #tpu.memory_space<hbm>>
        %dma_wait3A_338 = arith.constant 0 : i32
        %dma_wait3A_339 = tpu.memref_slice %arg9[%add3A_307, %dma_wait3A_338] : memref<10240x128xf32, #tpu.memory_space<hbm>> -> memref<32x128xf32, #tpu.memory_space<hbm>>
        tpu.wait_dma2 semaphore(%run_scoped3A : memref<!tpu.dma_semaphore, #tpu.memory_space<semaphore_mem>>) src(%arg25 : memref<32x128xf32, #tpu.memory_space<vmem>>) dst(%dma_wait3A_339 : memref<32x128xf32, #tpu.memory_space<hbm>>)
        tpu.yield
      }) : () -> ()
    } else {
    }
    %eq3A_313 = arith.constant 1 : i32
    %eq3A_314 = arith.cmpi eq, %arg0, %eq3A_313 : i32
    %convert_element_type3A_315 = arith.extui %eq3A_314 : i1 to i32
    %cond3A_316 = arith.constant 0 : i32
    %cond3A_317 = arith.cmpi ne, %convert_element_type3A_315, %cond3A_316 : i32
    scf.if %cond3A_317 {
      "tpu.region"() ({
        %run_scoped3A = tpu.sem_alloc : memref<!tpu.dma_semaphore, #tpu.memory_space<semaphore_mem>>
        %dma_start3A_332 = arith.constant 0 : i32
        %dma_start3A_333 = tpu.memref_slice %arg10[%add3A_307, %dma_start3A_332] : memref<10240x128xf32, #tpu.memory_space<hbm>> -> memref<32x128xf32, #tpu.memory_space<hbm>>
        %dma_start3A_334 = arith.constant 0 : i32
        %dma_start3A_335 = tpu.memref_slice %arg10[%add3A_307, %dma_start3A_334] : memref<10240x128xf32, #tpu.memory_space<hbm>> -> memref<32x128xf32, #tpu.memory_space<hbm>>
        tpu.enqueue_dma source(%arg25 : memref<32x128xf32, #tpu.memory_space<vmem>>) target(%dma_start3A_335 : memref<32x128xf32, #tpu.memory_space<hbm>>) target_semaphore(%run_scoped3A : memref<!tpu.dma_semaphore, #tpu.memory_space<semaphore_mem>>)
        %dma_wait3A_336 = arith.constant 0 : i32
        %dma_wait3A_337 = tpu.memref_slice %arg10[%add3A_307, %dma_wait3A_336] : memref<10240x128xf32, #tpu.memory_space<hbm>> -> memref<32x128xf32, #tpu.memory_space<hbm>>
        %dma_wait3A_338 = arith.constant 0 : i32
        %dma_wait3A_339 = tpu.memref_slice %arg10[%add3A_307, %dma_wait3A_338] : memref<10240x128xf32, #tpu.memory_space<hbm>> -> memref<32x128xf32, #tpu.memory_space<hbm>>
        tpu.wait_dma2 semaphore(%run_scoped3A : memref<!tpu.dma_semaphore, #tpu.memory_space<semaphore_mem>>) src(%arg25 : memref<32x128xf32, #tpu.memory_space<vmem>>) dst(%dma_wait3A_339 : memref<32x128xf32, #tpu.memory_space<hbm>>)
        tpu.yield
      }) : () -> ()
    } else {
    }
    %mul3A_318 = arith.constant 640 : i32
    %mul3A_319 = arith.muli %arg1, %mul3A_318 : i32
    %add3A_320 = arith.constant 608 : i32
    %add3A_321 = arith.addi %mul3A_319, %add3A_320 : i32
    "tpu.region"() ({
      %run_scoped3A = tpu.sem_alloc : memref<!tpu.dma_semaphore, #tpu.memory_space<semaphore_mem>>
      %dma_start3A_332 = arith.constant 0 : i32
      %dma_start3A_333 = tpu.memref_slice %arg26[%add3A_321, %dma_start3A_332] : memref<10240x128xf32, #tpu.memory_space<vmem_shared>> -> memref<32x128xf32, #tpu.memory_space<vmem_shared>>
      %dma_start3A_334 = arith.constant 0 : i32
      %dma_start3A_335 = tpu.memref_slice %arg26[%add3A_321, %dma_start3A_334] : memref<10240x128xf32, #tpu.memory_space<vmem_shared>> -> memref<32x128xf32, #tpu.memory_space<vmem_shared>>
      tpu.enqueue_dma source(%dma_start3A_335 : memref<32x128xf32, #tpu.memory_space<vmem_shared>>) target(%arg25 : memref<32x128xf32, #tpu.memory_space<vmem>>) target_semaphore(%run_scoped3A : memref<!tpu.dma_semaphore, #tpu.memory_space<semaphore_mem>>)
      %dma_wait3A_336 = arith.constant 0 : i32
      %dma_wait3A_337 = tpu.memref_slice %arg26[%add3A_321, %dma_wait3A_336] : memref<10240x128xf32, #tpu.memory_space<vmem_shared>> -> memref<32x128xf32, #tpu.memory_space<vmem_shared>>
      %dma_wait3A_338 = arith.constant 0 : i32
      %dma_wait3A_339 = tpu.memref_slice %arg26[%add3A_321, %dma_wait3A_338] : memref<10240x128xf32, #tpu.memory_space<vmem_shared>> -> memref<32x128xf32, #tpu.memory_space<vmem_shared>>
      tpu.wait_dma2 semaphore(%run_scoped3A : memref<!tpu.dma_semaphore, #tpu.memory_space<semaphore_mem>>) src(%dma_wait3A_339 : memref<32x128xf32, #tpu.memory_space<vmem_shared>>) dst(%arg25 : memref<32x128xf32, #tpu.memory_space<vmem>>)
      tpu.yield
    }) : () -> ()
    %eq3A_322 = arith.constant 0 : i32
    %eq3A_323 = arith.cmpi eq, %arg0, %eq3A_322 : i32
    %convert_element_type3A_324 = arith.extui %eq3A_323 : i1 to i32
    %cond3A_325 = arith.constant 0 : i32
    %cond3A_326 = arith.cmpi ne, %convert_element_type3A_324, %cond3A_325 : i32
    scf.if %cond3A_326 {
      "tpu.region"() ({
        %run_scoped3A = tpu.sem_alloc : memref<!tpu.dma_semaphore, #tpu.memory_space<semaphore_mem>>
        %dma_start3A_332 = arith.constant 0 : i32
        %dma_start3A_333 = tpu.memref_slice %arg9[%add3A_321, %dma_start3A_332] : memref<10240x128xf32, #tpu.memory_space<hbm>> -> memref<32x128xf32, #tpu.memory_space<hbm>>
        %dma_start3A_334 = arith.constant 0 : i32
        %dma_start3A_335 = tpu.memref_slice %arg9[%add3A_321, %dma_start3A_334] : memref<10240x128xf32, #tpu.memory_space<hbm>> -> memref<32x128xf32, #tpu.memory_space<hbm>>
        tpu.enqueue_dma source(%arg25 : memref<32x128xf32, #tpu.memory_space<vmem>>) target(%dma_start3A_335 : memref<32x128xf32, #tpu.memory_space<hbm>>) target_semaphore(%run_scoped3A : memref<!tpu.dma_semaphore, #tpu.memory_space<semaphore_mem>>)
        %dma_wait3A_336 = arith.constant 0 : i32
        %dma_wait3A_337 = tpu.memref_slice %arg9[%add3A_321, %dma_wait3A_336] : memref<10240x128xf32, #tpu.memory_space<hbm>> -> memref<32x128xf32, #tpu.memory_space<hbm>>
        %dma_wait3A_338 = arith.constant 0 : i32
        %dma_wait3A_339 = tpu.memref_slice %arg9[%add3A_321, %dma_wait3A_338] : memref<10240x128xf32, #tpu.memory_space<hbm>> -> memref<32x128xf32, #tpu.memory_space<hbm>>
        tpu.wait_dma2 semaphore(%run_scoped3A : memref<!tpu.dma_semaphore, #tpu.memory_space<semaphore_mem>>) src(%arg25 : memref<32x128xf32, #tpu.memory_space<vmem>>) dst(%dma_wait3A_339 : memref<32x128xf32, #tpu.memory_space<hbm>>)
        tpu.yield
      }) : () -> ()
    } else {
    }
    %eq3A_327 = arith.constant 1 : i32
    %eq3A_328 = arith.cmpi eq, %arg0, %eq3A_327 : i32
    %convert_element_type3A_329 = arith.extui %eq3A_328 : i1 to i32
    %cond3A_330 = arith.constant 0 : i32
    %cond3A_331 = arith.cmpi ne, %convert_element_type3A_329, %cond3A_330 : i32
    scf.if %cond3A_331 {
      "tpu.region"() ({
        %run_scoped3A = tpu.sem_alloc : memref<!tpu.dma_semaphore, #tpu.memory_space<semaphore_mem>>
        %dma_start3A_332 = arith.constant 0 : i32
        %dma_start3A_333 = tpu.memref_slice %arg10[%add3A_321, %dma_start3A_332] : memref<10240x128xf32, #tpu.memory_space<hbm>> -> memref<32x128xf32, #tpu.memory_space<hbm>>
        %dma_start3A_334 = arith.constant 0 : i32
        %dma_start3A_335 = tpu.memref_slice %arg10[%add3A_321, %dma_start3A_334] : memref<10240x128xf32, #tpu.memory_space<hbm>> -> memref<32x128xf32, #tpu.memory_space<hbm>>
        tpu.enqueue_dma source(%arg25 : memref<32x128xf32, #tpu.memory_space<vmem>>) target(%dma_start3A_335 : memref<32x128xf32, #tpu.memory_space<hbm>>) target_semaphore(%run_scoped3A : memref<!tpu.dma_semaphore, #tpu.memory_space<semaphore_mem>>)
        %dma_wait3A_336 = arith.constant 0 : i32
        %dma_wait3A_337 = tpu.memref_slice %arg10[%add3A_321, %dma_wait3A_336] : memref<10240x128xf32, #tpu.memory_space<hbm>> -> memref<32x128xf32, #tpu.memory_space<hbm>>
        %dma_wait3A_338 = arith.constant 0 : i32
        %dma_wait3A_339 = tpu.memref_slice %arg10[%add3A_321, %dma_wait3A_338] : memref<10240x128xf32, #tpu.memory_space<hbm>> -> memref<32x128xf32, #tpu.memory_space<hbm>>
        tpu.wait_dma2 semaphore(%run_scoped3A : memref<!tpu.dma_semaphore, #tpu.memory_space<semaphore_mem>>) src(%arg25 : memref<32x128xf32, #tpu.memory_space<vmem>>) dst(%dma_wait3A_339 : memref<32x128xf32, #tpu.memory_space<hbm>>)
        tpu.yield
      }) : () -> ()
    } else {
    }
    return
  }
}

module attributes {stable_mosaic.version = 14 : i64} {
  func.func @_tc1_body(%arg0: i32, %arg1: memref<2000x128xf32, #tpu.memory_space<vmem>>, %arg2: memref<128x1024xf32, #tpu.memory_space<vmem>>, %arg3: memref<1024x16xf32, #tpu.memory_space<vmem>>, %arg4: memref<1024x16xf32, #tpu.memory_space<vmem>>, %arg5: memref<2000x1024xbf16, #tpu.memory_space<vmem>>, %arg6: memref<2000x16xf32, #tpu.memory_space<vmem>>, %arg7: memref<2000x16xf32, #tpu.memory_space<vmem>>, %arg8: memref<8x16xf32, #tpu.memory_space<vmem>>, %arg9: memref<8x16xf32, #tpu.memory_space<vmem>>) attributes {dimension_semantics = [#tpu.dimension_semantics<arbitrary>], iteration_bounds = array<i64: 5>, scalar_prefetch = 0 : i64, scratch_operands = 0 : i64, tpu.core_type = #tpu.core_type<tc>, window_params = [{transform_indices = @transform_0, window_bounds = array<i64: 2000, 128>}, {pipeline_mode = #tpu.pipeline_mode<synchronous>, transform_indices = @transform_1, window_bounds = array<i64: 128, 1024>}, {pipeline_mode = #tpu.pipeline_mode<synchronous>, transform_indices = @transform_2, window_bounds = array<i64: 1024, 16>}, {pipeline_mode = #tpu.pipeline_mode<synchronous>, transform_indices = @transform_3, window_bounds = array<i64: 1024, 16>}, {transform_indices = @transform_4, window_bounds = array<i64: 2000, 1024>}, {transform_indices = @transform_5, window_bounds = array<i64: 2000, 16>}, {transform_indices = @transform_6, window_bounds = array<i64: 2000, 16>}, {pipeline_mode = #tpu.pipeline_mode<synchronous>, transform_indices = @transform_7, window_bounds = array<i64: 8, 16>}, {pipeline_mode = #tpu.pipeline_mode<synchronous>, transform_indices = @transform_8, window_bounds = array<i64: 8, 16>}]} {
    %get3A = arith.constant 0 : index
    %get3A_0 = arith.constant 0 : index
    %get3A_1 = vector.load %arg1[%get3A, %get3A_0] : memref<2000x128xf32, #tpu.memory_space<vmem>>, vector<2000x128xf32>
    %get3A_2 = arith.constant 0 : index
    %get3A_3 = arith.constant 0 : index
    %get3A_4 = vector.load %arg2[%get3A_2, %get3A_3] : memref<128x1024xf32, #tpu.memory_space<vmem>>, vector<128x1024xf32>
    %dot_general3A = arith.constant dense<0.000000e+00> : vector<2000x1024xf32>
    %dot_general3A_5 = tpu.matmul %get3A_1, %get3A_4, %dot_general3A {dimension_numbers = #tpu.dot_dimension_numbers<[1], [0], [0], [1], [0, 0, 1, 1], [], []>, transpose_lhs_hint = false} : vector<2000x128xf32>, vector<128x1024xf32>, vector<2000x1024xf32> -> vector<2000x1024xf32>
    %convert_element_type3A = arith.truncf %dot_general3A_5 : vector<2000x1024xf32> to vector<2000x1024xbf16>
    %swap3A = arith.constant 0 : index
    %swap3A_6 = arith.constant 0 : index
    %swap3A_7 = vector.load %arg5[%swap3A, %swap3A_6] : memref<2000x1024xbf16, #tpu.memory_space<vmem>>, vector<2000x1024xbf16>
    tpu.vector_store %arg5[%swap3A, %swap3A_6], %convert_element_type3A {strides = array<i32>} : memref<2000x1024xbf16, #tpu.memory_space<vmem>>, vector<2000x1024xbf16>,
    %get3A_8 = arith.constant 0 : index
    %get3A_9 = arith.constant 0 : index
    %get3A_10 = vector.load %arg3[%get3A_8, %get3A_9] : memref<1024x16xf32, #tpu.memory_space<vmem>>, vector<1024x16xf32>
    %dot_general3A_11 = arith.constant dense<0.000000e+00> : vector<2000x16xf32>
    %dot_general3A_12 = tpu.matmul %dot_general3A_5, %get3A_10, %dot_general3A_11 {dimension_numbers = #tpu.dot_dimension_numbers<[1], [0], [0], [1], [0, 0, 1, 1], [], []>, transpose_lhs_hint = false} : vector<2000x1024xf32>, vector<1024x16xf32>, vector<2000x16xf32> -> vector<2000x16xf32>
    %get3A_13 = arith.constant 0 : index
    %get3A_14 = arith.constant 0 : index
    %get3A_15 = vector.load %arg4[%get3A_13, %get3A_14] : memref<1024x16xf32, #tpu.memory_space<vmem>>, vector<1024x16xf32>
    %dot_general3A_16 = arith.constant dense<0.000000e+00> : vector<2000x16xf32>
    %dot_general3A_17 = tpu.matmul %dot_general3A_5, %get3A_15, %dot_general3A_16 {dimension_numbers = #tpu.dot_dimension_numbers<[1], [0], [0], [1], [0, 0, 1, 1], [], []>, transpose_lhs_hint = false} : vector<2000x1024xf32>, vector<1024x16xf32>, vector<2000x16xf32> -> vector<2000x16xf32>
    %swap3A_18 = arith.constant 0 : index
    %swap3A_19 = arith.constant 0 : index
    %swap3A_20 = vector.load %arg6[%swap3A_18, %swap3A_19] : memref<2000x16xf32, #tpu.memory_space<vmem>>, vector<2000x16xf32>
    tpu.vector_store %arg6[%swap3A_18, %swap3A_19], %dot_general3A_12 {strides = array<i32>} : memref<2000x16xf32, #tpu.memory_space<vmem>>, vector<2000x16xf32>,
    %swap3A_21 = arith.constant 0 : index
    %swap3A_22 = arith.constant 0 : index
    %swap3A_23 = vector.load %arg7[%swap3A_21, %swap3A_22] : memref<2000x16xf32, #tpu.memory_space<vmem>>, vector<2000x16xf32>
    tpu.vector_store %arg7[%swap3A_21, %swap3A_22], %dot_general3A_17 {strides = array<i32>} : memref<2000x16xf32, #tpu.memory_space<vmem>>, vector<2000x16xf32>,
    %eq3A = arith.constant 0 : i32
    %eq3A_24 = arith.cmpi eq, %arg0, %eq3A : i32
    %convert_element_type3A_25 = arith.extui %eq3A_24 : i1 to i32
    %cond3A = arith.constant 0 : i32
    %cond3A_26 = arith.cmpi ne, %convert_element_type3A_25, %cond3A : i32
    scf.if %cond3A_26 {
      %broadcast_in_dim3A_48 = arith.constant -1.000000e+30 : f32
      %broadcast_in_dim3A_49 = vector.broadcast %broadcast_in_dim3A_48 : f32 to vector<8x16xf32>
      %swap3A_50 = arith.constant 0 : index
      %swap3A_51 = arith.constant 0 : index
      %swap3A_52 = vector.load %arg8[%swap3A_50, %swap3A_51] : memref<8x16xf32, #tpu.memory_space<vmem>>, vector<8x16xf32>
      tpu.vector_store %arg8[%swap3A_50, %swap3A_51], %broadcast_in_dim3A_49 {strides = array<i32>} : memref<8x16xf32, #tpu.memory_space<vmem>>, vector<8x16xf32>,
      %broadcast_in_dim3A_53 = arith.constant -1.000000e+30 : f32
      %broadcast_in_dim3A_54 = vector.broadcast %broadcast_in_dim3A_53 : f32 to vector<8x16xf32>
      %swap3A_55 = arith.constant 0 : index
      %swap3A_56 = arith.constant 0 : index
      %swap3A_57 = vector.load %arg9[%swap3A_55, %swap3A_56] : memref<8x16xf32, #tpu.memory_space<vmem>>, vector<8x16xf32>
      tpu.vector_store %arg9[%swap3A_55, %swap3A_56], %broadcast_in_dim3A_54 {strides = array<i32>} : memref<8x16xf32, #tpu.memory_space<vmem>>, vector<8x16xf32>,
    } else {
    }
    %get3A_27 = arith.constant 0 : index
    %get3A_28 = arith.constant 0 : index
    %get3A_29 = vector.load %arg8[%get3A_27, %get3A_28] : memref<8x16xf32, #tpu.memory_space<vmem>>, vector<8x16xf32>
    %reduce_max3A = arith.constant dense<0xFF800000> : vector<16xf32>
    %reduce_max3A_30 = vector.multi_reduction <maximumf>, %dot_general3A_12, %reduce_max3A [0] : vector<2000x16xf32> to vector<16xf32>
    %broadcast_in_dim3A = vector.shape_cast %reduce_max3A_30 : vector<16xf32> to vector<1x16xf32>
    %broadcast_in_dim3A_31 = vector.shape_cast %broadcast_in_dim3A : vector<1x16xf32> to vector<1x16xf32>
    %broadcast_in_dim3A_32 = vector.broadcast %broadcast_in_dim3A_31 : vector<1x16xf32> to vector<8x16xf32>
    %max3A = arith.maximumf %get3A_29, %broadcast_in_dim3A_32 : vector<8x16xf32>
    %swap3A_33 = arith.constant 0 : index
    %swap3A_34 = arith.constant 0 : index
    %swap3A_35 = vector.load %arg8[%swap3A_33, %swap3A_34] : memref<8x16xf32, #tpu.memory_space<vmem>>, vector<8x16xf32>
    tpu.vector_store %arg8[%swap3A_33, %swap3A_34], %max3A {strides = array<i32>} : memref<8x16xf32, #tpu.memory_space<vmem>>, vector<8x16xf32>,
    %get3A_36 = arith.constant 0 : index
    %get3A_37 = arith.constant 0 : index
    %get3A_38 = vector.load %arg9[%get3A_36, %get3A_37] : memref<8x16xf32, #tpu.memory_space<vmem>>, vector<8x16xf32>
    %reduce_max3A_39 = arith.constant dense<0xFF800000> : vector<16xf32>
    %reduce_max3A_40 = vector.multi_reduction <maximumf>, %dot_general3A_17, %reduce_max3A_39 [0] : vector<2000x16xf32> to vector<16xf32>
    %broadcast_in_dim3A_41 = vector.shape_cast %reduce_max3A_40 : vector<16xf32> to vector<1x16xf32>
    %broadcast_in_dim3A_42 = vector.shape_cast %broadcast_in_dim3A_41 : vector<1x16xf32> to vector<1x16xf32>
    %broadcast_in_dim3A_43 = vector.broadcast %broadcast_in_dim3A_42 : vector<1x16xf32> to vector<8x16xf32>
    %max3A_44 = arith.maximumf %get3A_38, %broadcast_in_dim3A_43 : vector<8x16xf32>
    %swap3A_45 = arith.constant 0 : index
    %swap3A_46 = arith.constant 0 : index
    %swap3A_47 = vector.load %arg9[%swap3A_45, %swap3A_46] : memref<8x16xf32, #tpu.memory_space<vmem>>, vector<8x16xf32>
    tpu.vector_store %arg9[%swap3A_45, %swap3A_46], %max3A_44 {strides = array<i32>} : memref<8x16xf32, #tpu.memory_space<vmem>>, vector<8x16xf32>,
    return
  }
  func.func @transform_0(%arg0: i32) -> (i32, i32) {
    %c0_i32 = arith.constant 0 : i32
    %c0_i32_0 = arith.constant 0 : i32
    return %arg0, %c0_i32 : i32, i32
  }
  func.func @transform_1(%arg0: i32) -> (i32, i32) {
    %c0_i32 = arith.constant 0 : i32
    %c0_i32_0 = arith.constant 0 : i32
    %c0_i32_1 = arith.constant 0 : i32
    return %c0_i32, %c0_i32_0 : i32, i32
  }
  func.func @transform_2(%arg0: i32) -> (i32, i32) {
    %c0_i32 = arith.constant 0 : i32
    %c0_i32_0 = arith.constant 0 : i32
    %c0_i32_1 = arith.constant 0 : i32
    return %c0_i32, %c0_i32_0 : i32, i32
  }
  func.func @transform_3(%arg0: i32) -> (i32, i32) {
    %c0_i32 = arith.constant 0 : i32
    %c0_i32_0 = arith.constant 0 : i32
    %c0_i32_1 = arith.constant 0 : i32
    return %c0_i32, %c0_i32_0 : i32, i32
  }
  func.func @transform_4(%arg0: i32) -> (i32, i32) {
    %c0_i32 = arith.constant 0 : i32
    %c0_i32_0 = arith.constant 0 : i32
    return %arg0, %c0_i32 : i32, i32
  }
  func.func @transform_5(%arg0: i32) -> (i32, i32) {
    %c0_i32 = arith.constant 0 : i32
    %c0_i32_0 = arith.constant 0 : i32
    return %arg0, %c0_i32 : i32, i32
  }
  func.func @transform_6(%arg0: i32) -> (i32, i32) {
    %c0_i32 = arith.constant 0 : i32
    %c0_i32_0 = arith.constant 0 : i32
    return %arg0, %c0_i32 : i32, i32
  }
  func.func @transform_7(%arg0: i32) -> (i32, i32) {
    %c0_i32 = arith.constant 0 : i32
    %c0_i32_0 = arith.constant 0 : i32
    %c0_i32_1 = arith.constant 0 : i32
    return %c0_i32, %c0_i32_0 : i32, i32
  }
  func.func @transform_8(%arg0: i32) -> (i32, i32) {
    %c0_i32 = arith.constant 0 : i32
    %c0_i32_0 = arith.constant 0 : i32
    %c0_i32_1 = arith.constant 0 : i32
    return %c0_i32, %c0_i32_0 : i32, i32
  }
}

module attributes {stable_mosaic.version = 14 : i64} {
  func.func @_tc2_body(%arg0: i32, %arg1: memref<2000x128xf32, #tpu.memory_space<vmem>>, %arg2: memref<2000x128xf32, #tpu.memory_space<vmem>>, %arg3: memref<128x128xf32, #tpu.memory_space<vmem>>, %arg4: memref<1x128xf32, #tpu.memory_space<vmem>>, %arg5: memref<128x128xf32, #tpu.memory_space<vmem>>, %arg6: memref<1x128xf32, #tpu.memory_space<vmem>>, %arg7: memref<2000x128xf32, #tpu.memory_space<vmem>>, %arg8: memref<2000x128xf32, #tpu.memory_space<vmem>>) attributes {dimension_semantics = [#tpu.dimension_semantics<arbitrary>], iteration_bounds = array<i64: 5>, scalar_prefetch = 0 : i64, scratch_operands = 0 : i64, tpu.core_type = #tpu.core_type<tc>, window_params = [{transform_indices = @transform_0, window_bounds = array<i64: 2000, 128>}, {transform_indices = @transform_1, window_bounds = array<i64: 2000, 128>}, {pipeline_mode = #tpu.pipeline_mode<synchronous>, transform_indices = @transform_2, window_bounds = array<i64: 128, 128>}, {pipeline_mode = #tpu.pipeline_mode<synchronous>, transform_indices = @transform_3, window_bounds = array<i64: 1, 128>}, {pipeline_mode = #tpu.pipeline_mode<synchronous>, transform_indices = @transform_4, window_bounds = array<i64: 128, 128>}, {pipeline_mode = #tpu.pipeline_mode<synchronous>, transform_indices = @transform_5, window_bounds = array<i64: 1, 128>}, {transform_indices = @transform_6, window_bounds = array<i64: 2000, 128>}, {transform_indices = @transform_7, window_bounds = array<i64: 2000, 128>}]} {
    %get3A = arith.constant 0 : index
    %get3A_0 = arith.constant 0 : index
    %get3A_1 = vector.load %arg1[%get3A, %get3A_0] : memref<2000x128xf32, #tpu.memory_space<vmem>>, vector<2000x128xf32>
    %get3A_2 = arith.constant 0 : index
    %get3A_3 = arith.constant 0 : index
    %get3A_4 = vector.load %arg2[%get3A_2, %get3A_3] : memref<2000x128xf32, #tpu.memory_space<vmem>>, vector<2000x128xf32>
    %add3A = arith.addf %get3A_1, %get3A_4 : vector<2000x128xf32>
    %mul3A = arith.constant 1.250000e-01 : f32
    %mul3A_5 = vector.broadcast %mul3A : f32 to vector<2000x128xf32>
    %mul3A_6 = arith.mulf %add3A, %mul3A_5 : vector<2000x128xf32>
    %get3A_7 = arith.constant 0 : index
    %get3A_8 = arith.constant 0 : index
    %get3A_9 = vector.load %arg3[%get3A_7, %get3A_8] : memref<128x128xf32, #tpu.memory_space<vmem>>, vector<128x128xf32>
    %dot_general3A = arith.constant dense<0.000000e+00> : vector<2000x128xf32>
    %dot_general3A_10 = tpu.matmul %mul3A_6, %get3A_9, %dot_general3A {dimension_numbers = #tpu.dot_dimension_numbers<[1], [0], [0], [1], [0, 0, 1, 1], [], []>, transpose_lhs_hint = false} : vector<2000x128xf32>, vector<128x128xf32>, vector<2000x128xf32> -> vector<2000x128xf32>
    %get3A_11 = arith.constant 0 : index
    %get3A_12 = arith.constant 0 : index
    %get3A_13 = vector.load %arg4[%get3A_11, %get3A_12] : memref<1x128xf32, #tpu.memory_space<vmem>>, vector<1x128xf32>
    %add3A_14 = vector.broadcast %get3A_13 : vector<1x128xf32> to vector<2000x128xf32>
    %add3A_15 = arith.addf %dot_general3A_10, %add3A_14 : vector<2000x128xf32>
    %gt3A = arith.constant 0.000000e+00 : f32
    %gt3A_16 = vector.broadcast %gt3A : f32 to vector<2000x128xf32>
    %gt3A_17 = arith.cmpf ogt, %add3A_15, %gt3A_16 : vector<2000x128xf32>
    %min3A = arith.constant 0.000000e+00 : f32
    %min3A_18 = vector.broadcast %min3A : f32 to vector<2000x128xf32>
    %min3A_19 = arith.minimumf %add3A_15, %min3A_18 : vector<2000x128xf32>
    %exp3A = math.exp %min3A_19 : vector<2000x128xf32>
    %sub3A = arith.constant 1.000000e+00 : f32
    %sub3A_20 = vector.broadcast %sub3A : f32 to vector<2000x128xf32>
    %sub3A_21 = arith.subf %exp3A, %sub3A_20 : vector<2000x128xf32>
    %select_n3A = arith.select %gt3A_17, %add3A_15, %sub3A_21 : vector<2000x128xi1>, vector<2000x128xf32>
    %swap3A = arith.constant 0 : index
    %swap3A_22 = arith.constant 0 : index
    %swap3A_23 = vector.load %arg8[%swap3A, %swap3A_22] : memref<2000x128xf32, #tpu.memory_space<vmem>>, vector<2000x128xf32>
    tpu.vector_store %arg8[%swap3A, %swap3A_22], %select_n3A {strides = array<i32>} : memref<2000x128xf32, #tpu.memory_space<vmem>>, vector<2000x128xf32>,
    %get3A_24 = arith.constant 0 : index
    %get3A_25 = arith.constant 0 : index
    %get3A_26 = vector.load %arg5[%get3A_24, %get3A_25] : memref<128x128xf32, #tpu.memory_space<vmem>>, vector<128x128xf32>
    %dot_general3A_27 = arith.constant dense<0.000000e+00> : vector<2000x128xf32>
    %dot_general3A_28 = tpu.matmul %select_n3A, %get3A_26, %dot_general3A_27 {dimension_numbers = #tpu.dot_dimension_numbers<[1], [0], [0], [1], [0, 0, 1, 1], [], []>, transpose_lhs_hint = false} : vector<2000x128xf32>, vector<128x128xf32>, vector<2000x128xf32> -> vector<2000x128xf32>
    %get3A_29 = arith.constant 0 : index
    %get3A_30 = arith.constant 0 : index
    %get3A_31 = vector.load %arg6[%get3A_29, %get3A_30] : memref<1x128xf32, #tpu.memory_space<vmem>>, vector<1x128xf32>
    %add3A_32 = vector.broadcast %get3A_31 : vector<1x128xf32> to vector<2000x128xf32>
    %add3A_33 = arith.addf %dot_general3A_28, %add3A_32 : vector<2000x128xf32>
    %swap3A_34 = arith.constant 0 : index
    %swap3A_35 = arith.constant 0 : index
    %swap3A_36 = vector.load %arg7[%swap3A_34, %swap3A_35] : memref<2000x128xf32, #tpu.memory_space<vmem>>, vector<2000x128xf32>
    tpu.vector_store %arg7[%swap3A_34, %swap3A_35], %add3A_33 {strides = array<i32>} : memref<2000x128xf32, #tpu.memory_space<vmem>>, vector<2000x128xf32>,
    return
  }
  func.func @transform_0(%arg0: i32) -> (i32, i32) {
    %c0_i32 = arith.constant 0 : i32
    %c0_i32_0 = arith.constant 0 : i32
    return %arg0, %c0_i32 : i32, i32
  }
  func.func @transform_1(%arg0: i32) -> (i32, i32) {
    %c0_i32 = arith.constant 0 : i32
    %c0_i32_0 = arith.constant 0 : i32
    return %arg0, %c0_i32 : i32, i32
  }
  func.func @transform_2(%arg0: i32) -> (i32, i32) {
    %c0_i32 = arith.constant 0 : i32
    %c0_i32_0 = arith.constant 0 : i32
    %c0_i32_1 = arith.constant 0 : i32
    return %c0_i32, %c0_i32_0 : i32, i32
  }
  func.func @transform_3(%arg0: i32) -> (i32, i32) {
    %c0_i32 = arith.constant 0 : i32
    %c0_i32_0 = arith.constant 0 : i32
    %c0_i32_1 = arith.constant 0 : i32
    return %c0_i32, %c0_i32_0 : i32, i32
  }
  func.func @transform_4(%arg0: i32) -> (i32, i32) {
    %c0_i32 = arith.constant 0 : i32
    %c0_i32_0 = arith.constant 0 : i32
    %c0_i32_1 = arith.constant 0 : i32
    return %c0_i32, %c0_i32_0 : i32, i32
  }
  func.func @transform_5(%arg0: i32) -> (i32, i32) {
    %c0_i32 = arith.constant 0 : i32
    %c0_i32_0 = arith.constant 0 : i32
    %c0_i32_1 = arith.constant 0 : i32
    return %c0_i32, %c0_i32_0 : i32, i32
  }
  func.func @transform_6(%arg0: i32) -> (i32, i32) {
    %c0_i32 = arith.constant 0 : i32
    %c0_i32_0 = arith.constant 0 : i32
    return %arg0, %c0_i32 : i32, i32
  }
  func.func @transform_7(%arg0: i32) -> (i32, i32) {
    %c0_i32 = arith.constant 0 : i32
    %c0_i32_0 = arith.constant 0 : i32
    return %arg0, %c0_i32 : i32, i32
  }
}

</mosaic_0001>

<sc_bundles>
// kernel: kernel.6.cloned.1.call-start
scs
__scs_entry_jumppad:
0x0: {  	(pc) =	sbr.rel $0x88, $3  }
0x1: {  	(tag) =	ssettag $0x0;
	lr =	simm.s32 $0x1  }
0x2: {  	[smem:$0x3F99] =	sst lr;
	_ =	strace $0xD0000000  }
0x3: {  	_ = 	snop  }
0x4: {  	_ = 	snop  }
0x5: {  	_ = 	snop  }
0x6: {  	_ = 	snop  }
0x7: {  	_ = 	snop  }
__scs_overlays_trampoline_lowered:
0x8: {  	[smem:$0x3FA8] =	sst s0  }
0x9: {  	[smem:$0x3FA9] =	sst s1  }
0xa: {  	[smem:$0x3FAA] =	sst s2  }
0xb: {  	[smem:$0x3FAB] =	sst s3  }
0xc: {  	[smem:$0x3FAC] =	sst s4  }
0xd: {  	[smem:$0x3FAD] =	sst s5  }
0xe: {  	[smem:$0x3FAE] =	sst s6  }
0xf: {  	[smem:$0x3FAF] =	sst s7  }
0x10: {  	[smem:$0x3FB0] =	sst s8  }
0x11: {  	[smem:$0x3FB1] =	sst s9;
	s0 =	simm.s32 @!p0 $0x0  }
0x12: {  	s1 =	sld [smem:$0x3F97];
	s0 =	simm.s32 @p0 $0x1  }
0x13: {  	[smem:$0x3FB2] =	sst s0;
	s0 =	simm.s32 @!p1 $0x0  }
0x14: {  	s2 =	sld [smem:$0x3F96];
	s0 =	simm.s32 @p1 $0x1  }
0x15: {  	[smem:$0x3FB3] =	sst s0;
	s0 =	simm.s32 @!p2 $0x0  }
0x16: {  	s3 =	sld [smem:$0x3FDB];
	s0 =	simm.s32 @p2 $0x1  }
0x17: {  	s4 =	simm.s32 $0x1BF5;
	[smem:$0x3FB5] =	sst s0  }
0x18: {  	s0 =	sld [smem:$0x3F98];
	_ =	swait.ge [sflag:s4], $0x0  }
0x19: {  	s7 =	sld [smem:$0x3F99]  }
0x1a: {  	s8 =	sadd.s32 $0xFFFFE003, lr  }
0x1b: {  	s9 =	sadd.s32 $0xFFFFFEF7, lr;
	s5 =	simm.s32 $0xFFFFFFFF;
	p2 =	slt.u32 s8, $0xFFFFF086  }
0x1c: {  	p1 =	slt.u32 s9, $0xF7A;
	s5 =	simm.s32 @!p2 $0x0  }
0x1d: {  	s5 =	simm.s32 @p1 $0x1;
	p0 =	seq.s32 s7, s2  }
0x1e: {  	s7 =	smul.u32 @!p0 $0xF7A, s2;
	p2 =	seq.s32 @!p0 s5, $0x0  }
0x1f: {  	s9 =	smul.u32 $0xF7A, s1;
	s8 =	simm.s32 @!p0 $0x1BF5;
	p2 =	por !p2, p0  }
0x20: {  	[sflag:s8] =	ssyncset.s32 @!p0 $0xFFFFF086;
	s6 =	sadd.s32 @!p0 s3, s7;
	s7 =	simm.s32 @!p0 $0x108  }
0x21: {  	s3 =	sadd.s32 s3, s9;
	s6 =	sadd.s32 @!p0 $0x88, s6;
	s7 =	simm.s32 @p2 $0x1082  }
0x22: {  	[simem:s7], [sflag:s8] =	dma.local @!p0 [hbm:s6], $0xF7A  }
0x23: {  	s9 =	sor.u32 $0xD0000000, s2;
	s6 =	simm.s32 $0x108;
	_ =	swait.ge @!p0 [sflag:s8], $0x0  }
0x24: {  	s3 =	sadd.s32 $0x88, s3;
	s6 =	simm.s32 @!p1 $0x1082;
	[sflag:s4] =	ssyncset.s32 $0xFFFFF086  }
0x25: {  	[simem:s6], [sflag:s4] =	dma.local [hbm:s3], $0xF7A  }
0x26: {  	[smem:$0x3F99] =	sst s1;
	(tag) =	ssettag s2;
	_ =	strace s9  }
0x27: {  	s1 =	sld [smem:$0x3FA9]  }
0x28: {  	s2 =	sld [smem:$0x3FAA]  }
0x29: {  	s4 =	sld [smem:$0x3FAC]  }
0x2a: {  	p0 =	seq.s32 s5, $0x0;
	s5 =	sld [smem:$0x3FAD]  }
0x2b: {  	s6 =	sld [smem:$0x3FAE]  }
0x2c: {  	s7 =	sld [smem:$0x3FAF]  }
0x2d: {  	s3 =	simm.s32 $0x108;
	s8 =	sld [smem:$0x3FB0]  }
0x2e: {  	s3 =	simm.s32 @!p0 $0x1082;
	s9 =	sld [smem:$0x3FB1]  }
0x2f: {  	lr =	sadd.s32 s0, s3;
	s0 =	sld [smem:$0x3FA8]  }
0x30: {  	s3 =	sld [smem:$0x3FAB]  }
0x31: {  	[smem:$0x3FB4] =	sst s10  }
0x32: {  	s10 =	sld [smem:$0x3FB2];
	_ =	sdelay $0x3  }
0x33: {  	p0 =	seq.s32 s10, $0x1;
	s10 =	sld [smem:$0x3FB4];
	_ =	sdelay $0x3  }
0x34: {  	[smem:$0x3FB4] =	sst s10  }
0x35: {  	s10 =	sld [smem:$0x3FB3];
	_ =	sdelay $0x3  }
0x36: {  	p1 =	seq.s32 s10, $0x1;
	s10 =	sld [smem:$0x3FB4];
	_ =	sdelay $0x3  }
0x37: {  	[smem:$0x3FB4] =	sst s10  }
0x38: {  	s10 =	sld [smem:$0x3FB5]  }
0x39: {  	_ = 	snop;
	(pc) =	sbr.ind lr, $3  }
0x3a: {  	_ = 	snop  }
0x3b: {  	_ = 	snop  }
0x3c: {  	p2 =	seq.s32 s10, $0x1;
	s10 =	sld [smem:$0x3FB4]  }
0x3d: {  	_ =	shalt  }
0x3e: {  	_ =	shalt  }
0x3f: {  	_ =	shalt  }
0x40: {  	_ =	shalt  }
0x41: {  	_ =	shalt  }
0x42: {  	_ =	shalt  }
0x43: {  	_ =	shalt  }
0x44: {  	_ =	shalt  }
0x45: {  	_ =	shalt  }
0x46: {  	_ =	shalt  }
0x47: {  	_ =	shalt  }
0x48: {  	_ =	shalt  }
0x49: {  	_ =	shalt  }
0x4a: {  	_ =	shalt  }
0x4b: {  	_ =	shalt  }
0x4c: {  	_ =	shalt  }
0x4d: {  	_ =	shalt  }
0x4e: {  	_ =	shalt  }
0x4f: {  	_ =	shalt  }
0x50: {  	_ =	shalt  }
0x51: {  	_ =	shalt  }
0x52: {  	_ =	shalt  }
0x53: {  	_ =	shalt  }
0x54: {  	_ =	shalt  }
0x55: {  	_ =	shalt  }
0x56: {  	_ =	shalt  }
0x57: {  	_ =	shalt  }
0x58: {  	_ =	shalt  }
0x59: {  	_ =	shalt  }
0x5a: {  	_ =	shalt  }
0x5b: {  	_ =	shalt  }
0x5c: {  	_ =	shalt  }
0x5d: {  	_ =	shalt  }
0x5e: {  	_ =	shalt  }
0x5f: {  	_ =	shalt  }
0x60: {  	_ =	shalt  }
0x61: {  	_ =	shalt  }
0x62: {  	_ =	shalt  }
0x63: {  	_ =	shalt  }
0x64: {  	_ =	shalt  }
0x65: {  	_ =	shalt  }
0x66: {  	_ =	shalt  }
0x67: {  	_ =	shalt  }
0x68: {  	_ =	shalt  }
0x69: {  	_ =	shalt  }
0x6a: {  	_ =	shalt  }
0x6b: {  	_ =	shalt  }
0x6c: {  	_ =	shalt  }
0x6d: {  	_ =	shalt  }
0x6e: {  	_ =	shalt  }
0x6f: {  	_ =	shalt  }
0x70: {  	_ =	shalt  }
0x71: {  	_ =	shalt  }
0x72: {  	_ =	shalt  }
0x73: {  	_ =	shalt  }
0x74: {  	_ =	shalt  }
0x75: {  	_ =	shalt  }
0x76: {  	_ =	shalt  }
0x77: {  	_ =	shalt  }
0x78: {  	_ =	shalt  }
0x79: {  	_ =	shalt  }
0x7a: {  	_ =	shalt  }
0x7b: {  	_ =	shalt  }
0x7c: {  	_ =	shalt  }
0x7d: {  	_ =	shalt  }
0x7e: {  	_ =	shalt  }
0x7f: {  	_ =	shalt  }
0x80: {  	_ =	shalt  }
0x81: {  	_ =	shalt  }
0x82: {  	_ =	shalt  }
0x83: {  	_ =	shalt  }
0x84: {  	_ =	shalt  }
0x85: {  	_ =	shalt  }
0x86: {  	_ =	shalt  }
0x87: {  	_ =	shalt  }
.Lfunc_end0:
.L_simem_size_0:
called_computation_lowered:
.L_overlay_start_0:
0x88: {  	s2 =	sld [smem:$0x3FD9]  }
0x89: {  	s3 =	sld [smem:$0x3FFE];
	_ =	sdelay $0x1  }
0x8a: {  	s1 =	srdreg.scid  }
0x8b: {  	s0 =	sand.u32 $0x1, s1  }
0x8c: {  	s14 =	sshll.u32 s0, $0xA;
	s2 =	sadd.s32 s3, s2  }
0x8d: {  	s2 =	sadd.s32 s2, s14  }
0x8e: {  	[smem:$0x3FC0] =	sst s2  }
0x8f: {  	_ = 	snop  }
0x90: {  	s2 =	sld [smem:$0x3FD0];
	_ =	sdelay $0x2  }
0x91: {  	s15 =	simm.s32 $0xA;
	s4 =	simm.s32 $0x10  }
0x92: {  	[smem:s4], [sflag:s15] =	dma.local [hbm:s2], $0x1  }
0x93: {  	_ =	swait.eq [sflag:s15], $0x1  }
0x94: {  	[sflag:s15] =	ssyncset.done $0x0  }
0x95: {  	s16 =	sld [smem:$0x10];
	[sflag:s15] =	ssyncadd.s32 $0xFFFFFFFF  }
0x96: {  	s17 =	sld [smem:$0x11];
	(tm) =	ssettm $0x1  }
0x97: {  	s18 =	sld [smem:$0x3FFB];
	_ =	sdelay $0x3  }
0x98: {  	_ =	strace s18  }
0x99: {  	s4 =	sld [smem:$0x3FFC];
	_ =	sdelay $0x3  }
0x9a: {  	_ =	strace s4  }
0x9b: {  	s4 =	sld [smem:$0x3FFD];
	_ =	sdelay $0x3  }
0x9c: {  	_ =	strace s4  }
0x9d: {  	_ =	strace $0x8FFFFFFF  }
0x9e: {  	s19 =	sld [smem:$0x3FDB];
	_ =	sdelay $0x1  }
0x9f: {  	s5 =	simm.s32 $_scs_section_size  }
0xa0: {  	s6 =	simm.s32 $_size__tile_overlayer_lowered;
	s7 =	simm.s32 $_tile_overlayer_lowered  }
0xa1: {  	s22 =	simm.s32 $0x1BFF;
	s21 =	sshll.u32 s7, $0x1;
	s4 =	sadd.s32 s5, s19  }
0xa2: {  	s8 =	simm.s32 $0x0;
	s20 =	sshll.u32 s6, $0x1;
	s6 =	sadd.s32 s21, s4  }
0xa3: {  	[timem:s8], [sflag:s22] =	dma.local [hbm:s6], s20  }
0xa4: {  	_ =	swait.ge [sflag:s22], s20  }
0xa5: {  	s5 =	ssub.s32 $0x0, s20;
	[sflag:s22] =	ssyncset.done $0x0  }
0xa6: {  	[sflag:s22] =	ssyncadd.s32 s5;
	_ =	sdelay $0x1  }
0xa7: {  	s23 =	simm.s32 $0x1B8B  }
0xa8: {  	_ =	swait.ge [sflag:s23], $0x1  }
0xa9: {  	[sflag:s23] =	ssyncset.done $0x0  }
0xaa: {  	s25 =	simm.s32 $0x1B8E;
	s24 =	sld [smem:$0x3FFE];
	[sflag:s23] =	ssyncadd.s32 $0xFFFFFFFF  }
0xab: {  	s26 =	simm.s32 $execute0_lowered;
	[smem:$0x3FD2] =	sst s25  }
0xac: {  	s6 =	sshll.u32 s26, $0x1;
	_ =	strace $0x80000046;
	[dreg:$0x1] =	wrdreg $0xFFFFFFFF  }
0xad: {  	s28 =	simm.s32 $_size_execute0_lowered;
	s4 =	sadd.s32 s4, s6;
	[dreg:$0x0] =	wrdreg $0x0  }
0xae: {  	s6 =	sshll.u32 s28, $0x1;
	[dreg:$0x2] =	wrdreg s4  }
0xaf: {  	[dreg:$0x3] =	wrdreg s6  }
0xb0: {  	[dreg:$0x4] =	wrdreg $0xC0  }
0xb1: {  	_ =	task [dreg:s8], $0x5FFFF  }
0xb2: {  	[dreg:$0x1] =	wrdreg $0xFFFFFFFF  }
0xb3: {  	[dreg:$0x0] =	wrdreg $0x60  }
0xb4: {  	[dreg:$0x2] =	wrdreg s24  }
0xb5: {  	[dreg:$0x3] =	wrdreg s17  }
0xb6: {  	[dreg:$0x4] =	wrdreg s16  }
0xb7: {  	[dreg:$0x5] =	wrdreg $0x86100  }
0xb8: {  	[dreg:$0x6] =	wrdreg $0x9  }
0xb9: {  	_ =	task.clear_ibuf [dreg:s8], $0x7FFFF;
	_ =	strace $0x90000046  }
0xba: {  	s29 =	simm.s32 $0x9;
	_ =	strace $0x80000048  }
0xbb: {  	_ =	swait.ge [sflag:s29], $0x1  }
0xbc: {  	[sflag:s29] =	ssyncadd.s32 $0xFFFFFFFF  }
0xbd: {  	_ =	strace $0x90000048  }
0xbe: {  	_ =	sfence  }
0xbf: {  	s30 =	sld [smem:$0x0];
	_ =	sdelay $0x2  }
0xc0: {  	s31 =	sshll.u32 s1, $0xD;
	s1 =	sshrl.u32 s1, $0x2  }
0xc1: {  	s3 =	sand.u32 $0x4000, s31;
	s1 =	sadd.s32 s1, s30  }
0xc2: {  	s0 =	sor.u32 s3, s0;
	s1 =	sshll.u32 s1, $0x11  }
0xc3: {  	s0 =	sor.u32 s1, s0  }
0xc4: {  	s0 =	sadd.s32 $0x8F2B, s0  }
0xc5: {  	[sflag:s0] =	ssyncadd.remote.s32 $0x1  }
0xc6: {  	_ =	sfence.sel $0xFFFF  }
0xc7: {  	[dreg:$0x0] =	wrdreg $0xFFFFFFFF;
	(pc) =	sbr.abs _section_cstart, $3  }
0xc8: {  	[dreg:$0x1] =	wrdreg $0xFFFFFFFF  }
0xc9: {  	_ =	task.clear_ibuf [dreg:s8], $0x2FFFF;
	_ =	strace $0x9FFFFFFF  }
0xca: {  	(tm) =	ssettm $0x7FFFFFFF  }
0xcb: {  	_ =	shalt  }
tec
execute0_lowered:
.L_overlay_start_1:
0x0: {  	(tag) =	ssettag $0x1  }
0x1: {  	s0 =	rddreg [dreg:$0x0]  }
0x2: {  	s5 =	rddreg [dreg:$0x1]  }
0x3: {  	s6 =	rddreg [dreg:$0x2]  }
0x4: {  	s1 =	rddreg [dreg:$0x3];
	s2 =	simm.s32 $0x0;
	s7 =	srdreg.scid  }
0x5: {  	s9 =	stileid.u32;
	s28 =	simm.s32 $0x2;
	s29 =	simm.s32 $0x5C00  }
0x6: {  	s30 =	simm.s32 $0x3;
	s31 =	simm.s32 $0x5;
	[smem:$0x7FF] =	sst s2  }
0x7: {  	s3 =	sadd.s32 $0x9D200, s0;
	s4 =	sadd.s32 $0xA2200, s0;
	s14 =	smul.u32 $0x2800, s9  }
0x8: {  	s10 =	sand.u32 $0x1, s7;
	s16 =	sshll.u32 s9, $0x1;
	s21 =	smul.u32 $0x290, s9  }
0x9: {  	s8 =	sadd.s32 $0xA7200, s0;
	s18 =	sadd.s32 $0xA7400, s0;
	s24 =	smul.u32 $0x5200, s9  }
0xa: {  	s7 =	sadd.s32 $0xAC400, s0;
	s17 =	ssub.s32 $0x2, s10;
	s23 =	smul.u32 $0x148, s10  }
0xb: {  	s11 =	sor.u32 s10, s16;
	p0 =	seq.s32 s10, $0x1;
	s10 =	smul.u32 $0x2900, s10  }
0xc: {  	_ =	strace $0x80000047;
	[dreg:$0x5] =	wrdreg s8;
	s13 =	smul.u32 $0x520, s11  }
0xd: {  	[dreg:$0x6] =	wrdreg s18;
	s12 =	sshrl.u32 s17, $0x1;
	s8 =	smul.u32 $0x148, s11  }
0xe: {  	s20 =	sadd.s32 s14, s1;
	s22 =	sshrl.u32 s14, $0x3;
	s11 =	simm.s32 $0x155400  }
0xf: {  	s12 =	ssub.s32 s17, s12;
	[dreg:$0x9] =	wrdreg s20;
	s11 =	simm.s32 @!p0 $0x150400  }
0x10: {  	p0 =	sne.s32 s9, $0x0;
	s26 =	sadd.s32 s10, s24;
	s17 =	simm.s32 $0x7  }
0x11: {  	s20 =	simm.s32 $0x20;
	s5 =	sadd.s32 s5, s13;
	[dreg:$0xc] =	wrdreg s26  }
0x12: {  	s24 =	simm.s32 $0x5800;
	s19 =	sadd.s32 s6, s13;
	[dreg:$0x7] =	wrdreg s5  }
0x13: {  	s12 =	smax.u32 s12, $0x1;
	s0 =	sadd.s32 s11, s0;
	[dreg:$0x8] =	wrdreg s19  }
0x14: {  	s26 =	simm.s32 $0x5A00;
	[dreg:$0xa] =	wrdreg s12;
	s5 =	sadd.s32 s23, s21  }
0x15: {  	s0 =	sadd.s32 s0, s22;
	s23 =	simm.s32 $0x5400;
	s19 =	simm.s32 $0x6  }
0x16: {  	s21 =	simm.s32 $0x5E10;
	s22 =	simm.s32 $0x0;
	s25 =	sshll.u32 s5, $0x5  }
0x17: {  	[dreg:$0xb] =	wrdreg s0;
	s0 =	sshrl.u32 @!p0 s1, $0x3;
	s5 =	sor.u32 $0x20, s25  }
0x18: {  	[dreg:$0xd] =	wrdreg s0;
	s25 =	simm.s32 $0x1;
	s0 =	simm.s32 $0x4  }
.LBB2_1:
0x19: {  	s9 =	rddreg [dreg:$0x6]  }
0x1a: {  	s6 =	simm.s32 @!p0 $0x1C07;
	s10 =	rddreg [dreg:$0xd]  }
0x1b: {  	[spmem:s10], [sflag:s6] =	dma.local @!p0 [hbm:s9], $0x5000  }
0x1c: {  	s6 =	simm.s32 @!p0 $0x7  }
0x1d: {  	_ =	swait.ge @!p0 [sflag:s6], $0x5000  }
0x1e: {  	[sflag:s6] =	ssyncset.done @!p0 $0x0  }
0x1f: {  	[sflag:s6] =	ssyncadd.s32 @!p0 $0xFFFFB000  }
0x20: {  	[bflag:$0x0] =	sbarrier.arrive $0xFFFF  }
0x21: {  	s11 =	rddreg [dreg:$0x7]  }
0x22: {  	[tilespmem:s2], [sflag:$0x7] =	stream.linear.gather [hbm4b:s11+s2], $0x2900, $0x38;
	[tilespmem:$0xAE10] =	vst v63  }
0x23: {  	_ =	swait.ge [sflag:s17], $0x2900  }
0x24: {  	[sflag:s17] =	ssyncset.done $0x0  }
0x25: {  	s13 =	simm.s32 $0x2900;
	s12 =	rddreg [dreg:$0x8];
	[sflag:s17] =	ssyncadd.s32 $0xFFFFD700  }
0x26: {  	[tilespmem:s13], [sflag:$0x7] =	stream.linear.gather [hbm4b:s12+s2], $0x2900, $0x38;
	[tilespmem:$0xAE10] =	vst v63  }
0x27: {  	_ =	swait.ge [sflag:s17], $0x2900  }
0x28: {  	[sflag:s17] =	ssyncset.done $0x0  }
0x29: {  	s15 =	simm.s32 $0x5E00;
	s14 =	rddreg [dreg:$0x5];
	[sflag:s17] =	ssyncadd.s32 $0xFFFFD700  }
0x2a: {  	[tilespmem:s15], [sflag:$0x7] =	stream.linear.gather [hbm4b:s14+s2], $0x10, $0x38;
	[tilespmem:$0xAE10] =	vst v63  }
0x2b: {  	_ =	swait.ge [sflag:s17], $0x10  }
0x2c: {  	[sflag:s17] =	ssyncset.done $0x0  }
0x2d: {  	s16 =	simm.s32 $0x5200;
	s18 =	simm.s32 $0x5600;
	[sflag:s17] =	ssyncadd.s32 $0xFFFFFFF0  }
0x2e: {  	[tilespmem:s16], [sflag:$0x1] =	stream.indirect.gather [hbm4b:s3+s20], $0x10, s2, s20, $0xb8;
	[tilespmem:$0xAE10] =	vst v63  }
0x2f: {  	s9 =	simm.s32 $0x0;
	s15 =	smov.u32 s5;
	s6 =	rddreg [dreg:$0xc]  }
0x30: {  	[tilespmem:s18], [sflag:$0x1] =	stream.indirect.gather [hbm4b:s4+s20], $0x10, s13, s20, $0xb8;
	[tilespmem:$0xAE10] =	vst v63  }
.LBB2_2:
0x31: {  	s11 =	sshllo.u32 s9, $0x1  }
0x32: {  	s10 =	sshll.u32 s11, $0x5  }
0x33: {  	[tilespmem:s23], [sflag:$0x2] =	stream.indirect.gather [hbm4b:s3+s20], $0x10, s10, s20, $0xb8;
	[tilespmem:$0xAE10] =	vst v63  }
0x34: {  	s10 =	sadd.s32 $0x2900, s10  }
0x35: {  	[tilespmem:s24], [sflag:$0x2] =	stream.indirect.gather [hbm4b:s4+s20], $0x10, s10, s20, $0xb8;
	[tilespmem:$0xAE10] =	vst v63  }
0x36: {  	_ =	swait.ge [sflag:s25], $0x200  }
0x37: {  	[sflag:s25] =	ssyncset.done $0x0  }
0x38: {  	[sflag:s25] =	ssyncadd.s32 $0xFFFFFE00  }
0x39: {  	_ =	swait.ge [sflag:s25], $0x200  }
0x3a: {  	p1 =	seq.s32 s9, $0x0;
	[sflag:s25] =	ssyncset.done $0x0  }
0x3b: {  	s12 =	simm.s32 @!p1 $0x3;
	[sflag:s25] =	ssyncadd.s32 $0xFFFFFE00  }
0x3c: {  	_ =	swait.ge @!p1 [sflag:s12], $0x200  }
0x3d: {  	[sflag:s12] =	ssyncset.done @!p1 $0x0  }
0x3e: {  	[sflag:s12] =	ssyncadd.s32 @!p1 $0xFFFFFE00;
	s12 =	simm.s32 @!p1 $0x5  }
0x3f: {  	_ =	swait.ge @!p1 [sflag:s12], $0x200  }
0x40: {  	[sflag:s12] =	ssyncset.done @!p1 $0x0  }
0x41: {  	s13 =	simm.s32 $0x0;
	[sflag:s12] =	ssyncadd.s32 @!p1 $0xFFFFFE00  }
0x42: {  	v0 =	vld [tilespmem:s13+$0x5200]  }
0x43: {  	v1 =	vld [tilespmem:s13+$0x5600];
	_ =	sdelay $0x4  }
0x44: {  	v0 =	vadd.f32 v1, v0;
	v1 =	vld [tilespmem:$0x5E00];
	_ =	sdelay $0x1  }
0x45: {  	v2 =	vmul.f32 $2.000000030e-01, v0;
	_ =	sdelay $0x1  }
0x46: {  	v0 =	vmax.f32 v0, v2  }
0x47: {  	v0 =	vsub.f32 v0, v1;
	_ =	sdelay $0x1  }
0x48: {  	v0 =	vmul.f32 $1.442695020e+00, v0;
	_ =	sdelay $0x1  }
0x49: {  	(erf) = vpow2.f32 v0;
	_ =	sdelay $0x4  }
0x4a: {  	s12 =	simm.s32 $0x10  }
0x4b: {  	v1 =	vld [tilespmem:s12+$0x5600]  }
0x4c: {  	v0 =	vld [tilespmem:s12+$0x5200];
	_ =	sdelay $0x1  }
0x4d: {  	p2 =	slt.u32 s6, $0x50910;
	v2 =	vpop (erf)  }
0x4e: {  	v2 =	vpsel !p2, $0x0, v2  }
0x4f: {  	[tilespmem:s13+$0x5A00] =	vst v2  }
0x50: {  	v0 =	vadd.f32 v1, v0;
	v1 =	vld [tilespmem:$0x5E00];
	_ =	sdelay $0x1  }
0x51: {  	v2 =	vmul.f32 $2.000000030e-01, v0;
	_ =	sdelay $0x1  }
0x52: {  	v0 =	vmax.f32 v0, v2  }
0x53: {  	v0 =	vsub.f32 v0, v1;
	_ =	sdelay $0x1  }
0x54: {  	v0 =	vmul.f32 $1.442695020e+00, v0;
	_ =	sdelay $0x1  }
0x55: {  	(erf) = vpow2.f32 v0;
	_ =	sdelay $0x4  }
0x56: {  	s18 =	sshll.u32 s9, $0x1;
	s16 =	simm.s32 $0x20  }
0x57: {  	s14 =	smov.u32 s6;
	s13 =	sadd.s32 s8, s18;
	s18 =	simm.s32 $0xC0;
	v0 =	vld [tilespmem:s16+$0x5200]  }
.LBB2_3:
0x58: {  	p2 =	sne.s32 s18, $0x7C0;
	v1 =	vld [tilespmem:s16+$0x5600]  }
0x59: {  	s14 =	sadd.s32 $0x1, s14  }
0x5a: {  	p3 =	slt.u32 s14, $0x50910;
	v2 =	vpop (erf)  }
0x5b: {  	v2 =	vpsel !p3, $0x0, v2  }
0x5c: {  	[tilespmem:s12+$0x5A00] =	vst v2;
	s12 =	smov.u32 s16  }
0x5d: {  	v0 =	vadd.f32 v1, v0;
	v1 =	vld [tilespmem:$0x5E00];
	_ =	sdelay $0x1  }
0x5e: {  	v2 =	vmul.f32 $2.000000030e-01, v0;
	_ =	sdelay $0x1  }
0x5f: {  	v0 =	vmax.f32 v0, v2  }
0x60: {  	v0 =	vsub.f32 v0, v1;
	_ =	sdelay $0x1  }
0x61: {  	v0 =	vmul.f32 $1.442695020e+00, v0;
	_ =	sdelay $0x1  }
0x62: {  	(erf) = vpow2.f32 v0;
	_ =	sdelay $0x1  }
.Ltmp0:
0x63: {  	(pc) =	sbr.rel @p2 .LBB2_3-.Ltmp0, $3  }
0x64: {  	_ =	sdelay $0x1  }
0x65: {  	s16 =	sshra.s32 s18, $0x2  }
0x66: {  	s18 =	sadd.s32 $0x40, s18;
	v0 =	vld [tilespmem:s16+$0x5200]  }
0x67: {  	v1 =	vld [tilespmem:s16+$0x5600]  }
0x68: {  	s14 =	sadd.s32 $0x1, s14  }
0x69: {  	p2 =	slt.u32 s14, $0x50910;
	v2 =	vpop (erf)  }
0x6a: {  	v2 =	vpsel !p2, $0x0, v2  }
0x6b: {  	[tilespmem:s12+$0x5A00] =	vst v2  }
0x6c: {  	v0 =	vadd.f32 v1, v0;
	v1 =	vld [tilespmem:$0x5E00];
	_ =	sdelay $0x1  }
0x6d: {  	v2 =	vmul.f32 $2.000000030e-01, v0;
	_ =	sdelay $0x1  }
0x6e: {  	v0 =	vmax.f32 v0, v2  }
0x6f: {  	v0 =	vsub.f32 v0, v1;
	_ =	sdelay $0x1  }
0x70: {  	v0 =	vmul.f32 $1.442695020e+00, v0;
	_ =	sdelay $0x1  }
0x71: {  	(erf) = vpow2.f32 v0;
	_ =	sdelay $0x7  }
0x72: {  	s18 =	sadd.s32 $0x1, s14  }
0x73: {  	p5 =	slt.u32 s18, $0x50910;
	v0 =	vpop (erf)  }
0x74: {  	s14 =	sshll.u32 s13, $0x6;
	v0 =	vpsel !p5, $0x0, v0  }
0x75: {  	s12 =	sadd.s32 s7, s14;
	[tilespmem:s16+$0x5A00] =	vst v0;
	s16 =	sshll.u32 s9, $0x6  }
0x76: {  	[hbm4b:s12+s2] =	stream.linear.scatter [tilespmem:s26], [sflag:$0x3], $0x200, $0x38;
	[tilespmem:$0xAE10] =	vst v63  }
0x77: {  	s12 =	sand.u32 $0x3FFFFFC0, s16  }
0x78: {  	p2 =	seq.s32 s9, $0xA3;
	s12 =	sadd.s32 $0x2900, s12  }
0x79: {  	[spmem:s1] =	stream.indirect.scatter.add.f32 [tilespmem:s26], [sflag:$0x5], $0x10, s12, s20, $0xb8;
	[tilespmem:$0xAE10] =	vst v63  }
0x7a: {  	s12 =	sshll.u32 @!p2 s9, $0x6  }
0x7b: {  	s14 =	simm.s32 @!p2 $0x20;
	s16 =	simm.s32 @!p2 $0x5200;
	s13 =	sadd.s32 @!p2 $0x40, s12  }
0x7c: {  	[tilespmem:s16], [sflag:$0x1] =	stream.indirect.gather @!p2 [hbm4b:s3+s14], $0x10, s13, s14, $0xb8;
	[tilespmem:$0xAE10] =	vst v63  }
0x7d: {  	s12 =	sadd.s32 @!p2 $0x2940, s12;
	s13 =	simm.s32 @!p2 $0x5600  }
0x7e: {  	[tilespmem:s13], [sflag:$0x1] =	stream.indirect.gather @!p2 [hbm4b:s4+s14], $0x10, s12, s14, $0xb8;
	[tilespmem:$0xAE10] =	vst v63  }
0x7f: {  	_ =	swait.ge [sflag:s28], $0x200  }
0x80: {  	[sflag:s28] =	ssyncset.done $0x0  }
0x81: {  	[sflag:s28] =	ssyncadd.s32 $0xFFFFFE00  }
0x82: {  	_ =	swait.ge [sflag:s28], $0x200  }
0x83: {  	[sflag:s28] =	ssyncset.done $0x0  }
0x84: {  	s12 =	simm.s32 @!p1 $0x4;
	[sflag:s28] =	ssyncadd.s32 $0xFFFFFE00  }
0x85: {  	_ =	swait.ge @!p1 [sflag:s12], $0x200  }
0x86: {  	[sflag:s12] =	ssyncset.done @!p1 $0x0  }
0x87: {  	[sflag:s12] =	ssyncadd.s32 @!p1 $0xFFFFFE00;
	s12 =	simm.s32 @!p1 $0x6  }
0x88: {  	_ =	swait.ge @!p1 [sflag:s12], $0x200  }
0x89: {  	[sflag:s12] =	ssyncset.done @!p1 $0x0  }
0x8a: {  	s18 =	simm.s32 $0x0;
	[sflag:s12] =	ssyncadd.s32 @!p1 $0xFFFFFE00  }
0x8b: {  	v0 =	vld [tilespmem:s18+$0x5400]  }
0x8c: {  	v1 =	vld [tilespmem:s18+$0x5800];
	_ =	sdelay $0x4  }
0x8d: {  	v0 =	vadd.f32 v1, v0;
	v1 =	vld [tilespmem:$0x5E00];
	_ =	sdelay $0x1  }
0x8e: {  	v2 =	vmul.f32 $2.000000030e-01, v0;
	_ =	sdelay $0x1  }
0x8f: {  	v0 =	vmax.f32 v0, v2  }
0x90: {  	v0 =	vsub.f32 v0, v1;
	_ =	sdelay $0x1  }
0x91: {  	v0 =	vmul.f32 $1.442695020e+00, v0;
	_ =	sdelay $0x1  }
0x92: {  	(erf) = vpow2.f32 v0;
	_ =	sdelay $0x4  }
0x93: {  	s12 =	simm.s32 $0x10  }
0x94: {  	v1 =	vld [tilespmem:s12+$0x5800]  }
0x95: {  	v0 =	vld [tilespmem:s12+$0x5400];
	_ =	sdelay $0x1  }
0x96: {  	p6 =	slt.u32 s15, $0x50910;
	v2 =	vpop (erf)  }
0x97: {  	v2 =	vpsel !p6, $0x0, v2  }
0x98: {  	[tilespmem:s18+$0x5C00] =	vst v2  }
0x99: {  	v0 =	vadd.f32 v1, v0;
	v1 =	vld [tilespmem:$0x5E00];
	_ =	sdelay $0x1  }
0x9a: {  	v2 =	vmul.f32 $2.000000030e-01, v0;
	_ =	sdelay $0x1  }
0x9b: {  	v0 =	vmax.f32 v0, v2  }
0x9c: {  	v0 =	vsub.f32 v0, v1;
	_ =	sdelay $0x1  }
0x9d: {  	v0 =	vmul.f32 $1.442695020e+00, v0;
	_ =	sdelay $0x1  }
0x9e: {  	(erf) = vpow2.f32 v0;
	_ =	sdelay $0x4  }
0x9f: {  	s13 =	simm.s32 $0x20  }
0xa0: {  	s11 =	sadd.s32 s8, s11;
	s16 =	simm.s32 $0xC0;
	s14 =	smov.u32 s15;
	v0 =	vld [tilespmem:s13+$0x5400]  }
.LBB2_5:
0xa1: {  	p1 =	sne.s32 s16, $0x7C0;
	v1 =	vld [tilespmem:s13+$0x5800]  }
0xa2: {  	s14 =	sadd.s32 $0x1, s14  }
0xa3: {  	p2 =	slt.u32 s14, $0x50910;
	v2 =	vpop (erf)  }
0xa4: {  	v2 =	vpsel !p2, $0x0, v2  }
0xa5: {  	[tilespmem:s12+$0x5C00] =	vst v2;
	s12 =	smov.u32 s13  }
0xa6: {  	v0 =	vadd.f32 v1, v0;
	v1 =	vld [tilespmem:$0x5E00];
	_ =	sdelay $0x1  }
0xa7: {  	v2 =	vmul.f32 $2.000000030e-01, v0;
	_ =	sdelay $0x1  }
0xa8: {  	v0 =	vmax.f32 v0, v2  }
0xa9: {  	v0 =	vsub.f32 v0, v1;
	_ =	sdelay $0x1  }
0xaa: {  	v0 =	vmul.f32 $1.442695020e+00, v0;
	_ =	sdelay $0x1  }
0xab: {  	(erf) = vpow2.f32 v0;
	_ =	sdelay $0x1  }
.Ltmp1:
0xac: {  	(pc) =	sbr.rel @p1 .LBB2_5-.Ltmp1, $3  }
0xad: {  	_ =	sdelay $0x1  }
0xae: {  	s13 =	sshra.s32 s16, $0x2  }
0xaf: {  	s16 =	sadd.s32 $0x40, s16;
	v0 =	vld [tilespmem:s13+$0x5400]  }
0xb0: {  	v1 =	vld [tilespmem:s13+$0x5800]  }
0xb1: {  	s14 =	sadd.s32 $0x1, s14  }
0xb2: {  	p1 =	slt.u32 s14, $0x50910;
	v2 =	vpop (erf)  }
0xb3: {  	v2 =	vpsel !p1, $0x0, v2  }
0xb4: {  	[tilespmem:s12+$0x5C00] =	vst v2  }
0xb5: {  	v0 =	vadd.f32 v1, v0;
	v62 =	vld [tilespmem:$0x5E00];
	_ =	sdelay $0x1  }
0xb6: {  	v63 =	vmul.f32 $2.000000030e-01, v0;
	_ =	sdelay $0x1  }
0xb7: {  	v0 =	vmax.f32 v0, v63  }
0xb8: {  	v0 =	vsub.f32 v0, v62;
	_ =	sdelay $0x1  }
0xb9: {  	v0 =	vmul.f32 $1.442695020e+00, v0;
	_ =	sdelay $0x1  }
0xba: {  	(erf) = vpow2.f32 v0;
	_ =	sdelay $0x7  }
0xbb: {  	s9 =	sadd.s32 $0x1, s9;
	s18 =	sadd.s32 $0x1, s14  }
0xbc: {  	s11 =	sshll.u32 s11, $0x6;
	p6 =	slt.u32 s18, $0x50910;
	p1 =	sne.s32 s9, $0xA4;
	v0 =	vpop (erf)  }
.Ltmp2:
0xbd: {  	s11 =	sand.u32 $0x1FFFFFC0, s11;
	v0 =	vpsel !p6, $0x0, v0;
	(pc) =	sbr.rel @p1 .LBB2_2-.Ltmp2, $4  }
0xbe: {  	s11 =	sadd.s32 s7, s11;
	[tilespmem:s13+$0x5C00] =	vst v0  }
0xbf: {  	[hbm4b:s11+s2] =	stream.linear.scatter [tilespmem:s29], [sflag:$0x4], $0x200, $0x38;
	[tilespmem:$0xAE10] =	vst v63  }
0xc0: {  	s6 =	sadd.s32 $0x40, s6;
	s15 =	sadd.s32 $0x40, s15  }
0xc1: {  	[spmem:s1] =	stream.indirect.scatter.add.f32 [tilespmem:s29], [sflag:$0x6], $0x10, s10, s20, $0xb8;
	[tilespmem:$0xAE10] =	vst v63  }
0xc2: {  	_ =	swait.ge [sflag:s30], $0x200  }
0xc3: {  	[sflag:s30] =	ssyncset.done $0x0  }
0xc4: {  	[sflag:s30] =	ssyncadd.s32 $0xFFFFFE00  }
0xc5: {  	_ =	swait.ge [sflag:s31], $0x200  }
0xc6: {  	[sflag:s31] =	ssyncset.done $0x0  }
0xc7: {  	[sflag:s31] =	ssyncadd.s32 $0xFFFFFE00  }
0xc8: {  	_ =	swait.ge [sflag:s0], $0x200  }
0xc9: {  	[sflag:s0] =	ssyncset.done $0x0  }
0xca: {  	[sflag:s0] =	ssyncadd.s32 $0xFFFFFE00  }
0xcb: {  	_ =	swait.ge [sflag:s19], $0x200  }
0xcc: {  	[sflag:s19] =	ssyncset.done $0x0  }
0xcd: {  	[sflag:s19] =	ssyncadd.s32 $0xFFFFFE00  }
0xce: {  	[bflag:$0x0] =	sbarrier.arrive $0xFFFF  }
0xcf: {  	s6 =	rddreg [dreg:$0x9]  }
0xd0: {  	[tilespmem:s21], [sflag:$0x7] =	stream.linear.gather [spmem:s6], $0x2800, $0x38;
	[tilespmem:$0xAE10] =	vst v63  }
0xd1: {  	_ =	swait.ge [sflag:s17], $0x2800  }
0xd2: {  	[sflag:s17] =	ssyncset.done $0x0  }
0xd3: {  	s16 =	rddreg [dreg:$0xb];
	[sflag:s17] =	ssyncadd.s32 $0xFFFFD800  }
0xd4: {  	[hbm4b:s16+s2] =	stream.linear.scatter [tilespmem:s21], [sflag:$0x7], $0x2800, $0x38;
	[tilespmem:$0xAE10] =	vst v63  }
0xd5: {  	_ =	swait.ge [sflag:s17], $0x2800  }
0xd6: {  	s22 =	sadd.s32 $0x1, s22;
	s18 =	rddreg [dreg:$0xa]  }
0xd7: {  	p1 =	sne.s32 s22, s18  }
.Ltmp3:
0xd8: {  	_ = 	snop;
	(pc) =	sbr.rel @p1 .LBB2_1-.Ltmp3, $3  }
0xd9: {  	_ =	sdelay $0x1  }
0xda: {  	[sflag:s17] =	ssyncset.done $0x0  }
0xdb: {  	[sflag:s17] =	ssyncadd.s32 $0xFFFFD800  }
0xdc: {  	_ =	sfence.sel $0x180000  }
0xdd: {  	[bflag:$0x0] =	sbarrier.arrive $0xFFFF  }
0xde: {  	_ =	strace $0x90000047  }
0xdf: {  	[bflag:$0x2] =	sbarrier.arrive $0xFFFF  }
0xe0: {  	s0 =	rddreg [dreg:$0x4]  }
0xe1: {  	s0 =	sadd.s32 @!p0 $0x100000, s0  }
0xe2: {  	[sflag:s0] =	ssyncadd.tile.s32 @!p0 $0x1;
	_ =	shalt  }
.Lfunc_end2:
_tile_overlayer_lowered:
.L_overlay_start_2:
0xe3: {  	(tag) =	ssettag $0x2  }
0xe4: {  	s0 =	rddreg [dreg:$0x0];
	s2 =	stileid.u32  }
0xe5: {  	s1 =	rddreg [dreg:$0x1];
	p0 =	sne.s32 s2, $0x0  }
0xe6: {  	s3 =	rddreg [dreg:$0x2];
	[bflag:$0x3] =	sbarrier.arrive $0xFFFF;
	s2 =	simm.s32 @!p0 $0x1C07  }
0xe7: {  	[timem:s3], [sflag:s2] =	dma.local @!p0 [hbm:s0], s1  }
0xe8: {  	s0 =	simm.s32 @!p0 $0x7  }
0xe9: {  	_ =	swait.ge @!p0 [sflag:s0], s1  }
0xea: {  	s1 =	ssub.s32 @!p0 $0x0, s1;
	[sflag:s0] =	ssyncset.done @!p0 $0x0  }
0xeb: {  	[sflag:s0] =	ssyncadd.s32 @!p0 s1  }
0xec: {  	[bflag:$0x3] =	sbarrier.arrive $0xFFFF  }
0xed: {  	_ =	shalt  }

// kernel: kernel.9.cloned.1.call-start
scs
__scs_entry_jumppad:
0x0: {  	(pc) =	sbr.rel $0x88, $3  }
0x1: {  	(tag) =	ssettag $0x0;
	lr =	simm.s32 $0x1  }
0x2: {  	[smem:$0x3F99] =	sst lr;
	_ =	strace $0xD0000000  }
0x3: {  	_ = 	snop  }
0x4: {  	_ = 	snop  }
0x5: {  	_ = 	snop  }
0x6: {  	_ = 	snop  }
0x7: {  	_ = 	snop  }
__scs_overlays_trampoline_lowered:
0x8: {  	[smem:$0x3FA8] =	sst s0  }
0x9: {  	[smem:$0x3FA9] =	sst s1  }
0xa: {  	[smem:$0x3FAA] =	sst s2  }
0xb: {  	[smem:$0x3FAB] =	sst s3  }
0xc: {  	[smem:$0x3FAC] =	sst s4  }
0xd: {  	[smem:$0x3FAD] =	sst s5  }
0xe: {  	[smem:$0x3FAE] =	sst s6  }
0xf: {  	[smem:$0x3FAF] =	sst s7  }
0x10: {  	[smem:$0x3FB0] =	sst s8  }
0x11: {  	[smem:$0x3FB1] =	sst s9;
	s0 =	simm.s32 @!p0 $0x0  }
0x12: {  	s1 =	sld [smem:$0x3F97];
	s0 =	simm.s32 @p0 $0x1  }
0x13: {  	[smem:$0x3FB2] =	sst s0;
	s0 =	simm.s32 @!p1 $0x0  }
0x14: {  	s2 =	sld [smem:$0x3F96];
	s0 =	simm.s32 @p1 $0x1  }
0x15: {  	[smem:$0x3FB3] =	sst s0;
	s0 =	simm.s32 @!p2 $0x0  }
0x16: {  	s3 =	sld [smem:$0x3FDB];
	s0 =	simm.s32 @p2 $0x1  }
0x17: {  	s4 =	simm.s32 $0x1BF5;
	[smem:$0x3FB5] =	sst s0  }
0x18: {  	s0 =	sld [smem:$0x3F98];
	_ =	swait.ge [sflag:s4], $0x0  }
0x19: {  	s7 =	sld [smem:$0x3F99]  }
0x1a: {  	s8 =	sadd.s32 $0xFFFFE003, lr  }
0x1b: {  	s9 =	sadd.s32 $0xFFFFFEF7, lr;
	s5 =	simm.s32 $0xFFFFFFFF;
	p2 =	slt.u32 s8, $0xFFFFF086  }
0x1c: {  	p1 =	slt.u32 s9, $0xF7A;
	s5 =	simm.s32 @!p2 $0x0  }
0x1d: {  	s5 =	simm.s32 @p1 $0x1;
	p0 =	seq.s32 s7, s2  }
0x1e: {  	s7 =	smul.u32 @!p0 $0xF7A, s2;
	p2 =	seq.s32 @!p0 s5, $0x0  }
0x1f: {  	s9 =	smul.u32 $0xF7A, s1;
	s8 =	simm.s32 @!p0 $0x1BF5;
	p2 =	por !p2, p0  }
0x20: {  	[sflag:s8] =	ssyncset.s32 @!p0 $0xFFFFF086;
	s6 =	sadd.s32 @!p0 s3, s7;
	s7 =	simm.s32 @!p0 $0x108  }
0x21: {  	s3 =	sadd.s32 s3, s9;
	s6 =	sadd.s32 @!p0 $0x88, s6;
	s7 =	simm.s32 @p2 $0x1082  }
0x22: {  	[simem:s7], [sflag:s8] =	dma.local @!p0 [hbm:s6], $0xF7A  }
0x23: {  	s9 =	sor.u32 $0xD0000000, s2;
	s6 =	simm.s32 $0x108;
	_ =	swait.ge @!p0 [sflag:s8], $0x0  }
0x24: {  	s3 =	sadd.s32 $0x88, s3;
	s6 =	simm.s32 @!p1 $0x1082;
	[sflag:s4] =	ssyncset.s32 $0xFFFFF086  }
0x25: {  	[simem:s6], [sflag:s4] =	dma.local [hbm:s3], $0xF7A  }
0x26: {  	[smem:$0x3F99] =	sst s1;
	(tag) =	ssettag s2;
	_ =	strace s9  }
0x27: {  	s1 =	sld [smem:$0x3FA9]  }
0x28: {  	s2 =	sld [smem:$0x3FAA]  }
0x29: {  	s4 =	sld [smem:$0x3FAC]  }
0x2a: {  	p0 =	seq.s32 s5, $0x0;
	s5 =	sld [smem:$0x3FAD]  }
0x2b: {  	s6 =	sld [smem:$0x3FAE]  }
0x2c: {  	s7 =	sld [smem:$0x3FAF]  }
0x2d: {  	s3 =	simm.s32 $0x108;
	s8 =	sld [smem:$0x3FB0]  }
0x2e: {  	s3 =	simm.s32 @!p0 $0x1082;
	s9 =	sld [smem:$0x3FB1]  }
0x2f: {  	lr =	sadd.s32 s0, s3;
	s0 =	sld [smem:$0x3FA8]  }
0x30: {  	s3 =	sld [smem:$0x3FAB]  }
0x31: {  	[smem:$0x3FB4] =	sst s10  }
0x32: {  	s10 =	sld [smem:$0x3FB2];
	_ =	sdelay $0x3  }
0x33: {  	p0 =	seq.s32 s10, $0x1;
	s10 =	sld [smem:$0x3FB4];
	_ =	sdelay $0x3  }
0x34: {  	[smem:$0x3FB4] =	sst s10  }
0x35: {  	s10 =	sld [smem:$0x3FB3];
	_ =	sdelay $0x3  }
0x36: {  	p1 =	seq.s32 s10, $0x1;
	s10 =	sld [smem:$0x3FB4];
	_ =	sdelay $0x3  }
0x37: {  	[smem:$0x3FB4] =	sst s10  }
0x38: {  	s10 =	sld [smem:$0x3FB5]  }
0x39: {  	_ = 	snop;
	(pc) =	sbr.ind lr, $3  }
0x3a: {  	_ = 	snop  }
0x3b: {  	_ = 	snop  }
0x3c: {  	p2 =	seq.s32 s10, $0x1;
	s10 =	sld [smem:$0x3FB4]  }
0x3d: {  	_ =	shalt  }
0x3e: {  	_ =	shalt  }
0x3f: {  	_ =	shalt  }
0x40: {  	_ =	shalt  }
0x41: {  	_ =	shalt  }
0x42: {  	_ =	shalt  }
0x43: {  	_ =	shalt  }
0x44: {  	_ =	shalt  }
0x45: {  	_ =	shalt  }
0x46: {  	_ =	shalt  }
0x47: {  	_ =	shalt  }
0x48: {  	_ =	shalt  }
0x49: {  	_ =	shalt  }
0x4a: {  	_ =	shalt  }
0x4b: {  	_ =	shalt  }
0x4c: {  	_ =	shalt  }
0x4d: {  	_ =	shalt  }
0x4e: {  	_ =	shalt  }
0x4f: {  	_ =	shalt  }
0x50: {  	_ =	shalt  }
0x51: {  	_ =	shalt  }
0x52: {  	_ =	shalt  }
0x53: {  	_ =	shalt  }
0x54: {  	_ =	shalt  }
0x55: {  	_ =	shalt  }
0x56: {  	_ =	shalt  }
0x57: {  	_ =	shalt  }
0x58: {  	_ =	shalt  }
0x59: {  	_ =	shalt  }
0x5a: {  	_ =	shalt  }
0x5b: {  	_ =	shalt  }
0x5c: {  	_ =	shalt  }
0x5d: {  	_ =	shalt  }
0x5e: {  	_ =	shalt  }
0x5f: {  	_ =	shalt  }
0x60: {  	_ =	shalt  }
0x61: {  	_ =	shalt  }
0x62: {  	_ =	shalt  }
0x63: {  	_ =	shalt  }
0x64: {  	_ =	shalt  }
0x65: {  	_ =	shalt  }
0x66: {  	_ =	shalt  }
0x67: {  	_ =	shalt  }
0x68: {  	_ =	shalt  }
0x69: {  	_ =	shalt  }
0x6a: {  	_ =	shalt  }
0x6b: {  	_ =	shalt  }
0x6c: {  	_ =	shalt  }
0x6d: {  	_ =	shalt  }
0x6e: {  	_ =	shalt  }
0x6f: {  	_ =	shalt  }
0x70: {  	_ =	shalt  }
0x71: {  	_ =	shalt  }
0x72: {  	_ =	shalt  }
0x73: {  	_ =	shalt  }
0x74: {  	_ =	shalt  }
0x75: {  	_ =	shalt  }
0x76: {  	_ =	shalt  }
0x77: {  	_ =	shalt  }
0x78: {  	_ =	shalt  }
0x79: {  	_ =	shalt  }
0x7a: {  	_ =	shalt  }
0x7b: {  	_ =	shalt  }
0x7c: {  	_ =	shalt  }
0x7d: {  	_ =	shalt  }
0x7e: {  	_ =	shalt  }
0x7f: {  	_ =	shalt  }
0x80: {  	_ =	shalt  }
0x81: {  	_ =	shalt  }
0x82: {  	_ =	shalt  }
0x83: {  	_ =	shalt  }
0x84: {  	_ =	shalt  }
0x85: {  	_ =	shalt  }
0x86: {  	_ =	shalt  }
0x87: {  	_ =	shalt  }
.Lfunc_end0:
.L_simem_size_0:
called_computation.1_lowered:
.L_overlay_start_0:
0x88: {  	s2 =	sld [smem:$0x3FD9]  }
0x89: {  	s3 =	sld [smem:$0x3FFE];
	_ =	sdelay $0x1  }
0x8a: {  	s1 =	srdreg.scid  }
0x8b: {  	s0 =	sand.u32 $0x1, s1  }
0x8c: {  	s14 =	sshll.u32 s0, $0xA;
	s2 =	sadd.s32 s3, s2  }
0x8d: {  	s2 =	sadd.s32 s2, s14  }
0x8e: {  	[smem:$0x3FC0] =	sst s2  }
0x8f: {  	_ = 	snop  }
0x90: {  	s2 =	sld [smem:$0x3FD0];
	_ =	sdelay $0x2  }
0x91: {  	s15 =	simm.s32 $0xA;
	s4 =	simm.s32 $0x10  }
0x92: {  	[smem:s4], [sflag:s15] =	dma.local [hbm:s2], $0x1  }
0x93: {  	_ =	swait.eq [sflag:s15], $0x1  }
0x94: {  	[sflag:s15] =	ssyncset.done $0x0  }
0x95: {  	s16 =	sld [smem:$0x10];
	[sflag:s15] =	ssyncadd.s32 $0xFFFFFFFF  }
0x96: {  	s17 =	sld [smem:$0x11];
	(tm) =	ssettm $0x1  }
0x97: {  	s18 =	sld [smem:$0x3FFB];
	_ =	sdelay $0x3  }
0x98: {  	_ =	strace s18  }
0x99: {  	s4 =	sld [smem:$0x3FFC];
	_ =	sdelay $0x3  }
0x9a: {  	_ =	strace s4  }
0x9b: {  	s4 =	sld [smem:$0x3FFD];
	_ =	sdelay $0x3  }
0x9c: {  	_ =	strace s4  }
0x9d: {  	_ =	strace $0x8FFFFFFF  }
0x9e: {  	s19 =	sld [smem:$0x3FDB];
	_ =	sdelay $0x1  }
0x9f: {  	s5 =	simm.s32 $_scs_section_size  }
0xa0: {  	s6 =	simm.s32 $_size__tile_overlayer_lowered;
	s7 =	simm.s32 $_tile_overlayer_lowered  }
0xa1: {  	s22 =	simm.s32 $0x1BFF;
	s21 =	sshll.u32 s7, $0x1;
	s4 =	sadd.s32 s5, s19  }
0xa2: {  	s8 =	simm.s32 $0x0;
	s20 =	sshll.u32 s6, $0x1;
	s6 =	sadd.s32 s21, s4  }
0xa3: {  	[timem:s8], [sflag:s22] =	dma.local [hbm:s6], s20  }
0xa4: {  	_ =	swait.ge [sflag:s22], s20  }
0xa5: {  	s5 =	ssub.s32 $0x0, s20;
	[sflag:s22] =	ssyncset.done $0x0  }
0xa6: {  	[sflag:s22] =	ssyncadd.s32 s5;
	_ =	sdelay $0x1  }
0xa7: {  	s23 =	simm.s32 $0x1B8B  }
0xa8: {  	_ =	swait.ge [sflag:s23], $0x1  }
0xa9: {  	[sflag:s23] =	ssyncset.done $0x0  }
0xaa: {  	s25 =	simm.s32 $0x1B8E;
	s24 =	sld [smem:$0x3FFE];
	[sflag:s23] =	ssyncadd.s32 $0xFFFFFFFF  }
0xab: {  	s26 =	simm.s32 $execute0_lowered;
	[smem:$0x3FD2] =	sst s25  }
0xac: {  	s6 =	sshll.u32 s26, $0x1;
	_ =	strace $0x80000049;
	[dreg:$0x1] =	wrdreg $0xFFFFFFFF  }
0xad: {  	s28 =	simm.s32 $_size_execute0_lowered;
	s4 =	sadd.s32 s4, s6;
	[dreg:$0x0] =	wrdreg $0x0  }
0xae: {  	s6 =	sshll.u32 s28, $0x1;
	[dreg:$0x2] =	wrdreg s4  }
0xaf: {  	[dreg:$0x3] =	wrdreg s6  }
0xb0: {  	[dreg:$0x4] =	wrdreg $0xC0  }
0xb1: {  	_ =	task [dreg:s8], $0x5FFFF  }
0xb2: {  	[dreg:$0x1] =	wrdreg $0xFFFFFFFF  }
0xb3: {  	[dreg:$0x0] =	wrdreg $0x60  }
0xb4: {  	[dreg:$0x2] =	wrdreg s24  }
0xb5: {  	[dreg:$0x3] =	wrdreg s17  }
0xb6: {  	[dreg:$0x4] =	wrdreg s16  }
0xb7: {  	[dreg:$0x5] =	wrdreg $0x69000  }
0xb8: {  	[dreg:$0x6] =	wrdreg $0x9  }
0xb9: {  	_ =	task.clear_ibuf [dreg:s8], $0x7FFFF;
	_ =	strace $0x90000049  }
0xba: {  	s29 =	simm.s32 $0x9;
	_ =	strace $0x8000004B  }
0xbb: {  	_ =	swait.ge [sflag:s29], $0x1  }
0xbc: {  	[sflag:s29] =	ssyncadd.s32 $0xFFFFFFFF  }
0xbd: {  	_ =	strace $0x9000004B  }
0xbe: {  	_ =	sfence  }
0xbf: {  	s30 =	sld [smem:$0x0];
	_ =	sdelay $0x2  }
0xc0: {  	s31 =	sshll.u32 s1, $0xD;
	s1 =	sshrl.u32 s1, $0x2  }
0xc1: {  	s3 =	sand.u32 $0x4000, s31;
	s1 =	sadd.s32 s1, s30  }
0xc2: {  	s0 =	sor.u32 s3, s0;
	s1 =	sshll.u32 s1, $0x11  }
0xc3: {  	s0 =	sor.u32 s1, s0  }
0xc4: {  	s0 =	sadd.s32 $0x8F2B, s0  }
0xc5: {  	[sflag:s0] =	ssyncadd.remote.s32 $0x1  }
0xc6: {  	_ =	sfence.sel $0xFFFF  }
0xc7: {  	[dreg:$0x0] =	wrdreg $0xFFFFFFFF;
	(pc) =	sbr.abs _section_cstart, $3  }
0xc8: {  	[dreg:$0x1] =	wrdreg $0xFFFFFFFF  }
0xc9: {  	_ =	task.clear_ibuf [dreg:s8], $0x2FFFF;
	_ =	strace $0x9FFFFFFF  }
0xca: {  	(tm) =	ssettm $0x7FFFFFFF  }
0xcb: {  	_ =	shalt  }
tec
execute0_lowered:
.L_overlay_start_1:
0x0: {  	(tag) =	ssettag $0x1  }
0x1: {  	s0 =	srdreg.scid  }
0x2: {  	s7 =	rddreg [dreg:$0x0];
	s26 =	stileid.u32  }
0x3: {  	s21 =	simm.s32 $0x28E00;
	s5 =	sand.u32 $0x1, s0;
	s0 =	simm.s32 $0x0  }
0x4: {  	s6 =	sshll.u32 s26, $0x1;
	s4 =	smul.u32 $0x14000, s26;
	s28 =	sadd.s32 $0xAC400, s7  }
0x5: {  	s29 =	sadd.s32 $0x155400, s7;
	s1 =	ssub.s32 $0x2, s5;
	[smem:$0x7FF] =	sst s0  }
0x6: {  	p0 =	seq.s32 s5, $0x0;
	s3 =	sshrl.u32 s1, $0x1;
	s14 =	sor.u32 $0x1000, s4  }
0x7: {  	s2 =	sor.u32 $0x2000, s4;
	s15 =	sshrl.u32 s4, $0x3;
	s8 =	sadd.s32 $0x4000, s4  }
0x8: {  	s9 =	sadd.s32 $0x5000, s4;
	s11 =	sadd.s32 $0x6000, s4;
	s12 =	sadd.s32 $0x7000, s4  }
0x9: {  	s21 =	simm.s32 @!p0 $0x50E00;
	s13 =	sadd.s32 $0x8000, s4;
	[smem:$0x7E9] =	sst s14  }
0xa: {  	s1 =	ssub.s32 s1, s3;
	s3 =	sor.u32 s5, s6;
	[smem:$0x7EA] =	sst s2  }
0xb: {  	s16 =	sshrl.u32 s14, $0x3;
	s17 =	sshrl.u32 s2, $0x3;
	s6 =	sor.u32 $0x3000, s4  }
0xc: {  	s19 =	sshrl.u32 s8, $0x3;
	s20 =	sshrl.u32 s9, $0x3;
	s21 =	sadd.s32 s21, s7  }
0xd: {  	s22 =	sshrl.u32 s11, $0x3;
	[smem:$0x7FC] =	sst s1;
	s15 =	sadd.s32 s21, s15  }
0xe: {  	s23 =	sshrl.u32 s12, $0x3;
	s30 =	sadd.s32 s21, s16;
	[dreg:$0x5] =	wrdreg s15  }
0xf: {  	s14 =	sadd.s32 $0x9000, s4;
	s31 =	sadd.s32 s21, s17;
	[dreg:$0x6] =	wrdreg s30  }
0x10: {  	s24 =	sshrl.u32 s13, $0x3;
	s5 =	sadd.s32 s21, s19;
	[dreg:$0x7] =	wrdreg s31  }
0x11: {  	s18 =	sshrl.u32 s6, $0x3;
	s10 =	sadd.s32 s21, s20;
	[dreg:$0x9] =	wrdreg s5  }
0x12: {  	s25 =	sshrl.u32 s14, $0x3;
	s16 =	sadd.s32 s21, s23;
	[dreg:$0xa] =	wrdreg s10  }
0x13: {  	s17 =	sadd.s32 s21, s24;
	s2 =	sadd.s32 s21, s18;
	[dreg:$0xc] =	wrdreg s16  }
0x14: {  	s15 =	sadd.s32 s21, s22;
	[dreg:$0xd] =	wrdreg s17;
	s18 =	sadd.s32 s21, s25  }
0x15: {  	s17 =	sadd.s32 $0xB000, s4;
	[dreg:$0xb] =	wrdreg s15;
	s15 =	sadd.s32 $0xA000, s4  }
0x16: {  	[dreg:$0x8] =	wrdreg s2;
	s22 =	sshrl.u32 s17, $0x3;
	s19 =	sshrl.u32 s15, $0x3  }
0x17: {  	[dreg:$0xe] =	wrdreg s18;
	s23 =	sadd.s32 s21, s22;
	s20 =	sadd.s32 s21, s19  }
0x18: {  	s19 =	sadd.s32 $0xC000, s4;
	[dreg:$0x10] =	wrdreg s23;
	s23 =	sadd.s32 $0xD000, s4  }
0x19: {  	[dreg:$0xf] =	wrdreg s20;
	s24 =	sshrl.u32 s19, $0x3;
	s30 =	sshrl.u32 s23, $0x3  }
0x1a: {  	s25 =	sadd.s32 s21, s24;
	s24 =	sadd.s32 $0xE000, s4;
	s31 =	sadd.s32 s21, s30  }
0x1b: {  	s30 =	sadd.s32 $0xF000, s4;
	[dreg:$0x11] =	wrdreg s25;
	s2 =	sshrl.u32 s24, $0x3  }
0x1c: {  	[dreg:$0x12] =	wrdreg s31;
	s10 =	sshrl.u32 s30, $0x3;
	s5 =	sadd.s32 s21, s2  }
0x1d: {  	s31 =	sadd.s32 $0x10000, s4;
	s16 =	sadd.s32 s21, s10;
	[dreg:$0x13] =	wrdreg s5  }
0x1e: {  	p0 =	sne.s32 s26, $0x0;
	s18 =	sshrl.u32 s31, $0x3;
	[dreg:$0x14] =	wrdreg s16  }
0x1f: {  	s26 =	sadd.s32 $0x150400, s7;
	s20 =	sadd.s32 s21, s18;
	s18 =	rddreg [dreg:$0x1]  }
0x20: {  	s10 =	sadd.s32 $0x13000, s4;
	s5 =	sadd.s32 $0x11000, s4;
	[dreg:$0x15] =	wrdreg s20  }
0x21: {  	s16 =	sadd.s32 $0x12000, s4;
	s22 =	sshrl.u32 s5, $0x3;
	s20 =	rddreg [dreg:$0x2]  }
0x22: {  	s2 =	sshrl.u32 s16, $0x3;
	s25 =	sadd.s32 s21, s22;
	s22 =	rddreg [dreg:$0x3]  }
0x23: {  	s1 =	sshrl.u32 s10, $0x3;
	[dreg:$0x16] =	wrdreg s25;
	s25 =	sadd.s32 s21, s2  }
0x24: {  	s2 =	sadd.s32 s21, s1;
	s1 =	smul.u32 $0x520, s3;
	[dreg:$0x17] =	wrdreg s25  }
0x25: {  	[dreg:$0x18] =	wrdreg s2;
	s25 =	sadd.s32 $0x15A400, s7;
	s7 =	sadd.s32 $0xE00, s7  }
0x26: {  	_ =	strace $0x8000004A;
	[dreg:$0x19] =	wrdreg s7;
	s21 =	sadd.s32 s18, s1  }
0x27: {  	s1 =	sadd.s32 s20, s1;
	[dreg:$0x1a] =	wrdreg s21  }
0x28: {  	s2 =	smul.u32 $0x5200, s3;
	s7 =	sadd.s32 s4, s22;
	[dreg:$0x1b] =	wrdreg s1  }
0x29: {  	[dreg:$0x1d] =	wrdreg s7  }
0x2a: {  	s2 =	sadd.s32 s28, s2;
	s4 =	sld [smem:$0x7EA]  }
0x2b: {  	[dreg:$0x1c] =	wrdreg s2  }
0x2c: {  	s7 =	sadd.s32 s6, s22;
	s2 =	sld [smem:$0x7E9]  }
0x2d: {  	s6 =	sadd.s32 s11, s22;
	[smem:$0x7EB] =	sst s7  }
0x2e: {  	s11 =	sadd.s32 s15, s22;
	[smem:$0x7EE] =	sst s6  }
0x2f: {  	s15 =	sadd.s32 s24, s22;
	[smem:$0x7F2] =	sst s11  }
0x30: {  	s24 =	sadd.s32 s16, s22;
	[smem:$0x7F6] =	sst s15  }
0x31: {  	s7 =	sadd.s32 s12, s22;
	[smem:$0x7FA] =	sst s24  }
0x32: {  	s12 =	sadd.s32 s17, s22;
	[smem:$0x7EF] =	sst s7  }
0x33: {  	s17 =	sadd.s32 s30, s22;
	[smem:$0x7F3] =	sst s12  }
0x34: {  	s30 =	sadd.s32 s10, s22;
	[smem:$0x7F7] =	sst s17  }
0x35: {  	[smem:$0x7FB] =	sst s30  }
0x36: {  	s1 =	sadd.s32 s2, s22;
	s2 =	sadd.s32 s8, s22;
	s8 =	sadd.s32 s13, s22  }
0x37: {  	s13 =	sadd.s32 s19, s22;
	s19 =	sadd.s32 s31, s22;
	s31 =	sld [smem:$0x7FC]  }
0x38: {  	[dreg:$0x1e] =	wrdreg s1  }
0x39: {  	s21 =	smul.u32 $0x2900, s3;
	[smem:$0x7EC] =	sst s2  }
0x3a: {  	s3 =	smul.u32 $0x29000, s3;
	s16 =	simm.s32 $0x5000;
	[smem:$0x7F0] =	sst s8  }
0x3b: {  	s6 =	simm.s32 $0x10;
	s10 =	simm.s32 $0x4300;
	[smem:$0x7F4] =	sst s13  }
0x3c: {  	s11 =	simm.s32 $0x1;
	s1 =	sadd.s32 s4, s22;
	[smem:$0x7F8] =	sst s19  }
0x3d: {  	s15 =	simm.s32 $0x5880;
	s4 =	sadd.s32 s9, s22;
	[dreg:$0x1f] =	wrdreg s1  }
0x3e: {  	s24 =	simm.s32 $0x0;
	s9 =	sadd.s32 s14, s22;
	[smem:$0x7ED] =	sst s4  }
0x3f: {  	s7 =	simm.s32 $0x2200;
	s14 =	sadd.s32 s23, s22;
	[smem:$0x7F1] =	sst s9  }
0x40: {  	s12 =	simm.s32 $0x5800;
	s23 =	sadd.s32 s5, s22;
	[smem:$0x7F5] =	sst s14  }
0x41: {  	s8 =	simm.s32 $0x4500;
	s13 =	simm.s32 $0x4800;
	[smem:$0x7F9] =	sst s23  }
0x42: {  	s4 =	simm.s32 $0x5;
	s9 =	simm.s32 $0x4700;
	s1 =	smax.u32 s31, $0x1  }
0x43: {  	s14 =	simm.s32 $0x2;
	s23 =	simm.s32 $0x5900;
	[smem:$0x7FD] =	sst s1  }
.LBB2_1:
0x44: {  	s1 =	sshrl.u32 @!p0 s22, $0x3;
	s2 =	simm.s32 @!p0 $0x1C05;
	s5 =	rddreg [dreg:$0x19]  }
0x45: {  	[spmem:s1], [sflag:s2] =	dma.local @!p0 [hbm:s5], $0x28000  }
0x46: {  	s1 =	simm.s32 @!p0 $0x5  }
0x47: {  	_ =	swait.ge @!p0 [sflag:s1], $0x28000  }
0x48: {  	[sflag:s1] =	ssyncset.done @!p0 $0x0  }
0x49: {  	[sflag:s1] =	ssyncadd.s32 @!p0 $0xFFFD8000  }
0x4a: {  	[bflag:$0x0] =	sbarrier.arrive $0xFFFF  }
0x4b: {  	s5 =	rddreg [dreg:$0x1a]  }
0x4c: {  	[tilespmem:s0], [sflag:$0x5] =	stream.linear.gather [hbm4b:s5+s0], $0x80, $0x38;
	[tilespmem:$0x1A900] =	vst v63  }
0x4d: {  	_ =	swait.ge [sflag:s4], $0x80  }
0x4e: {  	[sflag:s4] =	ssyncset.done $0x0  }
0x4f: {  	s19 =	simm.s32 $0x100;
	s17 =	rddreg [dreg:$0x1b];
	[sflag:s4] =	ssyncadd.s32 $0xFFFFFF80  }
0x50: {  	[tilespmem:s19], [sflag:$0x5] =	stream.linear.gather [hbm4b:s17+s0], $0x80, $0x38;
	[tilespmem:$0x1A900] =	vst v63  }
0x51: {  	_ =	swait.ge [sflag:s4], $0x80  }
0x52: {  	[sflag:s4] =	ssyncset.done $0x0  }
0x53: {  	s31 =	simm.s32 $0x200;
	[sflag:s4] =	ssyncadd.s32 $0xFFFFFF80  }
0x54: {  	[tilespmem:s31], [sflag:$0x1] =	stream.indirect.gather [hbm4b:s25+s6], $0x200, s0, s6, $0xb8;
	[tilespmem:$0x1A900] =	vst v63  }
0x55: {  	s5 =	simm.s32 $0x4400  }
0x56: {  	[tilespmem:s5], [sflag:$0x1] =	stream.indirect.gather [hbm4b:s26+s6], $0x10, s19, s6, $0xb8;
	[tilespmem:$0x1A900] =	vst v63  }
0x57: {  	s17 =	simm.s32 $0x4600  }
0x58: {  	[tilespmem:s17], [sflag:$0x1] =	stream.indirect.gather [hbm4b:s29+s6], $0x10, s19, s6, $0xb8;
	[tilespmem:$0x1A900] =	vst v63  }
0x59: {  	s30 =	simm.s32 $0x0;
	s31 =	simm.s32 $0x4200;
	s19 =	rddreg [dreg:$0x1c]  }
0x5a: {  	[tilespmem:s31], [sflag:$0x1] =	stream.linear.gather [hbm4b:s19+s0], $0x100, $0x38;
	[tilespmem:$0x1A900] =	vst v63  }
.LBB2_2:
0x5b: {  	s1 =	sand.u32 $0x3, s30;
	p1 =	sgt.u32 s30, $0x143  }
0x5c: {  	p2 =	sne.s32 @!p1 s1, $0x0  }
0x5d: {  	p1 =	por p2, p1  }
0x5e: {  	s1 =	sshll.u32 @!p1 s30, $0x5  }
0x5f: {  	s1 =	sadd.s32 @!p1 $0x80, s1  }
0x60: {  	s2 =	sadd.s32 @!p1 s21, s1  }
0x61: {  	s2 =	sshrl.u32 @!p1 s2, $0x3  }
0x62: {  	s17 =	simm.s32 @!p1 $0x0;
	s1 =	sand.u32 @!p1 $0x80, s1;
	s5 =	sadd.s32 @!p1 s18, s2  }
0x63: {  	[tilespmem:s1], [sflag:$0x5] =	stream.linear.gather @!p1 [hbm4b:s5+s17], $0x80, $0x38;
	[tilespmem:$0x1A900] =	vst v63  }
0x64: {  	s5 =	simm.s32 @!p1 $0x5  }
0x65: {  	_ =	swait.ge @!p1 [sflag:s5], $0x80  }
0x66: {  	[sflag:s5] =	ssyncset.done @!p1 $0x0  }
0x67: {  	s2 =	sadd.s32 @!p1 s20, s2;
	s1 =	sor.u32 @!p1 $0x100, s1;
	[sflag:s5] =	ssyncadd.s32 @!p1 $0xFFFFFF80  }
0x68: {  	[tilespmem:s1], [sflag:$0x5] =	stream.linear.gather @!p1 [hbm4b:s2+s17], $0x80, $0x38;
	[tilespmem:$0x1A900] =	vst v63  }
0x69: {  	s17 =	sshllo.u32 s30, $0x1;
	_ =	swait.ge @!p1 [sflag:s5], $0x80  }
0x6a: {  	s19 =	sshll.u32 s17, $0x4;
	[sflag:s5] =	ssyncset.done @!p1 $0x0  }
0x6b: {  	s1 =	sshll.u32 s17, $0x8;
	s31 =	sand.u32 $0xF0, s19;
	[sflag:s5] =	ssyncadd.s32 @!p1 $0xFFFFFF80  }
0x6c: {  	[tilespmem:s7], [sflag:$0x2] =	stream.indirect.gather [hbm4b:s25+s6], $0x200, s31, s6, $0xb8;
	[tilespmem:$0x1A900] =	vst v63  }
0x6d: {  	s1 =	sadd.s32 s3, s1;
	s2 =	sor.u32 $0x100, s31  }
0x6e: {  	[tilespmem:s8], [sflag:$0x2] =	stream.indirect.gather [hbm4b:s26+s6], $0x10, s2, s6, $0xb8;
	[tilespmem:$0x1A900] =	vst v63  }
0x6f: {  	s1 =	sshrl.u32 s1, $0x3  }
0x70: {  	[tilespmem:s9], [sflag:$0x2] =	stream.indirect.gather [hbm4b:s29+s6], $0x10, s2, s6, $0xb8;
	[tilespmem:$0x1A900] =	vst v63  }
0x71: {  	s1 =	sadd.s32 s28, s1  }
0x72: {  	[tilespmem:s10], [sflag:$0x2] =	stream.linear.gather [hbm4b:s1+s0], $0x100, $0x38;
	[tilespmem:$0x1A900] =	vst v63  }
0x73: {  	_ =	swait.ge [sflag:s11], $0x2000  }
0x74: {  	[sflag:s11] =	ssyncset.done $0x0  }
0x75: {  	[sflag:s11] =	ssyncadd.s32 $0xFFFFE000  }
0x76: {  	_ =	swait.ge [sflag:s11], $0x100  }
0x77: {  	[sflag:s11] =	ssyncset.done $0x0  }
0x78: {  	[sflag:s11] =	ssyncadd.s32 $0xFFFFFF00  }
0x79: {  	_ =	swait.ge [sflag:s11], $0x100  }
0x7a: {  	[sflag:s11] =	ssyncset.done $0x0  }
0x7b: {  	[sflag:s11] =	ssyncadd.s32 $0xFFFFFF00  }
0x7c: {  	_ =	swait.ge [sflag:s11], $0x100  }
0x7d: {  	p1 =	seq.s32 s30, $0x0;
	[sflag:s11] =	ssyncset.done $0x0  }
0x7e: {  	s2 =	simm.s32 @!p1 $0x3;
	[sflag:s11] =	ssyncadd.s32 $0xFFFFFF00  }
0x7f: {  	_ =	swait.ge @!p1 [sflag:s2], $0x800  }
0x80: {  	s17 =	simm.s32 $0x300;
	s5 =	simm.s32 $0x4840;
	[sflag:s2] =	ssyncset.done @!p1 $0x0  }
0x81: {  	s1 =	sshll.u32 s30, $0x1;
	[sflag:s2] =	ssyncadd.s32 @!p1 $0xFFFFF800;
	s2 =	simm.s32 $0x0  }
.LBB2_3:
0x82: {  	s19 =	sshra.s32 s2, $0x2;
	v17 =	vld [tilespmem:s17+$0xFFFFFF00]  }
0x83: {  	v0 =	vld [tilespmem:s19+$0x4400]  }
0x84: {  	v1 =	vld [tilespmem:s19+$0x4600]  }
0x85: {  	v3 =	vld [tilespmem:s17+$0xFFFFFF10]  }
0x86: {  	v18 =	vld [tilespmem:s17+$0xFFFFFF20]  }
0x87: {  	v5 =	vld [tilespmem:s17+$0xFFFFFF30]  }
0x88: {  	v7 =	vld [tilespmem:s17+$0xFFFFFF40]  }
0x89: {  	v10 =	vld [tilespmem:s17+$0xFFFFFF50];
	v0 =	vadd.f32 v1, v0  }
0x8a: {  	v11 =	vld [tilespmem:s17+$0xFFFFFF60]  }
0x8b: {  	v21 =	vld [tilespmem:s17+$0xFFFFFF70];
	v0 =	vadd.f32 $1.000000020e-16, v0  }
0x8c: {  	v25 =	vld [tilespmem:s17+$0xFFFFFF90]  }
0x8d: {  	v31 =	vld [tilespmem:s17+$0xFFFFFFA0];
	(erf) = vrcp.f32 v0  }
0x8e: {  	v33 =	vld [tilespmem:s17+$0xFFFFFFB0]  }
0x8f: {  	v37 =	vld [tilespmem:s17+$0xFFFFFFC0]  }
0x90: {  	v41 =	vld [tilespmem:s17+$0xFFFFFFD0]  }
0x91: {  	v42 =	vld [tilespmem:s17+$0xFFFFFFE0];
	v6 =	vunpack.i.u.bf16.f32 v17;
	v8 =	vunpack.i.l.bf16.f32 v3  }
0x92: {  	v16 =	vld [tilespmem:s19+$0x4200];
	v3 =	vunpack.i.u.bf16.f32 v3;
	v9 =	vunpack.i.l.bf16.f32 v18;
	v12 =	vunpack.i.l.bf16.f32 v5  }
0x93: {  	v47 =	vld [tilespmem:s17+$0xFFFFFFF0];
	v5 =	vunpack.i.u.bf16.f32 v5;
	v14 =	vunpack.i.l.bf16.f32 v7;
	v19 =	vunpack.i.u.bf16.f32 v7  }
0x94: {  	v50 =	vld [tilespmem:s17+$0x0];
	v15 =	vunpack.i.u.bf16.f32 v10;
	v10 =	vunpack.i.l.bf16.f32 v10;
	v24 =	vunpack.i.u.bf16.f32 v11  }
0x95: {  	v26 =	vunpack.i.l.bf16.f32 v21;
	v27 =	vunpack.i.u.bf16.f32 v21;
	v34 =	vunpack.i.u.bf16.f32 v25  }
0x96: {  	v38 =	vunpack.i.l.bf16.f32 v31;
	v39 =	vunpack.i.u.bf16.f32 v31;
	v40 =	vunpack.i.l.bf16.f32 v33;
	v2 =	vpop (erf)  }
0x97: {  	v53 =	vld [tilespmem:s17+$0x10];
	v45 =	vunpack.i.l.bf16.f32 v37;
	v46 =	vunpack.i.u.bf16.f32 v37;
	v0 =	vmul.f32 v2, v16  }
0x98: {  	v48 =	vunpack.i.u.bf16.f32 v41;
	v49 =	vunpack.i.l.bf16.f32 v42;
	v52 =	vunpack.i.u.bf16.f32 v42  }
0x99: {  	v54 =	vunpack.i.l.bf16.f32 v47;
	v58 =	vunpack.i.l.bf16.f32 v50;
	v4 =	vbroadcast v0, $0x0  }
0x9a: {  	v59 =	vunpack.i.u.bf16.f32 v50;
	v21 =	vld [tilespmem:s17+$0x50];
	v13 =	vbroadcast v0, $0x1;
	v28 =	vbroadcast v0, $0x2  }
0x9b: {  	v1 =	vunpack.i.l.bf16.f32 v17;
	v17 =	vld [tilespmem:s17+$0xFFFFFF80];
	v44 =	vbroadcast v0, $0x3;
	v55 =	vbroadcast v0, $0x4  }
0x9c: {  	v61 =	vunpack.i.l.bf16.f32 v53;
	v1 =	vmul.f32 v4, v1;
	v6 =	vmul.f32 v4, v6  }
0x9d: {  	v2 =	vunpack.i.u.bf16.f32 v18;
	v8 =	vmul.f32 v8, v4;
	v3 =	vmul.f32 v3, v4  }
0x9e: {  	v56 =	vld [tilespmem:s17+$0x20];
	v62 =	vunpack.i.u.bf16.f32 v53;
	v9 =	vmul.f32 v9, v4;
	v2 =	vmul.f32 v2, v4  }
0x9f: {  	v31 =	vunpack.i.u.bf16.f32 v21;
	v12 =	vmul.f32 v12, v4;
	v4 =	vmul.f32 v5, v4  }
0xa0: {  	v30 =	vunpack.i.l.bf16.f32 v17;
	v20 =	vmul.f32 v14, v13;
	v5 =	vmul.f32 v19, v13  }
0xa1: {  	v16 =	vunpack.i.l.bf16.f32 v11;
	v10 =	vmul.f32 v10, v13;
	v15 =	vmul.f32 v15, v13  }
0xa2: {  	v32 =	vunpack.i.u.bf16.f32 v17;
	v22 =	vmul.f32 v16, v13;
	v29 =	vmul.f32 v27, v13  }
0xa3: {  	v18 =	vunpack.i.l.bf16.f32 v56;
	v11 =	vmul.f32 v30, v28;
	v36 =	vmul.f32 v34, v28  }
0xa4: {  	v60 =	vld [tilespmem:s17+$0x30];
	v51 =	vmul.f32 v49, v44;
	v1 =	vadd.f32 v20, v1;
	v5 =	vadd.f32 v5, v6  }
0xa5: {  	v63 =	vmul.f32 v62, v55;
	v23 =	vadd.f32 v10, v8;
	v3 =	vadd.f32 v15, v3  }
0xa6: {  	v50 =	vld [tilespmem:s17+$0xD0];
	v8 =	vmul.f32 v24, v13;
	v6 =	vadd.f32 v22, v9;
	v9 =	vmul.f32 v26, v13  }
0xa7: {  	v10 =	vunpack.i.l.bf16.f32 v25;
	v4 =	vadd.f32 v29, v4;
	v15 =	vunpack.i.u.bf16.f32 v33  }
0xa8: {  	v13 =	vunpack.i.l.bf16.f32 v41;
	v20 =	vunpack.i.u.bf16.f32 v56;
	v26 =	vbroadcast v0, $0x5  }
0xa9: {  	v24 =	vunpack.i.u.bf16.f32 v60;
	v35 =	vmul.f32 v10, v28;
	v10 =	vmul.f32 v39, v28  }
0xaa: {  	v29 =	vunpack.i.l.bf16.f32 v21;
	v43 =	vmul.f32 v15, v28;
	v13 =	vmul.f32 v13, v44  }
0xab: {  	v27 =	vld [tilespmem:s17+$0x60];
	v56 =	vunpack.i.l.bf16.f32 v50;
	v22 =	vmul.f32 v20, v55;
	v25 =	vmul.f32 v24, v55  }
0xac: {  	v30 =	vld [tilespmem:s17+$0x70];
	v39 =	vbroadcast v0, $0x6;
	v0 =	vbroadcast v0, $0x7;
	v2 =	vadd.f32 v8, v2  }
0xad: {  	v9 =	vadd.f32 v9, v12;
	v12 =	vmul.f32 v32, v28;
	v1 =	vadd.f32 v11, v1  }
0xae: {  	v3 =	vadd.f32 v36, v3;
	v8 =	vmul.f32 v38, v28;
	v11 =	vunpack.i.u.bf16.f32 v47  }
0xaf: {  	v19 =	vld [tilespmem:s17+$0x40];
	v14 =	vmul.f32 v29, v26;
	v7 =	vadd.f32 v35, v23;
	v4 =	vadd.f32 v43, v4  }
0xb0: {  	v57 =	vmul.f32 v11, v44;
	v11 =	vmul.f32 v58, v55;
	v23 =	vunpack.i.l.bf16.f32 v60  }
0xb1: {  	v33 =	vunpack.i.u.bf16.f32 v27;
	v34 =	vunpack.i.l.bf16.f32 v27;
	v37 =	vunpack.i.u.bf16.f32 v30  }
0xb2: {  	v38 =	vunpack.i.l.bf16.f32 v30;
	v5 =	vadd.f32 v12, v5;
	v12 =	vmul.f32 v40, v28  }
0xb3: {  	v32 =	vld [tilespmem:s17+$0x80];
	v6 =	vadd.f32 v8, v6;
	v2 =	vadd.f32 v10, v2;
	v10 =	vmul.f32 v45, v44  }
0xb4: {  	v36 =	vld [tilespmem:s17+$0x90];
	v8 =	vmul.f32 v46, v44;
	v28 =	vunpack.i.u.bf16.f32 v19;
	v35 =	vmul.f32 v34, v26  }
0xb5: {  	v47 =	vld [tilespmem:s17+$0xC0];
	v7 =	vadd.f32 v13, v7;
	v4 =	vadd.f32 v57, v4;
	v57 =	vmul.f32 v56, v0  }
0xb6: {  	v9 =	vadd.f32 v12, v9;
	v12 =	vmul.f32 v48, v44;
	v1 =	vadd.f32 v10, v1  }
0xb7: {  	v5 =	vadd.f32 v8, v5;
	v10 =	vmul.f32 v52, v44;
	v6 =	vadd.f32 v51, v6  }
0xb8: {  	v40 =	vld [tilespmem:s17+$0xA0];
	v8 =	vmul.f32 v54, v44;
	v4 =	vadd.f32 v25, v4;
	v41 =	vunpack.i.l.bf16.f32 v32  }
0xb9: {  	v45 =	vld [tilespmem:s17+$0xB0];
	v43 =	vunpack.i.u.bf16.f32 v32;
	v44 =	vunpack.i.l.bf16.f32 v36;
	v3 =	vadd.f32 v12, v3  }
0xba: {  	v53 =	vunpack.i.l.bf16.f32 v47;
	v2 =	vadd.f32 v10, v2;
	v8 =	vadd.f32 v8, v9  }
0xbb: {  	v9 =	vmul.f32 v59, v55;
	v1 =	vadd.f32 v11, v1;
	v10 =	vmul.f32 v61, v55  }
0xbc: {  	v11 =	vmul.f32 v18, v55;
	v12 =	vunpack.i.l.bf16.f32 v19;
	v42 =	vmul.f32 v41, v39  }
0xbd: {  	v52 =	vld [tilespmem:s17+$0xE0];
	v12 =	vmul.f32 v12, v26;
	v46 =	vunpack.i.l.bf16.f32 v40;
	v48 =	vunpack.i.u.bf16.f32 v40  }
0xbe: {  	v54 =	vld [tilespmem:s17+$0xF0];
	v51 =	vunpack.i.l.bf16.f32 v45;
	v5 =	vadd.f32 v9, v5;
	v7 =	vadd.f32 v10, v7  }
0xbf: {  	v3 =	vadd.f32 v63, v3;
	v6 =	vadd.f32 v11, v6;
	v10 =	vmul.f32 v23, v55  }
0xc0: {  	v2 =	vadd.f32 v22, v2;
	v9 =	vmul.f32 v31, v26;
	v11 =	vmul.f32 v37, v26  }
0xc1: {  	v13 =	vmul.f32 v46, v39;
	v49 =	vmul.f32 v48, v39;
	v1 =	vadd.f32 v12, v1  }
0xc2: {  	v12 =	vunpack.i.u.bf16.f32 v36;
	v59 =	vunpack.i.l.bf16.f32 v52;
	v60 =	vunpack.i.u.bf16.f32 v52  }
0xc3: {  	v61 =	vunpack.i.l.bf16.f32 v54;
	v62 =	vunpack.i.u.bf16.f32 v54;
	v8 =	vadd.f32 v10, v8  }
0xc4: {  	v10 =	vmul.f32 v28, v26;
	v7 =	vadd.f32 v14, v7;
	v3 =	vadd.f32 v9, v3  }
0xc5: {  	v14 =	vmul.f32 v38, v26;
	v6 =	vadd.f32 v35, v6;
	v4 =	vadd.f32 v11, v4  }
0xc6: {  	v9 =	vmul.f32 v44, v39;
	v12 =	vmul.f32 v12, v39;
	v11 =	vunpack.i.u.bf16.f32 v45  }
0xc7: {  	v1 =	vadd.f32 v42, v1;
	v5 =	vadd.f32 v10, v5;
	v10 =	vmul.f32 v33, v26  }
0xc8: {  	v8 =	vadd.f32 v14, v8;
	v6 =	vadd.f32 v13, v6;
	v13 =	vmul.f32 v53, v0  }
0xc9: {  	v7 =	vadd.f32 v9, v7;
	v2 =	vadd.f32 v10, v2;
	v10 =	vmul.f32 v43, v39  }
0xca: {  	v3 =	vadd.f32 v12, v3;
	v14 =	vunpack.i.u.bf16.f32 v47;
	v1 =	vadd.f32 v13, v1  }
0xcb: {  	v55 =	vmul.f32 v14, v0;
	v7 =	vadd.f32 v57, v7;
	v5 =	vadd.f32 v10, v5  }
0xcc: {  	v2 =	vadd.f32 v49, v2;
	v10 =	vunpack.i.u.bf16.f32 v50;
	[tilespmem:s5+$0xFFFFFFC0] =	vst v1;
	v1 =	vmul.f32 v60, v0  }
0xcd: {  	v9 =	vmul.f32 v51, v39;
	v58 =	vmul.f32 v10, v0;
	v5 =	vadd.f32 v55, v5  }
0xce: {  	v11 =	vmul.f32 v11, v39;
	[tilespmem:s5+$0xFFFFFFE0] =	vst v7;
	v10 =	vmul.f32 v59, v0;
	v1 =	vadd.f32 v1, v2  }
0xcf: {  	p2 =	sne.s32 s2, $0x3C0;
	v8 =	vadd.f32 v9, v8;
	v3 =	vadd.f32 v58, v3;
	[tilespmem:s5+$0xFFFFFFD0] =	vst v5;
	v5 =	vmul.f32 v61, v0  }
.Ltmp0:
0xd0: {  	v4 =	vadd.f32 v11, v4;
	v6 =	vadd.f32 v10, v6;
	v0 =	vmul.f32 v62, v0;
	[tilespmem:s5+$0x10] =	vst v1;
	(pc) =	sbr.rel @p2 .LBB2_3-.Ltmp0, $4  }
0xd1: {  	[tilespmem:s5+$0xFFFFFFF0] =	vst v3;
	v63 =	vadd.f32 v5, v8  }
0xd2: {  	[tilespmem:s5+$0x0] =	vst v6;
	v0 =	vadd.f32 v0, v4  }
0xd3: {  	[tilespmem:s5+$0x20] =	vst v63  }
0xd4: {  	s2 =	sadd.s32 $0x40, s2;
	s17 =	sadd.s32 $0x200, s17;
	[tilespmem:s5+$0x30] =	vst v0;
	s5 =	sadd.s32 $0x80, s5  }
0xd5: {  	s2 =	sshll.u32 s30, $0x5  }
0xd6: {  	s2 =	sand.u32 $0xE0, s2  }
0xd7: {  	v0 =	vld [tilespmem:s2+$0x100];
	_ =	sdelay $0x2  }
0xd8: {  	p2 =	seq.s32 s30, $0x147  }
0xd9: {  	s1 =	sadd.s32 @!p2 $0x2, s1  }
0xda: {  	s5 =	simm.s32 @!p2 $0x10;
	s2 =	sshll.u32 @!p2 s1, $0x4;
	[tilespmem:$0x5800] =	vst v0  }
0xdb: {  	[spmem:s22] =	stream.indirect.scatter.add.f32 [tilespmem:s13], [sflag:$0x3], $0x80, s12, s6, $0xb8;
	[tilespmem:$0x1A900] =	vst v63  }
0xdc: {  	s17 =	simm.s32 @!p2 $0x200;
	s1 =	sshll.u32 @!p2 s1, $0x8;
	s2 =	sand.u32 @!p2 $0xE0, s2  }
0xdd: {  	[tilespmem:s17], [sflag:$0x1] =	stream.indirect.gather @!p2 [hbm4b:s25+s5], $0x200, s2, s5, $0xb8;
	[tilespmem:$0x1A900] =	vst v63  }
0xde: {  	s1 =	sadd.s32 @!p2 s3, s1;
	s2 =	sor.u32 @!p2 $0x100, s2;
	s17 =	simm.s32 @!p2 $0x4400  }
0xdf: {  	[tilespmem:s17], [sflag:$0x1] =	stream.indirect.gather @!p2 [hbm4b:s26+s5], $0x10, s2, s5, $0xb8;
	[tilespmem:$0x1A900] =	vst v63  }
0xe0: {  	s1 =	sshrl.u32 @!p2 s1, $0x3;
	s17 =	simm.s32 @!p2 $0x4600  }
0xe1: {  	[tilespmem:s17], [sflag:$0x1] =	stream.indirect.gather @!p2 [hbm4b:s29+s5], $0x10, s2, s5, $0xb8;
	[tilespmem:$0x1A900] =	vst v63  }
0xe2: {  	s1 =	sadd.s32 @!p2 s28, s1;
	s2 =	simm.s32 @!p2 $0x0;
	s5 =	simm.s32 @!p2 $0x4200  }
0xe3: {  	[tilespmem:s5], [sflag:$0x1] =	stream.linear.gather @!p2 [hbm4b:s1+s2], $0x100, $0x38;
	[tilespmem:$0x1A900] =	vst v63  }
0xe4: {  	_ =	swait.ge [sflag:s14], $0x2000  }
0xe5: {  	[sflag:s14] =	ssyncset.done $0x0  }
0xe6: {  	[sflag:s14] =	ssyncadd.s32 $0xFFFFE000  }
0xe7: {  	_ =	swait.ge [sflag:s14], $0x100  }
0xe8: {  	[sflag:s14] =	ssyncset.done $0x0  }
0xe9: {  	[sflag:s14] =	ssyncadd.s32 $0xFFFFFF00  }
0xea: {  	_ =	swait.ge [sflag:s14], $0x100  }
0xeb: {  	[sflag:s14] =	ssyncset.done $0x0  }
0xec: {  	[sflag:s14] =	ssyncadd.s32 $0xFFFFFF00  }
0xed: {  	_ =	swait.ge [sflag:s14], $0x100  }
0xee: {  	[sflag:s14] =	ssyncset.done $0x0  }
0xef: {  	s1 =	simm.s32 @!p1 $0x4;
	[sflag:s14] =	ssyncadd.s32 $0xFFFFFF00  }
0xf0: {  	_ =	swait.ge @!p1 [sflag:s1], $0x800  }
0xf1: {  	s2 =	simm.s32 $0x5040;
	[sflag:s1] =	ssyncset.done @!p1 $0x0  }
0xf2: {  	s5 =	simm.s32 $0x2300;
	[sflag:s1] =	ssyncadd.s32 @!p1 $0xFFFFF800;
	s1 =	simm.s32 $0x0  }
.LBB2_5:
0xf3: {  	s17 =	sshra.s32 s1, $0x2;
	v17 =	vld [tilespmem:s5+$0xFFFFFF00]  }
0xf4: {  	v0 =	vld [tilespmem:s17+$0x4500]  }
0xf5: {  	v1 =	vld [tilespmem:s17+$0x4700]  }
0xf6: {  	v3 =	vld [tilespmem:s5+$0xFFFFFF10]  }
0xf7: {  	v18 =	vld [tilespmem:s5+$0xFFFFFF20]  }
0xf8: {  	v5 =	vld [tilespmem:s5+$0xFFFFFF30]  }
0xf9: {  	v7 =	vld [tilespmem:s5+$0xFFFFFF40]  }
0xfa: {  	v10 =	vld [tilespmem:s5+$0xFFFFFF50];
	v0 =	vadd.f32 v1, v0  }
0xfb: {  	v11 =	vld [tilespmem:s5+$0xFFFFFF60]  }
0xfc: {  	v21 =	vld [tilespmem:s5+$0xFFFFFF70];
	v0 =	vadd.f32 $1.000000020e-16, v0  }
0xfd: {  	v25 =	vld [tilespmem:s5+$0xFFFFFF90]  }
0xfe: {  	v31 =	vld [tilespmem:s5+$0xFFFFFFA0];
	(erf) = vrcp.f32 v0  }
0xff: {  	v33 =	vld [tilespmem:s5+$0xFFFFFFB0]  }
0x100: {  	v37 =	vld [tilespmem:s5+$0xFFFFFFC0]  }
0x101: {  	v41 =	vld [tilespmem:s5+$0xFFFFFFD0]  }
0x102: {  	v42 =	vld [tilespmem:s5+$0xFFFFFFE0];
	v6 =	vunpack.i.u.bf16.f32 v17;
	v8 =	vunpack.i.l.bf16.f32 v3  }
0x103: {  	v16 =	vld [tilespmem:s17+$0x4300];
	v3 =	vunpack.i.u.bf16.f32 v3;
	v9 =	vunpack.i.l.bf16.f32 v18;
	v12 =	vunpack.i.l.bf16.f32 v5  }
0x104: {  	v47 =	vld [tilespmem:s5+$0xFFFFFFF0];
	v5 =	vunpack.i.u.bf16.f32 v5;
	v14 =	vunpack.i.l.bf16.f32 v7;
	v19 =	vunpack.i.u.bf16.f32 v7  }
0x105: {  	v50 =	vld [tilespmem:s5+$0x0];
	v15 =	vunpack.i.u.bf16.f32 v10;
	v10 =	vunpack.i.l.bf16.f32 v10;
	v24 =	vunpack.i.u.bf16.f32 v11  }
0x106: {  	v26 =	vunpack.i.l.bf16.f32 v21;
	v27 =	vunpack.i.u.bf16.f32 v21;
	v34 =	vunpack.i.u.bf16.f32 v25  }
0x107: {  	v38 =	vunpack.i.l.bf16.f32 v31;
	v39 =	vunpack.i.u.bf16.f32 v31;
	v40 =	vunpack.i.l.bf16.f32 v33;
	v2 =	vpop (erf)  }
0x108: {  	v53 =	vld [tilespmem:s5+$0x10];
	v45 =	vunpack.i.l.bf16.f32 v37;
	v46 =	vunpack.i.u.bf16.f32 v37;
	v0 =	vmul.f32 v2, v16  }
0x109: {  	v48 =	vunpack.i.u.bf16.f32 v41;
	v49 =	vunpack.i.l.bf16.f32 v42;
	v52 =	vunpack.i.u.bf16.f32 v42  }
0x10a: {  	v54 =	vunpack.i.l.bf16.f32 v47;
	v58 =	vunpack.i.l.bf16.f32 v50;
	v4 =	vbroadcast v0, $0x0  }
0x10b: {  	v59 =	vunpack.i.u.bf16.f32 v50;
	v21 =	vld [tilespmem:s5+$0x50];
	v13 =	vbroadcast v0, $0x1;
	v28 =	vbroadcast v0, $0x2  }
0x10c: {  	v1 =	vunpack.i.l.bf16.f32 v17;
	v17 =	vld [tilespmem:s5+$0xFFFFFF80];
	v44 =	vbroadcast v0, $0x3;
	v55 =	vbroadcast v0, $0x4  }
0x10d: {  	v61 =	vunpack.i.l.bf16.f32 v53;
	v1 =	vmul.f32 v4, v1;
	v6 =	vmul.f32 v4, v6  }
0x10e: {  	v2 =	vunpack.i.u.bf16.f32 v18;
	v8 =	vmul.f32 v8, v4;
	v3 =	vmul.f32 v3, v4  }
0x10f: {  	v56 =	vld [tilespmem:s5+$0x20];
	v62 =	vunpack.i.u.bf16.f32 v53;
	v9 =	vmul.f32 v9, v4;
	v2 =	vmul.f32 v2, v4  }
0x110: {  	v31 =	vunpack.i.u.bf16.f32 v21;
	v12 =	vmul.f32 v12, v4;
	v4 =	vmul.f32 v5, v4  }
0x111: {  	v30 =	vunpack.i.l.bf16.f32 v17;
	v20 =	vmul.f32 v14, v13;
	v5 =	vmul.f32 v19, v13  }
0x112: {  	v16 =	vunpack.i.l.bf16.f32 v11;
	v10 =	vmul.f32 v10, v13;
	v15 =	vmul.f32 v15, v13  }
0x113: {  	v32 =	vunpack.i.u.bf16.f32 v17;
	v22 =	vmul.f32 v16, v13;
	v29 =	vmul.f32 v27, v13  }
0x114: {  	v18 =	vunpack.i.l.bf16.f32 v56;
	v11 =	vmul.f32 v30, v28;
	v36 =	vmul.f32 v34, v28  }
0x115: {  	v60 =	vld [tilespmem:s5+$0x30];
	v51 =	vmul.f32 v49, v44;
	v1 =	vadd.f32 v20, v1;
	v5 =	vadd.f32 v5, v6  }
0x116: {  	v63 =	vmul.f32 v62, v55;
	v23 =	vadd.f32 v10, v8;
	v3 =	vadd.f32 v15, v3  }
0x117: {  	v50 =	vld [tilespmem:s5+$0xD0];
	v8 =	vmul.f32 v24, v13;
	v6 =	vadd.f32 v22, v9;
	v9 =	vmul.f32 v26, v13  }
0x118: {  	v10 =	vunpack.i.l.bf16.f32 v25;
	v4 =	vadd.f32 v29, v4;
	v15 =	vunpack.i.u.bf16.f32 v33  }
0x119: {  	v13 =	vunpack.i.l.bf16.f32 v41;
	v20 =	vunpack.i.u.bf16.f32 v56;
	v26 =	vbroadcast v0, $0x5  }
0x11a: {  	v24 =	vunpack.i.u.bf16.f32 v60;
	v35 =	vmul.f32 v10, v28;
	v10 =	vmul.f32 v39, v28  }
0x11b: {  	v29 =	vunpack.i.l.bf16.f32 v21;
	v43 =	vmul.f32 v15, v28;
	v13 =	vmul.f32 v13, v44  }
0x11c: {  	v27 =	vld [tilespmem:s5+$0x60];
	v56 =	vunpack.i.l.bf16.f32 v50;
	v22 =	vmul.f32 v20, v55;
	v25 =	vmul.f32 v24, v55  }
0x11d: {  	v30 =	vld [tilespmem:s5+$0x70];
	v39 =	vbroadcast v0, $0x6;
	v0 =	vbroadcast v0, $0x7;
	v2 =	vadd.f32 v8, v2  }
0x11e: {  	v9 =	vadd.f32 v9, v12;
	v12 =	vmul.f32 v32, v28;
	v1 =	vadd.f32 v11, v1  }
0x11f: {  	v3 =	vadd.f32 v36, v3;
	v8 =	vmul.f32 v38, v28;
	v11 =	vunpack.i.u.bf16.f32 v47  }
0x120: {  	v19 =	vld [tilespmem:s5+$0x40];
	v14 =	vmul.f32 v29, v26;
	v7 =	vadd.f32 v35, v23;
	v4 =	vadd.f32 v43, v4  }
0x121: {  	v57 =	vmul.f32 v11, v44;
	v11 =	vmul.f32 v58, v55;
	v23 =	vunpack.i.l.bf16.f32 v60  }
0x122: {  	v33 =	vunpack.i.u.bf16.f32 v27;
	v34 =	vunpack.i.l.bf16.f32 v27;
	v37 =	vunpack.i.u.bf16.f32 v30  }
0x123: {  	v38 =	vunpack.i.l.bf16.f32 v30;
	v5 =	vadd.f32 v12, v5;
	v12 =	vmul.f32 v40, v28  }
0x124: {  	v32 =	vld [tilespmem:s5+$0x80];
	v6 =	vadd.f32 v8, v6;
	v2 =	vadd.f32 v10, v2;
	v10 =	vmul.f32 v45, v44  }
0x125: {  	v36 =	vld [tilespmem:s5+$0x90];
	v8 =	vmul.f32 v46, v44;
	v28 =	vunpack.i.u.bf16.f32 v19;
	v35 =	vmul.f32 v34, v26  }
0x126: {  	v47 =	vld [tilespmem:s5+$0xC0];
	v7 =	vadd.f32 v13, v7;
	v4 =	vadd.f32 v57, v4;
	v57 =	vmul.f32 v56, v0  }
0x127: {  	v9 =	vadd.f32 v12, v9;
	v12 =	vmul.f32 v48, v44;
	v1 =	vadd.f32 v10, v1  }
0x128: {  	v5 =	vadd.f32 v8, v5;
	v10 =	vmul.f32 v52, v44;
	v6 =	vadd.f32 v51, v6  }
0x129: {  	v40 =	vld [tilespmem:s5+$0xA0];
	v8 =	vmul.f32 v54, v44;
	v4 =	vadd.f32 v25, v4;
	v41 =	vunpack.i.l.bf16.f32 v32  }
0x12a: {  	v45 =	vld [tilespmem:s5+$0xB0];
	v43 =	vunpack.i.u.bf16.f32 v32;
	v44 =	vunpack.i.l.bf16.f32 v36;
	v3 =	vadd.f32 v12, v3  }
0x12b: {  	v53 =	vunpack.i.l.bf16.f32 v47;
	v2 =	vadd.f32 v10, v2;
	v8 =	vadd.f32 v8, v9  }
0x12c: {  	v9 =	vmul.f32 v59, v55;
	v1 =	vadd.f32 v11, v1;
	v10 =	vmul.f32 v61, v55  }
0x12d: {  	v11 =	vmul.f32 v18, v55;
	v12 =	vunpack.i.l.bf16.f32 v19;
	v42 =	vmul.f32 v41, v39  }
0x12e: {  	v52 =	vld [tilespmem:s5+$0xE0];
	v12 =	vmul.f32 v12, v26;
	v46 =	vunpack.i.l.bf16.f32 v40;
	v48 =	vunpack.i.u.bf16.f32 v40  }
0x12f: {  	v54 =	vld [tilespmem:s5+$0xF0];
	v51 =	vunpack.i.l.bf16.f32 v45;
	v5 =	vadd.f32 v9, v5;
	v7 =	vadd.f32 v10, v7  }
0x130: {  	v3 =	vadd.f32 v63, v3;
	v6 =	vadd.f32 v11, v6;
	v10 =	vmul.f32 v23, v55  }
0x131: {  	v2 =	vadd.f32 v22, v2;
	v9 =	vmul.f32 v31, v26;
	v11 =	vmul.f32 v37, v26  }
0x132: {  	v13 =	vmul.f32 v46, v39;
	v49 =	vmul.f32 v48, v39;
	v1 =	vadd.f32 v12, v1  }
0x133: {  	v12 =	vunpack.i.u.bf16.f32 v36;
	v59 =	vunpack.i.l.bf16.f32 v52;
	v60 =	vunpack.i.u.bf16.f32 v52  }
0x134: {  	v61 =	vunpack.i.l.bf16.f32 v54;
	v62 =	vunpack.i.u.bf16.f32 v54;
	v8 =	vadd.f32 v10, v8  }
0x135: {  	v10 =	vmul.f32 v28, v26;
	v7 =	vadd.f32 v14, v7;
	v3 =	vadd.f32 v9, v3  }
0x136: {  	v14 =	vmul.f32 v38, v26;
	v6 =	vadd.f32 v35, v6;
	v4 =	vadd.f32 v11, v4  }
0x137: {  	v9 =	vmul.f32 v44, v39;
	v12 =	vmul.f32 v12, v39;
	v11 =	vunpack.i.u.bf16.f32 v45  }
0x138: {  	v1 =	vadd.f32 v42, v1;
	v5 =	vadd.f32 v10, v5;
	v10 =	vmul.f32 v33, v26  }
0x139: {  	v8 =	vadd.f32 v14, v8;
	v6 =	vadd.f32 v13, v6;
	v13 =	vmul.f32 v53, v0  }
0x13a: {  	v7 =	vadd.f32 v9, v7;
	v2 =	vadd.f32 v10, v2;
	v10 =	vmul.f32 v43, v39  }
0x13b: {  	v3 =	vadd.f32 v12, v3;
	v14 =	vunpack.i.u.bf16.f32 v47;
	v1 =	vadd.f32 v13, v1  }
0x13c: {  	v55 =	vmul.f32 v14, v0;
	v7 =	vadd.f32 v57, v7;
	v5 =	vadd.f32 v10, v5  }
0x13d: {  	v2 =	vadd.f32 v49, v2;
	v10 =	vunpack.i.u.bf16.f32 v50;
	[tilespmem:s2+$0xFFFFFFC0] =	vst v1;
	v1 =	vmul.f32 v60, v0  }
0x13e: {  	v9 =	vmul.f32 v51, v39;
	v58 =	vmul.f32 v10, v0;
	v5 =	vadd.f32 v55, v5  }
0x13f: {  	v11 =	vmul.f32 v11, v39;
	[tilespmem:s2+$0xFFFFFFE0] =	vst v7;
	v10 =	vmul.f32 v59, v0;
	v1 =	vadd.f32 v1, v2  }
0x140: {  	p1 =	sne.s32 s1, $0x3C0;
	v8 =	vadd.f32 v9, v8;
	v3 =	vadd.f32 v58, v3;
	[tilespmem:s2+$0xFFFFFFD0] =	vst v5;
	v5 =	vmul.f32 v61, v0  }
.Ltmp1:
0x141: {  	v4 =	vadd.f32 v11, v4;
	v6 =	vadd.f32 v10, v6;
	v0 =	vmul.f32 v62, v0;
	[tilespmem:s2+$0x10] =	vst v1;
	(pc) =	sbr.rel @p1 .LBB2_5-.Ltmp1, $4  }
0x142: {  	[tilespmem:s2+$0xFFFFFFF0] =	vst v3;
	v63 =	vadd.f32 v5, v8  }
0x143: {  	[tilespmem:s2+$0x0] =	vst v6;
	v0 =	vadd.f32 v0, v4  }
0x144: {  	[tilespmem:s2+$0x20] =	vst v63  }
0x145: {  	s1 =	sadd.s32 $0x40, s1;
	s5 =	sadd.s32 $0x200, s5;
	[tilespmem:s2+$0x30] =	vst v0;
	s2 =	sadd.s32 $0x80, s2  }
0x146: {  	v0 =	vld [tilespmem:s31+$0x100];
	s30 =	sadd.s32 $0x1, s30  }
0x147: {  	p1 =	sne.s32 s30, $0x148  }
.Ltmp2:
0x148: {  	_ = 	snop;
	(pc) =	sbr.rel @p1 .LBB2_2-.Ltmp2, $3  }
0x149: {  	_ =	sdelay $0x1  }
0x14a: {  	[tilespmem:$0x5880] =	vst v0  }
0x14b: {  	[spmem:s22] =	stream.indirect.scatter.add.f32 [tilespmem:s16], [sflag:$0x4], $0x80, s15, s6, $0xb8;
	[tilespmem:$0x1A900] =	vst v63  }
0x14c: {  	s1 =	simm.s32 $0x3  }
0x14d: {  	_ =	swait.ge [sflag:s1], $0x800  }
0x14e: {  	[sflag:s1] =	ssyncset.done $0x0  }
0x14f: {  	s2 =	simm.s32 $0x4;
	[sflag:s1] =	ssyncadd.s32 $0xFFFFF800  }
0x150: {  	_ =	swait.ge [sflag:s2], $0x800  }
0x151: {  	[sflag:s2] =	ssyncset.done $0x0  }
0x152: {  	[sflag:s2] =	ssyncadd.s32 $0xFFFFF800  }
0x153: {  	[bflag:$0x0] =	sbarrier.arrive $0xFFFF  }
0x154: {  	s5 =	rddreg [dreg:$0x1d]  }
0x155: {  	[tilespmem:s23], [sflag:$0x5] =	stream.linear.gather [spmem:s5], $0x1000, $0x38;
	[tilespmem:$0x1A900] =	vst v63  }
0x156: {  	_ =	swait.ge [sflag:s4], $0x1000  }
0x157: {  	[sflag:s4] =	ssyncset.done $0x0  }
0x158: {  	s17 =	rddreg [dreg:$0x5];
	[sflag:s4] =	ssyncadd.s32 $0xFFFFF000  }
0x159: {  	[hbm4b:s17+s0] =	stream.linear.scatter [tilespmem:s23], [sflag:$0x5], $0x1000, $0x38;
	[tilespmem:$0x1A900] =	vst v63  }
0x15a: {  	_ =	swait.ge [sflag:s4], $0x1000  }
0x15b: {  	[sflag:s4] =	ssyncset.done $0x0  }
0x15c: {  	s19 =	rddreg [dreg:$0x1e];
	[sflag:s4] =	ssyncadd.s32 $0xFFFFF000  }
0x15d: {  	[tilespmem:s23], [sflag:$0x5] =	stream.linear.gather [spmem:s19], $0x1000, $0x38;
	[tilespmem:$0x1A900] =	vst v63  }
0x15e: {  	_ =	swait.ge [sflag:s4], $0x1000  }
0x15f: {  	[sflag:s4] =	ssyncset.done $0x0  }
0x160: {  	s30 =	rddreg [dreg:$0x6];
	[sflag:s4] =	ssyncadd.s32 $0xFFFFF000  }
0x161: {  	[hbm4b:s30+s0] =	stream.linear.scatter [tilespmem:s23], [sflag:$0x5], $0x1000, $0x38;
	[tilespmem:$0x1A900] =	vst v63  }
0x162: {  	_ =	swait.ge [sflag:s4], $0x1000  }
0x163: {  	[sflag:s4] =	ssyncset.done $0x0  }
0x164: {  	s31 =	rddreg [dreg:$0x1f];
	[sflag:s4] =	ssyncadd.s32 $0xFFFFF000  }
0x165: {  	[tilespmem:s23], [sflag:$0x5] =	stream.linear.gather [spmem:s31], $0x1000, $0x38;
	[tilespmem:$0x1A900] =	vst v63  }
0x166: {  	_ =	swait.ge [sflag:s4], $0x1000  }
0x167: {  	[sflag:s4] =	ssyncset.done $0x0  }
0x168: {  	s2 =	rddreg [dreg:$0x7];
	[sflag:s4] =	ssyncadd.s32 $0xFFFFF000  }
0x169: {  	[hbm4b:s2+s0] =	stream.linear.scatter [tilespmem:s23], [sflag:$0x5], $0x1000, $0x38;
	[tilespmem:$0x1A900] =	vst v63  }
0x16a: {  	_ =	swait.ge [sflag:s4], $0x1000  }
0x16b: {  	s5 =	sld [smem:$0x7EB]  }
0x16c: {  	[sflag:s4] =	ssyncset.done $0x0  }
0x16d: {  	[sflag:s4] =	ssyncadd.s32 $0xFFFFF000  }
0x16e: {  	[tilespmem:s23], [sflag:$0x5] =	stream.linear.gather [spmem:s5], $0x1000, $0x38;
	[tilespmem:$0x1A900] =	vst v63  }
0x16f: {  	_ =	swait.ge [sflag:s4], $0x1000  }
0x170: {  	[sflag:s4] =	ssyncset.done $0x0  }
0x171: {  	s17 =	rddreg [dreg:$0x8];
	[sflag:s4] =	ssyncadd.s32 $0xFFFFF000  }
0x172: {  	[hbm4b:s17+s0] =	stream.linear.scatter [tilespmem:s23], [sflag:$0x5], $0x1000, $0x38;
	[tilespmem:$0x1A900] =	vst v63  }
0x173: {  	_ =	swait.ge [sflag:s4], $0x1000  }
0x174: {  	s19 =	sld [smem:$0x7EC]  }
0x175: {  	[sflag:s4] =	ssyncset.done $0x0  }
0x176: {  	[sflag:s4] =	ssyncadd.s32 $0xFFFFF000  }
0x177: {  	[tilespmem:s23], [sflag:$0x5] =	stream.linear.gather [spmem:s19], $0x1000, $0x38;
	[tilespmem:$0x1A900] =	vst v63  }
0x178: {  	_ =	swait.ge [sflag:s4], $0x1000  }
0x179: {  	[sflag:s4] =	ssyncset.done $0x0  }
0x17a: {  	s30 =	rddreg [dreg:$0x9];
	[sflag:s4] =	ssyncadd.s32 $0xFFFFF000  }
0x17b: {  	[hbm4b:s30+s0] =	stream.linear.scatter [tilespmem:s23], [sflag:$0x5], $0x1000, $0x38;
	[tilespmem:$0x1A900] =	vst v63  }
0x17c: {  	_ =	swait.ge [sflag:s4], $0x1000  }
0x17d: {  	s31 =	sld [smem:$0x7ED]  }
0x17e: {  	[sflag:s4] =	ssyncset.done $0x0  }
0x17f: {  	[sflag:s4] =	ssyncadd.s32 $0xFFFFF000  }
0x180: {  	[tilespmem:s23], [sflag:$0x5] =	stream.linear.gather [spmem:s31], $0x1000, $0x38;
	[tilespmem:$0x1A900] =	vst v63  }
0x181: {  	_ =	swait.ge [sflag:s4], $0x1000  }
0x182: {  	[sflag:s4] =	ssyncset.done $0x0  }
0x183: {  	s2 =	rddreg [dreg:$0xa];
	[sflag:s4] =	ssyncadd.s32 $0xFFFFF000  }
0x184: {  	[hbm4b:s2+s0] =	stream.linear.scatter [tilespmem:s23], [sflag:$0x5], $0x1000, $0x38;
	[tilespmem:$0x1A900] =	vst v63  }
0x185: {  	_ =	swait.ge [sflag:s4], $0x1000  }
0x186: {  	s5 =	sld [smem:$0x7EE]  }
0x187: {  	[sflag:s4] =	ssyncset.done $0x0  }
0x188: {  	[sflag:s4] =	ssyncadd.s32 $0xFFFFF000  }
0x189: {  	[tilespmem:s23], [sflag:$0x5] =	stream.linear.gather [spmem:s5], $0x1000, $0x38;
	[tilespmem:$0x1A900] =	vst v63  }
0x18a: {  	_ =	swait.ge [sflag:s4], $0x1000  }
0x18b: {  	[sflag:s4] =	ssyncset.done $0x0  }
0x18c: {  	s17 =	rddreg [dreg:$0xb];
	[sflag:s4] =	ssyncadd.s32 $0xFFFFF000  }
0x18d: {  	[hbm4b:s17+s0] =	stream.linear.scatter [tilespmem:s23], [sflag:$0x5], $0x1000, $0x38;
	[tilespmem:$0x1A900] =	vst v63  }
0x18e: {  	_ =	swait.ge [sflag:s4], $0x1000  }
0x18f: {  	s19 =	sld [smem:$0x7EF]  }
0x190: {  	[sflag:s4] =	ssyncset.done $0x0  }
0x191: {  	[sflag:s4] =	ssyncadd.s32 $0xFFFFF000  }
0x192: {  	[tilespmem:s23], [sflag:$0x5] =	stream.linear.gather [spmem:s19], $0x1000, $0x38;
	[tilespmem:$0x1A900] =	vst v63  }
0x193: {  	_ =	swait.ge [sflag:s4], $0x1000  }
0x194: {  	[sflag:s4] =	ssyncset.done $0x0  }
0x195: {  	s30 =	rddreg [dreg:$0xc];
	[sflag:s4] =	ssyncadd.s32 $0xFFFFF000  }
0x196: {  	[hbm4b:s30+s0] =	stream.linear.scatter [tilespmem:s23], [sflag:$0x5], $0x1000, $0x38;
	[tilespmem:$0x1A900] =	vst v63  }
0x197: {  	_ =	swait.ge [sflag:s4], $0x1000  }
0x198: {  	s31 =	sld [smem:$0x7F0]  }
0x199: {  	[sflag:s4] =	ssyncset.done $0x0  }
0x19a: {  	[sflag:s4] =	ssyncadd.s32 $0xFFFFF000  }
0x19b: {  	[tilespmem:s23], [sflag:$0x5] =	stream.linear.gather [spmem:s31], $0x1000, $0x38;
	[tilespmem:$0x1A900] =	vst v63  }
0x19c: {  	_ =	swait.ge [sflag:s4], $0x1000  }
0x19d: {  	[sflag:s4] =	ssyncset.done $0x0  }
0x19e: {  	s2 =	rddreg [dreg:$0xd];
	[sflag:s4] =	ssyncadd.s32 $0xFFFFF000  }
0x19f: {  	[hbm4b:s2+s0] =	stream.linear.scatter [tilespmem:s23], [sflag:$0x5], $0x1000, $0x38;
	[tilespmem:$0x1A900] =	vst v63  }
0x1a0: {  	_ =	swait.ge [sflag:s4], $0x1000  }
0x1a1: {  	s5 =	sld [smem:$0x7F1]  }
0x1a2: {  	[sflag:s4] =	ssyncset.done $0x0  }
0x1a3: {  	[sflag:s4] =	ssyncadd.s32 $0xFFFFF000  }
0x1a4: {  	[tilespmem:s23], [sflag:$0x5] =	stream.linear.gather [spmem:s5], $0x1000, $0x38;
	[tilespmem:$0x1A900] =	vst v63  }
0x1a5: {  	_ =	swait.ge [sflag:s4], $0x1000  }
0x1a6: {  	[sflag:s4] =	ssyncset.done $0x0  }
0x1a7: {  	s17 =	rddreg [dreg:$0xe];
	[sflag:s4] =	ssyncadd.s32 $0xFFFFF000  }
0x1a8: {  	[hbm4b:s17+s0] =	stream.linear.scatter [tilespmem:s23], [sflag:$0x5], $0x1000, $0x38;
	[tilespmem:$0x1A900] =	vst v63  }
0x1a9: {  	_ =	swait.ge [sflag:s4], $0x1000  }
0x1aa: {  	s19 =	sld [smem:$0x7F2]  }
0x1ab: {  	[sflag:s4] =	ssyncset.done $0x0  }
0x1ac: {  	[sflag:s4] =	ssyncadd.s32 $0xFFFFF000  }
0x1ad: {  	[tilespmem:s23], [sflag:$0x5] =	stream.linear.gather [spmem:s19], $0x1000, $0x38;
	[tilespmem:$0x1A900] =	vst v63  }
0x1ae: {  	_ =	swait.ge [sflag:s4], $0x1000  }
0x1af: {  	[sflag:s4] =	ssyncset.done $0x0  }
0x1b0: {  	s30 =	rddreg [dreg:$0xf];
	[sflag:s4] =	ssyncadd.s32 $0xFFFFF000  }
0x1b1: {  	[hbm4b:s30+s0] =	stream.linear.scatter [tilespmem:s23], [sflag:$0x5], $0x1000, $0x38;
	[tilespmem:$0x1A900] =	vst v63  }
0x1b2: {  	_ =	swait.ge [sflag:s4], $0x1000  }
0x1b3: {  	s31 =	sld [smem:$0x7F3]  }
0x1b4: {  	[sflag:s4] =	ssyncset.done $0x0  }
0x1b5: {  	[sflag:s4] =	ssyncadd.s32 $0xFFFFF000  }
0x1b6: {  	[tilespmem:s23], [sflag:$0x5] =	stream.linear.gather [spmem:s31], $0x1000, $0x38;
	[tilespmem:$0x1A900] =	vst v63  }
0x1b7: {  	_ =	swait.ge [sflag:s4], $0x1000  }
0x1b8: {  	[sflag:s4] =	ssyncset.done $0x0  }
0x1b9: {  	s2 =	rddreg [dreg:$0x10];
	[sflag:s4] =	ssyncadd.s32 $0xFFFFF000  }
0x1ba: {  	[hbm4b:s2+s0] =	stream.linear.scatter [tilespmem:s23], [sflag:$0x5], $0x1000, $0x38;
	[tilespmem:$0x1A900] =	vst v63  }
0x1bb: {  	_ =	swait.ge [sflag:s4], $0x1000  }
0x1bc: {  	s5 =	sld [smem:$0x7F4]  }
0x1bd: {  	[sflag:s4] =	ssyncset.done $0x0  }
0x1be: {  	[sflag:s4] =	ssyncadd.s32 $0xFFFFF000  }
0x1bf: {  	[tilespmem:s23], [sflag:$0x5] =	stream.linear.gather [spmem:s5], $0x1000, $0x38;
	[tilespmem:$0x1A900] =	vst v63  }
0x1c0: {  	_ =	swait.ge [sflag:s4], $0x1000  }
0x1c1: {  	[sflag:s4] =	ssyncset.done $0x0  }
0x1c2: {  	s17 =	rddreg [dreg:$0x11];
	[sflag:s4] =	ssyncadd.s32 $0xFFFFF000  }
0x1c3: {  	[hbm4b:s17+s0] =	stream.linear.scatter [tilespmem:s23], [sflag:$0x5], $0x1000, $0x38;
	[tilespmem:$0x1A900] =	vst v63  }
0x1c4: {  	_ =	swait.ge [sflag:s4], $0x1000  }
0x1c5: {  	s19 =	sld [smem:$0x7F5]  }
0x1c6: {  	[sflag:s4] =	ssyncset.done $0x0  }
0x1c7: {  	[sflag:s4] =	ssyncadd.s32 $0xFFFFF000  }
0x1c8: {  	[tilespmem:s23], [sflag:$0x5] =	stream.linear.gather [spmem:s19], $0x1000, $0x38;
	[tilespmem:$0x1A900] =	vst v63  }
0x1c9: {  	_ =	swait.ge [sflag:s4], $0x1000  }
0x1ca: {  	[sflag:s4] =	ssyncset.done $0x0  }
0x1cb: {  	s30 =	rddreg [dreg:$0x12];
	[sflag:s4] =	ssyncadd.s32 $0xFFFFF000  }
0x1cc: {  	[hbm4b:s30+s0] =	stream.linear.scatter [tilespmem:s23], [sflag:$0x5], $0x1000, $0x38;
	[tilespmem:$0x1A900] =	vst v63  }
0x1cd: {  	_ =	swait.ge [sflag:s4], $0x1000  }
0x1ce: {  	s31 =	sld [smem:$0x7F6]  }
0x1cf: {  	[sflag:s4] =	ssyncset.done $0x0  }
0x1d0: {  	[sflag:s4] =	ssyncadd.s32 $0xFFFFF000  }
0x1d1: {  	[tilespmem:s23], [sflag:$0x5] =	stream.linear.gather [spmem:s31], $0x1000, $0x38;
	[tilespmem:$0x1A900] =	vst v63  }
0x1d2: {  	_ =	swait.ge [sflag:s4], $0x1000  }
0x1d3: {  	[sflag:s4] =	ssyncset.done $0x0  }
0x1d4: {  	s2 =	rddreg [dreg:$0x13];
	[sflag:s4] =	ssyncadd.s32 $0xFFFFF000  }
0x1d5: {  	[hbm4b:s2+s0] =	stream.linear.scatter [tilespmem:s23], [sflag:$0x5], $0x1000, $0x38;
	[tilespmem:$0x1A900] =	vst v63  }
0x1d6: {  	_ =	swait.ge [sflag:s4], $0x1000  }
0x1d7: {  	s5 =	sld [smem:$0x7F7]  }
0x1d8: {  	[sflag:s4] =	ssyncset.done $0x0  }
0x1d9: {  	[sflag:s4] =	ssyncadd.s32 $0xFFFFF000  }
0x1da: {  	[tilespmem:s23], [sflag:$0x5] =	stream.linear.gather [spmem:s5], $0x1000, $0x38;
	[tilespmem:$0x1A900] =	vst v63  }
0x1db: {  	_ =	swait.ge [sflag:s4], $0x1000  }
0x1dc: {  	[sflag:s4] =	ssyncset.done $0x0  }
0x1dd: {  	s17 =	rddreg [dreg:$0x14];
	[sflag:s4] =	ssyncadd.s32 $0xFFFFF000  }
0x1de: {  	[hbm4b:s17+s0] =	stream.linear.scatter [tilespmem:s23], [sflag:$0x5], $0x1000, $0x38;
	[tilespmem:$0x1A900] =	vst v63  }
0x1df: {  	_ =	swait.ge [sflag:s4], $0x1000  }
0x1e0: {  	s19 =	sld [smem:$0x7F8]  }
0x1e1: {  	[sflag:s4] =	ssyncset.done $0x0  }
0x1e2: {  	[sflag:s4] =	ssyncadd.s32 $0xFFFFF000  }
0x1e3: {  	[tilespmem:s23], [sflag:$0x5] =	stream.linear.gather [spmem:s19], $0x1000, $0x38;
	[tilespmem:$0x1A900] =	vst v63  }
0x1e4: {  	_ =	swait.ge [sflag:s4], $0x1000  }
0x1e5: {  	[sflag:s4] =	ssyncset.done $0x0  }
0x1e6: {  	s30 =	rddreg [dreg:$0x15];
	[sflag:s4] =	ssyncadd.s32 $0xFFFFF000  }
0x1e7: {  	[hbm4b:s30+s0] =	stream.linear.scatter [tilespmem:s23], [sflag:$0x5], $0x1000, $0x38;
	[tilespmem:$0x1A900] =	vst v63  }
0x1e8: {  	_ =	swait.ge [sflag:s4], $0x1000  }
0x1e9: {  	s31 =	sld [smem:$0x7F9]  }
0x1ea: {  	[sflag:s4] =	ssyncset.done $0x0  }
0x1eb: {  	[sflag:s4] =	ssyncadd.s32 $0xFFFFF000  }
0x1ec: {  	[tilespmem:s23], [sflag:$0x5] =	stream.linear.gather [spmem:s31], $0x1000, $0x38;
	[tilespmem:$0x1A900] =	vst v63  }
0x1ed: {  	_ =	swait.ge [sflag:s4], $0x1000  }
0x1ee: {  	[sflag:s4] =	ssyncset.done $0x0  }
0x1ef: {  	s2 =	rddreg [dreg:$0x16];
	[sflag:s4] =	ssyncadd.s32 $0xFFFFF000  }
0x1f0: {  	[hbm4b:s2+s0] =	stream.linear.scatter [tilespmem:s23], [sflag:$0x5], $0x1000, $0x38;
	[tilespmem:$0x1A900] =	vst v63  }
0x1f1: {  	_ =	swait.ge [sflag:s4], $0x1000  }
0x1f2: {  	s5 =	sld [smem:$0x7FA]  }
0x1f3: {  	[sflag:s4] =	ssyncset.done $0x0  }
0x1f4: {  	[sflag:s4] =	ssyncadd.s32 $0xFFFFF000  }
0x1f5: {  	[tilespmem:s23], [sflag:$0x5] =	stream.linear.gather [spmem:s5], $0x1000, $0x38;
	[tilespmem:$0x1A900] =	vst v63  }
0x1f6: {  	_ =	swait.ge [sflag:s4], $0x1000  }
0x1f7: {  	[sflag:s4] =	ssyncset.done $0x0  }
0x1f8: {  	s17 =	rddreg [dreg:$0x17];
	[sflag:s4] =	ssyncadd.s32 $0xFFFFF000  }
0x1f9: {  	[hbm4b:s17+s0] =	stream.linear.scatter [tilespmem:s23], [sflag:$0x5], $0x1000, $0x38;
	[tilespmem:$0x1A900] =	vst v63  }
0x1fa: {  	_ =	swait.ge [sflag:s4], $0x1000  }
0x1fb: {  	s19 =	sld [smem:$0x7FB]  }
0x1fc: {  	[sflag:s4] =	ssyncset.done $0x0  }
0x1fd: {  	[sflag:s4] =	ssyncadd.s32 $0xFFFFF000  }
0x1fe: {  	[tilespmem:s23], [sflag:$0x5] =	stream.linear.gather [spmem:s19], $0x1000, $0x38;
	[tilespmem:$0x1A900] =	vst v63  }
0x1ff: {  	_ =	swait.ge [sflag:s4], $0x1000  }
0x200: {  	[sflag:s4] =	ssyncset.done $0x0  }
0x201: {  	s30 =	rddreg [dreg:$0x18];
	[sflag:s4] =	ssyncadd.s32 $0xFFFFF000  }
0x202: {  	[hbm4b:s30+s0] =	stream.linear.scatter [tilespmem:s23], [sflag:$0x5], $0x1000, $0x38;
	[tilespmem:$0x1A900] =	vst v63  }
0x203: {  	_ =	swait.ge [sflag:s4], $0x1000  }
0x204: {  	s31 =	sld [smem:$0x7FD];
	_ =	sdelay $0x1  }
0x205: {  	s24 =	sadd.s32 $0x1, s24  }
0x206: {  	p1 =	sne.s32 s24, s31  }
.Ltmp3:
0x207: {  	_ = 	snop;
	(pc) =	sbr.rel @p1 .LBB2_1-.Ltmp3, $3  }
0x208: {  	_ =	sdelay $0x1  }
0x209: {  	[sflag:s4] =	ssyncset.done $0x0  }
0x20a: {  	[sflag:s4] =	ssyncadd.s32 $0xFFFFF000  }
0x20b: {  	_ =	sfence.sel $0x180000  }
0x20c: {  	[bflag:$0x0] =	sbarrier.arrive $0xFFFF  }
0x20d: {  	_ =	strace $0x9000004A  }
0x20e: {  	[bflag:$0x2] =	sbarrier.arrive $0xFFFF  }
0x20f: {  	s0 =	rddreg [dreg:$0x4]  }
0x210: {  	s0 =	sadd.s32 @!p0 $0x100000, s0  }
0x211: {  	[sflag:s0] =	ssyncadd.tile.s32 @!p0 $0x1;
	_ =	shalt  }
.Lfunc_end2:
_tile_overlayer_lowered:
.L_overlay_start_2:
0x212: {  	(tag) =	ssettag $0x2  }
0x213: {  	s0 =	rddreg [dreg:$0x0];
	s2 =	stileid.u32  }
0x214: {  	s1 =	rddreg [dreg:$0x1];
	p0 =	sne.s32 s2, $0x0  }
0x215: {  	s3 =	rddreg [dreg:$0x2];
	[bflag:$0x3] =	sbarrier.arrive $0xFFFF;
	s2 =	simm.s32 @!p0 $0x1C05  }
0x216: {  	[timem:s3], [sflag:s2] =	dma.local @!p0 [hbm:s0], s1  }
0x217: {  	s0 =	simm.s32 @!p0 $0x5  }
0x218: {  	_ =	swait.ge @!p0 [sflag:s0], s1  }
0x219: {  	s1 =	ssub.s32 @!p0 $0x0, s1;
	[sflag:s0] =	ssyncset.done @!p0 $0x0  }
0x21a: {  	[sflag:s0] =	ssyncadd.s32 @!p0 s1  }
0x21b: {  	[bflag:$0x3] =	sbarrier.arrive $0xFFFF  }
0x21c: {  	_ =	shalt  }

</sc_bundles>
